<compile_context>
chip_gen: v7x
topology: tpu7x:2x2x1
jax: 0.10.2.dev20260603
libtpu: 0.0.44.dev20260713+nightly
codegen_flags: <defaults>
</compile_context>

<pallas_src>
import functools

import jax
import jax.numpy as jnp
from jax import lax
from jax.experimental import pallas as pl
from jax.experimental.pallas import tpu as pltpu
from jax.experimental.pallas import tpu_sc as plsc

_N = 10000
_D = 128
_E = 320000

_NC = 2
_NS = 16
_NW = _NC * _NS
_EPW = _E // _NW
_CH = 80
_NCHUNK = 128
_EPWP = _NCHUNK * _CH
_NP = 10240
_RPT = _NP // _NS
_ZR = 8


def _sc_agg(h, src, dst):
  mesh = plsc.VectorSubcoreMesh(core_axis_name="c", subcore_axis_name="s")

  @functools.partial(
      pl.kernel,
      out_type=(
          jax.ShapeDtypeStruct((_NC, _NP, _D), jnp.float32),
          jax.ShapeDtypeStruct((_NC, _NP, _D), jnp.float32),
      ),
      mesh=mesh,
      scratch_types=[
          pltpu.VMEM((_CH,), jnp.int32),
          pltpu.VMEM((_CH,), jnp.int32),
          pltpu.VMEM((_CH,), jnp.int32),
          pltpu.VMEM((_CH,), jnp.int32),
          pltpu.VMEM((_CH,), jnp.int32),
          pltpu.VMEM((_CH,), jnp.int32),
          pltpu.VMEM((16, _CH), jnp.int32),
          pltpu.VMEM((16, _CH), jnp.int32),
          pltpu.VMEM((_CH, _D), jnp.float32),
          pltpu.VMEM((_CH, _D), jnp.float32),
          pltpu.VMEM((_CH, _D), jnp.float32),
          pltpu.VMEM((_ZR, _D), jnp.float32),
          pltpu.VMEM_SHARED((_NP, _D), jnp.float32),
          pltpu.SemaphoreType.DMA,
          pltpu.SemaphoreType.DMA,
          pltpu.SemaphoreType.DMA,
          pltpu.SemaphoreType.DMA,
          pltpu.SemaphoreType.DMA,
          pltpu.SemaphoreType.DMA,
          pltpu.SemaphoreType.DMA,
          pltpu.SemaphoreType.DMA,
          pltpu.SemaphoreType.DMA,
          pltpu.SemaphoreType.DMA,
          pltpu.SemaphoreType.DMA,
          pltpu.SemaphoreType.DMA,
          pltpu.SemaphoreType.DMA,
          pltpu.SemaphoreType.DMA,
          pltpu.SemaphoreType.DMA,
          pltpu.SemaphoreType.DMA,
      ],
  )
  def k(h_hbm, src_hbm, dst_hbm, agg_out, cnt_out,
        sb0, sb1, sb2, db0, db1, db2, dgA, dgB, r0v, r1v, r2v, zd_v, acc_sp,
        g0, g1, g2, si0, si1, si2, di0, di1, di2, sc0, sc1, sc2,
        dpA, dpB, sem_s, sem_z):
    cid = lax.axis_index("c")
    sid = lax.axis_index("s")
    wid = sid * _NC + cid
    sbuf = [sb0, sb1, sb2]
    dbuf = [db0, db1, db2]
    sisem = [si0, si1, si2]
    disem = [di0, di1, di2]
    rows = [r0v, r1v, r2v]
    gsem = [g0, g1, g2]
    scsem = [sc0, sc1, sc2]

    zero16 = jnp.zeros((16,), jnp.float32)
    one16 = jnp.ones((16,), jnp.float32)

    def fill_zd(t, _):
      zd_v[t // (_D // 16), pl.ds((t % (_D // 16)) * 16, 16)] = zero16
      return 0
    lax.fori_loop(0, _ZR * (_D // 16), fill_zd, 0)

    def zero_own_rows(_unused):
      def zero_slab(z, _):
        r0 = sid * _RPT + z * _ZR
        pltpu.async_copy(zd_v, acc_sp.at[pl.ds(r0, _ZR), :], sem_z)
        return 0
      lax.fori_loop(0, _RPT // _ZR, zero_slab, 0)

      def zero_drain(z, _):
        r0 = sid * _RPT + z * _ZR
        pltpu.make_async_copy(zd_v, acc_sp.at[pl.ds(r0, _ZR), :],
                              sem_z).wait()
        return 0
      lax.fori_loop(0, _RPT // _ZR, zero_drain, 0)

    for j in range(3):
      pltpu.async_copy(src_hbm.at[wid, j], sbuf[j], sisem[j])
      pltpu.async_copy(dst_hbm.at[wid, j], dbuf[j], disem[j])
    for j in range(2):
      pltpu.make_async_copy(src_hbm.at[wid, j], sbuf[j], sisem[j]).wait()
      pltpu.async_copy(h_hbm.at[sbuf[j]], rows[j], gsem[j])
    zero_own_rows(None)
    plsc.subcore_barrier()

    def step(i, b):
      bp = (b + 2) % 3
      pltpu.make_async_copy(h_hbm.at[sbuf[b]], rows[b], gsem[b]).wait()

      @pl.when(i > 0)
      def _():
        pltpu.make_async_copy(rows[bp], acc_sp.at[dbuf[bp]],
                              scsem[bp]).wait()

      @pl.when(i + 2 < _NCHUNK)
      def _():
        pltpu.make_async_copy(src_hbm.at[wid, i + 2], sbuf[bp],
                              sisem[bp]).wait()
        pltpu.async_copy(h_hbm.at[sbuf[bp]], rows[bp], gsem[bp])

      @pl.when(i + 3 < _NCHUNK)
      def _():
        pltpu.async_copy(src_hbm.at[wid, i + 3], sbuf[b], sisem[b])
      pltpu.make_async_copy(dst_hbm.at[wid, i], dbuf[b], disem[b]).wait()
      pltpu.async_copy(rows[b], acc_sp.at[dbuf[b]], scsem[b], add=True)

      @pl.when(i + 2 < _NCHUNK)
      def _():
        pltpu.async_copy(dst_hbm.at[wid, i + 2], dbuf[bp], disem[bp])
      return 0

    def triple(q, _):
      for b in range(3):
        step(3 * q + b, b)
      return 0
    lax.fori_loop(0, (_NCHUNK - 2) // 3, triple, 0)

    step(_NCHUNK - 2, 0)
    step(_NCHUNK - 1, 1)
    pltpu.make_async_copy(rows[1], acc_sp.at[dbuf[1]], scsem[1]).wait()

    plsc.subcore_barrier()

    r0 = sid * _RPT
    pltpu.sync_copy(acc_sp.at[pl.ds(r0, _RPT), :],
                    agg_out.at[cid, pl.ds(r0, _RPT), :])

    def fill_ones(t, _):
      r0v[t // (_D // 16), pl.ds((t % (_D // 16)) * 16, 16)] = one16
      return 0
    lax.fori_loop(0, _CH * (_D // 16), fill_ones, 0)
    zero_own_rows(None)
    plsc.subcore_barrier()

    dgrp = [dgA, dgB]
    dgsem = [dpA, dpB]
    ngrp = _NCHUNK // 16
    pltpu.async_copy(dst_hbm.at[wid, pl.ds(0, 16)], dgA, dpA)
    pltpu.async_copy(dst_hbm.at[wid, pl.ds(16, 16)], dgB, dpB)

    def cnt_grp(gi, p):
      buf = dgrp[p]
      sem = dgsem[p]
      pltpu.make_async_copy(
          dst_hbm.at[wid, pl.ds(16 * gi, 16)], buf, sem).wait()
      for b in range(16):
        pltpu.async_copy(r0v, acc_sp.at[buf.at[b]], sem_s, add=True)
      for b in range(16):
        pltpu.make_async_copy(r0v, acc_sp.at[buf.at[b]], sem_s).wait()

      @pl.when(gi + 2 < ngrp)
      def _():
        pltpu.async_copy(dst_hbm.at[wid, pl.ds(16 * (gi + 2), 16)], buf, sem)

    def cnt_pair(q, _):
      cnt_grp(2 * q, 0)
      cnt_grp(2 * q + 1, 1)
      return 0
    lax.fori_loop(0, ngrp // 2, cnt_pair, 0)

    plsc.subcore_barrier()

    pltpu.sync_copy(acc_sp.at[pl.ds(r0, _RPT), :],
                    cnt_out.at[cid, pl.ds(r0, _RPT), :])

  return k(h, src, dst)


_BM = 1000


def _gelu(y):
  return 0.5 * y * (1.0 + lax.erf(y * 0.7071067811865476))


def _tc_layer1_body(agg_ref, cnt_ref, h_ref, wl_ref, wr_ref, b_ref, o_ref):
  agg = agg_ref[0] + agg_ref[1]
  cnt = cnt_ref[0, :, 0:1] + cnt_ref[1, :, 0:1]
  mean = agg / jnp.maximum(cnt, 1.0)
  y = (jnp.dot(mean, wl_ref[...], preferred_element_type=jnp.float32)
       + jnp.dot(h_ref[...], wr_ref[...], preferred_element_type=jnp.float32)
       + b_ref[...])
  o_ref[...] = _gelu(y)


def _tc_layer2_body(agg_ref, cnt_ref, h_ref, wl_ref, wr_ref, b_ref,
                    wlin_ref, blin_ref, o_ref):
  agg = agg_ref[0] + agg_ref[1]
  cnt = cnt_ref[0, :, 0:1] + cnt_ref[1, :, 0:1]
  mean = agg / jnp.maximum(cnt, 1.0)
  y = (jnp.dot(mean, wl_ref[...], preferred_element_type=jnp.float32)
       + jnp.dot(h_ref[...], wr_ref[...], preferred_element_type=jnp.float32)
       + b_ref[...])
  g = _gelu(y)
  o_ref[...] = (jnp.dot(g, wlin_ref[...], preferred_element_type=jnp.float32)
                + blin_ref[...])


def _tc_layer(body, agg_parts, cnt_parts, h, mats, out_dim):
  grid = (_N // _BM,)
  in_specs = [
      pl.BlockSpec((_NC, _BM, _D), lambda i: (0, i, 0)),
      pl.BlockSpec((_NC, _BM, _D), lambda i: (0, i, 0)),
      pl.BlockSpec((_BM, _D), lambda i: (i, 0)),
  ]
  args = [agg_parts, cnt_parts, h]
  for m in mats:
    m2 = m if m.ndim == 2 else m.reshape(1, -1)
    in_specs.append(pl.BlockSpec(m2.shape, lambda i: (0, 0)))
    args.append(m2)
  return pl.pallas_call(
      body,
      grid=grid,
      in_specs=in_specs,
      out_specs=pl.BlockSpec((_BM, out_dim), lambda i: (i, 0)),
      out_shape=jax.ShapeDtypeStruct((_N, out_dim), jnp.float32),
  )(*args)


def _prep_edges(ei):
  npad = _EPWP - _EPW
  src = ei[0].reshape(_NW, _EPW)
  dst = ei[1].reshape(_NW, _EPW)
  spad = (jnp.arange(_NW, dtype=jnp.int32)[:, None] * 311
          + jnp.arange(npad, dtype=jnp.int32)[None, :] * 97) % _N
  dpad = _N + (jnp.arange(_NW, dtype=jnp.int32)[:, None] * 8
               + jnp.arange(npad, dtype=jnp.int32)[None, :]) % (_NP - _N)
  src = jnp.concatenate([src, spad.astype(jnp.int32)], axis=1)
  dst = jnp.concatenate([dst, dpad.astype(jnp.int32)], axis=1)
  return (src.reshape(_NW, _NCHUNK, _CH), dst.reshape(_NW, _NCHUNK, _CH))


def kernel(x, edge_index_0, edge_index_1, W_l0, W_r0, b0, W_l1, W_r1, b1,
           W_lin, b_lin):
  src0, dst0 = _prep_edges(edge_index_0)
  src1, dst1 = _prep_edges(edge_index_1)
  aggp0, cntp0 = _sc_agg(x, src0, dst0)
  h1 = _tc_layer(_tc_layer1_body, aggp0, cntp0, x, (W_l0, W_r0, b0), _D)
  aggp1, cntp1 = _sc_agg(h1, src1, dst1)
  out = _tc_layer(_tc_layer2_body, aggp1, cntp1, h1,
                  (W_l1, W_r1, b1, W_lin, b_lin), _D)
  return out

# --- scband reference (transcript-rebuilt; emitter-appended) ---
"""Pipeline reference for scband-graph-sage-11012296147627 (READ-ONLY COPY).

The authoritative reference and input builder live on the scoring server;
editing this copy changes nothing except your own understanding.
"""

import jax, jax.numpy as jnp
import numpy as np

N = 10000
E = 320000
D = 128
H = 128
O = 128


def setup_inputs(seed: int = 0) -> dict:
    key = jax.random.key(seed)
    ks = jax.random.split(key, 12)
    x = jax.random.normal(ks[0], (N, D), dtype=jnp.float32)
    edge_index_0 = jax.random.randint(ks[1], (2, E), 0, N, dtype=jnp.int32)
    edge_index_1 = jax.random.randint(ks[2], (2, E), 0, N, dtype=jnp.int32)
    s_d = 1.0 / np.sqrt(D)
    s_h = 1.0 / np.sqrt(H)
    W_l0 = jax.random.uniform(ks[3], (D, H), jnp.float32, -s_d, s_d)
    W_r0 = jax.random.uniform(ks[4], (D, H), jnp.float32, -s_d, s_d)
    b0 = jax.random.uniform(ks[5], (H,), jnp.float32, -s_d, s_d)
    W_l1 = jax.random.uniform(ks[6], (H, H), jnp.float32, -s_h, s_h)
    W_r1 = jax.random.uniform(ks[7], (H, H), jnp.float32, -s_h, s_h)
    b1 = jax.random.uniform(ks[8], (H,), jnp.float32, -s_h, s_h)
    W_lin = jax.random.uniform(ks[9], (H, O), jnp.float32, -s_h, s_h)
    b_lin = jax.random.uniform(ks[10], (O,), jnp.float32, -s_h, s_h)
    return {
        "x": x,
        "edge_index_0": edge_index_0,
        "edge_index_1": edge_index_1,
        "W_l0": W_l0, "W_r0": W_r0, "b0": b0,
        "W_l1": W_l1, "W_r1": W_r1, "b1": b1,
        "W_lin": W_lin, "b_lin": b_lin,
    }


def _sage_conv(h, edge_index, Wl, Wr, b):
    # PyG SAGEConv with mean aggregation:
    # out = lin_l(mean_{j in N(i)} x_j) + lin_r(x_i) + bias
    src = edge_index[0]
    dst = edge_index[1]
    msg = h[src]  # gather (SparseCore)
    agg = jax.ops.segment_sum(msg, dst, num_segments=N)  # scatter-add
    cnt = jax.ops.segment_sum(jnp.ones((edge_index.shape[1],), dtype=h.dtype), dst, num_segments=N)
    agg = agg / jnp.clip(cnt, 1.0)[:, None]
    return agg @ Wl + h @ Wr + b


def reference(x, edge_index_0, edge_index_1, W_l0, W_r0, b0, W_l1, W_r1, b1, W_lin, b_lin):
    h = x
    h = _sage_conv(h, edge_index_0, W_l0, W_r0, b0)
    h = jax.nn.gelu(h, approximate=False)
    # dropout p=0.0 (eval) -> identity
    h = _sage_conv(h, edge_index_1, W_l1, W_r1, b1)
    h = jax.nn.gelu(h, approximate=False)
    return h @ W_lin + b_lin

if __name__ == "__main__":
    import jax
    _d = setup_inputs()
    print(jax.jit(kernel)(*tuple(_d.values())))

</pallas_src>

<mosaic_0001>
#map = affine_map<(d0, d1) -> (0, 0)>
#map1 = affine_map<(d0, d1) -> (0, 0, 0)>
module attributes {stable_mosaic.version = 14 : i64} {
  func.func @k(%arg0: i32, %arg1: i32, %arg2: memref<10000x128xf32, #tpu.memory_space<hbm>>, %arg3: memref<32x128x80xi32, #tpu.memory_space<hbm>>, %arg4: memref<32x128x80xi32, #tpu.memory_space<hbm>>, %arg5: memref<2x10240x128xf32, #tpu.memory_space<hbm>>, %arg6: memref<2x10240x128xf32, #tpu.memory_space<hbm>>, %arg7: memref<80xi32, #tpu.memory_space<vmem>>, %arg8: memref<80xi32, #tpu.memory_space<vmem>>, %arg9: memref<80xi32, #tpu.memory_space<vmem>>, %arg10: memref<80xi32, #tpu.memory_space<vmem>>, %arg11: memref<80xi32, #tpu.memory_space<vmem>>, %arg12: memref<80xi32, #tpu.memory_space<vmem>>, %arg13: memref<16x80xi32, #tpu.memory_space<vmem>>, %arg14: memref<16x80xi32, #tpu.memory_space<vmem>>, %arg15: memref<80x128xf32, #tpu.memory_space<vmem>>, %arg16: memref<80x128xf32, #tpu.memory_space<vmem>>, %arg17: memref<80x128xf32, #tpu.memory_space<vmem>>, %arg18: memref<8x128xf32, #tpu.memory_space<vmem>>, %arg19: memref<10240x128xf32, #tpu.memory_space<vmem_shared>>, %arg20: memref<!tpu.dma_semaphore, #tpu.memory_space<semaphore_mem>>, %arg21: memref<!tpu.dma_semaphore, #tpu.memory_space<semaphore_mem>>, %arg22: memref<!tpu.dma_semaphore, #tpu.memory_space<semaphore_mem>>, %arg23: memref<!tpu.dma_semaphore, #tpu.memory_space<semaphore_mem>>, %arg24: memref<!tpu.dma_semaphore, #tpu.memory_space<semaphore_mem>>, %arg25: memref<!tpu.dma_semaphore, #tpu.memory_space<semaphore_mem>>, %arg26: memref<!tpu.dma_semaphore, #tpu.memory_space<semaphore_mem>>, %arg27: memref<!tpu.dma_semaphore, #tpu.memory_space<semaphore_mem>>, %arg28: memref<!tpu.dma_semaphore, #tpu.memory_space<semaphore_mem>>, %arg29: memref<!tpu.dma_semaphore, #tpu.memory_space<semaphore_mem>>, %arg30: memref<!tpu.dma_semaphore, #tpu.memory_space<semaphore_mem>>, %arg31: memref<!tpu.dma_semaphore, #tpu.memory_space<semaphore_mem>>, %arg32: memref<!tpu.dma_semaphore, #tpu.memory_space<semaphore_mem>>, %arg33: memref<!tpu.dma_semaphore, #tpu.memory_space<semaphore_mem>>, %arg34: memref<!tpu.dma_semaphore, #tpu.memory_space<semaphore_mem>>, %arg35: memref<!tpu.dma_semaphore, #tpu.memory_space<semaphore_mem>>) attributes {dimension_semantics = [#tpu.dimension_semantics<core_parallel>, #tpu.dimension_semantics<subcore_parallel>], iteration_bounds = array<i64: 2, 16>, scalar_prefetch = 0 : i64, scratch_operands = 29 : i64, tpu.core_type = #tpu.core_type<sc_vector_subcore>, window_params = [{transform_indices = #map}, {transform_indices = #map1}, {transform_indices = #map1}, {transform_indices = #map1}, {transform_indices = #map1}]} {
    %mul3A = arith.constant 2 : i32
    %mul3A_0 = arith.muli %arg1, %mul3A : i32
    %add3A = arith.addi %mul3A_0, %arg0 : i32
    %broadcast_in_dim3A = arith.constant 0.000000e+00 : f32
    %broadcast_in_dim3A_1 = vector.broadcast %broadcast_in_dim3A : f32 to vector<16xf32>
    %broadcast_in_dim3A_2 = arith.constant 1.000000e+00 : f32
    %broadcast_in_dim3A_3 = vector.broadcast %broadcast_in_dim3A_2 : f32 to vector<16xf32>
    %scan3A = arith.constant 0 : i32
    %scan3A_4 = arith.constant 0 : i32
    %scan3A_5 = arith.constant 64 : i32
    %scan3A_6 = arith.addi %scan3A_4, %scan3A_5 : i32
    %scan3A_7 = arith.constant 1 : i32
    %scan3A_8 = scf.for %scan3A_175 = %scan3A_4 to %scan3A_6 step %scan3A_7 iter_args(%scan3A_176 = %scan3A) -> (i32)  : i32 {
      %jit3A = arith.constant 8 : i32
      %div3A = arith.divsi %scan3A_175, %jit3A : i32
      %sign3A = arith.constant 0 : i32
      %sign3A_177 = arith.cmpi sgt, %scan3A_175, %sign3A : i32
      %sign3A_178 = arith.extui %sign3A_177 : i1 to i32
      %sign3A_179 = arith.constant 0 : i32
      %sign3A_180 = arith.cmpi slt, %scan3A_175, %sign3A_179 : i32
      %sign3A_181 = arith.extui %sign3A_180 : i1 to i32
      %sign3A_182 = arith.subi %sign3A_178, %sign3A_181 : i32
      %sign3A_183 = arith.constant 0 : i32
      %sign3A_184 = arith.cmpi sgt, %jit3A, %sign3A_183 : i32
      %sign3A_185 = arith.extui %sign3A_184 : i1 to i32
      %sign3A_186 = arith.constant 0 : i32
      %sign3A_187 = arith.cmpi slt, %jit3A, %sign3A_186 : i32
      %sign3A_188 = arith.extui %sign3A_187 : i1 to i32
      %sign3A_189 = arith.subi %sign3A_185, %sign3A_188 : i32
      %ne3A = arith.cmpi ne, %sign3A_182, %sign3A_189 : i32
      %rem3A = arith.remsi %scan3A_175, %jit3A : i32
      %ne3A_190 = arith.constant 0 : i32
      %ne3A_191 = arith.cmpi ne, %rem3A, %ne3A_190 : i32
      %and3A = arith.andi %ne3A, %ne3A_191 : i1
      %sub3A = arith.constant 1 : i32
      %sub3A_192 = arith.subi %div3A, %sub3A : i32
      %select_n3A = arith.select %and3A, %sub3A_192, %div3A : i32
      %jit3A_193 = arith.constant 8 : i32
      %eq3A = arith.constant 0 : i32
      %eq3A_194 = arith.cmpi eq, %jit3A_193, %eq3A : i32
      %jit3A_195 = arith.constant 1 : i32
      %select_n3A_196 = arith.select %eq3A_194, %jit3A_195, %jit3A_193 : i32
      %rem3A_197 = arith.remsi %scan3A_175, %select_n3A_196 : i32
      %ne3A_198 = arith.constant 0 : i32
      %ne3A_199 = arith.cmpi ne, %rem3A_197, %ne3A_198 : i32
      %lt3A = arith.constant 0 : i32
      %lt3A_200 = arith.cmpi slt, %rem3A_197, %lt3A : i32
      %lt3A_201 = arith.constant 0 : i32
      %lt3A_202 = arith.cmpi slt, %select_n3A_196, %lt3A_201 : i32
      %ne3A_203 = arith.xori %lt3A_200, %lt3A_202 : i1
      %and3A_204 = arith.andi %ne3A_203, %ne3A_199 : i1
      %add3A_205 = arith.addi %rem3A_197, %select_n3A_196 : i32
      %select_n3A_206 = arith.select %and3A_204, %add3A_205, %rem3A_197 : i32
      %mul3A_207 = arith.constant 16 : i32
      %mul3A_208 = arith.muli %select_n3A_206, %mul3A_207 : i32
      %swap3A = arith.index_cast %select_n3A : i32 to index
      %swap3A_209 = arith.index_cast %mul3A_208 : i32 to index
      %swap3A_210 = tpu.vector_load %arg18[%swap3A, %swap3A_209] {strides = array<i32>} : memref<8x128xf32, #tpu.memory_space<vmem>>, vector<1x16xf32>,
      %swap3A_211 = vector.shape_cast %swap3A_210 : vector<1x16xf32> to vector<16xf32>
      %swap3A_212 = vector.shape_cast %broadcast_in_dim3A_1 : vector<16xf32> to vector<1x16xf32>
      tpu.vector_store %arg18[%swap3A, %swap3A_209], %swap3A_212 {strides = array<i32>} : memref<8x128xf32, #tpu.memory_space<vmem>>, vector<1x16xf32>,
      %scan3A_213 = arith.constant 0 : i32
      scf.yield %scan3A_213 : i32
    }
    %scan3A_9 = arith.constant 64 : i32
    %dma_start3A = arith.constant 0 : i32
    %dma_start3A_10 = arith.constant 0 : i32
    %dma_start3A_11 = tpu.memref_slice %arg3[%add3A, %dma_start3A, %dma_start3A_10] : memref<32x128x80xi32, #tpu.memory_space<hbm>> -> memref<1x1x80xi32, #tpu.memory_space<hbm>>
    %dma_start3A_12 = tpu.memref_squeeze %dma_start3A_11 : memref<1x1x80xi32, #tpu.memory_space<hbm>> -> memref<80xi32, #tpu.memory_space<hbm>>
    %dma_start3A_13 = arith.constant 0 : i32
    %dma_start3A_14 = tpu.memref_slice %arg3[%add3A, %dma_start3A, %dma_start3A_13] : memref<32x128x80xi32, #tpu.memory_space<hbm>> -> memref<1x1x80xi32, #tpu.memory_space<hbm>>
    %dma_start3A_15 = tpu.memref_squeeze %dma_start3A_14 : memref<1x1x80xi32, #tpu.memory_space<hbm>> -> memref<80xi32, #tpu.memory_space<hbm>>
    tpu.enqueue_dma source(%dma_start3A_15 : memref<80xi32, #tpu.memory_space<hbm>>) target(%arg7 : memref<80xi32, #tpu.memory_space<vmem>>) target_semaphore(%arg23 : memref<!tpu.dma_semaphore, #tpu.memory_space<semaphore_mem>>)
    %dma_start3A_16 = arith.constant 0 : i32
    %dma_start3A_17 = arith.constant 0 : i32
    %dma_start3A_18 = tpu.memref_slice %arg4[%add3A, %dma_start3A_16, %dma_start3A_17] : memref<32x128x80xi32, #tpu.memory_space<hbm>> -> memref<1x1x80xi32, #tpu.memory_space<hbm>>
    %dma_start3A_19 = tpu.memref_squeeze %dma_start3A_18 : memref<1x1x80xi32, #tpu.memory_space<hbm>> -> memref<80xi32, #tpu.memory_space<hbm>>
    %dma_start3A_20 = arith.constant 0 : i32
    %dma_start3A_21 = tpu.memref_slice %arg4[%add3A, %dma_start3A_16, %dma_start3A_20] : memref<32x128x80xi32, #tpu.memory_space<hbm>> -> memref<1x1x80xi32, #tpu.memory_space<hbm>>
    %dma_start3A_22 = tpu.memref_squeeze %dma_start3A_21 : memref<1x1x80xi32, #tpu.memory_space<hbm>> -> memref<80xi32, #tpu.memory_space<hbm>>
    tpu.enqueue_dma source(%dma_start3A_22 : memref<80xi32, #tpu.memory_space<hbm>>) target(%arg10 : memref<80xi32, #tpu.memory_space<vmem>>) target_semaphore(%arg26 : memref<!tpu.dma_semaphore, #tpu.memory_space<semaphore_mem>>)
    %dma_start3A_23 = arith.constant 1 : i32
    %dma_start3A_24 = arith.constant 0 : i32
    %dma_start3A_25 = tpu.memref_slice %arg3[%add3A, %dma_start3A_23, %dma_start3A_24] : memref<32x128x80xi32, #tpu.memory_space<hbm>> -> memref<1x1x80xi32, #tpu.memory_space<hbm>>
    %dma_start3A_26 = tpu.memref_squeeze %dma_start3A_25 : memref<1x1x80xi32, #tpu.memory_space<hbm>> -> memref<80xi32, #tpu.memory_space<hbm>>
    %dma_start3A_27 = arith.constant 0 : i32
    %dma_start3A_28 = tpu.memref_slice %arg3[%add3A, %dma_start3A_23, %dma_start3A_27] : memref<32x128x80xi32, #tpu.memory_space<hbm>> -> memref<1x1x80xi32, #tpu.memory_space<hbm>>
    %dma_start3A_29 = tpu.memref_squeeze %dma_start3A_28 : memref<1x1x80xi32, #tpu.memory_space<hbm>> -> memref<80xi32, #tpu.memory_space<hbm>>
    tpu.enqueue_dma source(%dma_start3A_29 : memref<80xi32, #tpu.memory_space<hbm>>) target(%arg8 : memref<80xi32, #tpu.memory_space<vmem>>) target_semaphore(%arg24 : memref<!tpu.dma_semaphore, #tpu.memory_space<semaphore_mem>>)
    %dma_start3A_30 = arith.constant 1 : i32
    %dma_start3A_31 = arith.constant 0 : i32
    %dma_start3A_32 = tpu.memref_slice %arg4[%add3A, %dma_start3A_30, %dma_start3A_31] : memref<32x128x80xi32, #tpu.memory_space<hbm>> -> memref<1x1x80xi32, #tpu.memory_space<hbm>>
    %dma_start3A_33 = tpu.memref_squeeze %dma_start3A_32 : memref<1x1x80xi32, #tpu.memory_space<hbm>> -> memref<80xi32, #tpu.memory_space<hbm>>
    %dma_start3A_34 = arith.constant 0 : i32
    %dma_start3A_35 = tpu.memref_slice %arg4[%add3A, %dma_start3A_30, %dma_start3A_34] : memref<32x128x80xi32, #tpu.memory_space<hbm>> -> memref<1x1x80xi32, #tpu.memory_space<hbm>>
    %dma_start3A_36 = tpu.memref_squeeze %dma_start3A_35 : memref<1x1x80xi32, #tpu.memory_space<hbm>> -> memref<80xi32, #tpu.memory_space<hbm>>
    tpu.enqueue_dma source(%dma_start3A_36 : memref<80xi32, #tpu.memory_space<hbm>>) target(%arg11 : memref<80xi32, #tpu.memory_space<vmem>>) target_semaphore(%arg27 : memref<!tpu.dma_semaphore, #tpu.memory_space<semaphore_mem>>)
    %dma_start3A_37 = arith.constant 2 : i32
    %dma_start3A_38 = arith.constant 0 : i32
    %dma_start3A_39 = tpu.memref_slice %arg3[%add3A, %dma_start3A_37, %dma_start3A_38] : memref<32x128x80xi32, #tpu.memory_space<hbm>> -> memref<1x1x80xi32, #tpu.memory_space<hbm>>
    %dma_start3A_40 = tpu.memref_squeeze %dma_start3A_39 : memref<1x1x80xi32, #tpu.memory_space<hbm>> -> memref<80xi32, #tpu.memory_space<hbm>>
    %dma_start3A_41 = arith.constant 0 : i32
    %dma_start3A_42 = tpu.memref_slice %arg3[%add3A, %dma_start3A_37, %dma_start3A_41] : memref<32x128x80xi32, #tpu.memory_space<hbm>> -> memref<1x1x80xi32, #tpu.memory_space<hbm>>
    %dma_start3A_43 = tpu.memref_squeeze %dma_start3A_42 : memref<1x1x80xi32, #tpu.memory_space<hbm>> -> memref<80xi32, #tpu.memory_space<hbm>>
    tpu.enqueue_dma source(%dma_start3A_43 : memref<80xi32, #tpu.memory_space<hbm>>) target(%arg9 : memref<80xi32, #tpu.memory_space<vmem>>) target_semaphore(%arg25 : memref<!tpu.dma_semaphore, #tpu.memory_space<semaphore_mem>>)
    %dma_start3A_44 = arith.constant 2 : i32
    %dma_start3A_45 = arith.constant 0 : i32
    %dma_start3A_46 = tpu.memref_slice %arg4[%add3A, %dma_start3A_44, %dma_start3A_45] : memref<32x128x80xi32, #tpu.memory_space<hbm>> -> memref<1x1x80xi32, #tpu.memory_space<hbm>>
    %dma_start3A_47 = tpu.memref_squeeze %dma_start3A_46 : memref<1x1x80xi32, #tpu.memory_space<hbm>> -> memref<80xi32, #tpu.memory_space<hbm>>
    %dma_start3A_48 = arith.constant 0 : i32
    %dma_start3A_49 = tpu.memref_slice %arg4[%add3A, %dma_start3A_44, %dma_start3A_48] : memref<32x128x80xi32, #tpu.memory_space<hbm>> -> memref<1x1x80xi32, #tpu.memory_space<hbm>>
    %dma_start3A_50 = tpu.memref_squeeze %dma_start3A_49 : memref<1x1x80xi32, #tpu.memory_space<hbm>> -> memref<80xi32, #tpu.memory_space<hbm>>
    tpu.enqueue_dma source(%dma_start3A_50 : memref<80xi32, #tpu.memory_space<hbm>>) target(%arg12 : memref<80xi32, #tpu.memory_space<vmem>>) target_semaphore(%arg28 : memref<!tpu.dma_semaphore, #tpu.memory_space<semaphore_mem>>)
    %dma_wait3A = arith.constant 0 : i32
    %dma_wait3A_51 = arith.constant 0 : i32
    %dma_wait3A_52 = tpu.memref_slice %arg3[%add3A, %dma_wait3A, %dma_wait3A_51] : memref<32x128x80xi32, #tpu.memory_space<hbm>> -> memref<1x1x80xi32, #tpu.memory_space<hbm>>
    %dma_wait3A_53 = tpu.memref_squeeze %dma_wait3A_52 : memref<1x1x80xi32, #tpu.memory_space<hbm>> -> memref<80xi32, #tpu.memory_space<hbm>>
    %dma_wait3A_54 = arith.constant 0 : i32
    %dma_wait3A_55 = tpu.memref_slice %arg3[%add3A, %dma_wait3A, %dma_wait3A_54] : memref<32x128x80xi32, #tpu.memory_space<hbm>> -> memref<1x1x80xi32, #tpu.memory_space<hbm>>
    %dma_wait3A_56 = tpu.memref_squeeze %dma_wait3A_55 : memref<1x1x80xi32, #tpu.memory_space<hbm>> -> memref<80xi32, #tpu.memory_space<hbm>>
    tpu.wait_dma2 semaphore(%arg23 : memref<!tpu.dma_semaphore, #tpu.memory_space<semaphore_mem>>) src(%dma_wait3A_56 : memref<80xi32, #tpu.memory_space<hbm>>) dst(%arg7 : memref<80xi32, #tpu.memory_space<vmem>>)
    %dma_start3A_57 = arith.constant 0 : i32
    %dma_start3A_58 = arith.constant 0 : i32
    %dma_start3A_59 = tpu.memref_slice %arg2[%dma_start3A_57, %dma_start3A_58] : memref<10000x128xf32, #tpu.memory_space<hbm>> -> memref<10000x128xf32, #tpu.memory_space<hbm>>
    tpu.enqueue_indirect_dma source(%dma_start3A_59 : memref<10000x128xf32, #tpu.memory_space<hbm>>) target(%arg15 : memref<80x128xf32, #tpu.memory_space<vmem>>) offsets(%arg7 : memref<80xi32, #tpu.memory_space<vmem>>) semaphore(%arg20 : memref<!tpu.dma_semaphore, #tpu.memory_space<semaphore_mem>>)
    %dma_wait3A_60 = arith.constant 1 : i32
    %dma_wait3A_61 = arith.constant 0 : i32
    %dma_wait3A_62 = tpu.memref_slice %arg3[%add3A, %dma_wait3A_60, %dma_wait3A_61] : memref<32x128x80xi32, #tpu.memory_space<hbm>> -> memref<1x1x80xi32, #tpu.memory_space<hbm>>
    %dma_wait3A_63 = tpu.memref_squeeze %dma_wait3A_62 : memref<1x1x80xi32, #tpu.memory_space<hbm>> -> memref<80xi32, #tpu.memory_space<hbm>>
    %dma_wait3A_64 = arith.constant 0 : i32
    %dma_wait3A_65 = tpu.memref_slice %arg3[%add3A, %dma_wait3A_60, %dma_wait3A_64] : memref<32x128x80xi32, #tpu.memory_space<hbm>> -> memref<1x1x80xi32, #tpu.memory_space<hbm>>
    %dma_wait3A_66 = tpu.memref_squeeze %dma_wait3A_65 : memref<1x1x80xi32, #tpu.memory_space<hbm>> -> memref<80xi32, #tpu.memory_space<hbm>>
    tpu.wait_dma2 semaphore(%arg24 : memref<!tpu.dma_semaphore, #tpu.memory_space<semaphore_mem>>) src(%dma_wait3A_66 : memref<80xi32, #tpu.memory_space<hbm>>) dst(%arg8 : memref<80xi32, #tpu.memory_space<vmem>>)
    %dma_start3A_67 = arith.constant 0 : i32
    %dma_start3A_68 = arith.constant 0 : i32
    %dma_start3A_69 = tpu.memref_slice %arg2[%dma_start3A_67, %dma_start3A_68] : memref<10000x128xf32, #tpu.memory_space<hbm>> -> memref<10000x128xf32, #tpu.memory_space<hbm>>
    tpu.enqueue_indirect_dma source(%dma_start3A_69 : memref<10000x128xf32, #tpu.memory_space<hbm>>) target(%arg16 : memref<80x128xf32, #tpu.memory_space<vmem>>) offsets(%arg8 : memref<80xi32, #tpu.memory_space<vmem>>) semaphore(%arg21 : memref<!tpu.dma_semaphore, #tpu.memory_space<semaphore_mem>>)
    %scan3A_70 = arith.constant 0 : i32
    %scan3A_71 = arith.constant 0 : i32
    %scan3A_72 = arith.constant 80 : i32
    %scan3A_73 = arith.addi %scan3A_71, %scan3A_72 : i32
    %scan3A_74 = arith.constant 1 : i32
    %scan3A_75 = scf.for %scan3A_175 = %scan3A_71 to %scan3A_73 step %scan3A_74 iter_args(%scan3A_176 = %scan3A_70) -> (i32)  : i32 {
      %mul3A_177 = arith.constant 640 : i32
      %mul3A_178 = arith.muli %arg1, %mul3A_177 : i32
      %mul3A_179 = arith.constant 8 : i32
      %mul3A_180 = arith.muli %scan3A_175, %mul3A_179 : i32
      %add3A_181 = arith.addi %mul3A_178, %mul3A_180 : i32
      %dma_start3A_182 = arith.constant 0 : i32
      %dma_start3A_183 = tpu.memref_slice %arg19[%add3A_181, %dma_start3A_182] : memref<10240x128xf32, #tpu.memory_space<vmem_shared>> -> memref<8x128xf32, #tpu.memory_space<vmem_shared>>
      %dma_start3A_184 = arith.constant 0 : i32
      %dma_start3A_185 = tpu.memref_slice %arg19[%add3A_181, %dma_start3A_184] : memref<10240x128xf32, #tpu.memory_space<vmem_shared>> -> memref<8x128xf32, #tpu.memory_space<vmem_shared>>
      tpu.enqueue_dma source(%arg18 : memref<8x128xf32, #tpu.memory_space<vmem>>) target(%dma_start3A_185 : memref<8x128xf32, #tpu.memory_space<vmem_shared>>) target_semaphore(%arg35 : memref<!tpu.dma_semaphore, #tpu.memory_space<semaphore_mem>>)
      %scan3A_186 = arith.constant 0 : i32
      scf.yield %scan3A_186 : i32
    }
    %scan3A_76 = arith.constant 80 : i32
    %scan3A_77 = arith.constant 0 : i32
    %scan3A_78 = arith.constant 0 : i32
    %scan3A_79 = arith.constant 80 : i32
    %scan3A_80 = arith.addi %scan3A_78, %scan3A_79 : i32
    %scan3A_81 = arith.constant 1 : i32
    %scan3A_82 = scf.for %scan3A_175 = %scan3A_78 to %scan3A_80 step %scan3A_81 iter_args(%scan3A_176 = %scan3A_77) -> (i32)  : i32 {
      %mul3A_177 = arith.constant 640 : i32
      %mul3A_178 = arith.muli %arg1, %mul3A_177 : i32
      %mul3A_179 = arith.constant 8 : i32
      %mul3A_180 = arith.muli %scan3A_175, %mul3A_179 : i32
      %add3A_181 = arith.addi %mul3A_178, %mul3A_180 : i32
      %dma_wait3A_182 = arith.constant 0 : i32
      %dma_wait3A_183 = tpu.memref_slice %arg19[%add3A_181, %dma_wait3A_182] : memref<10240x128xf32, #tpu.memory_space<vmem_shared>> -> memref<8x128xf32, #tpu.memory_space<vmem_shared>>
      %dma_wait3A_184 = arith.constant 0 : i32
      %dma_wait3A_185 = tpu.memref_slice %arg19[%add3A_181, %dma_wait3A_184] : memref<10240x128xf32, #tpu.memory_space<vmem_shared>> -> memref<8x128xf32, #tpu.memory_space<vmem_shared>>
      tpu.wait_dma2 semaphore(%arg35 : memref<!tpu.dma_semaphore, #tpu.memory_space<semaphore_mem>>) src(%arg18 : memref<8x128xf32, #tpu.memory_space<vmem>>) dst(%dma_wait3A_185 : memref<8x128xf32, #tpu.memory_space<vmem_shared>>)
      %scan3A_186 = arith.constant 0 : i32
      scf.yield %scan3A_186 : i32
    }
    %scan3A_83 = arith.constant 80 : i32
    %barrier3A = arith.constant 0 : index
    tpu.barrier barrier_id(%barrier3A)
    %scan3A_84 = arith.constant 0 : i32
    %scan3A_85 = arith.constant 0 : i32
    %scan3A_86 = arith.constant 42 : i32
    %scan3A_87 = arith.addi %scan3A_85, %scan3A_86 : i32
    %scan3A_88 = arith.constant 1 : i32
    %scan3A_89 = scf.for %scan3A_175 = %scan3A_85 to %scan3A_87 step %scan3A_88 iter_args(%scan3A_176 = %scan3A_84) -> (i32)  : i32 {
      %mul3A_177 = arith.constant 3 : i32
      %mul3A_178 = arith.muli %mul3A_177, %scan3A_175 : i32
      %add3A_179 = arith.constant 0 : i32
      %add3A_180 = arith.addi %mul3A_178, %add3A_179 : i32
      %dma_wait3A_181 = arith.constant 0 : i32
      %dma_wait3A_182 = arith.constant 0 : i32
      %dma_wait3A_183 = tpu.memref_slice %arg2[%dma_wait3A_181, %dma_wait3A_182] : memref<10000x128xf32, #tpu.memory_space<hbm>> -> memref<10000x128xf32, #tpu.memory_space<hbm>>
      tpu.wait_indirect_dma semaphore(%arg20 : memref<!tpu.dma_semaphore, #tpu.memory_space<semaphore_mem>>) src(%dma_wait3A_183 : memref<10000x128xf32, #tpu.memory_space<hbm>>) dst(%arg15 : memref<80x128xf32, #tpu.memory_space<vmem>>)
      %gt3A = arith.constant 0 : i32
      %gt3A_184 = arith.cmpi sgt, %add3A_180, %gt3A : i32
      %convert_element_type3A = arith.extui %gt3A_184 : i1 to i32
      %cond3A = arith.constant 0 : i32
      %cond3A_185 = arith.cmpi ne, %convert_element_type3A, %cond3A : i32
      scf.if %cond3A_185 {
        %dma_wait3A_300 = arith.constant 0 : i32
        %dma_wait3A_301 = arith.constant 0 : i32
        %dma_wait3A_302 = tpu.memref_slice %arg19[%dma_wait3A_300, %dma_wait3A_301] : memref<10240x128xf32, #tpu.memory_space<vmem_shared>> -> memref<10240x128xf32, #tpu.memory_space<vmem_shared>>
        tpu.wait_indirect_dma semaphore(%arg31 : memref<!tpu.dma_semaphore, #tpu.memory_space<semaphore_mem>>) src(%arg17 : memref<80x128xf32, #tpu.memory_space<vmem>>) dst(%dma_wait3A_302 : memref<10240x128xf32, #tpu.memory_space<vmem_shared>>)
      } else {
      }
      %add3A_186 = arith.constant 2 : i32
      %add3A_187 = arith.addi %add3A_180, %add3A_186 : i32
      %lt3A = arith.constant 128 : i32
      %lt3A_188 = arith.cmpi slt, %add3A_187, %lt3A : i32
      %convert_element_type3A_189 = arith.extui %lt3A_188 : i1 to i32
      %cond3A_190 = arith.constant 0 : i32
      %cond3A_191 = arith.cmpi ne, %convert_element_type3A_189, %cond3A_190 : i32
      scf.if %cond3A_191 {
        %add3A_300 = arith.constant 2 : i32
        %add3A_301 = arith.addi %add3A_180, %add3A_300 : i32
        %dma_wait3A_302 = arith.constant 0 : i32
        %dma_wait3A_303 = tpu.memref_slice %arg3[%add3A, %add3A_301, %dma_wait3A_302] : memref<32x128x80xi32, #tpu.memory_space<hbm>> -> memref<1x1x80xi32, #tpu.memory_space<hbm>>
        %dma_wait3A_304 = tpu.memref_squeeze %dma_wait3A_303 : memref<1x1x80xi32, #tpu.memory_space<hbm>> -> memref<80xi32, #tpu.memory_space<hbm>>
        %dma_wait3A_305 = arith.constant 0 : i32
        %dma_wait3A_306 = tpu.memref_slice %arg3[%add3A, %add3A_301, %dma_wait3A_305] : memref<32x128x80xi32, #tpu.memory_space<hbm>> -> memref<1x1x80xi32, #tpu.memory_space<hbm>>
        %dma_wait3A_307 = tpu.memref_squeeze %dma_wait3A_306 : memref<1x1x80xi32, #tpu.memory_space<hbm>> -> memref<80xi32, #tpu.memory_space<hbm>>
        tpu.wait_dma2 semaphore(%arg25 : memref<!tpu.dma_semaphore, #tpu.memory_space<semaphore_mem>>) src(%dma_wait3A_307 : memref<80xi32, #tpu.memory_space<hbm>>) dst(%arg9 : memref<80xi32, #tpu.memory_space<vmem>>)
        %dma_start3A_308 = arith.constant 0 : i32
        %dma_start3A_309 = arith.constant 0 : i32
        %dma_start3A_310 = tpu.memref_slice %arg2[%dma_start3A_308, %dma_start3A_309] : memref<10000x128xf32, #tpu.memory_space<hbm>> -> memref<10000x128xf32, #tpu.memory_space<hbm>>
        tpu.enqueue_indirect_dma source(%dma_start3A_310 : memref<10000x128xf32, #tpu.memory_space<hbm>>) target(%arg17 : memref<80x128xf32, #tpu.memory_space<vmem>>) offsets(%arg9 : memref<80xi32, #tpu.memory_space<vmem>>) semaphore(%arg22 : memref<!tpu.dma_semaphore, #tpu.memory_space<semaphore_mem>>)
      } else {
      }
      %add3A_192 = arith.constant 3 : i32
      %add3A_193 = arith.addi %add3A_180, %add3A_192 : i32
      %lt3A_194 = arith.constant 128 : i32
      %lt3A_195 = arith.cmpi slt, %add3A_193, %lt3A_194 : i32
      %convert_element_type3A_196 = arith.extui %lt3A_195 : i1 to i32
      %cond3A_197 = arith.constant 0 : i32
      %cond3A_198 = arith.cmpi ne, %convert_element_type3A_196, %cond3A_197 : i32
      scf.if %cond3A_198 {
        %add3A_300 = arith.constant 3 : i32
        %add3A_301 = arith.addi %add3A_180, %add3A_300 : i32
        %dma_start3A_302 = arith.constant 0 : i32
        %dma_start3A_303 = tpu.memref_slice %arg3[%add3A, %add3A_301, %dma_start3A_302] : memref<32x128x80xi32, #tpu.memory_space<hbm>> -> memref<1x1x80xi32, #tpu.memory_space<hbm>>
        %dma_start3A_304 = tpu.memref_squeeze %dma_start3A_303 : memref<1x1x80xi32, #tpu.memory_space<hbm>> -> memref<80xi32, #tpu.memory_space<hbm>>
        %dma_start3A_305 = arith.constant 0 : i32
        %dma_start3A_306 = tpu.memref_slice %arg3[%add3A, %add3A_301, %dma_start3A_305] : memref<32x128x80xi32, #tpu.memory_space<hbm>> -> memref<1x1x80xi32, #tpu.memory_space<hbm>>
        %dma_start3A_307 = tpu.memref_squeeze %dma_start3A_306 : memref<1x1x80xi32, #tpu.memory_space<hbm>> -> memref<80xi32, #tpu.memory_space<hbm>>
        tpu.enqueue_dma source(%dma_start3A_307 : memref<80xi32, #tpu.memory_space<hbm>>) target(%arg7 : memref<80xi32, #tpu.memory_space<vmem>>) target_semaphore(%arg23 : memref<!tpu.dma_semaphore, #tpu.memory_space<semaphore_mem>>)
      } else {
      }
      %dma_wait3A_199 = arith.constant 0 : i32
      %dma_wait3A_200 = tpu.memref_slice %arg4[%add3A, %add3A_180, %dma_wait3A_199] : memref<32x128x80xi32, #tpu.memory_space<hbm>> -> memref<1x1x80xi32, #tpu.memory_space<hbm>>
      %dma_wait3A_201 = tpu.memref_squeeze %dma_wait3A_200 : memref<1x1x80xi32, #tpu.memory_space<hbm>> -> memref<80xi32, #tpu.memory_space<hbm>>
      %dma_wait3A_202 = arith.constant 0 : i32
      %dma_wait3A_203 = tpu.memref_slice %arg4[%add3A, %add3A_180, %dma_wait3A_202] : memref<32x128x80xi32, #tpu.memory_space<hbm>> -> memref<1x1x80xi32, #tpu.memory_space<hbm>>
      %dma_wait3A_204 = tpu.memref_squeeze %dma_wait3A_203 : memref<1x1x80xi32, #tpu.memory_space<hbm>> -> memref<80xi32, #tpu.memory_space<hbm>>
      tpu.wait_dma2 semaphore(%arg26 : memref<!tpu.dma_semaphore, #tpu.memory_space<semaphore_mem>>) src(%dma_wait3A_204 : memref<80xi32, #tpu.memory_space<hbm>>) dst(%arg10 : memref<80xi32, #tpu.memory_space<vmem>>)
      %dma_start3A_205 = arith.constant 0 : i32
      %dma_start3A_206 = arith.constant 0 : i32
      %dma_start3A_207 = tpu.memref_slice %arg19[%dma_start3A_205, %dma_start3A_206] : memref<10240x128xf32, #tpu.memory_space<vmem_shared>> -> memref<10240x128xf32, #tpu.memory_space<vmem_shared>>
      tpu.enqueue_indirect_dma source(%arg15 : memref<80x128xf32, #tpu.memory_space<vmem>>) target(%dma_start3A_207 : memref<10240x128xf32, #tpu.memory_space<vmem_shared>>) offsets(%arg10 : memref<80xi32, #tpu.memory_space<vmem>>) semaphore(%arg29 : memref<!tpu.dma_semaphore, #tpu.memory_space<semaphore_mem>>) {add = true}
      %add3A_208 = arith.constant 2 : i32
      %add3A_209 = arith.addi %add3A_180, %add3A_208 : i32
      %lt3A_210 = arith.constant 128 : i32
      %lt3A_211 = arith.cmpi slt, %add3A_209, %lt3A_210 : i32
      %convert_element_type3A_212 = arith.extui %lt3A_211 : i1 to i32
      %cond3A_213 = arith.constant 0 : i32
      %cond3A_214 = arith.cmpi ne, %convert_element_type3A_212, %cond3A_213 : i32
      scf.if %cond3A_214 {
        %add3A_300 = arith.constant 2 : i32
        %add3A_301 = arith.addi %add3A_180, %add3A_300 : i32
        %dma_start3A_302 = arith.constant 0 : i32
        %dma_start3A_303 = tpu.memref_slice %arg4[%add3A, %add3A_301, %dma_start3A_302] : memref<32x128x80xi32, #tpu.memory_space<hbm>> -> memref<1x1x80xi32, #tpu.memory_space<hbm>>
        %dma_start3A_304 = tpu.memref_squeeze %dma_start3A_303 : memref<1x1x80xi32, #tpu.memory_space<hbm>> -> memref<80xi32, #tpu.memory_space<hbm>>
        %dma_start3A_305 = arith.constant 0 : i32
        %dma_start3A_306 = tpu.memref_slice %arg4[%add3A, %add3A_301, %dma_start3A_305] : memref<32x128x80xi32, #tpu.memory_space<hbm>> -> memref<1x1x80xi32, #tpu.memory_space<hbm>>
        %dma_start3A_307 = tpu.memref_squeeze %dma_start3A_306 : memref<1x1x80xi32, #tpu.memory_space<hbm>> -> memref<80xi32, #tpu.memory_space<hbm>>
        tpu.enqueue_dma source(%dma_start3A_307 : memref<80xi32, #tpu.memory_space<hbm>>) target(%arg12 : memref<80xi32, #tpu.memory_space<vmem>>) target_semaphore(%arg28 : memref<!tpu.dma_semaphore, #tpu.memory_space<semaphore_mem>>)
      } else {
      }
      %mul3A_215 = arith.constant 3 : i32
      %mul3A_216 = arith.muli %mul3A_215, %scan3A_175 : i32
      %add3A_217 = arith.constant 1 : i32
      %add3A_218 = arith.addi %mul3A_216, %add3A_217 : i32
      %dma_wait3A_219 = arith.constant 0 : i32
      %dma_wait3A_220 = arith.constant 0 : i32
      %dma_wait3A_221 = tpu.memref_slice %arg2[%dma_wait3A_219, %dma_wait3A_220] : memref<10000x128xf32, #tpu.memory_space<hbm>> -> memref<10000x128xf32, #tpu.memory_space<hbm>>
      tpu.wait_indirect_dma semaphore(%arg21 : memref<!tpu.dma_semaphore, #tpu.memory_space<semaphore_mem>>) src(%dma_wait3A_221 : memref<10000x128xf32, #tpu.memory_space<hbm>>) dst(%arg16 : memref<80x128xf32, #tpu.memory_space<vmem>>)
      %gt3A_222 = arith.constant 0 : i32
      %gt3A_223 = arith.cmpi sgt, %add3A_218, %gt3A_222 : i32
      %convert_element_type3A_224 = arith.extui %gt3A_223 : i1 to i32
      %cond3A_225 = arith.constant 0 : i32
      %cond3A_226 = arith.cmpi ne, %convert_element_type3A_224, %cond3A_225 : i32
      scf.if %cond3A_226 {
        %dma_wait3A_300 = arith.constant 0 : i32
        %dma_wait3A_301 = arith.constant 0 : i32
        %dma_wait3A_302 = tpu.memref_slice %arg19[%dma_wait3A_300, %dma_wait3A_301] : memref<10240x128xf32, #tpu.memory_space<vmem_shared>> -> memref<10240x128xf32, #tpu.memory_space<vmem_shared>>
        tpu.wait_indirect_dma semaphore(%arg29 : memref<!tpu.dma_semaphore, #tpu.memory_space<semaphore_mem>>) src(%arg15 : memref<80x128xf32, #tpu.memory_space<vmem>>) dst(%dma_wait3A_302 : memref<10240x128xf32, #tpu.memory_space<vmem_shared>>)
      } else {
      }
      %add3A_227 = arith.constant 2 : i32
      %add3A_228 = arith.addi %add3A_218, %add3A_227 : i32
      %lt3A_229 = arith.constant 128 : i32
      %lt3A_230 = arith.cmpi slt, %add3A_228, %lt3A_229 : i32
      %convert_element_type3A_231 = arith.extui %lt3A_230 : i1 to i32
      %cond3A_232 = arith.constant 0 : i32
      %cond3A_233 = arith.cmpi ne, %convert_element_type3A_231, %cond3A_232 : i32
      scf.if %cond3A_233 {
        %add3A_300 = arith.constant 2 : i32
        %add3A_301 = arith.addi %add3A_218, %add3A_300 : i32
        %dma_wait3A_302 = arith.constant 0 : i32
        %dma_wait3A_303 = tpu.memref_slice %arg3[%add3A, %add3A_301, %dma_wait3A_302] : memref<32x128x80xi32, #tpu.memory_space<hbm>> -> memref<1x1x80xi32, #tpu.memory_space<hbm>>
        %dma_wait3A_304 = tpu.memref_squeeze %dma_wait3A_303 : memref<1x1x80xi32, #tpu.memory_space<hbm>> -> memref<80xi32, #tpu.memory_space<hbm>>
        %dma_wait3A_305 = arith.constant 0 : i32
        %dma_wait3A_306 = tpu.memref_slice %arg3[%add3A, %add3A_301, %dma_wait3A_305] : memref<32x128x80xi32, #tpu.memory_space<hbm>> -> memref<1x1x80xi32, #tpu.memory_space<hbm>>
        %dma_wait3A_307 = tpu.memref_squeeze %dma_wait3A_306 : memref<1x1x80xi32, #tpu.memory_space<hbm>> -> memref<80xi32, #tpu.memory_space<hbm>>
        tpu.wait_dma2 semaphore(%arg23 : memref<!tpu.dma_semaphore, #tpu.memory_space<semaphore_mem>>) src(%dma_wait3A_307 : memref<80xi32, #tpu.memory_space<hbm>>) dst(%arg7 : memref<80xi32, #tpu.memory_space<vmem>>)
        %dma_start3A_308 = arith.constant 0 : i32
        %dma_start3A_309 = arith.constant 0 : i32
        %dma_start3A_310 = tpu.memref_slice %arg2[%dma_start3A_308, %dma_start3A_309] : memref<10000x128xf32, #tpu.memory_space<hbm>> -> memref<10000x128xf32, #tpu.memory_space<hbm>>
        tpu.enqueue_indirect_dma source(%dma_start3A_310 : memref<10000x128xf32, #tpu.memory_space<hbm>>) target(%arg15 : memref<80x128xf32, #tpu.memory_space<vmem>>) offsets(%arg7 : memref<80xi32, #tpu.memory_space<vmem>>) semaphore(%arg20 : memref<!tpu.dma_semaphore, #tpu.memory_space<semaphore_mem>>)
      } else {
      }
      %add3A_234 = arith.constant 3 : i32
      %add3A_235 = arith.addi %add3A_218, %add3A_234 : i32
      %lt3A_236 = arith.constant 128 : i32
      %lt3A_237 = arith.cmpi slt, %add3A_235, %lt3A_236 : i32
      %convert_element_type3A_238 = arith.extui %lt3A_237 : i1 to i32
      %cond3A_239 = arith.constant 0 : i32
      %cond3A_240 = arith.cmpi ne, %convert_element_type3A_238, %cond3A_239 : i32
      scf.if %cond3A_240 {
        %add3A_300 = arith.constant 3 : i32
        %add3A_301 = arith.addi %add3A_218, %add3A_300 : i32
        %dma_start3A_302 = arith.constant 0 : i32
        %dma_start3A_303 = tpu.memref_slice %arg3[%add3A, %add3A_301, %dma_start3A_302] : memref<32x128x80xi32, #tpu.memory_space<hbm>> -> memref<1x1x80xi32, #tpu.memory_space<hbm>>
        %dma_start3A_304 = tpu.memref_squeeze %dma_start3A_303 : memref<1x1x80xi32, #tpu.memory_space<hbm>> -> memref<80xi32, #tpu.memory_space<hbm>>
        %dma_start3A_305 = arith.constant 0 : i32
        %dma_start3A_306 = tpu.memref_slice %arg3[%add3A, %add3A_301, %dma_start3A_305] : memref<32x128x80xi32, #tpu.memory_space<hbm>> -> memref<1x1x80xi32, #tpu.memory_space<hbm>>
        %dma_start3A_307 = tpu.memref_squeeze %dma_start3A_306 : memref<1x1x80xi32, #tpu.memory_space<hbm>> -> memref<80xi32, #tpu.memory_space<hbm>>
        tpu.enqueue_dma source(%dma_start3A_307 : memref<80xi32, #tpu.memory_space<hbm>>) target(%arg8 : memref<80xi32, #tpu.memory_space<vmem>>) target_semaphore(%arg24 : memref<!tpu.dma_semaphore, #tpu.memory_space<semaphore_mem>>)
      } else {
      }
      %dma_wait3A_241 = arith.constant 0 : i32
      %dma_wait3A_242 = tpu.memref_slice %arg4[%add3A, %add3A_218, %dma_wait3A_241] : memref<32x128x80xi32, #tpu.memory_space<hbm>> -> memref<1x1x80xi32, #tpu.memory_space<hbm>>
      %dma_wait3A_243 = tpu.memref_squeeze %dma_wait3A_242 : memref<1x1x80xi32, #tpu.memory_space<hbm>> -> memref<80xi32, #tpu.memory_space<hbm>>
      %dma_wait3A_244 = arith.constant 0 : i32
      %dma_wait3A_245 = tpu.memref_slice %arg4[%add3A, %add3A_218, %dma_wait3A_244] : memref<32x128x80xi32, #tpu.memory_space<hbm>> -> memref<1x1x80xi32, #tpu.memory_space<hbm>>
      %dma_wait3A_246 = tpu.memref_squeeze %dma_wait3A_245 : memref<1x1x80xi32, #tpu.memory_space<hbm>> -> memref<80xi32, #tpu.memory_space<hbm>>
      tpu.wait_dma2 semaphore(%arg27 : memref<!tpu.dma_semaphore, #tpu.memory_space<semaphore_mem>>) src(%dma_wait3A_246 : memref<80xi32, #tpu.memory_space<hbm>>) dst(%arg11 : memref<80xi32, #tpu.memory_space<vmem>>)
      %dma_start3A_247 = arith.constant 0 : i32
      %dma_start3A_248 = arith.constant 0 : i32
      %dma_start3A_249 = tpu.memref_slice %arg19[%dma_start3A_247, %dma_start3A_248] : memref<10240x128xf32, #tpu.memory_space<vmem_shared>> -> memref<10240x128xf32, #tpu.memory_space<vmem_shared>>
      tpu.enqueue_indirect_dma source(%arg16 : memref<80x128xf32, #tpu.memory_space<vmem>>) target(%dma_start3A_249 : memref<10240x128xf32, #tpu.memory_space<vmem_shared>>) offsets(%arg11 : memref<80xi32, #tpu.memory_space<vmem>>) semaphore(%arg30 : memref<!tpu.dma_semaphore, #tpu.memory_space<semaphore_mem>>) {add = true}
      %add3A_250 = arith.constant 2 : i32
      %add3A_251 = arith.addi %add3A_218, %add3A_250 : i32
      %lt3A_252 = arith.constant 128 : i32
      %lt3A_253 = arith.cmpi slt, %add3A_251, %lt3A_252 : i32
      %convert_element_type3A_254 = arith.extui %lt3A_253 : i1 to i32
      %cond3A_255 = arith.constant 0 : i32
      %cond3A_256 = arith.cmpi ne, %convert_element_type3A_254, %cond3A_255 : i32
      scf.if %cond3A_256 {
        %add3A_300 = arith.constant 2 : i32
        %add3A_301 = arith.addi %add3A_218, %add3A_300 : i32
        %dma_start3A_302 = arith.constant 0 : i32
        %dma_start3A_303 = tpu.memref_slice %arg4[%add3A, %add3A_301, %dma_start3A_302] : memref<32x128x80xi32, #tpu.memory_space<hbm>> -> memref<1x1x80xi32, #tpu.memory_space<hbm>>
        %dma_start3A_304 = tpu.memref_squeeze %dma_start3A_303 : memref<1x1x80xi32, #tpu.memory_space<hbm>> -> memref<80xi32, #tpu.memory_space<hbm>>
        %dma_start3A_305 = arith.constant 0 : i32
        %dma_start3A_306 = tpu.memref_slice %arg4[%add3A, %add3A_301, %dma_start3A_305] : memref<32x128x80xi32, #tpu.memory_space<hbm>> -> memref<1x1x80xi32, #tpu.memory_space<hbm>>
        %dma_start3A_307 = tpu.memref_squeeze %dma_start3A_306 : memref<1x1x80xi32, #tpu.memory_space<hbm>> -> memref<80xi32, #tpu.memory_space<hbm>>
        tpu.enqueue_dma source(%dma_start3A_307 : memref<80xi32, #tpu.memory_space<hbm>>) target(%arg10 : memref<80xi32, #tpu.memory_space<vmem>>) target_semaphore(%arg26 : memref<!tpu.dma_semaphore, #tpu.memory_space<semaphore_mem>>)
      } else {
      }
      %mul3A_257 = arith.constant 3 : i32
      %mul3A_258 = arith.muli %mul3A_257, %scan3A_175 : i32
      %add3A_259 = arith.constant 2 : i32
      %add3A_260 = arith.addi %mul3A_258, %add3A_259 : i32
      %dma_wait3A_261 = arith.constant 0 : i32
      %dma_wait3A_262 = arith.constant 0 : i32
      %dma_wait3A_263 = tpu.memref_slice %arg2[%dma_wait3A_261, %dma_wait3A_262] : memref<10000x128xf32, #tpu.memory_space<hbm>> -> memref<10000x128xf32, #tpu.memory_space<hbm>>
      tpu.wait_indirect_dma semaphore(%arg22 : memref<!tpu.dma_semaphore, #tpu.memory_space<semaphore_mem>>) src(%dma_wait3A_263 : memref<10000x128xf32, #tpu.memory_space<hbm>>) dst(%arg17 : memref<80x128xf32, #tpu.memory_space<vmem>>)
      %gt3A_264 = arith.constant 0 : i32
      %gt3A_265 = arith.cmpi sgt, %add3A_260, %gt3A_264 : i32
      %convert_element_type3A_266 = arith.extui %gt3A_265 : i1 to i32
      %cond3A_267 = arith.constant 0 : i32
      %cond3A_268 = arith.cmpi ne, %convert_element_type3A_266, %cond3A_267 : i32
      scf.if %cond3A_268 {
        %dma_wait3A_300 = arith.constant 0 : i32
        %dma_wait3A_301 = arith.constant 0 : i32
        %dma_wait3A_302 = tpu.memref_slice %arg19[%dma_wait3A_300, %dma_wait3A_301] : memref<10240x128xf32, #tpu.memory_space<vmem_shared>> -> memref<10240x128xf32, #tpu.memory_space<vmem_shared>>
        tpu.wait_indirect_dma semaphore(%arg30 : memref<!tpu.dma_semaphore, #tpu.memory_space<semaphore_mem>>) src(%arg16 : memref<80x128xf32, #tpu.memory_space<vmem>>) dst(%dma_wait3A_302 : memref<10240x128xf32, #tpu.memory_space<vmem_shared>>)
      } else {
      }
      %add3A_269 = arith.constant 2 : i32
      %add3A_270 = arith.addi %add3A_260, %add3A_269 : i32
      %lt3A_271 = arith.constant 128 : i32
      %lt3A_272 = arith.cmpi slt, %add3A_270, %lt3A_271 : i32
      %convert_element_type3A_273 = arith.extui %lt3A_272 : i1 to i32
      %cond3A_274 = arith.constant 0 : i32
      %cond3A_275 = arith.cmpi ne, %convert_element_type3A_273, %cond3A_274 : i32
      scf.if %cond3A_275 {
        %add3A_300 = arith.constant 2 : i32
        %add3A_301 = arith.addi %add3A_260, %add3A_300 : i32
        %dma_wait3A_302 = arith.constant 0 : i32
        %dma_wait3A_303 = tpu.memref_slice %arg3[%add3A, %add3A_301, %dma_wait3A_302] : memref<32x128x80xi32, #tpu.memory_space<hbm>> -> memref<1x1x80xi32, #tpu.memory_space<hbm>>
        %dma_wait3A_304 = tpu.memref_squeeze %dma_wait3A_303 : memref<1x1x80xi32, #tpu.memory_space<hbm>> -> memref<80xi32, #tpu.memory_space<hbm>>
        %dma_wait3A_305 = arith.constant 0 : i32
        %dma_wait3A_306 = tpu.memref_slice %arg3[%add3A, %add3A_301, %dma_wait3A_305] : memref<32x128x80xi32, #tpu.memory_space<hbm>> -> memref<1x1x80xi32, #tpu.memory_space<hbm>>
        %dma_wait3A_307 = tpu.memref_squeeze %dma_wait3A_306 : memref<1x1x80xi32, #tpu.memory_space<hbm>> -> memref<80xi32, #tpu.memory_space<hbm>>
        tpu.wait_dma2 semaphore(%arg24 : memref<!tpu.dma_semaphore, #tpu.memory_space<semaphore_mem>>) src(%dma_wait3A_307 : memref<80xi32, #tpu.memory_space<hbm>>) dst(%arg8 : memref<80xi32, #tpu.memory_space<vmem>>)
        %dma_start3A_308 = arith.constant 0 : i32
        %dma_start3A_309 = arith.constant 0 : i32
        %dma_start3A_310 = tpu.memref_slice %arg2[%dma_start3A_308, %dma_start3A_309] : memref<10000x128xf32, #tpu.memory_space<hbm>> -> memref<10000x128xf32, #tpu.memory_space<hbm>>
        tpu.enqueue_indirect_dma source(%dma_start3A_310 : memref<10000x128xf32, #tpu.memory_space<hbm>>) target(%arg16 : memref<80x128xf32, #tpu.memory_space<vmem>>) offsets(%arg8 : memref<80xi32, #tpu.memory_space<vmem>>) semaphore(%arg21 : memref<!tpu.dma_semaphore, #tpu.memory_space<semaphore_mem>>)
      } else {
      }
      %add3A_276 = arith.constant 3 : i32
      %add3A_277 = arith.addi %add3A_260, %add3A_276 : i32
      %lt3A_278 = arith.constant 128 : i32
      %lt3A_279 = arith.cmpi slt, %add3A_277, %lt3A_278 : i32
      %convert_element_type3A_280 = arith.extui %lt3A_279 : i1 to i32
      %cond3A_281 = arith.constant 0 : i32
      %cond3A_282 = arith.cmpi ne, %convert_element_type3A_280, %cond3A_281 : i32
      scf.if %cond3A_282 {
        %add3A_300 = arith.constant 3 : i32
        %add3A_301 = arith.addi %add3A_260, %add3A_300 : i32
        %dma_start3A_302 = arith.constant 0 : i32
        %dma_start3A_303 = tpu.memref_slice %arg3[%add3A, %add3A_301, %dma_start3A_302] : memref<32x128x80xi32, #tpu.memory_space<hbm>> -> memref<1x1x80xi32, #tpu.memory_space<hbm>>
        %dma_start3A_304 = tpu.memref_squeeze %dma_start3A_303 : memref<1x1x80xi32, #tpu.memory_space<hbm>> -> memref<80xi32, #tpu.memory_space<hbm>>
        %dma_start3A_305 = arith.constant 0 : i32
        %dma_start3A_306 = tpu.memref_slice %arg3[%add3A, %add3A_301, %dma_start3A_305] : memref<32x128x80xi32, #tpu.memory_space<hbm>> -> memref<1x1x80xi32, #tpu.memory_space<hbm>>
        %dma_start3A_307 = tpu.memref_squeeze %dma_start3A_306 : memref<1x1x80xi32, #tpu.memory_space<hbm>> -> memref<80xi32, #tpu.memory_space<hbm>>
        tpu.enqueue_dma source(%dma_start3A_307 : memref<80xi32, #tpu.memory_space<hbm>>) target(%arg9 : memref<80xi32, #tpu.memory_space<vmem>>) target_semaphore(%arg25 : memref<!tpu.dma_semaphore, #tpu.memory_space<semaphore_mem>>)
      } else {
      }
      %dma_wait3A_283 = arith.constant 0 : i32
      %dma_wait3A_284 = tpu.memref_slice %arg4[%add3A, %add3A_260, %dma_wait3A_283] : memref<32x128x80xi32, #tpu.memory_space<hbm>> -> memref<1x1x80xi32, #tpu.memory_space<hbm>>
      %dma_wait3A_285 = tpu.memref_squeeze %dma_wait3A_284 : memref<1x1x80xi32, #tpu.memory_space<hbm>> -> memref<80xi32, #tpu.memory_space<hbm>>
      %dma_wait3A_286 = arith.constant 0 : i32
      %dma_wait3A_287 = tpu.memref_slice %arg4[%add3A, %add3A_260, %dma_wait3A_286] : memref<32x128x80xi32, #tpu.memory_space<hbm>> -> memref<1x1x80xi32, #tpu.memory_space<hbm>>
      %dma_wait3A_288 = tpu.memref_squeeze %dma_wait3A_287 : memref<1x1x80xi32, #tpu.memory_space<hbm>> -> memref<80xi32, #tpu.memory_space<hbm>>
      tpu.wait_dma2 semaphore(%arg28 : memref<!tpu.dma_semaphore, #tpu.memory_space<semaphore_mem>>) src(%dma_wait3A_288 : memref<80xi32, #tpu.memory_space<hbm>>) dst(%arg12 : memref<80xi32, #tpu.memory_space<vmem>>)
      %dma_start3A_289 = arith.constant 0 : i32
      %dma_start3A_290 = arith.constant 0 : i32
      %dma_start3A_291 = tpu.memref_slice %arg19[%dma_start3A_289, %dma_start3A_290] : memref<10240x128xf32, #tpu.memory_space<vmem_shared>> -> memref<10240x128xf32, #tpu.memory_space<vmem_shared>>
      tpu.enqueue_indirect_dma source(%arg17 : memref<80x128xf32, #tpu.memory_space<vmem>>) target(%dma_start3A_291 : memref<10240x128xf32, #tpu.memory_space<vmem_shared>>) offsets(%arg12 : memref<80xi32, #tpu.memory_space<vmem>>) semaphore(%arg31 : memref<!tpu.dma_semaphore, #tpu.memory_space<semaphore_mem>>) {add = true}
      %add3A_292 = arith.constant 2 : i32
      %add3A_293 = arith.addi %add3A_260, %add3A_292 : i32
      %lt3A_294 = arith.constant 128 : i32
      %lt3A_295 = arith.cmpi slt, %add3A_293, %lt3A_294 : i32
      %convert_element_type3A_296 = arith.extui %lt3A_295 : i1 to i32
      %cond3A_297 = arith.constant 0 : i32
      %cond3A_298 = arith.cmpi ne, %convert_element_type3A_296, %cond3A_297 : i32
      scf.if %cond3A_298 {
        %add3A_300 = arith.constant 2 : i32
        %add3A_301 = arith.addi %add3A_260, %add3A_300 : i32
        %dma_start3A_302 = arith.constant 0 : i32
        %dma_start3A_303 = tpu.memref_slice %arg4[%add3A, %add3A_301, %dma_start3A_302] : memref<32x128x80xi32, #tpu.memory_space<hbm>> -> memref<1x1x80xi32, #tpu.memory_space<hbm>>
        %dma_start3A_304 = tpu.memref_squeeze %dma_start3A_303 : memref<1x1x80xi32, #tpu.memory_space<hbm>> -> memref<80xi32, #tpu.memory_space<hbm>>
        %dma_start3A_305 = arith.constant 0 : i32
        %dma_start3A_306 = tpu.memref_slice %arg4[%add3A, %add3A_301, %dma_start3A_305] : memref<32x128x80xi32, #tpu.memory_space<hbm>> -> memref<1x1x80xi32, #tpu.memory_space<hbm>>
        %dma_start3A_307 = tpu.memref_squeeze %dma_start3A_306 : memref<1x1x80xi32, #tpu.memory_space<hbm>> -> memref<80xi32, #tpu.memory_space<hbm>>
        tpu.enqueue_dma source(%dma_start3A_307 : memref<80xi32, #tpu.memory_space<hbm>>) target(%arg11 : memref<80xi32, #tpu.memory_space<vmem>>) target_semaphore(%arg27 : memref<!tpu.dma_semaphore, #tpu.memory_space<semaphore_mem>>)
      } else {
      }
      %scan3A_299 = arith.constant 0 : i32
      scf.yield %scan3A_299 : i32
    }
    %scan3A_90 = arith.constant 42 : i32
    %dma_wait3A_91 = arith.constant 0 : i32
    %dma_wait3A_92 = arith.constant 0 : i32
    %dma_wait3A_93 = tpu.memref_slice %arg2[%dma_wait3A_91, %dma_wait3A_92] : memref<10000x128xf32, #tpu.memory_space<hbm>> -> memref<10000x128xf32, #tpu.memory_space<hbm>>
    tpu.wait_indirect_dma semaphore(%arg20 : memref<!tpu.dma_semaphore, #tpu.memory_space<semaphore_mem>>) src(%dma_wait3A_93 : memref<10000x128xf32, #tpu.memory_space<hbm>>) dst(%arg15 : memref<80x128xf32, #tpu.memory_space<vmem>>)
    %dma_wait3A_94 = arith.constant 0 : i32
    %dma_wait3A_95 = arith.constant 0 : i32
    %dma_wait3A_96 = tpu.memref_slice %arg19[%dma_wait3A_94, %dma_wait3A_95] : memref<10240x128xf32, #tpu.memory_space<vmem_shared>> -> memref<10240x128xf32, #tpu.memory_space<vmem_shared>>
    tpu.wait_indirect_dma semaphore(%arg31 : memref<!tpu.dma_semaphore, #tpu.memory_space<semaphore_mem>>) src(%arg17 : memref<80x128xf32, #tpu.memory_space<vmem>>) dst(%dma_wait3A_96 : memref<10240x128xf32, #tpu.memory_space<vmem_shared>>)
    %dma_wait3A_97 = arith.constant 126 : i32
    %dma_wait3A_98 = arith.constant 0 : i32
    %dma_wait3A_99 = tpu.memref_slice %arg4[%add3A, %dma_wait3A_97, %dma_wait3A_98] : memref<32x128x80xi32, #tpu.memory_space<hbm>> -> memref<1x1x80xi32, #tpu.memory_space<hbm>>
    %dma_wait3A_100 = tpu.memref_squeeze %dma_wait3A_99 : memref<1x1x80xi32, #tpu.memory_space<hbm>> -> memref<80xi32, #tpu.memory_space<hbm>>
    %dma_wait3A_101 = arith.constant 0 : i32
    %dma_wait3A_102 = tpu.memref_slice %arg4[%add3A, %dma_wait3A_97, %dma_wait3A_101] : memref<32x128x80xi32, #tpu.memory_space<hbm>> -> memref<1x1x80xi32, #tpu.memory_space<hbm>>
    %dma_wait3A_103 = tpu.memref_squeeze %dma_wait3A_102 : memref<1x1x80xi32, #tpu.memory_space<hbm>> -> memref<80xi32, #tpu.memory_space<hbm>>
    tpu.wait_dma2 semaphore(%arg26 : memref<!tpu.dma_semaphore, #tpu.memory_space<semaphore_mem>>) src(%dma_wait3A_103 : memref<80xi32, #tpu.memory_space<hbm>>) dst(%arg10 : memref<80xi32, #tpu.memory_space<vmem>>)
    %dma_start3A_104 = arith.constant 0 : i32
    %dma_start3A_105 = arith.constant 0 : i32
    %dma_start3A_106 = tpu.memref_slice %arg19[%dma_start3A_104, %dma_start3A_105] : memref<10240x128xf32, #tpu.memory_space<vmem_shared>> -> memref<10240x128xf32, #tpu.memory_space<vmem_shared>>
    tpu.enqueue_indirect_dma source(%arg15 : memref<80x128xf32, #tpu.memory_space<vmem>>) target(%dma_start3A_106 : memref<10240x128xf32, #tpu.memory_space<vmem_shared>>) offsets(%arg10 : memref<80xi32, #tpu.memory_space<vmem>>) semaphore(%arg29 : memref<!tpu.dma_semaphore, #tpu.memory_space<semaphore_mem>>) {add = true}
    %dma_wait3A_107 = arith.constant 0 : i32
    %dma_wait3A_108 = arith.constant 0 : i32
    %dma_wait3A_109 = tpu.memref_slice %arg2[%dma_wait3A_107, %dma_wait3A_108] : memref<10000x128xf32, #tpu.memory_space<hbm>> -> memref<10000x128xf32, #tpu.memory_space<hbm>>
    tpu.wait_indirect_dma semaphore(%arg21 : memref<!tpu.dma_semaphore, #tpu.memory_space<semaphore_mem>>) src(%dma_wait3A_109 : memref<10000x128xf32, #tpu.memory_space<hbm>>) dst(%arg16 : memref<80x128xf32, #tpu.memory_space<vmem>>)
    %dma_wait3A_110 = arith.constant 0 : i32
    %dma_wait3A_111 = arith.constant 0 : i32
    %dma_wait3A_112 = tpu.memref_slice %arg19[%dma_wait3A_110, %dma_wait3A_111] : memref<10240x128xf32, #tpu.memory_space<vmem_shared>> -> memref<10240x128xf32, #tpu.memory_space<vmem_shared>>
    tpu.wait_indirect_dma semaphore(%arg29 : memref<!tpu.dma_semaphore, #tpu.memory_space<semaphore_mem>>) src(%arg15 : memref<80x128xf32, #tpu.memory_space<vmem>>) dst(%dma_wait3A_112 : memref<10240x128xf32, #tpu.memory_space<vmem_shared>>)
    %dma_wait3A_113 = arith.constant 127 : i32
    %dma_wait3A_114 = arith.constant 0 : i32
    %dma_wait3A_115 = tpu.memref_slice %arg4[%add3A, %dma_wait3A_113, %dma_wait3A_114] : memref<32x128x80xi32, #tpu.memory_space<hbm>> -> memref<1x1x80xi32, #tpu.memory_space<hbm>>
    %dma_wait3A_116 = tpu.memref_squeeze %dma_wait3A_115 : memref<1x1x80xi32, #tpu.memory_space<hbm>> -> memref<80xi32, #tpu.memory_space<hbm>>
    %dma_wait3A_117 = arith.constant 0 : i32
    %dma_wait3A_118 = tpu.memref_slice %arg4[%add3A, %dma_wait3A_113, %dma_wait3A_117] : memref<32x128x80xi32, #tpu.memory_space<hbm>> -> memref<1x1x80xi32, #tpu.memory_space<hbm>>
    %dma_wait3A_119 = tpu.memref_squeeze %dma_wait3A_118 : memref<1x1x80xi32, #tpu.memory_space<hbm>> -> memref<80xi32, #tpu.memory_space<hbm>>
    tpu.wait_dma2 semaphore(%arg27 : memref<!tpu.dma_semaphore, #tpu.memory_space<semaphore_mem>>) src(%dma_wait3A_119 : memref<80xi32, #tpu.memory_space<hbm>>) dst(%arg11 : memref<80xi32, #tpu.memory_space<vmem>>)
    %dma_start3A_120 = arith.constant 0 : i32
    %dma_start3A_121 = arith.constant 0 : i32
    %dma_start3A_122 = tpu.memref_slice %arg19[%dma_start3A_120, %dma_start3A_121] : memref<10240x128xf32, #tpu.memory_space<vmem_shared>> -> memref<10240x128xf32, #tpu.memory_space<vmem_shared>>
    tpu.enqueue_indirect_dma source(%arg16 : memref<80x128xf32, #tpu.memory_space<vmem>>) target(%dma_start3A_122 : memref<10240x128xf32, #tpu.memory_space<vmem_shared>>) offsets(%arg11 : memref<80xi32, #tpu.memory_space<vmem>>) semaphore(%arg30 : memref<!tpu.dma_semaphore, #tpu.memory_space<semaphore_mem>>) {add = true}
    %dma_wait3A_123 = arith.constant 0 : i32
    %dma_wait3A_124 = arith.constant 0 : i32
    %dma_wait3A_125 = tpu.memref_slice %arg19[%dma_wait3A_123, %dma_wait3A_124] : memref<10240x128xf32, #tpu.memory_space<vmem_shared>> -> memref<10240x128xf32, #tpu.memory_space<vmem_shared>>
    tpu.wait_indirect_dma semaphore(%arg30 : memref<!tpu.dma_semaphore, #tpu.memory_space<semaphore_mem>>) src(%arg16 : memref<80x128xf32, #tpu.memory_space<vmem>>) dst(%dma_wait3A_125 : memref<10240x128xf32, #tpu.memory_space<vmem_shared>>)
    %barrier3A_126 = arith.constant 0 : index
    tpu.barrier barrier_id(%barrier3A_126)
    %mul3A_127 = arith.constant 640 : i32
    %mul3A_128 = arith.muli %arg1, %mul3A_127 : i32
    "tpu.region"() ({
      %run_scoped3A = tpu.sem_alloc : memref<!tpu.dma_semaphore, #tpu.memory_space<semaphore_mem>>
      %dma_start3A_175 = arith.constant 0 : i32
      %dma_start3A_176 = tpu.memref_slice %arg5[%arg0, %mul3A_128, %dma_start3A_175] : memref<2x10240x128xf32, #tpu.memory_space<hbm>> -> memref<1x640x128xf32, #tpu.memory_space<hbm>>
      %dma_start3A_177 = tpu.memref_squeeze %dma_start3A_176 : memref<1x640x128xf32, #tpu.memory_space<hbm>> -> memref<640x128xf32, #tpu.memory_space<hbm>>
      %dma_start3A_178 = arith.constant 0 : i32
      %dma_start3A_179 = tpu.memref_slice %arg19[%mul3A_128, %dma_start3A_178] : memref<10240x128xf32, #tpu.memory_space<vmem_shared>> -> memref<640x128xf32, #tpu.memory_space<vmem_shared>>
      tpu.enqueue_dma source(%dma_start3A_179 : memref<640x128xf32, #tpu.memory_space<vmem_shared>>) target(%dma_start3A_177 : memref<640x128xf32, #tpu.memory_space<hbm>>) target_semaphore(%run_scoped3A : memref<!tpu.dma_semaphore, #tpu.memory_space<semaphore_mem>>)
      %dma_wait3A_180 = arith.constant 0 : i32
      %dma_wait3A_181 = tpu.memref_slice %arg5[%arg0, %mul3A_128, %dma_wait3A_180] : memref<2x10240x128xf32, #tpu.memory_space<hbm>> -> memref<1x640x128xf32, #tpu.memory_space<hbm>>
      %dma_wait3A_182 = tpu.memref_squeeze %dma_wait3A_181 : memref<1x640x128xf32, #tpu.memory_space<hbm>> -> memref<640x128xf32, #tpu.memory_space<hbm>>
      %dma_wait3A_183 = arith.constant 0 : i32
      %dma_wait3A_184 = tpu.memref_slice %arg19[%mul3A_128, %dma_wait3A_183] : memref<10240x128xf32, #tpu.memory_space<vmem_shared>> -> memref<640x128xf32, #tpu.memory_space<vmem_shared>>
      tpu.wait_dma2 semaphore(%run_scoped3A : memref<!tpu.dma_semaphore, #tpu.memory_space<semaphore_mem>>) src(%dma_wait3A_184 : memref<640x128xf32, #tpu.memory_space<vmem_shared>>) dst(%dma_wait3A_182 : memref<640x128xf32, #tpu.memory_space<hbm>>)
      tpu.yield
    }) : () -> ()
    %scan3A_129 = arith.constant 0 : i32
    %scan3A_130 = arith.constant 0 : i32
    %scan3A_131 = arith.constant 640 : i32
    %scan3A_132 = arith.addi %scan3A_130, %scan3A_131 : i32
    %scan3A_133 = arith.constant 1 : i32
    %scan3A_134 = scf.for %scan3A_175 = %scan3A_130 to %scan3A_132 step %scan3A_133 iter_args(%scan3A_176 = %scan3A_129) -> (i32)  : i32 {
      %jit3A = arith.constant 8 : i32
      %div3A = arith.divsi %scan3A_175, %jit3A : i32
      %sign3A = arith.constant 0 : i32
      %sign3A_177 = arith.cmpi sgt, %scan3A_175, %sign3A : i32
      %sign3A_178 = arith.extui %sign3A_177 : i1 to i32
      %sign3A_179 = arith.constant 0 : i32
      %sign3A_180 = arith.cmpi slt, %scan3A_175, %sign3A_179 : i32
      %sign3A_181 = arith.extui %sign3A_180 : i1 to i32
      %sign3A_182 = arith.subi %sign3A_178, %sign3A_181 : i32
      %sign3A_183 = arith.constant 0 : i32
      %sign3A_184 = arith.cmpi sgt, %jit3A, %sign3A_183 : i32
      %sign3A_185 = arith.extui %sign3A_184 : i1 to i32
      %sign3A_186 = arith.constant 0 : i32
      %sign3A_187 = arith.cmpi slt, %jit3A, %sign3A_186 : i32
      %sign3A_188 = arith.extui %sign3A_187 : i1 to i32
      %sign3A_189 = arith.subi %sign3A_185, %sign3A_188 : i32
      %ne3A = arith.cmpi ne, %sign3A_182, %sign3A_189 : i32
      %rem3A = arith.remsi %scan3A_175, %jit3A : i32
      %ne3A_190 = arith.constant 0 : i32
      %ne3A_191 = arith.cmpi ne, %rem3A, %ne3A_190 : i32
      %and3A = arith.andi %ne3A, %ne3A_191 : i1
      %sub3A = arith.constant 1 : i32
      %sub3A_192 = arith.subi %div3A, %sub3A : i32
      %select_n3A = arith.select %and3A, %sub3A_192, %div3A : i32
      %jit3A_193 = arith.constant 8 : i32
      %eq3A = arith.constant 0 : i32
      %eq3A_194 = arith.cmpi eq, %jit3A_193, %eq3A : i32
      %jit3A_195 = arith.constant 1 : i32
      %select_n3A_196 = arith.select %eq3A_194, %jit3A_195, %jit3A_193 : i32
      %rem3A_197 = arith.remsi %scan3A_175, %select_n3A_196 : i32
      %ne3A_198 = arith.constant 0 : i32
      %ne3A_199 = arith.cmpi ne, %rem3A_197, %ne3A_198 : i32
      %lt3A = arith.constant 0 : i32
      %lt3A_200 = arith.cmpi slt, %rem3A_197, %lt3A : i32
      %lt3A_201 = arith.constant 0 : i32
      %lt3A_202 = arith.cmpi slt, %select_n3A_196, %lt3A_201 : i32
      %ne3A_203 = arith.xori %lt3A_200, %lt3A_202 : i1
      %and3A_204 = arith.andi %ne3A_203, %ne3A_199 : i1
      %add3A_205 = arith.addi %rem3A_197, %select_n3A_196 : i32
      %select_n3A_206 = arith.select %and3A_204, %add3A_205, %rem3A_197 : i32
      %mul3A_207 = arith.constant 16 : i32
      %mul3A_208 = arith.muli %select_n3A_206, %mul3A_207 : i32
      %swap3A = arith.index_cast %select_n3A : i32 to index
      %swap3A_209 = arith.index_cast %mul3A_208 : i32 to index
      %swap3A_210 = tpu.vector_load %arg15[%swap3A, %swap3A_209] {strides = array<i32>} : memref<80x128xf32, #tpu.memory_space<vmem>>, vector<1x16xf32>,
      %swap3A_211 = vector.shape_cast %swap3A_210 : vector<1x16xf32> to vector<16xf32>
      %swap3A_212 = vector.shape_cast %broadcast_in_dim3A_3 : vector<16xf32> to vector<1x16xf32>
      tpu.vector_store %arg15[%swap3A, %swap3A_209], %swap3A_212 {strides = array<i32>} : memref<80x128xf32, #tpu.memory_space<vmem>>, vector<1x16xf32>,
      %scan3A_213 = arith.constant 0 : i32
      scf.yield %scan3A_213 : i32
    }
    %scan3A_135 = arith.constant 640 : i32
    %scan3A_136 = arith.constant 0 : i32
    %scan3A_137 = arith.constant 0 : i32
    %scan3A_138 = arith.constant 80 : i32
    %scan3A_139 = arith.addi %scan3A_137, %scan3A_138 : i32
    %scan3A_140 = arith.constant 1 : i32
    %scan3A_141 = scf.for %scan3A_175 = %scan3A_137 to %scan3A_139 step %scan3A_140 iter_args(%scan3A_176 = %scan3A_136) -> (i32)  : i32 {
      %mul3A_177 = arith.constant 640 : i32
      %mul3A_178 = arith.muli %arg1, %mul3A_177 : i32
      %mul3A_179 = arith.constant 8 : i32
      %mul3A_180 = arith.muli %scan3A_175, %mul3A_179 : i32
      %add3A_181 = arith.addi %mul3A_178, %mul3A_180 : i32
      %dma_start3A_182 = arith.constant 0 : i32
      %dma_start3A_183 = tpu.memref_slice %arg19[%add3A_181, %dma_start3A_182] : memref<10240x128xf32, #tpu.memory_space<vmem_shared>> -> memref<8x128xf32, #tpu.memory_space<vmem_shared>>
      %dma_start3A_184 = arith.constant 0 : i32
      %dma_start3A_185 = tpu.memref_slice %arg19[%add3A_181, %dma_start3A_184] : memref<10240x128xf32, #tpu.memory_space<vmem_shared>> -> memref<8x128xf32, #tpu.memory_space<vmem_shared>>
      tpu.enqueue_dma source(%arg18 : memref<8x128xf32, #tpu.memory_space<vmem>>) target(%dma_start3A_185 : memref<8x128xf32, #tpu.memory_space<vmem_shared>>) target_semaphore(%arg35 : memref<!tpu.dma_semaphore, #tpu.memory_space<semaphore_mem>>)
      %scan3A_186 = arith.constant 0 : i32
      scf.yield %scan3A_186 : i32
    }
    %scan3A_142 = arith.constant 80 : i32
    %scan3A_143 = arith.constant 0 : i32
    %scan3A_144 = arith.constant 0 : i32
    %scan3A_145 = arith.constant 80 : i32
    %scan3A_146 = arith.addi %scan3A_144, %scan3A_145 : i32
    %scan3A_147 = arith.constant 1 : i32
    %scan3A_148 = scf.for %scan3A_175 = %scan3A_144 to %scan3A_146 step %scan3A_147 iter_args(%scan3A_176 = %scan3A_143) -> (i32)  : i32 {
      %mul3A_177 = arith.constant 640 : i32
      %mul3A_178 = arith.muli %arg1, %mul3A_177 : i32
      %mul3A_179 = arith.constant 8 : i32
      %mul3A_180 = arith.muli %scan3A_175, %mul3A_179 : i32
      %add3A_181 = arith.addi %mul3A_178, %mul3A_180 : i32
      %dma_wait3A_182 = arith.constant 0 : i32
      %dma_wait3A_183 = tpu.memref_slice %arg19[%add3A_181, %dma_wait3A_182] : memref<10240x128xf32, #tpu.memory_space<vmem_shared>> -> memref<8x128xf32, #tpu.memory_space<vmem_shared>>
      %dma_wait3A_184 = arith.constant 0 : i32
      %dma_wait3A_185 = tpu.memref_slice %arg19[%add3A_181, %dma_wait3A_184] : memref<10240x128xf32, #tpu.memory_space<vmem_shared>> -> memref<8x128xf32, #tpu.memory_space<vmem_shared>>
      tpu.wait_dma2 semaphore(%arg35 : memref<!tpu.dma_semaphore, #tpu.memory_space<semaphore_mem>>) src(%arg18 : memref<8x128xf32, #tpu.memory_space<vmem>>) dst(%dma_wait3A_185 : memref<8x128xf32, #tpu.memory_space<vmem_shared>>)
      %scan3A_186 = arith.constant 0 : i32
      scf.yield %scan3A_186 : i32
    }
    %scan3A_149 = arith.constant 80 : i32
    %barrier3A_150 = arith.constant 0 : index
    tpu.barrier barrier_id(%barrier3A_150)
    %dma_start3A_151 = arith.constant 0 : i32
    %dma_start3A_152 = arith.constant 0 : i32
    %dma_start3A_153 = tpu.memref_slice %arg4[%add3A, %dma_start3A_151, %dma_start3A_152] : memref<32x128x80xi32, #tpu.memory_space<hbm>> -> memref<1x16x80xi32, #tpu.memory_space<hbm>>
    %dma_start3A_154 = tpu.memref_squeeze %dma_start3A_153 : memref<1x16x80xi32, #tpu.memory_space<hbm>> -> memref<16x80xi32, #tpu.memory_space<hbm>>
    %dma_start3A_155 = arith.constant 0 : i32
    %dma_start3A_156 = arith.constant 0 : i32
    %dma_start3A_157 = tpu.memref_slice %arg4[%add3A, %dma_start3A_155, %dma_start3A_156] : memref<32x128x80xi32, #tpu.memory_space<hbm>> -> memref<1x16x80xi32, #tpu.memory_space<hbm>>
    %dma_start3A_158 = tpu.memref_squeeze %dma_start3A_157 : memref<1x16x80xi32, #tpu.memory_space<hbm>> -> memref<16x80xi32, #tpu.memory_space<hbm>>
    tpu.enqueue_dma source(%dma_start3A_158 : memref<16x80xi32, #tpu.memory_space<hbm>>) target(%arg13 : memref<16x80xi32, #tpu.memory_space<vmem>>) target_semaphore(%arg32 : memref<!tpu.dma_semaphore, #tpu.memory_space<semaphore_mem>>)
    %dma_start3A_159 = arith.constant 16 : i32
    %dma_start3A_160 = arith.constant 0 : i32
    %dma_start3A_161 = tpu.memref_slice %arg4[%add3A, %dma_start3A_159, %dma_start3A_160] : memref<32x128x80xi32, #tpu.memory_space<hbm>> -> memref<1x16x80xi32, #tpu.memory_space<hbm>>
    %dma_start3A_162 = tpu.memref_squeeze %dma_start3A_161 : memref<1x16x80xi32, #tpu.memory_space<hbm>> -> memref<16x80xi32, #tpu.memory_space<hbm>>
    %dma_start3A_163 = arith.constant 16 : i32
    %dma_start3A_164 = arith.constant 0 : i32
    %dma_start3A_165 = tpu.memref_slice %arg4[%add3A, %dma_start3A_163, %dma_start3A_164] : memref<32x128x80xi32, #tpu.memory_space<hbm>> -> memref<1x16x80xi32, #tpu.memory_space<hbm>>
    %dma_start3A_166 = tpu.memref_squeeze %dma_start3A_165 : memref<1x16x80xi32, #tpu.memory_space<hbm>> -> memref<16x80xi32, #tpu.memory_space<hbm>>
    tpu.enqueue_dma source(%dma_start3A_166 : memref<16x80xi32, #tpu.memory_space<hbm>>) target(%arg14 : memref<16x80xi32, #tpu.memory_space<vmem>>) target_semaphore(%arg33 : memref<!tpu.dma_semaphore, #tpu.memory_space<semaphore_mem>>)
    %scan3A_167 = arith.constant 0 : i32
    %scan3A_168 = arith.constant 0 : i32
    %scan3A_169 = arith.constant 4 : i32
    %scan3A_170 = arith.addi %scan3A_168, %scan3A_169 : i32
    %scan3A_171 = arith.constant 1 : i32
    %scan3A_172 = scf.for %scan3A_175 = %scan3A_168 to %scan3A_170 step %scan3A_171 iter_args(%scan3A_176 = %scan3A_167) -> (i32)  : i32 {
      %mul3A_177 = arith.constant 2 : i32
      %mul3A_178 = arith.muli %mul3A_177, %scan3A_175 : i32
      %mul3A_179 = arith.constant 16 : i32
      %mul3A_180 = arith.muli %mul3A_179, %mul3A_178 : i32
      %dma_wait3A_181 = arith.constant 0 : i32
      %dma_wait3A_182 = tpu.memref_slice %arg4[%add3A, %mul3A_180, %dma_wait3A_181] : memref<32x128x80xi32, #tpu.memory_space<hbm>> -> memref<1x16x80xi32, #tpu.memory_space<hbm>>
      %dma_wait3A_183 = tpu.memref_squeeze %dma_wait3A_182 : memref<1x16x80xi32, #tpu.memory_space<hbm>> -> memref<16x80xi32, #tpu.memory_space<hbm>>
      %dma_wait3A_184 = arith.constant 0 : i32
      %dma_wait3A_185 = tpu.memref_slice %arg4[%add3A, %mul3A_180, %dma_wait3A_184] : memref<32x128x80xi32, #tpu.memory_space<hbm>> -> memref<1x16x80xi32, #tpu.memory_space<hbm>>
      %dma_wait3A_186 = tpu.memref_squeeze %dma_wait3A_185 : memref<1x16x80xi32, #tpu.memory_space<hbm>> -> memref<16x80xi32, #tpu.memory_space<hbm>>
      tpu.wait_dma2 semaphore(%arg32 : memref<!tpu.dma_semaphore, #tpu.memory_space<semaphore_mem>>) src(%dma_wait3A_186 : memref<16x80xi32, #tpu.memory_space<hbm>>) dst(%arg13 : memref<16x80xi32, #tpu.memory_space<vmem>>)
      %dma_start3A_187 = arith.constant 0 : i32
      %dma_start3A_188 = arith.constant 0 : i32
      %dma_start3A_189 = tpu.memref_slice %arg13[%dma_start3A_187, %dma_start3A_188] : memref<16x80xi32, #tpu.memory_space<vmem>> -> memref<1x80xi32, #tpu.memory_space<vmem>>
      %dma_start3A_190 = tpu.memref_squeeze %dma_start3A_189 : memref<1x80xi32, #tpu.memory_space<vmem>> -> memref<80xi32, #tpu.memory_space<vmem>>
      %dma_start3A_191 = arith.constant 0 : i32
      %dma_start3A_192 = arith.constant 0 : i32
      %dma_start3A_193 = tpu.memref_slice %arg19[%dma_start3A_191, %dma_start3A_192] : memref<10240x128xf32, #tpu.memory_space<vmem_shared>> -> memref<10240x128xf32, #tpu.memory_space<vmem_shared>>
      tpu.enqueue_indirect_dma source(%arg15 : memref<80x128xf32, #tpu.memory_space<vmem>>) target(%dma_start3A_193 : memref<10240x128xf32, #tpu.memory_space<vmem_shared>>) offsets(%dma_start3A_190 : memref<80xi32, #tpu.memory_space<vmem>>) semaphore(%arg34 : memref<!tpu.dma_semaphore, #tpu.memory_space<semaphore_mem>>) {add = true}
      %dma_start3A_194 = arith.constant 1 : i32
      %dma_start3A_195 = arith.constant 0 : i32
      %dma_start3A_196 = tpu.memref_slice %arg13[%dma_start3A_194, %dma_start3A_195] : memref<16x80xi32, #tpu.memory_space<vmem>> -> memref<1x80xi32, #tpu.memory_space<vmem>>
      %dma_start3A_197 = tpu.memref_squeeze %dma_start3A_196 : memref<1x80xi32, #tpu.memory_space<vmem>> -> memref<80xi32, #tpu.memory_space<vmem>>
      %dma_start3A_198 = arith.constant 0 : i32
      %dma_start3A_199 = arith.constant 0 : i32
      %dma_start3A_200 = tpu.memref_slice %arg19[%dma_start3A_198, %dma_start3A_199] : memref<10240x128xf32, #tpu.memory_space<vmem_shared>> -> memref<10240x128xf32, #tpu.memory_space<vmem_shared>>
      tpu.enqueue_indirect_dma source(%arg15 : memref<80x128xf32, #tpu.memory_space<vmem>>) target(%dma_start3A_200 : memref<10240x128xf32, #tpu.memory_space<vmem_shared>>) offsets(%dma_start3A_197 : memref<80xi32, #tpu.memory_space<vmem>>) semaphore(%arg34 : memref<!tpu.dma_semaphore, #tpu.memory_space<semaphore_mem>>) {add = true}
      %dma_start3A_201 = arith.constant 2 : i32
      %dma_start3A_202 = arith.constant 0 : i32
      %dma_start3A_203 = tpu.memref_slice %arg13[%dma_start3A_201, %dma_start3A_202] : memref<16x80xi32, #tpu.memory_space<vmem>> -> memref<1x80xi32, #tpu.memory_space<vmem>>
      %dma_start3A_204 = tpu.memref_squeeze %dma_start3A_203 : memref<1x80xi32, #tpu.memory_space<vmem>> -> memref<80xi32, #tpu.memory_space<vmem>>
      %dma_start3A_205 = arith.constant 0 : i32
      %dma_start3A_206 = arith.constant 0 : i32
      %dma_start3A_207 = tpu.memref_slice %arg19[%dma_start3A_205, %dma_start3A_206] : memref<10240x128xf32, #tpu.memory_space<vmem_shared>> -> memref<10240x128xf32, #tpu.memory_space<vmem_shared>>
      tpu.enqueue_indirect_dma source(%arg15 : memref<80x128xf32, #tpu.memory_space<vmem>>) target(%dma_start3A_207 : memref<10240x128xf32, #tpu.memory_space<vmem_shared>>) offsets(%dma_start3A_204 : memref<80xi32, #tpu.memory_space<vmem>>) semaphore(%arg34 : memref<!tpu.dma_semaphore, #tpu.memory_space<semaphore_mem>>) {add = true}
      %dma_start3A_208 = arith.constant 3 : i32
      %dma_start3A_209 = arith.constant 0 : i32
      %dma_start3A_210 = tpu.memref_slice %arg13[%dma_start3A_208, %dma_start3A_209] : memref<16x80xi32, #tpu.memory_space<vmem>> -> memref<1x80xi32, #tpu.memory_space<vmem>>
      %dma_start3A_211 = tpu.memref_squeeze %dma_start3A_210 : memref<1x80xi32, #tpu.memory_space<vmem>> -> memref<80xi32, #tpu.memory_space<vmem>>
      %dma_start3A_212 = arith.constant 0 : i32
      %dma_start3A_213 = arith.constant 0 : i32
      %dma_start3A_214 = tpu.memref_slice %arg19[%dma_start3A_212, %dma_start3A_213] : memref<10240x128xf32, #tpu.memory_space<vmem_shared>> -> memref<10240x128xf32, #tpu.memory_space<vmem_shared>>
      tpu.enqueue_indirect_dma source(%arg15 : memref<80x128xf32, #tpu.memory_space<vmem>>) target(%dma_start3A_214 : memref<10240x128xf32, #tpu.memory_space<vmem_shared>>) offsets(%dma_start3A_211 : memref<80xi32, #tpu.memory_space<vmem>>) semaphore(%arg34 : memref<!tpu.dma_semaphore, #tpu.memory_space<semaphore_mem>>) {add = true}
      %dma_start3A_215 = arith.constant 4 : i32
      %dma_start3A_216 = arith.constant 0 : i32
      %dma_start3A_217 = tpu.memref_slice %arg13[%dma_start3A_215, %dma_start3A_216] : memref<16x80xi32, #tpu.memory_space<vmem>> -> memref<1x80xi32, #tpu.memory_space<vmem>>
      %dma_start3A_218 = tpu.memref_squeeze %dma_start3A_217 : memref<1x80xi32, #tpu.memory_space<vmem>> -> memref<80xi32, #tpu.memory_space<vmem>>
      %dma_start3A_219 = arith.constant 0 : i32
      %dma_start3A_220 = arith.constant 0 : i32
      %dma_start3A_221 = tpu.memref_slice %arg19[%dma_start3A_219, %dma_start3A_220] : memref<10240x128xf32, #tpu.memory_space<vmem_shared>> -> memref<10240x128xf32, #tpu.memory_space<vmem_shared>>
      tpu.enqueue_indirect_dma source(%arg15 : memref<80x128xf32, #tpu.memory_space<vmem>>) target(%dma_start3A_221 : memref<10240x128xf32, #tpu.memory_space<vmem_shared>>) offsets(%dma_start3A_218 : memref<80xi32, #tpu.memory_space<vmem>>) semaphore(%arg34 : memref<!tpu.dma_semaphore, #tpu.memory_space<semaphore_mem>>) {add = true}
      %dma_start3A_222 = arith.constant 5 : i32
      %dma_start3A_223 = arith.constant 0 : i32
      %dma_start3A_224 = tpu.memref_slice %arg13[%dma_start3A_222, %dma_start3A_223] : memref<16x80xi32, #tpu.memory_space<vmem>> -> memref<1x80xi32, #tpu.memory_space<vmem>>
      %dma_start3A_225 = tpu.memref_squeeze %dma_start3A_224 : memref<1x80xi32, #tpu.memory_space<vmem>> -> memref<80xi32, #tpu.memory_space<vmem>>
      %dma_start3A_226 = arith.constant 0 : i32
      %dma_start3A_227 = arith.constant 0 : i32
      %dma_start3A_228 = tpu.memref_slice %arg19[%dma_start3A_226, %dma_start3A_227] : memref<10240x128xf32, #tpu.memory_space<vmem_shared>> -> memref<10240x128xf32, #tpu.memory_space<vmem_shared>>
      tpu.enqueue_indirect_dma source(%arg15 : memref<80x128xf32, #tpu.memory_space<vmem>>) target(%dma_start3A_228 : memref<10240x128xf32, #tpu.memory_space<vmem_shared>>) offsets(%dma_start3A_225 : memref<80xi32, #tpu.memory_space<vmem>>) semaphore(%arg34 : memref<!tpu.dma_semaphore, #tpu.memory_space<semaphore_mem>>) {add = true}
      %dma_start3A_229 = arith.constant 6 : i32
      %dma_start3A_230 = arith.constant 0 : i32
      %dma_start3A_231 = tpu.memref_slice %arg13[%dma_start3A_229, %dma_start3A_230] : memref<16x80xi32, #tpu.memory_space<vmem>> -> memref<1x80xi32, #tpu.memory_space<vmem>>
      %dma_start3A_232 = tpu.memref_squeeze %dma_start3A_231 : memref<1x80xi32, #tpu.memory_space<vmem>> -> memref<80xi32, #tpu.memory_space<vmem>>
      %dma_start3A_233 = arith.constant 0 : i32
      %dma_start3A_234 = arith.constant 0 : i32
      %dma_start3A_235 = tpu.memref_slice %arg19[%dma_start3A_233, %dma_start3A_234] : memref<10240x128xf32, #tpu.memory_space<vmem_shared>> -> memref<10240x128xf32, #tpu.memory_space<vmem_shared>>
      tpu.enqueue_indirect_dma source(%arg15 : memref<80x128xf32, #tpu.memory_space<vmem>>) target(%dma_start3A_235 : memref<10240x128xf32, #tpu.memory_space<vmem_shared>>) offsets(%dma_start3A_232 : memref<80xi32, #tpu.memory_space<vmem>>) semaphore(%arg34 : memref<!tpu.dma_semaphore, #tpu.memory_space<semaphore_mem>>) {add = true}
      %dma_start3A_236 = arith.constant 7 : i32
      %dma_start3A_237 = arith.constant 0 : i32
      %dma_start3A_238 = tpu.memref_slice %arg13[%dma_start3A_236, %dma_start3A_237] : memref<16x80xi32, #tpu.memory_space<vmem>> -> memref<1x80xi32, #tpu.memory_space<vmem>>
      %dma_start3A_239 = tpu.memref_squeeze %dma_start3A_238 : memref<1x80xi32, #tpu.memory_space<vmem>> -> memref<80xi32, #tpu.memory_space<vmem>>
      %dma_start3A_240 = arith.constant 0 : i32
      %dma_start3A_241 = arith.constant 0 : i32
      %dma_start3A_242 = tpu.memref_slice %arg19[%dma_start3A_240, %dma_start3A_241] : memref<10240x128xf32, #tpu.memory_space<vmem_shared>> -> memref<10240x128xf32, #tpu.memory_space<vmem_shared>>
      tpu.enqueue_indirect_dma source(%arg15 : memref<80x128xf32, #tpu.memory_space<vmem>>) target(%dma_start3A_242 : memref<10240x128xf32, #tpu.memory_space<vmem_shared>>) offsets(%dma_start3A_239 : memref<80xi32, #tpu.memory_space<vmem>>) semaphore(%arg34 : memref<!tpu.dma_semaphore, #tpu.memory_space<semaphore_mem>>) {add = true}
      %dma_start3A_243 = arith.constant 8 : i32
      %dma_start3A_244 = arith.constant 0 : i32
      %dma_start3A_245 = tpu.memref_slice %arg13[%dma_start3A_243, %dma_start3A_244] : memref<16x80xi32, #tpu.memory_space<vmem>> -> memref<1x80xi32, #tpu.memory_space<vmem>>
      %dma_start3A_246 = tpu.memref_squeeze %dma_start3A_245 : memref<1x80xi32, #tpu.memory_space<vmem>> -> memref<80xi32, #tpu.memory_space<vmem>>
      %dma_start3A_247 = arith.constant 0 : i32
      %dma_start3A_248 = arith.constant 0 : i32
      %dma_start3A_249 = tpu.memref_slice %arg19[%dma_start3A_247, %dma_start3A_248] : memref<10240x128xf32, #tpu.memory_space<vmem_shared>> -> memref<10240x128xf32, #tpu.memory_space<vmem_shared>>
      tpu.enqueue_indirect_dma source(%arg15 : memref<80x128xf32, #tpu.memory_space<vmem>>) target(%dma_start3A_249 : memref<10240x128xf32, #tpu.memory_space<vmem_shared>>) offsets(%dma_start3A_246 : memref<80xi32, #tpu.memory_space<vmem>>) semaphore(%arg34 : memref<!tpu.dma_semaphore, #tpu.memory_space<semaphore_mem>>) {add = true}
      %dma_start3A_250 = arith.constant 9 : i32
      %dma_start3A_251 = arith.constant 0 : i32
      %dma_start3A_252 = tpu.memref_slice %arg13[%dma_start3A_250, %dma_start3A_251] : memref<16x80xi32, #tpu.memory_space<vmem>> -> memref<1x80xi32, #tpu.memory_space<vmem>>
      %dma_start3A_253 = tpu.memref_squeeze %dma_start3A_252 : memref<1x80xi32, #tpu.memory_space<vmem>> -> memref<80xi32, #tpu.memory_space<vmem>>
      %dma_start3A_254 = arith.constant 0 : i32
      %dma_start3A_255 = arith.constant 0 : i32
      %dma_start3A_256 = tpu.memref_slice %arg19[%dma_start3A_254, %dma_start3A_255] : memref<10240x128xf32, #tpu.memory_space<vmem_shared>> -> memref<10240x128xf32, #tpu.memory_space<vmem_shared>>
      tpu.enqueue_indirect_dma source(%arg15 : memref<80x128xf32, #tpu.memory_space<vmem>>) target(%dma_start3A_256 : memref<10240x128xf32, #tpu.memory_space<vmem_shared>>) offsets(%dma_start3A_253 : memref<80xi32, #tpu.memory_space<vmem>>) semaphore(%arg34 : memref<!tpu.dma_semaphore, #tpu.memory_space<semaphore_mem>>) {add = true}
      %dma_start3A_257 = arith.constant 10 : i32
      %dma_start3A_258 = arith.constant 0 : i32
      %dma_start3A_259 = tpu.memref_slice %arg13[%dma_start3A_257, %dma_start3A_258] : memref<16x80xi32, #tpu.memory_space<vmem>> -> memref<1x80xi32, #tpu.memory_space<vmem>>
      %dma_start3A_260 = tpu.memref_squeeze %dma_start3A_259 : memref<1x80xi32, #tpu.memory_space<vmem>> -> memref<80xi32, #tpu.memory_space<vmem>>
      %dma_start3A_261 = arith.constant 0 : i32
      %dma_start3A_262 = arith.constant 0 : i32
      %dma_start3A_263 = tpu.memref_slice %arg19[%dma_start3A_261, %dma_start3A_262] : memref<10240x128xf32, #tpu.memory_space<vmem_shared>> -> memref<10240x128xf32, #tpu.memory_space<vmem_shared>>
      tpu.enqueue_indirect_dma source(%arg15 : memref<80x128xf32, #tpu.memory_space<vmem>>) target(%dma_start3A_263 : memref<10240x128xf32, #tpu.memory_space<vmem_shared>>) offsets(%dma_start3A_260 : memref<80xi32, #tpu.memory_space<vmem>>) semaphore(%arg34 : memref<!tpu.dma_semaphore, #tpu.memory_space<semaphore_mem>>) {add = true}
      %dma_start3A_264 = arith.constant 11 : i32
      %dma_start3A_265 = arith.constant 0 : i32
      %dma_start3A_266 = tpu.memref_slice %arg13[%dma_start3A_264, %dma_start3A_265] : memref<16x80xi32, #tpu.memory_space<vmem>> -> memref<1x80xi32, #tpu.memory_space<vmem>>
      %dma_start3A_267 = tpu.memref_squeeze %dma_start3A_266 : memref<1x80xi32, #tpu.memory_space<vmem>> -> memref<80xi32, #tpu.memory_space<vmem>>
      %dma_start3A_268 = arith.constant 0 : i32
      %dma_start3A_269 = arith.constant 0 : i32
      %dma_start3A_270 = tpu.memref_slice %arg19[%dma_start3A_268, %dma_start3A_269] : memref<10240x128xf32, #tpu.memory_space<vmem_shared>> -> memref<10240x128xf32, #tpu.memory_space<vmem_shared>>
      tpu.enqueue_indirect_dma source(%arg15 : memref<80x128xf32, #tpu.memory_space<vmem>>) target(%dma_start3A_270 : memref<10240x128xf32, #tpu.memory_space<vmem_shared>>) offsets(%dma_start3A_267 : memref<80xi32, #tpu.memory_space<vmem>>) semaphore(%arg34 : memref<!tpu.dma_semaphore, #tpu.memory_space<semaphore_mem>>) {add = true}
      %dma_start3A_271 = arith.constant 12 : i32
      %dma_start3A_272 = arith.constant 0 : i32
      %dma_start3A_273 = tpu.memref_slice %arg13[%dma_start3A_271, %dma_start3A_272] : memref<16x80xi32, #tpu.memory_space<vmem>> -> memref<1x80xi32, #tpu.memory_space<vmem>>
      %dma_start3A_274 = tpu.memref_squeeze %dma_start3A_273 : memref<1x80xi32, #tpu.memory_space<vmem>> -> memref<80xi32, #tpu.memory_space<vmem>>
      %dma_start3A_275 = arith.constant 0 : i32
      %dma_start3A_276 = arith.constant 0 : i32
      %dma_start3A_277 = tpu.memref_slice %arg19[%dma_start3A_275, %dma_start3A_276] : memref<10240x128xf32, #tpu.memory_space<vmem_shared>> -> memref<10240x128xf32, #tpu.memory_space<vmem_shared>>
      tpu.enqueue_indirect_dma source(%arg15 : memref<80x128xf32, #tpu.memory_space<vmem>>) target(%dma_start3A_277 : memref<10240x128xf32, #tpu.memory_space<vmem_shared>>) offsets(%dma_start3A_274 : memref<80xi32, #tpu.memory_space<vmem>>) semaphore(%arg34 : memref<!tpu.dma_semaphore, #tpu.memory_space<semaphore_mem>>) {add = true}
      %dma_start3A_278 = arith.constant 13 : i32
      %dma_start3A_279 = arith.constant 0 : i32
      %dma_start3A_280 = tpu.memref_slice %arg13[%dma_start3A_278, %dma_start3A_279] : memref<16x80xi32, #tpu.memory_space<vmem>> -> memref<1x80xi32, #tpu.memory_space<vmem>>
      %dma_start3A_281 = tpu.memref_squeeze %dma_start3A_280 : memref<1x80xi32, #tpu.memory_space<vmem>> -> memref<80xi32, #tpu.memory_space<vmem>>
      %dma_start3A_282 = arith.constant 0 : i32
      %dma_start3A_283 = arith.constant 0 : i32
      %dma_start3A_284 = tpu.memref_slice %arg19[%dma_start3A_282, %dma_start3A_283] : memref<10240x128xf32, #tpu.memory_space<vmem_shared>> -> memref<10240x128xf32, #tpu.memory_space<vmem_shared>>
      tpu.enqueue_indirect_dma source(%arg15 : memref<80x128xf32, #tpu.memory_space<vmem>>) target(%dma_start3A_284 : memref<10240x128xf32, #tpu.memory_space<vmem_shared>>) offsets(%dma_start3A_281 : memref<80xi32, #tpu.memory_space<vmem>>) semaphore(%arg34 : memref<!tpu.dma_semaphore, #tpu.memory_space<semaphore_mem>>) {add = true}
      %dma_start3A_285 = arith.constant 14 : i32
      %dma_start3A_286 = arith.constant 0 : i32
      %dma_start3A_287 = tpu.memref_slice %arg13[%dma_start3A_285, %dma_start3A_286] : memref<16x80xi32, #tpu.memory_space<vmem>> -> memref<1x80xi32, #tpu.memory_space<vmem>>
      %dma_start3A_288 = tpu.memref_squeeze %dma_start3A_287 : memref<1x80xi32, #tpu.memory_space<vmem>> -> memref<80xi32, #tpu.memory_space<vmem>>
      %dma_start3A_289 = arith.constant 0 : i32
      %dma_start3A_290 = arith.constant 0 : i32
      %dma_start3A_291 = tpu.memref_slice %arg19[%dma_start3A_289, %dma_start3A_290] : memref<10240x128xf32, #tpu.memory_space<vmem_shared>> -> memref<10240x128xf32, #tpu.memory_space<vmem_shared>>
      tpu.enqueue_indirect_dma source(%arg15 : memref<80x128xf32, #tpu.memory_space<vmem>>) target(%dma_start3A_291 : memref<10240x128xf32, #tpu.memory_space<vmem_shared>>) offsets(%dma_start3A_288 : memref<80xi32, #tpu.memory_space<vmem>>) semaphore(%arg34 : memref<!tpu.dma_semaphore, #tpu.memory_space<semaphore_mem>>) {add = true}
      %dma_start3A_292 = arith.constant 15 : i32
      %dma_start3A_293 = arith.constant 0 : i32
      %dma_start3A_294 = tpu.memref_slice %arg13[%dma_start3A_292, %dma_start3A_293] : memref<16x80xi32, #tpu.memory_space<vmem>> -> memref<1x80xi32, #tpu.memory_space<vmem>>
      %dma_start3A_295 = tpu.memref_squeeze %dma_start3A_294 : memref<1x80xi32, #tpu.memory_space<vmem>> -> memref<80xi32, #tpu.memory_space<vmem>>
      %dma_start3A_296 = arith.constant 0 : i32
      %dma_start3A_297 = arith.constant 0 : i32
      %dma_start3A_298 = tpu.memref_slice %arg19[%dma_start3A_296, %dma_start3A_297] : memref<10240x128xf32, #tpu.memory_space<vmem_shared>> -> memref<10240x128xf32, #tpu.memory_space<vmem_shared>>
      tpu.enqueue_indirect_dma source(%arg15 : memref<80x128xf32, #tpu.memory_space<vmem>>) target(%dma_start3A_298 : memref<10240x128xf32, #tpu.memory_space<vmem_shared>>) offsets(%dma_start3A_295 : memref<80xi32, #tpu.memory_space<vmem>>) semaphore(%arg34 : memref<!tpu.dma_semaphore, #tpu.memory_space<semaphore_mem>>) {add = true}
      %dma_wait3A_299 = arith.constant 0 : i32
      %dma_wait3A_300 = arith.constant 0 : i32
      %dma_wait3A_301 = tpu.memref_slice %arg13[%dma_wait3A_299, %dma_wait3A_300] : memref<16x80xi32, #tpu.memory_space<vmem>> -> memref<1x80xi32, #tpu.memory_space<vmem>>
      %dma_wait3A_302 = tpu.memref_squeeze %dma_wait3A_301 : memref<1x80xi32, #tpu.memory_space<vmem>> -> memref<80xi32, #tpu.memory_space<vmem>>
      %dma_wait3A_303 = arith.constant 0 : i32
      %dma_wait3A_304 = arith.constant 0 : i32
      %dma_wait3A_305 = tpu.memref_slice %arg19[%dma_wait3A_303, %dma_wait3A_304] : memref<10240x128xf32, #tpu.memory_space<vmem_shared>> -> memref<10240x128xf32, #tpu.memory_space<vmem_shared>>
      tpu.wait_indirect_dma semaphore(%arg34 : memref<!tpu.dma_semaphore, #tpu.memory_space<semaphore_mem>>) src(%arg15 : memref<80x128xf32, #tpu.memory_space<vmem>>) dst(%dma_wait3A_305 : memref<10240x128xf32, #tpu.memory_space<vmem_shared>>)
      %dma_wait3A_306 = arith.constant 1 : i32
      %dma_wait3A_307 = arith.constant 0 : i32
      %dma_wait3A_308 = tpu.memref_slice %arg13[%dma_wait3A_306, %dma_wait3A_307] : memref<16x80xi32, #tpu.memory_space<vmem>> -> memref<1x80xi32, #tpu.memory_space<vmem>>
      %dma_wait3A_309 = tpu.memref_squeeze %dma_wait3A_308 : memref<1x80xi32, #tpu.memory_space<vmem>> -> memref<80xi32, #tpu.memory_space<vmem>>
      %dma_wait3A_310 = arith.constant 0 : i32
      %dma_wait3A_311 = arith.constant 0 : i32
      %dma_wait3A_312 = tpu.memref_slice %arg19[%dma_wait3A_310, %dma_wait3A_311] : memref<10240x128xf32, #tpu.memory_space<vmem_shared>> -> memref<10240x128xf32, #tpu.memory_space<vmem_shared>>
      tpu.wait_indirect_dma semaphore(%arg34 : memref<!tpu.dma_semaphore, #tpu.memory_space<semaphore_mem>>) src(%arg15 : memref<80x128xf32, #tpu.memory_space<vmem>>) dst(%dma_wait3A_312 : memref<10240x128xf32, #tpu.memory_space<vmem_shared>>)
      %dma_wait3A_313 = arith.constant 2 : i32
      %dma_wait3A_314 = arith.constant 0 : i32
      %dma_wait3A_315 = tpu.memref_slice %arg13[%dma_wait3A_313, %dma_wait3A_314] : memref<16x80xi32, #tpu.memory_space<vmem>> -> memref<1x80xi32, #tpu.memory_space<vmem>>
      %dma_wait3A_316 = tpu.memref_squeeze %dma_wait3A_315 : memref<1x80xi32, #tpu.memory_space<vmem>> -> memref<80xi32, #tpu.memory_space<vmem>>
      %dma_wait3A_317 = arith.constant 0 : i32
      %dma_wait3A_318 = arith.constant 0 : i32
      %dma_wait3A_319 = tpu.memref_slice %arg19[%dma_wait3A_317, %dma_wait3A_318] : memref<10240x128xf32, #tpu.memory_space<vmem_shared>> -> memref<10240x128xf32, #tpu.memory_space<vmem_shared>>
      tpu.wait_indirect_dma semaphore(%arg34 : memref<!tpu.dma_semaphore, #tpu.memory_space<semaphore_mem>>) src(%arg15 : memref<80x128xf32, #tpu.memory_space<vmem>>) dst(%dma_wait3A_319 : memref<10240x128xf32, #tpu.memory_space<vmem_shared>>)
      %dma_wait3A_320 = arith.constant 3 : i32
      %dma_wait3A_321 = arith.constant 0 : i32
      %dma_wait3A_322 = tpu.memref_slice %arg13[%dma_wait3A_320, %dma_wait3A_321] : memref<16x80xi32, #tpu.memory_space<vmem>> -> memref<1x80xi32, #tpu.memory_space<vmem>>
      %dma_wait3A_323 = tpu.memref_squeeze %dma_wait3A_322 : memref<1x80xi32, #tpu.memory_space<vmem>> -> memref<80xi32, #tpu.memory_space<vmem>>
      %dma_wait3A_324 = arith.constant 0 : i32
      %dma_wait3A_325 = arith.constant 0 : i32
      %dma_wait3A_326 = tpu.memref_slice %arg19[%dma_wait3A_324, %dma_wait3A_325] : memref<10240x128xf32, #tpu.memory_space<vmem_shared>> -> memref<10240x128xf32, #tpu.memory_space<vmem_shared>>
      tpu.wait_indirect_dma semaphore(%arg34 : memref<!tpu.dma_semaphore, #tpu.memory_space<semaphore_mem>>) src(%arg15 : memref<80x128xf32, #tpu.memory_space<vmem>>) dst(%dma_wait3A_326 : memref<10240x128xf32, #tpu.memory_space<vmem_shared>>)
      %dma_wait3A_327 = arith.constant 4 : i32
      %dma_wait3A_328 = arith.constant 0 : i32
      %dma_wait3A_329 = tpu.memref_slice %arg13[%dma_wait3A_327, %dma_wait3A_328] : memref<16x80xi32, #tpu.memory_space<vmem>> -> memref<1x80xi32, #tpu.memory_space<vmem>>
      %dma_wait3A_330 = tpu.memref_squeeze %dma_wait3A_329 : memref<1x80xi32, #tpu.memory_space<vmem>> -> memref<80xi32, #tpu.memory_space<vmem>>
      %dma_wait3A_331 = arith.constant 0 : i32
      %dma_wait3A_332 = arith.constant 0 : i32
      %dma_wait3A_333 = tpu.memref_slice %arg19[%dma_wait3A_331, %dma_wait3A_332] : memref<10240x128xf32, #tpu.memory_space<vmem_shared>> -> memref<10240x128xf32, #tpu.memory_space<vmem_shared>>
      tpu.wait_indirect_dma semaphore(%arg34 : memref<!tpu.dma_semaphore, #tpu.memory_space<semaphore_mem>>) src(%arg15 : memref<80x128xf32, #tpu.memory_space<vmem>>) dst(%dma_wait3A_333 : memref<10240x128xf32, #tpu.memory_space<vmem_shared>>)
      %dma_wait3A_334 = arith.constant 5 : i32
      %dma_wait3A_335 = arith.constant 0 : i32
      %dma_wait3A_336 = tpu.memref_slice %arg13[%dma_wait3A_334, %dma_wait3A_335] : memref<16x80xi32, #tpu.memory_space<vmem>> -> memref<1x80xi32, #tpu.memory_space<vmem>>
      %dma_wait3A_337 = tpu.memref_squeeze %dma_wait3A_336 : memref<1x80xi32, #tpu.memory_space<vmem>> -> memref<80xi32, #tpu.memory_space<vmem>>
      %dma_wait3A_338 = arith.constant 0 : i32
      %dma_wait3A_339 = arith.constant 0 : i32
      %dma_wait3A_340 = tpu.memref_slice %arg19[%dma_wait3A_338, %dma_wait3A_339] : memref<10240x128xf32, #tpu.memory_space<vmem_shared>> -> memref<10240x128xf32, #tpu.memory_space<vmem_shared>>
      tpu.wait_indirect_dma semaphore(%arg34 : memref<!tpu.dma_semaphore, #tpu.memory_space<semaphore_mem>>) src(%arg15 : memref<80x128xf32, #tpu.memory_space<vmem>>) dst(%dma_wait3A_340 : memref<10240x128xf32, #tpu.memory_space<vmem_shared>>)
      %dma_wait3A_341 = arith.constant 6 : i32
      %dma_wait3A_342 = arith.constant 0 : i32
      %dma_wait3A_343 = tpu.memref_slice %arg13[%dma_wait3A_341, %dma_wait3A_342] : memref<16x80xi32, #tpu.memory_space<vmem>> -> memref<1x80xi32, #tpu.memory_space<vmem>>
      %dma_wait3A_344 = tpu.memref_squeeze %dma_wait3A_343 : memref<1x80xi32, #tpu.memory_space<vmem>> -> memref<80xi32, #tpu.memory_space<vmem>>
      %dma_wait3A_345 = arith.constant 0 : i32
      %dma_wait3A_346 = arith.constant 0 : i32
      %dma_wait3A_347 = tpu.memref_slice %arg19[%dma_wait3A_345, %dma_wait3A_346] : memref<10240x128xf32, #tpu.memory_space<vmem_shared>> -> memref<10240x128xf32, #tpu.memory_space<vmem_shared>>
      tpu.wait_indirect_dma semaphore(%arg34 : memref<!tpu.dma_semaphore, #tpu.memory_space<semaphore_mem>>) src(%arg15 : memref<80x128xf32, #tpu.memory_space<vmem>>) dst(%dma_wait3A_347 : memref<10240x128xf32, #tpu.memory_space<vmem_shared>>)
      %dma_wait3A_348 = arith.constant 7 : i32
      %dma_wait3A_349 = arith.constant 0 : i32
      %dma_wait3A_350 = tpu.memref_slice %arg13[%dma_wait3A_348, %dma_wait3A_349] : memref<16x80xi32, #tpu.memory_space<vmem>> -> memref<1x80xi32, #tpu.memory_space<vmem>>
      %dma_wait3A_351 = tpu.memref_squeeze %dma_wait3A_350 : memref<1x80xi32, #tpu.memory_space<vmem>> -> memref<80xi32, #tpu.memory_space<vmem>>
      %dma_wait3A_352 = arith.constant 0 : i32
      %dma_wait3A_353 = arith.constant 0 : i32
      %dma_wait3A_354 = tpu.memref_slice %arg19[%dma_wait3A_352, %dma_wait3A_353] : memref<10240x128xf32, #tpu.memory_space<vmem_shared>> -> memref<10240x128xf32, #tpu.memory_space<vmem_shared>>
      tpu.wait_indirect_dma semaphore(%arg34 : memref<!tpu.dma_semaphore, #tpu.memory_space<semaphore_mem>>) src(%arg15 : memref<80x128xf32, #tpu.memory_space<vmem>>) dst(%dma_wait3A_354 : memref<10240x128xf32, #tpu.memory_space<vmem_shared>>)
      %dma_wait3A_355 = arith.constant 8 : i32
      %dma_wait3A_356 = arith.constant 0 : i32
      %dma_wait3A_357 = tpu.memref_slice %arg13[%dma_wait3A_355, %dma_wait3A_356] : memref<16x80xi32, #tpu.memory_space<vmem>> -> memref<1x80xi32, #tpu.memory_space<vmem>>
      %dma_wait3A_358 = tpu.memref_squeeze %dma_wait3A_357 : memref<1x80xi32, #tpu.memory_space<vmem>> -> memref<80xi32, #tpu.memory_space<vmem>>
      %dma_wait3A_359 = arith.constant 0 : i32
      %dma_wait3A_360 = arith.constant 0 : i32
      %dma_wait3A_361 = tpu.memref_slice %arg19[%dma_wait3A_359, %dma_wait3A_360] : memref<10240x128xf32, #tpu.memory_space<vmem_shared>> -> memref<10240x128xf32, #tpu.memory_space<vmem_shared>>
      tpu.wait_indirect_dma semaphore(%arg34 : memref<!tpu.dma_semaphore, #tpu.memory_space<semaphore_mem>>) src(%arg15 : memref<80x128xf32, #tpu.memory_space<vmem>>) dst(%dma_wait3A_361 : memref<10240x128xf32, #tpu.memory_space<vmem_shared>>)
      %dma_wait3A_362 = arith.constant 9 : i32
      %dma_wait3A_363 = arith.constant 0 : i32
      %dma_wait3A_364 = tpu.memref_slice %arg13[%dma_wait3A_362, %dma_wait3A_363] : memref<16x80xi32, #tpu.memory_space<vmem>> -> memref<1x80xi32, #tpu.memory_space<vmem>>
      %dma_wait3A_365 = tpu.memref_squeeze %dma_wait3A_364 : memref<1x80xi32, #tpu.memory_space<vmem>> -> memref<80xi32, #tpu.memory_space<vmem>>
      %dma_wait3A_366 = arith.constant 0 : i32
      %dma_wait3A_367 = arith.constant 0 : i32
      %dma_wait3A_368 = tpu.memref_slice %arg19[%dma_wait3A_366, %dma_wait3A_367] : memref<10240x128xf32, #tpu.memory_space<vmem_shared>> -> memref<10240x128xf32, #tpu.memory_space<vmem_shared>>
      tpu.wait_indirect_dma semaphore(%arg34 : memref<!tpu.dma_semaphore, #tpu.memory_space<semaphore_mem>>) src(%arg15 : memref<80x128xf32, #tpu.memory_space<vmem>>) dst(%dma_wait3A_368 : memref<10240x128xf32, #tpu.memory_space<vmem_shared>>)
      %dma_wait3A_369 = arith.constant 10 : i32
      %dma_wait3A_370 = arith.constant 0 : i32
      %dma_wait3A_371 = tpu.memref_slice %arg13[%dma_wait3A_369, %dma_wait3A_370] : memref<16x80xi32, #tpu.memory_space<vmem>> -> memref<1x80xi32, #tpu.memory_space<vmem>>
      %dma_wait3A_372 = tpu.memref_squeeze %dma_wait3A_371 : memref<1x80xi32, #tpu.memory_space<vmem>> -> memref<80xi32, #tpu.memory_space<vmem>>
      %dma_wait3A_373 = arith.constant 0 : i32
      %dma_wait3A_374 = arith.constant 0 : i32
      %dma_wait3A_375 = tpu.memref_slice %arg19[%dma_wait3A_373, %dma_wait3A_374] : memref<10240x128xf32, #tpu.memory_space<vmem_shared>> -> memref<10240x128xf32, #tpu.memory_space<vmem_shared>>
      tpu.wait_indirect_dma semaphore(%arg34 : memref<!tpu.dma_semaphore, #tpu.memory_space<semaphore_mem>>) src(%arg15 : memref<80x128xf32, #tpu.memory_space<vmem>>) dst(%dma_wait3A_375 : memref<10240x128xf32, #tpu.memory_space<vmem_shared>>)
      %dma_wait3A_376 = arith.constant 11 : i32
      %dma_wait3A_377 = arith.constant 0 : i32
      %dma_wait3A_378 = tpu.memref_slice %arg13[%dma_wait3A_376, %dma_wait3A_377] : memref<16x80xi32, #tpu.memory_space<vmem>> -> memref<1x80xi32, #tpu.memory_space<vmem>>
      %dma_wait3A_379 = tpu.memref_squeeze %dma_wait3A_378 : memref<1x80xi32, #tpu.memory_space<vmem>> -> memref<80xi32, #tpu.memory_space<vmem>>
      %dma_wait3A_380 = arith.constant 0 : i32
      %dma_wait3A_381 = arith.constant 0 : i32
      %dma_wait3A_382 = tpu.memref_slice %arg19[%dma_wait3A_380, %dma_wait3A_381] : memref<10240x128xf32, #tpu.memory_space<vmem_shared>> -> memref<10240x128xf32, #tpu.memory_space<vmem_shared>>
      tpu.wait_indirect_dma semaphore(%arg34 : memref<!tpu.dma_semaphore, #tpu.memory_space<semaphore_mem>>) src(%arg15 : memref<80x128xf32, #tpu.memory_space<vmem>>) dst(%dma_wait3A_382 : memref<10240x128xf32, #tpu.memory_space<vmem_shared>>)
      %dma_wait3A_383 = arith.constant 12 : i32
      %dma_wait3A_384 = arith.constant 0 : i32
      %dma_wait3A_385 = tpu.memref_slice %arg13[%dma_wait3A_383, %dma_wait3A_384] : memref<16x80xi32, #tpu.memory_space<vmem>> -> memref<1x80xi32, #tpu.memory_space<vmem>>
      %dma_wait3A_386 = tpu.memref_squeeze %dma_wait3A_385 : memref<1x80xi32, #tpu.memory_space<vmem>> -> memref<80xi32, #tpu.memory_space<vmem>>
      %dma_wait3A_387 = arith.constant 0 : i32
      %dma_wait3A_388 = arith.constant 0 : i32
      %dma_wait3A_389 = tpu.memref_slice %arg19[%dma_wait3A_387, %dma_wait3A_388] : memref<10240x128xf32, #tpu.memory_space<vmem_shared>> -> memref<10240x128xf32, #tpu.memory_space<vmem_shared>>
      tpu.wait_indirect_dma semaphore(%arg34 : memref<!tpu.dma_semaphore, #tpu.memory_space<semaphore_mem>>) src(%arg15 : memref<80x128xf32, #tpu.memory_space<vmem>>) dst(%dma_wait3A_389 : memref<10240x128xf32, #tpu.memory_space<vmem_shared>>)
      %dma_wait3A_390 = arith.constant 13 : i32
      %dma_wait3A_391 = arith.constant 0 : i32
      %dma_wait3A_392 = tpu.memref_slice %arg13[%dma_wait3A_390, %dma_wait3A_391] : memref<16x80xi32, #tpu.memory_space<vmem>> -> memref<1x80xi32, #tpu.memory_space<vmem>>
      %dma_wait3A_393 = tpu.memref_squeeze %dma_wait3A_392 : memref<1x80xi32, #tpu.memory_space<vmem>> -> memref<80xi32, #tpu.memory_space<vmem>>
      %dma_wait3A_394 = arith.constant 0 : i32
      %dma_wait3A_395 = arith.constant 0 : i32
      %dma_wait3A_396 = tpu.memref_slice %arg19[%dma_wait3A_394, %dma_wait3A_395] : memref<10240x128xf32, #tpu.memory_space<vmem_shared>> -> memref<10240x128xf32, #tpu.memory_space<vmem_shared>>
      tpu.wait_indirect_dma semaphore(%arg34 : memref<!tpu.dma_semaphore, #tpu.memory_space<semaphore_mem>>) src(%arg15 : memref<80x128xf32, #tpu.memory_space<vmem>>) dst(%dma_wait3A_396 : memref<10240x128xf32, #tpu.memory_space<vmem_shared>>)
      %dma_wait3A_397 = arith.constant 14 : i32
      %dma_wait3A_398 = arith.constant 0 : i32
      %dma_wait3A_399 = tpu.memref_slice %arg13[%dma_wait3A_397, %dma_wait3A_398] : memref<16x80xi32, #tpu.memory_space<vmem>> -> memref<1x80xi32, #tpu.memory_space<vmem>>
      %dma_wait3A_400 = tpu.memref_squeeze %dma_wait3A_399 : memref<1x80xi32, #tpu.memory_space<vmem>> -> memref<80xi32, #tpu.memory_space<vmem>>
      %dma_wait3A_401 = arith.constant 0 : i32
      %dma_wait3A_402 = arith.constant 0 : i32
      %dma_wait3A_403 = tpu.memref_slice %arg19[%dma_wait3A_401, %dma_wait3A_402] : memref<10240x128xf32, #tpu.memory_space<vmem_shared>> -> memref<10240x128xf32, #tpu.memory_space<vmem_shared>>
      tpu.wait_indirect_dma semaphore(%arg34 : memref<!tpu.dma_semaphore, #tpu.memory_space<semaphore_mem>>) src(%arg15 : memref<80x128xf32, #tpu.memory_space<vmem>>) dst(%dma_wait3A_403 : memref<10240x128xf32, #tpu.memory_space<vmem_shared>>)
      %dma_wait3A_404 = arith.constant 15 : i32
      %dma_wait3A_405 = arith.constant 0 : i32
      %dma_wait3A_406 = tpu.memref_slice %arg13[%dma_wait3A_404, %dma_wait3A_405] : memref<16x80xi32, #tpu.memory_space<vmem>> -> memref<1x80xi32, #tpu.memory_space<vmem>>
      %dma_wait3A_407 = tpu.memref_squeeze %dma_wait3A_406 : memref<1x80xi32, #tpu.memory_space<vmem>> -> memref<80xi32, #tpu.memory_space<vmem>>
      %dma_wait3A_408 = arith.constant 0 : i32
      %dma_wait3A_409 = arith.constant 0 : i32
      %dma_wait3A_410 = tpu.memref_slice %arg19[%dma_wait3A_408, %dma_wait3A_409] : memref<10240x128xf32, #tpu.memory_space<vmem_shared>> -> memref<10240x128xf32, #tpu.memory_space<vmem_shared>>
      tpu.wait_indirect_dma semaphore(%arg34 : memref<!tpu.dma_semaphore, #tpu.memory_space<semaphore_mem>>) src(%arg15 : memref<80x128xf32, #tpu.memory_space<vmem>>) dst(%dma_wait3A_410 : memref<10240x128xf32, #tpu.memory_space<vmem_shared>>)
      %add3A_411 = arith.constant 2 : i32
      %add3A_412 = arith.addi %mul3A_178, %add3A_411 : i32
      %lt3A = arith.constant 8 : i32
      %lt3A_413 = arith.cmpi slt, %add3A_412, %lt3A : i32
      %convert_element_type3A = arith.extui %lt3A_413 : i1 to i32
      %cond3A = arith.constant 0 : i32
      %cond3A_414 = arith.cmpi ne, %convert_element_type3A, %cond3A : i32
      scf.if %cond3A_414 {
        %add3A_659 = arith.constant 2 : i32
        %add3A_660 = arith.addi %mul3A_178, %add3A_659 : i32
        %mul3A_661 = arith.constant 16 : i32
        %mul3A_662 = arith.muli %mul3A_661, %add3A_660 : i32
        %dma_start3A_663 = arith.constant 0 : i32
        %dma_start3A_664 = tpu.memref_slice %arg4[%add3A, %mul3A_662, %dma_start3A_663] : memref<32x128x80xi32, #tpu.memory_space<hbm>> -> memref<1x16x80xi32, #tpu.memory_space<hbm>>
        %dma_start3A_665 = tpu.memref_squeeze %dma_start3A_664 : memref<1x16x80xi32, #tpu.memory_space<hbm>> -> memref<16x80xi32, #tpu.memory_space<hbm>>
        %dma_start3A_666 = arith.constant 0 : i32
        %dma_start3A_667 = tpu.memref_slice %arg4[%add3A, %mul3A_662, %dma_start3A_666] : memref<32x128x80xi32, #tpu.memory_space<hbm>> -> memref<1x16x80xi32, #tpu.memory_space<hbm>>
        %dma_start3A_668 = tpu.memref_squeeze %dma_start3A_667 : memref<1x16x80xi32, #tpu.memory_space<hbm>> -> memref<16x80xi32, #tpu.memory_space<hbm>>
        tpu.enqueue_dma source(%dma_start3A_668 : memref<16x80xi32, #tpu.memory_space<hbm>>) target(%arg13 : memref<16x80xi32, #tpu.memory_space<vmem>>) target_semaphore(%arg32 : memref<!tpu.dma_semaphore, #tpu.memory_space<semaphore_mem>>)
      } else {
      }
      %mul3A_415 = arith.constant 2 : i32
      %mul3A_416 = arith.muli %mul3A_415, %scan3A_175 : i32
      %add3A_417 = arith.constant 1 : i32
      %add3A_418 = arith.addi %mul3A_416, %add3A_417 : i32
      %mul3A_419 = arith.constant 16 : i32
      %mul3A_420 = arith.muli %mul3A_419, %add3A_418 : i32
      %dma_wait3A_421 = arith.constant 0 : i32
      %dma_wait3A_422 = tpu.memref_slice %arg4[%add3A, %mul3A_420, %dma_wait3A_421] : memref<32x128x80xi32, #tpu.memory_space<hbm>> -> memref<1x16x80xi32, #tpu.memory_space<hbm>>
      %dma_wait3A_423 = tpu.memref_squeeze %dma_wait3A_422 : memref<1x16x80xi32, #tpu.memory_space<hbm>> -> memref<16x80xi32, #tpu.memory_space<hbm>>
      %dma_wait3A_424 = arith.constant 0 : i32
      %dma_wait3A_425 = tpu.memref_slice %arg4[%add3A, %mul3A_420, %dma_wait3A_424] : memref<32x128x80xi32, #tpu.memory_space<hbm>> -> memref<1x16x80xi32, #tpu.memory_space<hbm>>
      %dma_wait3A_426 = tpu.memref_squeeze %dma_wait3A_425 : memref<1x16x80xi32, #tpu.memory_space<hbm>> -> memref<16x80xi32, #tpu.memory_space<hbm>>
      tpu.wait_dma2 semaphore(%arg33 : memref<!tpu.dma_semaphore, #tpu.memory_space<semaphore_mem>>) src(%dma_wait3A_426 : memref<16x80xi32, #tpu.memory_space<hbm>>) dst(%arg14 : memref<16x80xi32, #tpu.memory_space<vmem>>)
      %dma_start3A_427 = arith.constant 0 : i32
      %dma_start3A_428 = arith.constant 0 : i32
      %dma_start3A_429 = tpu.memref_slice %arg14[%dma_start3A_427, %dma_start3A_428] : memref<16x80xi32, #tpu.memory_space<vmem>> -> memref<1x80xi32, #tpu.memory_space<vmem>>
      %dma_start3A_430 = tpu.memref_squeeze %dma_start3A_429 : memref<1x80xi32, #tpu.memory_space<vmem>> -> memref<80xi32, #tpu.memory_space<vmem>>
      %dma_start3A_431 = arith.constant 0 : i32
      %dma_start3A_432 = arith.constant 0 : i32
      %dma_start3A_433 = tpu.memref_slice %arg19[%dma_start3A_431, %dma_start3A_432] : memref<10240x128xf32, #tpu.memory_space<vmem_shared>> -> memref<10240x128xf32, #tpu.memory_space<vmem_shared>>
      tpu.enqueue_indirect_dma source(%arg15 : memref<80x128xf32, #tpu.memory_space<vmem>>) target(%dma_start3A_433 : memref<10240x128xf32, #tpu.memory_space<vmem_shared>>) offsets(%dma_start3A_430 : memref<80xi32, #tpu.memory_space<vmem>>) semaphore(%arg34 : memref<!tpu.dma_semaphore, #tpu.memory_space<semaphore_mem>>) {add = true}
      %dma_start3A_434 = arith.constant 1 : i32
      %dma_start3A_435 = arith.constant 0 : i32
      %dma_start3A_436 = tpu.memref_slice %arg14[%dma_start3A_434, %dma_start3A_435] : memref<16x80xi32, #tpu.memory_space<vmem>> -> memref<1x80xi32, #tpu.memory_space<vmem>>
      %dma_start3A_437 = tpu.memref_squeeze %dma_start3A_436 : memref<1x80xi32, #tpu.memory_space<vmem>> -> memref<80xi32, #tpu.memory_space<vmem>>
      %dma_start3A_438 = arith.constant 0 : i32
      %dma_start3A_439 = arith.constant 0 : i32
      %dma_start3A_440 = tpu.memref_slice %arg19[%dma_start3A_438, %dma_start3A_439] : memref<10240x128xf32, #tpu.memory_space<vmem_shared>> -> memref<10240x128xf32, #tpu.memory_space<vmem_shared>>
      tpu.enqueue_indirect_dma source(%arg15 : memref<80x128xf32, #tpu.memory_space<vmem>>) target(%dma_start3A_440 : memref<10240x128xf32, #tpu.memory_space<vmem_shared>>) offsets(%dma_start3A_437 : memref<80xi32, #tpu.memory_space<vmem>>) semaphore(%arg34 : memref<!tpu.dma_semaphore, #tpu.memory_space<semaphore_mem>>) {add = true}
      %dma_start3A_441 = arith.constant 2 : i32
      %dma_start3A_442 = arith.constant 0 : i32
      %dma_start3A_443 = tpu.memref_slice %arg14[%dma_start3A_441, %dma_start3A_442] : memref<16x80xi32, #tpu.memory_space<vmem>> -> memref<1x80xi32, #tpu.memory_space<vmem>>
      %dma_start3A_444 = tpu.memref_squeeze %dma_start3A_443 : memref<1x80xi32, #tpu.memory_space<vmem>> -> memref<80xi32, #tpu.memory_space<vmem>>
      %dma_start3A_445 = arith.constant 0 : i32
      %dma_start3A_446 = arith.constant 0 : i32
      %dma_start3A_447 = tpu.memref_slice %arg19[%dma_start3A_445, %dma_start3A_446] : memref<10240x128xf32, #tpu.memory_space<vmem_shared>> -> memref<10240x128xf32, #tpu.memory_space<vmem_shared>>
      tpu.enqueue_indirect_dma source(%arg15 : memref<80x128xf32, #tpu.memory_space<vmem>>) target(%dma_start3A_447 : memref<10240x128xf32, #tpu.memory_space<vmem_shared>>) offsets(%dma_start3A_444 : memref<80xi32, #tpu.memory_space<vmem>>) semaphore(%arg34 : memref<!tpu.dma_semaphore, #tpu.memory_space<semaphore_mem>>) {add = true}
      %dma_start3A_448 = arith.constant 3 : i32
      %dma_start3A_449 = arith.constant 0 : i32
      %dma_start3A_450 = tpu.memref_slice %arg14[%dma_start3A_448, %dma_start3A_449] : memref<16x80xi32, #tpu.memory_space<vmem>> -> memref<1x80xi32, #tpu.memory_space<vmem>>
      %dma_start3A_451 = tpu.memref_squeeze %dma_start3A_450 : memref<1x80xi32, #tpu.memory_space<vmem>> -> memref<80xi32, #tpu.memory_space<vmem>>
      %dma_start3A_452 = arith.constant 0 : i32
      %dma_start3A_453 = arith.constant 0 : i32
      %dma_start3A_454 = tpu.memref_slice %arg19[%dma_start3A_452, %dma_start3A_453] : memref<10240x128xf32, #tpu.memory_space<vmem_shared>> -> memref<10240x128xf32, #tpu.memory_space<vmem_shared>>
      tpu.enqueue_indirect_dma source(%arg15 : memref<80x128xf32, #tpu.memory_space<vmem>>) target(%dma_start3A_454 : memref<10240x128xf32, #tpu.memory_space<vmem_shared>>) offsets(%dma_start3A_451 : memref<80xi32, #tpu.memory_space<vmem>>) semaphore(%arg34 : memref<!tpu.dma_semaphore, #tpu.memory_space<semaphore_mem>>) {add = true}
      %dma_start3A_455 = arith.constant 4 : i32
      %dma_start3A_456 = arith.constant 0 : i32
      %dma_start3A_457 = tpu.memref_slice %arg14[%dma_start3A_455, %dma_start3A_456] : memref<16x80xi32, #tpu.memory_space<vmem>> -> memref<1x80xi32, #tpu.memory_space<vmem>>
      %dma_start3A_458 = tpu.memref_squeeze %dma_start3A_457 : memref<1x80xi32, #tpu.memory_space<vmem>> -> memref<80xi32, #tpu.memory_space<vmem>>
      %dma_start3A_459 = arith.constant 0 : i32
      %dma_start3A_460 = arith.constant 0 : i32
      %dma_start3A_461 = tpu.memref_slice %arg19[%dma_start3A_459, %dma_start3A_460] : memref<10240x128xf32, #tpu.memory_space<vmem_shared>> -> memref<10240x128xf32, #tpu.memory_space<vmem_shared>>
      tpu.enqueue_indirect_dma source(%arg15 : memref<80x128xf32, #tpu.memory_space<vmem>>) target(%dma_start3A_461 : memref<10240x128xf32, #tpu.memory_space<vmem_shared>>) offsets(%dma_start3A_458 : memref<80xi32, #tpu.memory_space<vmem>>) semaphore(%arg34 : memref<!tpu.dma_semaphore, #tpu.memory_space<semaphore_mem>>) {add = true}
      %dma_start3A_462 = arith.constant 5 : i32
      %dma_start3A_463 = arith.constant 0 : i32
      %dma_start3A_464 = tpu.memref_slice %arg14[%dma_start3A_462, %dma_start3A_463] : memref<16x80xi32, #tpu.memory_space<vmem>> -> memref<1x80xi32, #tpu.memory_space<vmem>>
      %dma_start3A_465 = tpu.memref_squeeze %dma_start3A_464 : memref<1x80xi32, #tpu.memory_space<vmem>> -> memref<80xi32, #tpu.memory_space<vmem>>
      %dma_start3A_466 = arith.constant 0 : i32
      %dma_start3A_467 = arith.constant 0 : i32
      %dma_start3A_468 = tpu.memref_slice %arg19[%dma_start3A_466, %dma_start3A_467] : memref<10240x128xf32, #tpu.memory_space<vmem_shared>> -> memref<10240x128xf32, #tpu.memory_space<vmem_shared>>
      tpu.enqueue_indirect_dma source(%arg15 : memref<80x128xf32, #tpu.memory_space<vmem>>) target(%dma_start3A_468 : memref<10240x128xf32, #tpu.memory_space<vmem_shared>>) offsets(%dma_start3A_465 : memref<80xi32, #tpu.memory_space<vmem>>) semaphore(%arg34 : memref<!tpu.dma_semaphore, #tpu.memory_space<semaphore_mem>>) {add = true}
      %dma_start3A_469 = arith.constant 6 : i32
      %dma_start3A_470 = arith.constant 0 : i32
      %dma_start3A_471 = tpu.memref_slice %arg14[%dma_start3A_469, %dma_start3A_470] : memref<16x80xi32, #tpu.memory_space<vmem>> -> memref<1x80xi32, #tpu.memory_space<vmem>>
      %dma_start3A_472 = tpu.memref_squeeze %dma_start3A_471 : memref<1x80xi32, #tpu.memory_space<vmem>> -> memref<80xi32, #tpu.memory_space<vmem>>
      %dma_start3A_473 = arith.constant 0 : i32
      %dma_start3A_474 = arith.constant 0 : i32
      %dma_start3A_475 = tpu.memref_slice %arg19[%dma_start3A_473, %dma_start3A_474] : memref<10240x128xf32, #tpu.memory_space<vmem_shared>> -> memref<10240x128xf32, #tpu.memory_space<vmem_shared>>
      tpu.enqueue_indirect_dma source(%arg15 : memref<80x128xf32, #tpu.memory_space<vmem>>) target(%dma_start3A_475 : memref<10240x128xf32, #tpu.memory_space<vmem_shared>>) offsets(%dma_start3A_472 : memref<80xi32, #tpu.memory_space<vmem>>) semaphore(%arg34 : memref<!tpu.dma_semaphore, #tpu.memory_space<semaphore_mem>>) {add = true}
      %dma_start3A_476 = arith.constant 7 : i32
      %dma_start3A_477 = arith.constant 0 : i32
      %dma_start3A_478 = tpu.memref_slice %arg14[%dma_start3A_476, %dma_start3A_477] : memref<16x80xi32, #tpu.memory_space<vmem>> -> memref<1x80xi32, #tpu.memory_space<vmem>>
      %dma_start3A_479 = tpu.memref_squeeze %dma_start3A_478 : memref<1x80xi32, #tpu.memory_space<vmem>> -> memref<80xi32, #tpu.memory_space<vmem>>
      %dma_start3A_480 = arith.constant 0 : i32
      %dma_start3A_481 = arith.constant 0 : i32
      %dma_start3A_482 = tpu.memref_slice %arg19[%dma_start3A_480, %dma_start3A_481] : memref<10240x128xf32, #tpu.memory_space<vmem_shared>> -> memref<10240x128xf32, #tpu.memory_space<vmem_shared>>
      tpu.enqueue_indirect_dma source(%arg15 : memref<80x128xf32, #tpu.memory_space<vmem>>) target(%dma_start3A_482 : memref<10240x128xf32, #tpu.memory_space<vmem_shared>>) offsets(%dma_start3A_479 : memref<80xi32, #tpu.memory_space<vmem>>) semaphore(%arg34 : memref<!tpu.dma_semaphore, #tpu.memory_space<semaphore_mem>>) {add = true}
      %dma_start3A_483 = arith.constant 8 : i32
      %dma_start3A_484 = arith.constant 0 : i32
      %dma_start3A_485 = tpu.memref_slice %arg14[%dma_start3A_483, %dma_start3A_484] : memref<16x80xi32, #tpu.memory_space<vmem>> -> memref<1x80xi32, #tpu.memory_space<vmem>>
      %dma_start3A_486 = tpu.memref_squeeze %dma_start3A_485 : memref<1x80xi32, #tpu.memory_space<vmem>> -> memref<80xi32, #tpu.memory_space<vmem>>
      %dma_start3A_487 = arith.constant 0 : i32
      %dma_start3A_488 = arith.constant 0 : i32
      %dma_start3A_489 = tpu.memref_slice %arg19[%dma_start3A_487, %dma_start3A_488] : memref<10240x128xf32, #tpu.memory_space<vmem_shared>> -> memref<10240x128xf32, #tpu.memory_space<vmem_shared>>
      tpu.enqueue_indirect_dma source(%arg15 : memref<80x128xf32, #tpu.memory_space<vmem>>) target(%dma_start3A_489 : memref<10240x128xf32, #tpu.memory_space<vmem_shared>>) offsets(%dma_start3A_486 : memref<80xi32, #tpu.memory_space<vmem>>) semaphore(%arg34 : memref<!tpu.dma_semaphore, #tpu.memory_space<semaphore_mem>>) {add = true}
      %dma_start3A_490 = arith.constant 9 : i32
      %dma_start3A_491 = arith.constant 0 : i32
      %dma_start3A_492 = tpu.memref_slice %arg14[%dma_start3A_490, %dma_start3A_491] : memref<16x80xi32, #tpu.memory_space<vmem>> -> memref<1x80xi32, #tpu.memory_space<vmem>>
      %dma_start3A_493 = tpu.memref_squeeze %dma_start3A_492 : memref<1x80xi32, #tpu.memory_space<vmem>> -> memref<80xi32, #tpu.memory_space<vmem>>
      %dma_start3A_494 = arith.constant 0 : i32
      %dma_start3A_495 = arith.constant 0 : i32
      %dma_start3A_496 = tpu.memref_slice %arg19[%dma_start3A_494, %dma_start3A_495] : memref<10240x128xf32, #tpu.memory_space<vmem_shared>> -> memref<10240x128xf32, #tpu.memory_space<vmem_shared>>
      tpu.enqueue_indirect_dma source(%arg15 : memref<80x128xf32, #tpu.memory_space<vmem>>) target(%dma_start3A_496 : memref<10240x128xf32, #tpu.memory_space<vmem_shared>>) offsets(%dma_start3A_493 : memref<80xi32, #tpu.memory_space<vmem>>) semaphore(%arg34 : memref<!tpu.dma_semaphore, #tpu.memory_space<semaphore_mem>>) {add = true}
      %dma_start3A_497 = arith.constant 10 : i32
      %dma_start3A_498 = arith.constant 0 : i32
      %dma_start3A_499 = tpu.memref_slice %arg14[%dma_start3A_497, %dma_start3A_498] : memref<16x80xi32, #tpu.memory_space<vmem>> -> memref<1x80xi32, #tpu.memory_space<vmem>>
      %dma_start3A_500 = tpu.memref_squeeze %dma_start3A_499 : memref<1x80xi32, #tpu.memory_space<vmem>> -> memref<80xi32, #tpu.memory_space<vmem>>
      %dma_start3A_501 = arith.constant 0 : i32
      %dma_start3A_502 = arith.constant 0 : i32
      %dma_start3A_503 = tpu.memref_slice %arg19[%dma_start3A_501, %dma_start3A_502] : memref<10240x128xf32, #tpu.memory_space<vmem_shared>> -> memref<10240x128xf32, #tpu.memory_space<vmem_shared>>
      tpu.enqueue_indirect_dma source(%arg15 : memref<80x128xf32, #tpu.memory_space<vmem>>) target(%dma_start3A_503 : memref<10240x128xf32, #tpu.memory_space<vmem_shared>>) offsets(%dma_start3A_500 : memref<80xi32, #tpu.memory_space<vmem>>) semaphore(%arg34 : memref<!tpu.dma_semaphore, #tpu.memory_space<semaphore_mem>>) {add = true}
      %dma_start3A_504 = arith.constant 11 : i32
      %dma_start3A_505 = arith.constant 0 : i32
      %dma_start3A_506 = tpu.memref_slice %arg14[%dma_start3A_504, %dma_start3A_505] : memref<16x80xi32, #tpu.memory_space<vmem>> -> memref<1x80xi32, #tpu.memory_space<vmem>>
      %dma_start3A_507 = tpu.memref_squeeze %dma_start3A_506 : memref<1x80xi32, #tpu.memory_space<vmem>> -> memref<80xi32, #tpu.memory_space<vmem>>
      %dma_start3A_508 = arith.constant 0 : i32
      %dma_start3A_509 = arith.constant 0 : i32
      %dma_start3A_510 = tpu.memref_slice %arg19[%dma_start3A_508, %dma_start3A_509] : memref<10240x128xf32, #tpu.memory_space<vmem_shared>> -> memref<10240x128xf32, #tpu.memory_space<vmem_shared>>
      tpu.enqueue_indirect_dma source(%arg15 : memref<80x128xf32, #tpu.memory_space<vmem>>) target(%dma_start3A_510 : memref<10240x128xf32, #tpu.memory_space<vmem_shared>>) offsets(%dma_start3A_507 : memref<80xi32, #tpu.memory_space<vmem>>) semaphore(%arg34 : memref<!tpu.dma_semaphore, #tpu.memory_space<semaphore_mem>>) {add = true}
      %dma_start3A_511 = arith.constant 12 : i32
      %dma_start3A_512 = arith.constant 0 : i32
      %dma_start3A_513 = tpu.memref_slice %arg14[%dma_start3A_511, %dma_start3A_512] : memref<16x80xi32, #tpu.memory_space<vmem>> -> memref<1x80xi32, #tpu.memory_space<vmem>>
      %dma_start3A_514 = tpu.memref_squeeze %dma_start3A_513 : memref<1x80xi32, #tpu.memory_space<vmem>> -> memref<80xi32, #tpu.memory_space<vmem>>
      %dma_start3A_515 = arith.constant 0 : i32
      %dma_start3A_516 = arith.constant 0 : i32
      %dma_start3A_517 = tpu.memref_slice %arg19[%dma_start3A_515, %dma_start3A_516] : memref<10240x128xf32, #tpu.memory_space<vmem_shared>> -> memref<10240x128xf32, #tpu.memory_space<vmem_shared>>
      tpu.enqueue_indirect_dma source(%arg15 : memref<80x128xf32, #tpu.memory_space<vmem>>) target(%dma_start3A_517 : memref<10240x128xf32, #tpu.memory_space<vmem_shared>>) offsets(%dma_start3A_514 : memref<80xi32, #tpu.memory_space<vmem>>) semaphore(%arg34 : memref<!tpu.dma_semaphore, #tpu.memory_space<semaphore_mem>>) {add = true}
      %dma_start3A_518 = arith.constant 13 : i32
      %dma_start3A_519 = arith.constant 0 : i32
      %dma_start3A_520 = tpu.memref_slice %arg14[%dma_start3A_518, %dma_start3A_519] : memref<16x80xi32, #tpu.memory_space<vmem>> -> memref<1x80xi32, #tpu.memory_space<vmem>>
      %dma_start3A_521 = tpu.memref_squeeze %dma_start3A_520 : memref<1x80xi32, #tpu.memory_space<vmem>> -> memref<80xi32, #tpu.memory_space<vmem>>
      %dma_start3A_522 = arith.constant 0 : i32
      %dma_start3A_523 = arith.constant 0 : i32
      %dma_start3A_524 = tpu.memref_slice %arg19[%dma_start3A_522, %dma_start3A_523] : memref<10240x128xf32, #tpu.memory_space<vmem_shared>> -> memref<10240x128xf32, #tpu.memory_space<vmem_shared>>
      tpu.enqueue_indirect_dma source(%arg15 : memref<80x128xf32, #tpu.memory_space<vmem>>) target(%dma_start3A_524 : memref<10240x128xf32, #tpu.memory_space<vmem_shared>>) offsets(%dma_start3A_521 : memref<80xi32, #tpu.memory_space<vmem>>) semaphore(%arg34 : memref<!tpu.dma_semaphore, #tpu.memory_space<semaphore_mem>>) {add = true}
      %dma_start3A_525 = arith.constant 14 : i32
      %dma_start3A_526 = arith.constant 0 : i32
      %dma_start3A_527 = tpu.memref_slice %arg14[%dma_start3A_525, %dma_start3A_526] : memref<16x80xi32, #tpu.memory_space<vmem>> -> memref<1x80xi32, #tpu.memory_space<vmem>>
      %dma_start3A_528 = tpu.memref_squeeze %dma_start3A_527 : memref<1x80xi32, #tpu.memory_space<vmem>> -> memref<80xi32, #tpu.memory_space<vmem>>
      %dma_start3A_529 = arith.constant 0 : i32
      %dma_start3A_530 = arith.constant 0 : i32
      %dma_start3A_531 = tpu.memref_slice %arg19[%dma_start3A_529, %dma_start3A_530] : memref<10240x128xf32, #tpu.memory_space<vmem_shared>> -> memref<10240x128xf32, #tpu.memory_space<vmem_shared>>
      tpu.enqueue_indirect_dma source(%arg15 : memref<80x128xf32, #tpu.memory_space<vmem>>) target(%dma_start3A_531 : memref<10240x128xf32, #tpu.memory_space<vmem_shared>>) offsets(%dma_start3A_528 : memref<80xi32, #tpu.memory_space<vmem>>) semaphore(%arg34 : memref<!tpu.dma_semaphore, #tpu.memory_space<semaphore_mem>>) {add = true}
      %dma_start3A_532 = arith.constant 15 : i32
      %dma_start3A_533 = arith.constant 0 : i32
      %dma_start3A_534 = tpu.memref_slice %arg14[%dma_start3A_532, %dma_start3A_533] : memref<16x80xi32, #tpu.memory_space<vmem>> -> memref<1x80xi32, #tpu.memory_space<vmem>>
      %dma_start3A_535 = tpu.memref_squeeze %dma_start3A_534 : memref<1x80xi32, #tpu.memory_space<vmem>> -> memref<80xi32, #tpu.memory_space<vmem>>
      %dma_start3A_536 = arith.constant 0 : i32
      %dma_start3A_537 = arith.constant 0 : i32
      %dma_start3A_538 = tpu.memref_slice %arg19[%dma_start3A_536, %dma_start3A_537] : memref<10240x128xf32, #tpu.memory_space<vmem_shared>> -> memref<10240x128xf32, #tpu.memory_space<vmem_shared>>
      tpu.enqueue_indirect_dma source(%arg15 : memref<80x128xf32, #tpu.memory_space<vmem>>) target(%dma_start3A_538 : memref<10240x128xf32, #tpu.memory_space<vmem_shared>>) offsets(%dma_start3A_535 : memref<80xi32, #tpu.memory_space<vmem>>) semaphore(%arg34 : memref<!tpu.dma_semaphore, #tpu.memory_space<semaphore_mem>>) {add = true}
      %dma_wait3A_539 = arith.constant 0 : i32
      %dma_wait3A_540 = arith.constant 0 : i32
      %dma_wait3A_541 = tpu.memref_slice %arg14[%dma_wait3A_539, %dma_wait3A_540] : memref<16x80xi32, #tpu.memory_space<vmem>> -> memref<1x80xi32, #tpu.memory_space<vmem>>
      %dma_wait3A_542 = tpu.memref_squeeze %dma_wait3A_541 : memref<1x80xi32, #tpu.memory_space<vmem>> -> memref<80xi32, #tpu.memory_space<vmem>>
      %dma_wait3A_543 = arith.constant 0 : i32
      %dma_wait3A_544 = arith.constant 0 : i32
      %dma_wait3A_545 = tpu.memref_slice %arg19[%dma_wait3A_543, %dma_wait3A_544] : memref<10240x128xf32, #tpu.memory_space<vmem_shared>> -> memref<10240x128xf32, #tpu.memory_space<vmem_shared>>
      tpu.wait_indirect_dma semaphore(%arg34 : memref<!tpu.dma_semaphore, #tpu.memory_space<semaphore_mem>>) src(%arg15 : memref<80x128xf32, #tpu.memory_space<vmem>>) dst(%dma_wait3A_545 : memref<10240x128xf32, #tpu.memory_space<vmem_shared>>)
      %dma_wait3A_546 = arith.constant 1 : i32
      %dma_wait3A_547 = arith.constant 0 : i32
      %dma_wait3A_548 = tpu.memref_slice %arg14[%dma_wait3A_546, %dma_wait3A_547] : memref<16x80xi32, #tpu.memory_space<vmem>> -> memref<1x80xi32, #tpu.memory_space<vmem>>
      %dma_wait3A_549 = tpu.memref_squeeze %dma_wait3A_548 : memref<1x80xi32, #tpu.memory_space<vmem>> -> memref<80xi32, #tpu.memory_space<vmem>>
      %dma_wait3A_550 = arith.constant 0 : i32
      %dma_wait3A_551 = arith.constant 0 : i32
      %dma_wait3A_552 = tpu.memref_slice %arg19[%dma_wait3A_550, %dma_wait3A_551] : memref<10240x128xf32, #tpu.memory_space<vmem_shared>> -> memref<10240x128xf32, #tpu.memory_space<vmem_shared>>
      tpu.wait_indirect_dma semaphore(%arg34 : memref<!tpu.dma_semaphore, #tpu.memory_space<semaphore_mem>>) src(%arg15 : memref<80x128xf32, #tpu.memory_space<vmem>>) dst(%dma_wait3A_552 : memref<10240x128xf32, #tpu.memory_space<vmem_shared>>)
      %dma_wait3A_553 = arith.constant 2 : i32
      %dma_wait3A_554 = arith.constant 0 : i32
      %dma_wait3A_555 = tpu.memref_slice %arg14[%dma_wait3A_553, %dma_wait3A_554] : memref<16x80xi32, #tpu.memory_space<vmem>> -> memref<1x80xi32, #tpu.memory_space<vmem>>
      %dma_wait3A_556 = tpu.memref_squeeze %dma_wait3A_555 : memref<1x80xi32, #tpu.memory_space<vmem>> -> memref<80xi32, #tpu.memory_space<vmem>>
      %dma_wait3A_557 = arith.constant 0 : i32
      %dma_wait3A_558 = arith.constant 0 : i32
      %dma_wait3A_559 = tpu.memref_slice %arg19[%dma_wait3A_557, %dma_wait3A_558] : memref<10240x128xf32, #tpu.memory_space<vmem_shared>> -> memref<10240x128xf32, #tpu.memory_space<vmem_shared>>
      tpu.wait_indirect_dma semaphore(%arg34 : memref<!tpu.dma_semaphore, #tpu.memory_space<semaphore_mem>>) src(%arg15 : memref<80x128xf32, #tpu.memory_space<vmem>>) dst(%dma_wait3A_559 : memref<10240x128xf32, #tpu.memory_space<vmem_shared>>)
      %dma_wait3A_560 = arith.constant 3 : i32
      %dma_wait3A_561 = arith.constant 0 : i32
      %dma_wait3A_562 = tpu.memref_slice %arg14[%dma_wait3A_560, %dma_wait3A_561] : memref<16x80xi32, #tpu.memory_space<vmem>> -> memref<1x80xi32, #tpu.memory_space<vmem>>
      %dma_wait3A_563 = tpu.memref_squeeze %dma_wait3A_562 : memref<1x80xi32, #tpu.memory_space<vmem>> -> memref<80xi32, #tpu.memory_space<vmem>>
      %dma_wait3A_564 = arith.constant 0 : i32
      %dma_wait3A_565 = arith.constant 0 : i32
      %dma_wait3A_566 = tpu.memref_slice %arg19[%dma_wait3A_564, %dma_wait3A_565] : memref<10240x128xf32, #tpu.memory_space<vmem_shared>> -> memref<10240x128xf32, #tpu.memory_space<vmem_shared>>
      tpu.wait_indirect_dma semaphore(%arg34 : memref<!tpu.dma_semaphore, #tpu.memory_space<semaphore_mem>>) src(%arg15 : memref<80x128xf32, #tpu.memory_space<vmem>>) dst(%dma_wait3A_566 : memref<10240x128xf32, #tpu.memory_space<vmem_shared>>)
      %dma_wait3A_567 = arith.constant 4 : i32
      %dma_wait3A_568 = arith.constant 0 : i32
      %dma_wait3A_569 = tpu.memref_slice %arg14[%dma_wait3A_567, %dma_wait3A_568] : memref<16x80xi32, #tpu.memory_space<vmem>> -> memref<1x80xi32, #tpu.memory_space<vmem>>
      %dma_wait3A_570 = tpu.memref_squeeze %dma_wait3A_569 : memref<1x80xi32, #tpu.memory_space<vmem>> -> memref<80xi32, #tpu.memory_space<vmem>>
      %dma_wait3A_571 = arith.constant 0 : i32
      %dma_wait3A_572 = arith.constant 0 : i32
      %dma_wait3A_573 = tpu.memref_slice %arg19[%dma_wait3A_571, %dma_wait3A_572] : memref<10240x128xf32, #tpu.memory_space<vmem_shared>> -> memref<10240x128xf32, #tpu.memory_space<vmem_shared>>
      tpu.wait_indirect_dma semaphore(%arg34 : memref<!tpu.dma_semaphore, #tpu.memory_space<semaphore_mem>>) src(%arg15 : memref<80x128xf32, #tpu.memory_space<vmem>>) dst(%dma_wait3A_573 : memref<10240x128xf32, #tpu.memory_space<vmem_shared>>)
      %dma_wait3A_574 = arith.constant 5 : i32
      %dma_wait3A_575 = arith.constant 0 : i32
      %dma_wait3A_576 = tpu.memref_slice %arg14[%dma_wait3A_574, %dma_wait3A_575] : memref<16x80xi32, #tpu.memory_space<vmem>> -> memref<1x80xi32, #tpu.memory_space<vmem>>
      %dma_wait3A_577 = tpu.memref_squeeze %dma_wait3A_576 : memref<1x80xi32, #tpu.memory_space<vmem>> -> memref<80xi32, #tpu.memory_space<vmem>>
      %dma_wait3A_578 = arith.constant 0 : i32
      %dma_wait3A_579 = arith.constant 0 : i32
      %dma_wait3A_580 = tpu.memref_slice %arg19[%dma_wait3A_578, %dma_wait3A_579] : memref<10240x128xf32, #tpu.memory_space<vmem_shared>> -> memref<10240x128xf32, #tpu.memory_space<vmem_shared>>
      tpu.wait_indirect_dma semaphore(%arg34 : memref<!tpu.dma_semaphore, #tpu.memory_space<semaphore_mem>>) src(%arg15 : memref<80x128xf32, #tpu.memory_space<vmem>>) dst(%dma_wait3A_580 : memref<10240x128xf32, #tpu.memory_space<vmem_shared>>)
      %dma_wait3A_581 = arith.constant 6 : i32
      %dma_wait3A_582 = arith.constant 0 : i32
      %dma_wait3A_583 = tpu.memref_slice %arg14[%dma_wait3A_581, %dma_wait3A_582] : memref<16x80xi32, #tpu.memory_space<vmem>> -> memref<1x80xi32, #tpu.memory_space<vmem>>
      %dma_wait3A_584 = tpu.memref_squeeze %dma_wait3A_583 : memref<1x80xi32, #tpu.memory_space<vmem>> -> memref<80xi32, #tpu.memory_space<vmem>>
      %dma_wait3A_585 = arith.constant 0 : i32
      %dma_wait3A_586 = arith.constant 0 : i32
      %dma_wait3A_587 = tpu.memref_slice %arg19[%dma_wait3A_585, %dma_wait3A_586] : memref<10240x128xf32, #tpu.memory_space<vmem_shared>> -> memref<10240x128xf32, #tpu.memory_space<vmem_shared>>
      tpu.wait_indirect_dma semaphore(%arg34 : memref<!tpu.dma_semaphore, #tpu.memory_space<semaphore_mem>>) src(%arg15 : memref<80x128xf32, #tpu.memory_space<vmem>>) dst(%dma_wait3A_587 : memref<10240x128xf32, #tpu.memory_space<vmem_shared>>)
      %dma_wait3A_588 = arith.constant 7 : i32
      %dma_wait3A_589 = arith.constant 0 : i32
      %dma_wait3A_590 = tpu.memref_slice %arg14[%dma_wait3A_588, %dma_wait3A_589] : memref<16x80xi32, #tpu.memory_space<vmem>> -> memref<1x80xi32, #tpu.memory_space<vmem>>
      %dma_wait3A_591 = tpu.memref_squeeze %dma_wait3A_590 : memref<1x80xi32, #tpu.memory_space<vmem>> -> memref<80xi32, #tpu.memory_space<vmem>>
      %dma_wait3A_592 = arith.constant 0 : i32
      %dma_wait3A_593 = arith.constant 0 : i32
      %dma_wait3A_594 = tpu.memref_slice %arg19[%dma_wait3A_592, %dma_wait3A_593] : memref<10240x128xf32, #tpu.memory_space<vmem_shared>> -> memref<10240x128xf32, #tpu.memory_space<vmem_shared>>
      tpu.wait_indirect_dma semaphore(%arg34 : memref<!tpu.dma_semaphore, #tpu.memory_space<semaphore_mem>>) src(%arg15 : memref<80x128xf32, #tpu.memory_space<vmem>>) dst(%dma_wait3A_594 : memref<10240x128xf32, #tpu.memory_space<vmem_shared>>)
      %dma_wait3A_595 = arith.constant 8 : i32
      %dma_wait3A_596 = arith.constant 0 : i32
      %dma_wait3A_597 = tpu.memref_slice %arg14[%dma_wait3A_595, %dma_wait3A_596] : memref<16x80xi32, #tpu.memory_space<vmem>> -> memref<1x80xi32, #tpu.memory_space<vmem>>
      %dma_wait3A_598 = tpu.memref_squeeze %dma_wait3A_597 : memref<1x80xi32, #tpu.memory_space<vmem>> -> memref<80xi32, #tpu.memory_space<vmem>>
      %dma_wait3A_599 = arith.constant 0 : i32
      %dma_wait3A_600 = arith.constant 0 : i32
      %dma_wait3A_601 = tpu.memref_slice %arg19[%dma_wait3A_599, %dma_wait3A_600] : memref<10240x128xf32, #tpu.memory_space<vmem_shared>> -> memref<10240x128xf32, #tpu.memory_space<vmem_shared>>
      tpu.wait_indirect_dma semaphore(%arg34 : memref<!tpu.dma_semaphore, #tpu.memory_space<semaphore_mem>>) src(%arg15 : memref<80x128xf32, #tpu.memory_space<vmem>>) dst(%dma_wait3A_601 : memref<10240x128xf32, #tpu.memory_space<vmem_shared>>)
      %dma_wait3A_602 = arith.constant 9 : i32
      %dma_wait3A_603 = arith.constant 0 : i32
      %dma_wait3A_604 = tpu.memref_slice %arg14[%dma_wait3A_602, %dma_wait3A_603] : memref<16x80xi32, #tpu.memory_space<vmem>> -> memref<1x80xi32, #tpu.memory_space<vmem>>
      %dma_wait3A_605 = tpu.memref_squeeze %dma_wait3A_604 : memref<1x80xi32, #tpu.memory_space<vmem>> -> memref<80xi32, #tpu.memory_space<vmem>>
      %dma_wait3A_606 = arith.constant 0 : i32
      %dma_wait3A_607 = arith.constant 0 : i32
      %dma_wait3A_608 = tpu.memref_slice %arg19[%dma_wait3A_606, %dma_wait3A_607] : memref<10240x128xf32, #tpu.memory_space<vmem_shared>> -> memref<10240x128xf32, #tpu.memory_space<vmem_shared>>
      tpu.wait_indirect_dma semaphore(%arg34 : memref<!tpu.dma_semaphore, #tpu.memory_space<semaphore_mem>>) src(%arg15 : memref<80x128xf32, #tpu.memory_space<vmem>>) dst(%dma_wait3A_608 : memref<10240x128xf32, #tpu.memory_space<vmem_shared>>)
      %dma_wait3A_609 = arith.constant 10 : i32
      %dma_wait3A_610 = arith.constant 0 : i32
      %dma_wait3A_611 = tpu.memref_slice %arg14[%dma_wait3A_609, %dma_wait3A_610] : memref<16x80xi32, #tpu.memory_space<vmem>> -> memref<1x80xi32, #tpu.memory_space<vmem>>
      %dma_wait3A_612 = tpu.memref_squeeze %dma_wait3A_611 : memref<1x80xi32, #tpu.memory_space<vmem>> -> memref<80xi32, #tpu.memory_space<vmem>>
      %dma_wait3A_613 = arith.constant 0 : i32
      %dma_wait3A_614 = arith.constant 0 : i32
      %dma_wait3A_615 = tpu.memref_slice %arg19[%dma_wait3A_613, %dma_wait3A_614] : memref<10240x128xf32, #tpu.memory_space<vmem_shared>> -> memref<10240x128xf32, #tpu.memory_space<vmem_shared>>
      tpu.wait_indirect_dma semaphore(%arg34 : memref<!tpu.dma_semaphore, #tpu.memory_space<semaphore_mem>>) src(%arg15 : memref<80x128xf32, #tpu.memory_space<vmem>>) dst(%dma_wait3A_615 : memref<10240x128xf32, #tpu.memory_space<vmem_shared>>)
      %dma_wait3A_616 = arith.constant 11 : i32
      %dma_wait3A_617 = arith.constant 0 : i32
      %dma_wait3A_618 = tpu.memref_slice %arg14[%dma_wait3A_616, %dma_wait3A_617] : memref<16x80xi32, #tpu.memory_space<vmem>> -> memref<1x80xi32, #tpu.memory_space<vmem>>
      %dma_wait3A_619 = tpu.memref_squeeze %dma_wait3A_618 : memref<1x80xi32, #tpu.memory_space<vmem>> -> memref<80xi32, #tpu.memory_space<vmem>>
      %dma_wait3A_620 = arith.constant 0 : i32
      %dma_wait3A_621 = arith.constant 0 : i32
      %dma_wait3A_622 = tpu.memref_slice %arg19[%dma_wait3A_620, %dma_wait3A_621] : memref<10240x128xf32, #tpu.memory_space<vmem_shared>> -> memref<10240x128xf32, #tpu.memory_space<vmem_shared>>
      tpu.wait_indirect_dma semaphore(%arg34 : memref<!tpu.dma_semaphore, #tpu.memory_space<semaphore_mem>>) src(%arg15 : memref<80x128xf32, #tpu.memory_space<vmem>>) dst(%dma_wait3A_622 : memref<10240x128xf32, #tpu.memory_space<vmem_shared>>)
      %dma_wait3A_623 = arith.constant 12 : i32
      %dma_wait3A_624 = arith.constant 0 : i32
      %dma_wait3A_625 = tpu.memref_slice %arg14[%dma_wait3A_623, %dma_wait3A_624] : memref<16x80xi32, #tpu.memory_space<vmem>> -> memref<1x80xi32, #tpu.memory_space<vmem>>
      %dma_wait3A_626 = tpu.memref_squeeze %dma_wait3A_625 : memref<1x80xi32, #tpu.memory_space<vmem>> -> memref<80xi32, #tpu.memory_space<vmem>>
      %dma_wait3A_627 = arith.constant 0 : i32
      %dma_wait3A_628 = arith.constant 0 : i32
      %dma_wait3A_629 = tpu.memref_slice %arg19[%dma_wait3A_627, %dma_wait3A_628] : memref<10240x128xf32, #tpu.memory_space<vmem_shared>> -> memref<10240x128xf32, #tpu.memory_space<vmem_shared>>
      tpu.wait_indirect_dma semaphore(%arg34 : memref<!tpu.dma_semaphore, #tpu.memory_space<semaphore_mem>>) src(%arg15 : memref<80x128xf32, #tpu.memory_space<vmem>>) dst(%dma_wait3A_629 : memref<10240x128xf32, #tpu.memory_space<vmem_shared>>)
      %dma_wait3A_630 = arith.constant 13 : i32
      %dma_wait3A_631 = arith.constant 0 : i32
      %dma_wait3A_632 = tpu.memref_slice %arg14[%dma_wait3A_630, %dma_wait3A_631] : memref<16x80xi32, #tpu.memory_space<vmem>> -> memref<1x80xi32, #tpu.memory_space<vmem>>
      %dma_wait3A_633 = tpu.memref_squeeze %dma_wait3A_632 : memref<1x80xi32, #tpu.memory_space<vmem>> -> memref<80xi32, #tpu.memory_space<vmem>>
      %dma_wait3A_634 = arith.constant 0 : i32
      %dma_wait3A_635 = arith.constant 0 : i32
      %dma_wait3A_636 = tpu.memref_slice %arg19[%dma_wait3A_634, %dma_wait3A_635] : memref<10240x128xf32, #tpu.memory_space<vmem_shared>> -> memref<10240x128xf32, #tpu.memory_space<vmem_shared>>
      tpu.wait_indirect_dma semaphore(%arg34 : memref<!tpu.dma_semaphore, #tpu.memory_space<semaphore_mem>>) src(%arg15 : memref<80x128xf32, #tpu.memory_space<vmem>>) dst(%dma_wait3A_636 : memref<10240x128xf32, #tpu.memory_space<vmem_shared>>)
      %dma_wait3A_637 = arith.constant 14 : i32
      %dma_wait3A_638 = arith.constant 0 : i32
      %dma_wait3A_639 = tpu.memref_slice %arg14[%dma_wait3A_637, %dma_wait3A_638] : memref<16x80xi32, #tpu.memory_space<vmem>> -> memref<1x80xi32, #tpu.memory_space<vmem>>
      %dma_wait3A_640 = tpu.memref_squeeze %dma_wait3A_639 : memref<1x80xi32, #tpu.memory_space<vmem>> -> memref<80xi32, #tpu.memory_space<vmem>>
      %dma_wait3A_641 = arith.constant 0 : i32
      %dma_wait3A_642 = arith.constant 0 : i32
      %dma_wait3A_643 = tpu.memref_slice %arg19[%dma_wait3A_641, %dma_wait3A_642] : memref<10240x128xf32, #tpu.memory_space<vmem_shared>> -> memref<10240x128xf32, #tpu.memory_space<vmem_shared>>
      tpu.wait_indirect_dma semaphore(%arg34 : memref<!tpu.dma_semaphore, #tpu.memory_space<semaphore_mem>>) src(%arg15 : memref<80x128xf32, #tpu.memory_space<vmem>>) dst(%dma_wait3A_643 : memref<10240x128xf32, #tpu.memory_space<vmem_shared>>)
      %dma_wait3A_644 = arith.constant 15 : i32
      %dma_wait3A_645 = arith.constant 0 : i32
      %dma_wait3A_646 = tpu.memref_slice %arg14[%dma_wait3A_644, %dma_wait3A_645] : memref<16x80xi32, #tpu.memory_space<vmem>> -> memref<1x80xi32, #tpu.memory_space<vmem>>
      %dma_wait3A_647 = tpu.memref_squeeze %dma_wait3A_646 : memref<1x80xi32, #tpu.memory_space<vmem>> -> memref<80xi32, #tpu.memory_space<vmem>>
      %dma_wait3A_648 = arith.constant 0 : i32
      %dma_wait3A_649 = arith.constant 0 : i32
      %dma_wait3A_650 = tpu.memref_slice %arg19[%dma_wait3A_648, %dma_wait3A_649] : memref<10240x128xf32, #tpu.memory_space<vmem_shared>> -> memref<10240x128xf32, #tpu.memory_space<vmem_shared>>
      tpu.wait_indirect_dma semaphore(%arg34 : memref<!tpu.dma_semaphore, #tpu.memory_space<semaphore_mem>>) src(%arg15 : memref<80x128xf32, #tpu.memory_space<vmem>>) dst(%dma_wait3A_650 : memref<10240x128xf32, #tpu.memory_space<vmem_shared>>)
      %add3A_651 = arith.constant 2 : i32
      %add3A_652 = arith.addi %add3A_418, %add3A_651 : i32
      %lt3A_653 = arith.constant 8 : i32
      %lt3A_654 = arith.cmpi slt, %add3A_652, %lt3A_653 : i32
      %convert_element_type3A_655 = arith.extui %lt3A_654 : i1 to i32
      %cond3A_656 = arith.constant 0 : i32
      %cond3A_657 = arith.cmpi ne, %convert_element_type3A_655, %cond3A_656 : i32
      scf.if %cond3A_657 {
        %add3A_659 = arith.constant 2 : i32
        %add3A_660 = arith.addi %add3A_418, %add3A_659 : i32
        %mul3A_661 = arith.constant 16 : i32
        %mul3A_662 = arith.muli %mul3A_661, %add3A_660 : i32
        %dma_start3A_663 = arith.constant 0 : i32
        %dma_start3A_664 = tpu.memref_slice %arg4[%add3A, %mul3A_662, %dma_start3A_663] : memref<32x128x80xi32, #tpu.memory_space<hbm>> -> memref<1x16x80xi32, #tpu.memory_space<hbm>>
        %dma_start3A_665 = tpu.memref_squeeze %dma_start3A_664 : memref<1x16x80xi32, #tpu.memory_space<hbm>> -> memref<16x80xi32, #tpu.memory_space<hbm>>
        %dma_start3A_666 = arith.constant 0 : i32
        %dma_start3A_667 = tpu.memref_slice %arg4[%add3A, %mul3A_662, %dma_start3A_666] : memref<32x128x80xi32, #tpu.memory_space<hbm>> -> memref<1x16x80xi32, #tpu.memory_space<hbm>>
        %dma_start3A_668 = tpu.memref_squeeze %dma_start3A_667 : memref<1x16x80xi32, #tpu.memory_space<hbm>> -> memref<16x80xi32, #tpu.memory_space<hbm>>
        tpu.enqueue_dma source(%dma_start3A_668 : memref<16x80xi32, #tpu.memory_space<hbm>>) target(%arg14 : memref<16x80xi32, #tpu.memory_space<vmem>>) target_semaphore(%arg33 : memref<!tpu.dma_semaphore, #tpu.memory_space<semaphore_mem>>)
      } else {
      }
      %scan3A_658 = arith.constant 0 : i32
      scf.yield %scan3A_658 : i32
    }
    %scan3A_173 = arith.constant 4 : i32
    %barrier3A_174 = arith.constant 0 : index
    tpu.barrier barrier_id(%barrier3A_174)
    "tpu.region"() ({
      %run_scoped3A = tpu.sem_alloc : memref<!tpu.dma_semaphore, #tpu.memory_space<semaphore_mem>>
      %dma_start3A_175 = arith.constant 0 : i32
      %dma_start3A_176 = tpu.memref_slice %arg6[%arg0, %mul3A_128, %dma_start3A_175] : memref<2x10240x128xf32, #tpu.memory_space<hbm>> -> memref<1x640x128xf32, #tpu.memory_space<hbm>>
      %dma_start3A_177 = tpu.memref_squeeze %dma_start3A_176 : memref<1x640x128xf32, #tpu.memory_space<hbm>> -> memref<640x128xf32, #tpu.memory_space<hbm>>
      %dma_start3A_178 = arith.constant 0 : i32
      %dma_start3A_179 = tpu.memref_slice %arg19[%mul3A_128, %dma_start3A_178] : memref<10240x128xf32, #tpu.memory_space<vmem_shared>> -> memref<640x128xf32, #tpu.memory_space<vmem_shared>>
      tpu.enqueue_dma source(%dma_start3A_179 : memref<640x128xf32, #tpu.memory_space<vmem_shared>>) target(%dma_start3A_177 : memref<640x128xf32, #tpu.memory_space<hbm>>) target_semaphore(%run_scoped3A : memref<!tpu.dma_semaphore, #tpu.memory_space<semaphore_mem>>)
      %dma_wait3A_180 = arith.constant 0 : i32
      %dma_wait3A_181 = tpu.memref_slice %arg6[%arg0, %mul3A_128, %dma_wait3A_180] : memref<2x10240x128xf32, #tpu.memory_space<hbm>> -> memref<1x640x128xf32, #tpu.memory_space<hbm>>
      %dma_wait3A_182 = tpu.memref_squeeze %dma_wait3A_181 : memref<1x640x128xf32, #tpu.memory_space<hbm>> -> memref<640x128xf32, #tpu.memory_space<hbm>>
      %dma_wait3A_183 = arith.constant 0 : i32
      %dma_wait3A_184 = tpu.memref_slice %arg19[%mul3A_128, %dma_wait3A_183] : memref<10240x128xf32, #tpu.memory_space<vmem_shared>> -> memref<640x128xf32, #tpu.memory_space<vmem_shared>>
      tpu.wait_dma2 semaphore(%run_scoped3A : memref<!tpu.dma_semaphore, #tpu.memory_space<semaphore_mem>>) src(%dma_wait3A_184 : memref<640x128xf32, #tpu.memory_space<vmem_shared>>) dst(%dma_wait3A_182 : memref<640x128xf32, #tpu.memory_space<hbm>>)
      tpu.yield
    }) : () -> ()
    return
  }
}

#map = affine_map<(d0, d1) -> (0, 0)>
#map1 = affine_map<(d0, d1) -> (0, 0, 0)>
module attributes {stable_mosaic.version = 14 : i64} {
  func.func @k(%arg0: i32, %arg1: i32, %arg2: memref<10000x128xf32, #tpu.memory_space<hbm>>, %arg3: memref<32x128x80xi32, #tpu.memory_space<hbm>>, %arg4: memref<32x128x80xi32, #tpu.memory_space<hbm>>, %arg5: memref<2x10240x128xf32, #tpu.memory_space<hbm>>, %arg6: memref<2x10240x128xf32, #tpu.memory_space<hbm>>, %arg7: memref<80xi32, #tpu.memory_space<vmem>>, %arg8: memref<80xi32, #tpu.memory_space<vmem>>, %arg9: memref<80xi32, #tpu.memory_space<vmem>>, %arg10: memref<80xi32, #tpu.memory_space<vmem>>, %arg11: memref<80xi32, #tpu.memory_space<vmem>>, %arg12: memref<80xi32, #tpu.memory_space<vmem>>, %arg13: memref<16x80xi32, #tpu.memory_space<vmem>>, %arg14: memref<16x80xi32, #tpu.memory_space<vmem>>, %arg15: memref<80x128xf32, #tpu.memory_space<vmem>>, %arg16: memref<80x128xf32, #tpu.memory_space<vmem>>, %arg17: memref<80x128xf32, #tpu.memory_space<vmem>>, %arg18: memref<8x128xf32, #tpu.memory_space<vmem>>, %arg19: memref<10240x128xf32, #tpu.memory_space<vmem_shared>>, %arg20: memref<!tpu.dma_semaphore, #tpu.memory_space<semaphore_mem>>, %arg21: memref<!tpu.dma_semaphore, #tpu.memory_space<semaphore_mem>>, %arg22: memref<!tpu.dma_semaphore, #tpu.memory_space<semaphore_mem>>, %arg23: memref<!tpu.dma_semaphore, #tpu.memory_space<semaphore_mem>>, %arg24: memref<!tpu.dma_semaphore, #tpu.memory_space<semaphore_mem>>, %arg25: memref<!tpu.dma_semaphore, #tpu.memory_space<semaphore_mem>>, %arg26: memref<!tpu.dma_semaphore, #tpu.memory_space<semaphore_mem>>, %arg27: memref<!tpu.dma_semaphore, #tpu.memory_space<semaphore_mem>>, %arg28: memref<!tpu.dma_semaphore, #tpu.memory_space<semaphore_mem>>, %arg29: memref<!tpu.dma_semaphore, #tpu.memory_space<semaphore_mem>>, %arg30: memref<!tpu.dma_semaphore, #tpu.memory_space<semaphore_mem>>, %arg31: memref<!tpu.dma_semaphore, #tpu.memory_space<semaphore_mem>>, %arg32: memref<!tpu.dma_semaphore, #tpu.memory_space<semaphore_mem>>, %arg33: memref<!tpu.dma_semaphore, #tpu.memory_space<semaphore_mem>>, %arg34: memref<!tpu.dma_semaphore, #tpu.memory_space<semaphore_mem>>, %arg35: memref<!tpu.dma_semaphore, #tpu.memory_space<semaphore_mem>>) attributes {dimension_semantics = [#tpu.dimension_semantics<core_parallel>, #tpu.dimension_semantics<subcore_parallel>], iteration_bounds = array<i64: 2, 16>, scalar_prefetch = 0 : i64, scratch_operands = 29 : i64, tpu.core_type = #tpu.core_type<sc_vector_subcore>, window_params = [{transform_indices = #map}, {transform_indices = #map1}, {transform_indices = #map1}, {transform_indices = #map1}, {transform_indices = #map1}]} {
    %mul3A = arith.constant 2 : i32
    %mul3A_0 = arith.muli %arg1, %mul3A : i32
    %add3A = arith.addi %mul3A_0, %arg0 : i32
    %broadcast_in_dim3A = arith.constant 0.000000e+00 : f32
    %broadcast_in_dim3A_1 = vector.broadcast %broadcast_in_dim3A : f32 to vector<16xf32>
    %broadcast_in_dim3A_2 = arith.constant 1.000000e+00 : f32
    %broadcast_in_dim3A_3 = vector.broadcast %broadcast_in_dim3A_2 : f32 to vector<16xf32>
    %scan3A = arith.constant 0 : i32
    %scan3A_4 = arith.constant 0 : i32
    %scan3A_5 = arith.constant 64 : i32
    %scan3A_6 = arith.addi %scan3A_4, %scan3A_5 : i32
    %scan3A_7 = arith.constant 1 : i32
    %scan3A_8 = scf.for %scan3A_175 = %scan3A_4 to %scan3A_6 step %scan3A_7 iter_args(%scan3A_176 = %scan3A) -> (i32)  : i32 {
      %jit3A = arith.constant 8 : i32
      %div3A = arith.divsi %scan3A_175, %jit3A : i32
      %sign3A = arith.constant 0 : i32
      %sign3A_177 = arith.cmpi sgt, %scan3A_175, %sign3A : i32
      %sign3A_178 = arith.extui %sign3A_177 : i1 to i32
      %sign3A_179 = arith.constant 0 : i32
      %sign3A_180 = arith.cmpi slt, %scan3A_175, %sign3A_179 : i32
      %sign3A_181 = arith.extui %sign3A_180 : i1 to i32
      %sign3A_182 = arith.subi %sign3A_178, %sign3A_181 : i32
      %sign3A_183 = arith.constant 0 : i32
      %sign3A_184 = arith.cmpi sgt, %jit3A, %sign3A_183 : i32
      %sign3A_185 = arith.extui %sign3A_184 : i1 to i32
      %sign3A_186 = arith.constant 0 : i32
      %sign3A_187 = arith.cmpi slt, %jit3A, %sign3A_186 : i32
      %sign3A_188 = arith.extui %sign3A_187 : i1 to i32
      %sign3A_189 = arith.subi %sign3A_185, %sign3A_188 : i32
      %ne3A = arith.cmpi ne, %sign3A_182, %sign3A_189 : i32
      %rem3A = arith.remsi %scan3A_175, %jit3A : i32
      %ne3A_190 = arith.constant 0 : i32
      %ne3A_191 = arith.cmpi ne, %rem3A, %ne3A_190 : i32
      %and3A = arith.andi %ne3A, %ne3A_191 : i1
      %sub3A = arith.constant 1 : i32
      %sub3A_192 = arith.subi %div3A, %sub3A : i32
      %select_n3A = arith.select %and3A, %sub3A_192, %div3A : i32
      %jit3A_193 = arith.constant 8 : i32
      %eq3A = arith.constant 0 : i32
      %eq3A_194 = arith.cmpi eq, %jit3A_193, %eq3A : i32
      %jit3A_195 = arith.constant 1 : i32
      %select_n3A_196 = arith.select %eq3A_194, %jit3A_195, %jit3A_193 : i32
      %rem3A_197 = arith.remsi %scan3A_175, %select_n3A_196 : i32
      %ne3A_198 = arith.constant 0 : i32
      %ne3A_199 = arith.cmpi ne, %rem3A_197, %ne3A_198 : i32
      %lt3A = arith.constant 0 : i32
      %lt3A_200 = arith.cmpi slt, %rem3A_197, %lt3A : i32
      %lt3A_201 = arith.constant 0 : i32
      %lt3A_202 = arith.cmpi slt, %select_n3A_196, %lt3A_201 : i32
      %ne3A_203 = arith.xori %lt3A_200, %lt3A_202 : i1
      %and3A_204 = arith.andi %ne3A_203, %ne3A_199 : i1
      %add3A_205 = arith.addi %rem3A_197, %select_n3A_196 : i32
      %select_n3A_206 = arith.select %and3A_204, %add3A_205, %rem3A_197 : i32
      %mul3A_207 = arith.constant 16 : i32
      %mul3A_208 = arith.muli %select_n3A_206, %mul3A_207 : i32
      %swap3A = arith.index_cast %select_n3A : i32 to index
      %swap3A_209 = arith.index_cast %mul3A_208 : i32 to index
      %swap3A_210 = tpu.vector_load %arg18[%swap3A, %swap3A_209] {strides = array<i32>} : memref<8x128xf32, #tpu.memory_space<vmem>>, vector<1x16xf32>,
      %swap3A_211 = vector.shape_cast %swap3A_210 : vector<1x16xf32> to vector<16xf32>
      %swap3A_212 = vector.shape_cast %broadcast_in_dim3A_1 : vector<16xf32> to vector<1x16xf32>
      tpu.vector_store %arg18[%swap3A, %swap3A_209], %swap3A_212 {strides = array<i32>} : memref<8x128xf32, #tpu.memory_space<vmem>>, vector<1x16xf32>,
      %scan3A_213 = arith.constant 0 : i32
      scf.yield %scan3A_213 : i32
    }
    %scan3A_9 = arith.constant 64 : i32
    %dma_start3A = arith.constant 0 : i32
    %dma_start3A_10 = arith.constant 0 : i32
    %dma_start3A_11 = tpu.memref_slice %arg3[%add3A, %dma_start3A, %dma_start3A_10] : memref<32x128x80xi32, #tpu.memory_space<hbm>> -> memref<1x1x80xi32, #tpu.memory_space<hbm>>
    %dma_start3A_12 = tpu.memref_squeeze %dma_start3A_11 : memref<1x1x80xi32, #tpu.memory_space<hbm>> -> memref<80xi32, #tpu.memory_space<hbm>>
    %dma_start3A_13 = arith.constant 0 : i32
    %dma_start3A_14 = tpu.memref_slice %arg3[%add3A, %dma_start3A, %dma_start3A_13] : memref<32x128x80xi32, #tpu.memory_space<hbm>> -> memref<1x1x80xi32, #tpu.memory_space<hbm>>
    %dma_start3A_15 = tpu.memref_squeeze %dma_start3A_14 : memref<1x1x80xi32, #tpu.memory_space<hbm>> -> memref<80xi32, #tpu.memory_space<hbm>>
    tpu.enqueue_dma source(%dma_start3A_15 : memref<80xi32, #tpu.memory_space<hbm>>) target(%arg7 : memref<80xi32, #tpu.memory_space<vmem>>) target_semaphore(%arg23 : memref<!tpu.dma_semaphore, #tpu.memory_space<semaphore_mem>>)
    %dma_start3A_16 = arith.constant 0 : i32
    %dma_start3A_17 = arith.constant 0 : i32
    %dma_start3A_18 = tpu.memref_slice %arg4[%add3A, %dma_start3A_16, %dma_start3A_17] : memref<32x128x80xi32, #tpu.memory_space<hbm>> -> memref<1x1x80xi32, #tpu.memory_space<hbm>>
    %dma_start3A_19 = tpu.memref_squeeze %dma_start3A_18 : memref<1x1x80xi32, #tpu.memory_space<hbm>> -> memref<80xi32, #tpu.memory_space<hbm>>
    %dma_start3A_20 = arith.constant 0 : i32
    %dma_start3A_21 = tpu.memref_slice %arg4[%add3A, %dma_start3A_16, %dma_start3A_20] : memref<32x128x80xi32, #tpu.memory_space<hbm>> -> memref<1x1x80xi32, #tpu.memory_space<hbm>>
    %dma_start3A_22 = tpu.memref_squeeze %dma_start3A_21 : memref<1x1x80xi32, #tpu.memory_space<hbm>> -> memref<80xi32, #tpu.memory_space<hbm>>
    tpu.enqueue_dma source(%dma_start3A_22 : memref<80xi32, #tpu.memory_space<hbm>>) target(%arg10 : memref<80xi32, #tpu.memory_space<vmem>>) target_semaphore(%arg26 : memref<!tpu.dma_semaphore, #tpu.memory_space<semaphore_mem>>)
    %dma_start3A_23 = arith.constant 1 : i32
    %dma_start3A_24 = arith.constant 0 : i32
    %dma_start3A_25 = tpu.memref_slice %arg3[%add3A, %dma_start3A_23, %dma_start3A_24] : memref<32x128x80xi32, #tpu.memory_space<hbm>> -> memref<1x1x80xi32, #tpu.memory_space<hbm>>
    %dma_start3A_26 = tpu.memref_squeeze %dma_start3A_25 : memref<1x1x80xi32, #tpu.memory_space<hbm>> -> memref<80xi32, #tpu.memory_space<hbm>>
    %dma_start3A_27 = arith.constant 0 : i32
    %dma_start3A_28 = tpu.memref_slice %arg3[%add3A, %dma_start3A_23, %dma_start3A_27] : memref<32x128x80xi32, #tpu.memory_space<hbm>> -> memref<1x1x80xi32, #tpu.memory_space<hbm>>
    %dma_start3A_29 = tpu.memref_squeeze %dma_start3A_28 : memref<1x1x80xi32, #tpu.memory_space<hbm>> -> memref<80xi32, #tpu.memory_space<hbm>>
    tpu.enqueue_dma source(%dma_start3A_29 : memref<80xi32, #tpu.memory_space<hbm>>) target(%arg8 : memref<80xi32, #tpu.memory_space<vmem>>) target_semaphore(%arg24 : memref<!tpu.dma_semaphore, #tpu.memory_space<semaphore_mem>>)
    %dma_start3A_30 = arith.constant 1 : i32
    %dma_start3A_31 = arith.constant 0 : i32
    %dma_start3A_32 = tpu.memref_slice %arg4[%add3A, %dma_start3A_30, %dma_start3A_31] : memref<32x128x80xi32, #tpu.memory_space<hbm>> -> memref<1x1x80xi32, #tpu.memory_space<hbm>>
    %dma_start3A_33 = tpu.memref_squeeze %dma_start3A_32 : memref<1x1x80xi32, #tpu.memory_space<hbm>> -> memref<80xi32, #tpu.memory_space<hbm>>
    %dma_start3A_34 = arith.constant 0 : i32
    %dma_start3A_35 = tpu.memref_slice %arg4[%add3A, %dma_start3A_30, %dma_start3A_34] : memref<32x128x80xi32, #tpu.memory_space<hbm>> -> memref<1x1x80xi32, #tpu.memory_space<hbm>>
    %dma_start3A_36 = tpu.memref_squeeze %dma_start3A_35 : memref<1x1x80xi32, #tpu.memory_space<hbm>> -> memref<80xi32, #tpu.memory_space<hbm>>
    tpu.enqueue_dma source(%dma_start3A_36 : memref<80xi32, #tpu.memory_space<hbm>>) target(%arg11 : memref<80xi32, #tpu.memory_space<vmem>>) target_semaphore(%arg27 : memref<!tpu.dma_semaphore, #tpu.memory_space<semaphore_mem>>)
    %dma_start3A_37 = arith.constant 2 : i32
    %dma_start3A_38 = arith.constant 0 : i32
    %dma_start3A_39 = tpu.memref_slice %arg3[%add3A, %dma_start3A_37, %dma_start3A_38] : memref<32x128x80xi32, #tpu.memory_space<hbm>> -> memref<1x1x80xi32, #tpu.memory_space<hbm>>
    %dma_start3A_40 = tpu.memref_squeeze %dma_start3A_39 : memref<1x1x80xi32, #tpu.memory_space<hbm>> -> memref<80xi32, #tpu.memory_space<hbm>>
    %dma_start3A_41 = arith.constant 0 : i32
    %dma_start3A_42 = tpu.memref_slice %arg3[%add3A, %dma_start3A_37, %dma_start3A_41] : memref<32x128x80xi32, #tpu.memory_space<hbm>> -> memref<1x1x80xi32, #tpu.memory_space<hbm>>
    %dma_start3A_43 = tpu.memref_squeeze %dma_start3A_42 : memref<1x1x80xi32, #tpu.memory_space<hbm>> -> memref<80xi32, #tpu.memory_space<hbm>>
    tpu.enqueue_dma source(%dma_start3A_43 : memref<80xi32, #tpu.memory_space<hbm>>) target(%arg9 : memref<80xi32, #tpu.memory_space<vmem>>) target_semaphore(%arg25 : memref<!tpu.dma_semaphore, #tpu.memory_space<semaphore_mem>>)
    %dma_start3A_44 = arith.constant 2 : i32
    %dma_start3A_45 = arith.constant 0 : i32
    %dma_start3A_46 = tpu.memref_slice %arg4[%add3A, %dma_start3A_44, %dma_start3A_45] : memref<32x128x80xi32, #tpu.memory_space<hbm>> -> memref<1x1x80xi32, #tpu.memory_space<hbm>>
    %dma_start3A_47 = tpu.memref_squeeze %dma_start3A_46 : memref<1x1x80xi32, #tpu.memory_space<hbm>> -> memref<80xi32, #tpu.memory_space<hbm>>
    %dma_start3A_48 = arith.constant 0 : i32
    %dma_start3A_49 = tpu.memref_slice %arg4[%add3A, %dma_start3A_44, %dma_start3A_48] : memref<32x128x80xi32, #tpu.memory_space<hbm>> -> memref<1x1x80xi32, #tpu.memory_space<hbm>>
    %dma_start3A_50 = tpu.memref_squeeze %dma_start3A_49 : memref<1x1x80xi32, #tpu.memory_space<hbm>> -> memref<80xi32, #tpu.memory_space<hbm>>
    tpu.enqueue_dma source(%dma_start3A_50 : memref<80xi32, #tpu.memory_space<hbm>>) target(%arg12 : memref<80xi32, #tpu.memory_space<vmem>>) target_semaphore(%arg28 : memref<!tpu.dma_semaphore, #tpu.memory_space<semaphore_mem>>)
    %dma_wait3A = arith.constant 0 : i32
    %dma_wait3A_51 = arith.constant 0 : i32
    %dma_wait3A_52 = tpu.memref_slice %arg3[%add3A, %dma_wait3A, %dma_wait3A_51] : memref<32x128x80xi32, #tpu.memory_space<hbm>> -> memref<1x1x80xi32, #tpu.memory_space<hbm>>
    %dma_wait3A_53 = tpu.memref_squeeze %dma_wait3A_52 : memref<1x1x80xi32, #tpu.memory_space<hbm>> -> memref<80xi32, #tpu.memory_space<hbm>>
    %dma_wait3A_54 = arith.constant 0 : i32
    %dma_wait3A_55 = tpu.memref_slice %arg3[%add3A, %dma_wait3A, %dma_wait3A_54] : memref<32x128x80xi32, #tpu.memory_space<hbm>> -> memref<1x1x80xi32, #tpu.memory_space<hbm>>
    %dma_wait3A_56 = tpu.memref_squeeze %dma_wait3A_55 : memref<1x1x80xi32, #tpu.memory_space<hbm>> -> memref<80xi32, #tpu.memory_space<hbm>>
    tpu.wait_dma2 semaphore(%arg23 : memref<!tpu.dma_semaphore, #tpu.memory_space<semaphore_mem>>) src(%dma_wait3A_56 : memref<80xi32, #tpu.memory_space<hbm>>) dst(%arg7 : memref<80xi32, #tpu.memory_space<vmem>>)
    %dma_start3A_57 = arith.constant 0 : i32
    %dma_start3A_58 = arith.constant 0 : i32
    %dma_start3A_59 = tpu.memref_slice %arg2[%dma_start3A_57, %dma_start3A_58] : memref<10000x128xf32, #tpu.memory_space<hbm>> -> memref<10000x128xf32, #tpu.memory_space<hbm>>
    tpu.enqueue_indirect_dma source(%dma_start3A_59 : memref<10000x128xf32, #tpu.memory_space<hbm>>) target(%arg15 : memref<80x128xf32, #tpu.memory_space<vmem>>) offsets(%arg7 : memref<80xi32, #tpu.memory_space<vmem>>) semaphore(%arg20 : memref<!tpu.dma_semaphore, #tpu.memory_space<semaphore_mem>>)
    %dma_wait3A_60 = arith.constant 1 : i32
    %dma_wait3A_61 = arith.constant 0 : i32
    %dma_wait3A_62 = tpu.memref_slice %arg3[%add3A, %dma_wait3A_60, %dma_wait3A_61] : memref<32x128x80xi32, #tpu.memory_space<hbm>> -> memref<1x1x80xi32, #tpu.memory_space<hbm>>
    %dma_wait3A_63 = tpu.memref_squeeze %dma_wait3A_62 : memref<1x1x80xi32, #tpu.memory_space<hbm>> -> memref<80xi32, #tpu.memory_space<hbm>>
    %dma_wait3A_64 = arith.constant 0 : i32
    %dma_wait3A_65 = tpu.memref_slice %arg3[%add3A, %dma_wait3A_60, %dma_wait3A_64] : memref<32x128x80xi32, #tpu.memory_space<hbm>> -> memref<1x1x80xi32, #tpu.memory_space<hbm>>
    %dma_wait3A_66 = tpu.memref_squeeze %dma_wait3A_65 : memref<1x1x80xi32, #tpu.memory_space<hbm>> -> memref<80xi32, #tpu.memory_space<hbm>>
    tpu.wait_dma2 semaphore(%arg24 : memref<!tpu.dma_semaphore, #tpu.memory_space<semaphore_mem>>) src(%dma_wait3A_66 : memref<80xi32, #tpu.memory_space<hbm>>) dst(%arg8 : memref<80xi32, #tpu.memory_space<vmem>>)
    %dma_start3A_67 = arith.constant 0 : i32
    %dma_start3A_68 = arith.constant 0 : i32
    %dma_start3A_69 = tpu.memref_slice %arg2[%dma_start3A_67, %dma_start3A_68] : memref<10000x128xf32, #tpu.memory_space<hbm>> -> memref<10000x128xf32, #tpu.memory_space<hbm>>
    tpu.enqueue_indirect_dma source(%dma_start3A_69 : memref<10000x128xf32, #tpu.memory_space<hbm>>) target(%arg16 : memref<80x128xf32, #tpu.memory_space<vmem>>) offsets(%arg8 : memref<80xi32, #tpu.memory_space<vmem>>) semaphore(%arg21 : memref<!tpu.dma_semaphore, #tpu.memory_space<semaphore_mem>>)
    %scan3A_70 = arith.constant 0 : i32
    %scan3A_71 = arith.constant 0 : i32
    %scan3A_72 = arith.constant 80 : i32
    %scan3A_73 = arith.addi %scan3A_71, %scan3A_72 : i32
    %scan3A_74 = arith.constant 1 : i32
    %scan3A_75 = scf.for %scan3A_175 = %scan3A_71 to %scan3A_73 step %scan3A_74 iter_args(%scan3A_176 = %scan3A_70) -> (i32)  : i32 {
      %mul3A_177 = arith.constant 640 : i32
      %mul3A_178 = arith.muli %arg1, %mul3A_177 : i32
      %mul3A_179 = arith.constant 8 : i32
      %mul3A_180 = arith.muli %scan3A_175, %mul3A_179 : i32
      %add3A_181 = arith.addi %mul3A_178, %mul3A_180 : i32
      %dma_start3A_182 = arith.constant 0 : i32
      %dma_start3A_183 = tpu.memref_slice %arg19[%add3A_181, %dma_start3A_182] : memref<10240x128xf32, #tpu.memory_space<vmem_shared>> -> memref<8x128xf32, #tpu.memory_space<vmem_shared>>
      %dma_start3A_184 = arith.constant 0 : i32
      %dma_start3A_185 = tpu.memref_slice %arg19[%add3A_181, %dma_start3A_184] : memref<10240x128xf32, #tpu.memory_space<vmem_shared>> -> memref<8x128xf32, #tpu.memory_space<vmem_shared>>
      tpu.enqueue_dma source(%arg18 : memref<8x128xf32, #tpu.memory_space<vmem>>) target(%dma_start3A_185 : memref<8x128xf32, #tpu.memory_space<vmem_shared>>) target_semaphore(%arg35 : memref<!tpu.dma_semaphore, #tpu.memory_space<semaphore_mem>>)
      %scan3A_186 = arith.constant 0 : i32
      scf.yield %scan3A_186 : i32
    }
    %scan3A_76 = arith.constant 80 : i32
    %scan3A_77 = arith.constant 0 : i32
    %scan3A_78 = arith.constant 0 : i32
    %scan3A_79 = arith.constant 80 : i32
    %scan3A_80 = arith.addi %scan3A_78, %scan3A_79 : i32
    %scan3A_81 = arith.constant 1 : i32
    %scan3A_82 = scf.for %scan3A_175 = %scan3A_78 to %scan3A_80 step %scan3A_81 iter_args(%scan3A_176 = %scan3A_77) -> (i32)  : i32 {
      %mul3A_177 = arith.constant 640 : i32
      %mul3A_178 = arith.muli %arg1, %mul3A_177 : i32
      %mul3A_179 = arith.constant 8 : i32
      %mul3A_180 = arith.muli %scan3A_175, %mul3A_179 : i32
      %add3A_181 = arith.addi %mul3A_178, %mul3A_180 : i32
      %dma_wait3A_182 = arith.constant 0 : i32
      %dma_wait3A_183 = tpu.memref_slice %arg19[%add3A_181, %dma_wait3A_182] : memref<10240x128xf32, #tpu.memory_space<vmem_shared>> -> memref<8x128xf32, #tpu.memory_space<vmem_shared>>
      %dma_wait3A_184 = arith.constant 0 : i32
      %dma_wait3A_185 = tpu.memref_slice %arg19[%add3A_181, %dma_wait3A_184] : memref<10240x128xf32, #tpu.memory_space<vmem_shared>> -> memref<8x128xf32, #tpu.memory_space<vmem_shared>>
      tpu.wait_dma2 semaphore(%arg35 : memref<!tpu.dma_semaphore, #tpu.memory_space<semaphore_mem>>) src(%arg18 : memref<8x128xf32, #tpu.memory_space<vmem>>) dst(%dma_wait3A_185 : memref<8x128xf32, #tpu.memory_space<vmem_shared>>)
      %scan3A_186 = arith.constant 0 : i32
      scf.yield %scan3A_186 : i32
    }
    %scan3A_83 = arith.constant 80 : i32
    %barrier3A = arith.constant 0 : index
    tpu.barrier barrier_id(%barrier3A)
    %scan3A_84 = arith.constant 0 : i32
    %scan3A_85 = arith.constant 0 : i32
    %scan3A_86 = arith.constant 42 : i32
    %scan3A_87 = arith.addi %scan3A_85, %scan3A_86 : i32
    %scan3A_88 = arith.constant 1 : i32
    %scan3A_89 = scf.for %scan3A_175 = %scan3A_85 to %scan3A_87 step %scan3A_88 iter_args(%scan3A_176 = %scan3A_84) -> (i32)  : i32 {
      %mul3A_177 = arith.constant 3 : i32
      %mul3A_178 = arith.muli %mul3A_177, %scan3A_175 : i32
      %add3A_179 = arith.constant 0 : i32
      %add3A_180 = arith.addi %mul3A_178, %add3A_179 : i32
      %dma_wait3A_181 = arith.constant 0 : i32
      %dma_wait3A_182 = arith.constant 0 : i32
      %dma_wait3A_183 = tpu.memref_slice %arg2[%dma_wait3A_181, %dma_wait3A_182] : memref<10000x128xf32, #tpu.memory_space<hbm>> -> memref<10000x128xf32, #tpu.memory_space<hbm>>
      tpu.wait_indirect_dma semaphore(%arg20 : memref<!tpu.dma_semaphore, #tpu.memory_space<semaphore_mem>>) src(%dma_wait3A_183 : memref<10000x128xf32, #tpu.memory_space<hbm>>) dst(%arg15 : memref<80x128xf32, #tpu.memory_space<vmem>>)
      %gt3A = arith.constant 0 : i32
      %gt3A_184 = arith.cmpi sgt, %add3A_180, %gt3A : i32
      %convert_element_type3A = arith.extui %gt3A_184 : i1 to i32
      %cond3A = arith.constant 0 : i32
      %cond3A_185 = arith.cmpi ne, %convert_element_type3A, %cond3A : i32
      scf.if %cond3A_185 {
        %dma_wait3A_300 = arith.constant 0 : i32
        %dma_wait3A_301 = arith.constant 0 : i32
        %dma_wait3A_302 = tpu.memref_slice %arg19[%dma_wait3A_300, %dma_wait3A_301] : memref<10240x128xf32, #tpu.memory_space<vmem_shared>> -> memref<10240x128xf32, #tpu.memory_space<vmem_shared>>
        tpu.wait_indirect_dma semaphore(%arg31 : memref<!tpu.dma_semaphore, #tpu.memory_space<semaphore_mem>>) src(%arg17 : memref<80x128xf32, #tpu.memory_space<vmem>>) dst(%dma_wait3A_302 : memref<10240x128xf32, #tpu.memory_space<vmem_shared>>)
      } else {
      }
      %add3A_186 = arith.constant 2 : i32
      %add3A_187 = arith.addi %add3A_180, %add3A_186 : i32
      %lt3A = arith.constant 128 : i32
      %lt3A_188 = arith.cmpi slt, %add3A_187, %lt3A : i32
      %convert_element_type3A_189 = arith.extui %lt3A_188 : i1 to i32
      %cond3A_190 = arith.constant 0 : i32
      %cond3A_191 = arith.cmpi ne, %convert_element_type3A_189, %cond3A_190 : i32
      scf.if %cond3A_191 {
        %add3A_300 = arith.constant 2 : i32
        %add3A_301 = arith.addi %add3A_180, %add3A_300 : i32
        %dma_wait3A_302 = arith.constant 0 : i32
        %dma_wait3A_303 = tpu.memref_slice %arg3[%add3A, %add3A_301, %dma_wait3A_302] : memref<32x128x80xi32, #tpu.memory_space<hbm>> -> memref<1x1x80xi32, #tpu.memory_space<hbm>>
        %dma_wait3A_304 = tpu.memref_squeeze %dma_wait3A_303 : memref<1x1x80xi32, #tpu.memory_space<hbm>> -> memref<80xi32, #tpu.memory_space<hbm>>
        %dma_wait3A_305 = arith.constant 0 : i32
        %dma_wait3A_306 = tpu.memref_slice %arg3[%add3A, %add3A_301, %dma_wait3A_305] : memref<32x128x80xi32, #tpu.memory_space<hbm>> -> memref<1x1x80xi32, #tpu.memory_space<hbm>>
        %dma_wait3A_307 = tpu.memref_squeeze %dma_wait3A_306 : memref<1x1x80xi32, #tpu.memory_space<hbm>> -> memref<80xi32, #tpu.memory_space<hbm>>
        tpu.wait_dma2 semaphore(%arg25 : memref<!tpu.dma_semaphore, #tpu.memory_space<semaphore_mem>>) src(%dma_wait3A_307 : memref<80xi32, #tpu.memory_space<hbm>>) dst(%arg9 : memref<80xi32, #tpu.memory_space<vmem>>)
        %dma_start3A_308 = arith.constant 0 : i32
        %dma_start3A_309 = arith.constant 0 : i32
        %dma_start3A_310 = tpu.memref_slice %arg2[%dma_start3A_308, %dma_start3A_309] : memref<10000x128xf32, #tpu.memory_space<hbm>> -> memref<10000x128xf32, #tpu.memory_space<hbm>>
        tpu.enqueue_indirect_dma source(%dma_start3A_310 : memref<10000x128xf32, #tpu.memory_space<hbm>>) target(%arg17 : memref<80x128xf32, #tpu.memory_space<vmem>>) offsets(%arg9 : memref<80xi32, #tpu.memory_space<vmem>>) semaphore(%arg22 : memref<!tpu.dma_semaphore, #tpu.memory_space<semaphore_mem>>)
      } else {
      }
      %add3A_192 = arith.constant 3 : i32
      %add3A_193 = arith.addi %add3A_180, %add3A_192 : i32
      %lt3A_194 = arith.constant 128 : i32
      %lt3A_195 = arith.cmpi slt, %add3A_193, %lt3A_194 : i32
      %convert_element_type3A_196 = arith.extui %lt3A_195 : i1 to i32
      %cond3A_197 = arith.constant 0 : i32
      %cond3A_198 = arith.cmpi ne, %convert_element_type3A_196, %cond3A_197 : i32
      scf.if %cond3A_198 {
        %add3A_300 = arith.constant 3 : i32
        %add3A_301 = arith.addi %add3A_180, %add3A_300 : i32
        %dma_start3A_302 = arith.constant 0 : i32
        %dma_start3A_303 = tpu.memref_slice %arg3[%add3A, %add3A_301, %dma_start3A_302] : memref<32x128x80xi32, #tpu.memory_space<hbm>> -> memref<1x1x80xi32, #tpu.memory_space<hbm>>
        %dma_start3A_304 = tpu.memref_squeeze %dma_start3A_303 : memref<1x1x80xi32, #tpu.memory_space<hbm>> -> memref<80xi32, #tpu.memory_space<hbm>>
        %dma_start3A_305 = arith.constant 0 : i32
        %dma_start3A_306 = tpu.memref_slice %arg3[%add3A, %add3A_301, %dma_start3A_305] : memref<32x128x80xi32, #tpu.memory_space<hbm>> -> memref<1x1x80xi32, #tpu.memory_space<hbm>>
        %dma_start3A_307 = tpu.memref_squeeze %dma_start3A_306 : memref<1x1x80xi32, #tpu.memory_space<hbm>> -> memref<80xi32, #tpu.memory_space<hbm>>
        tpu.enqueue_dma source(%dma_start3A_307 : memref<80xi32, #tpu.memory_space<hbm>>) target(%arg7 : memref<80xi32, #tpu.memory_space<vmem>>) target_semaphore(%arg23 : memref<!tpu.dma_semaphore, #tpu.memory_space<semaphore_mem>>)
      } else {
      }
      %dma_wait3A_199 = arith.constant 0 : i32
      %dma_wait3A_200 = tpu.memref_slice %arg4[%add3A, %add3A_180, %dma_wait3A_199] : memref<32x128x80xi32, #tpu.memory_space<hbm>> -> memref<1x1x80xi32, #tpu.memory_space<hbm>>
      %dma_wait3A_201 = tpu.memref_squeeze %dma_wait3A_200 : memref<1x1x80xi32, #tpu.memory_space<hbm>> -> memref<80xi32, #tpu.memory_space<hbm>>
      %dma_wait3A_202 = arith.constant 0 : i32
      %dma_wait3A_203 = tpu.memref_slice %arg4[%add3A, %add3A_180, %dma_wait3A_202] : memref<32x128x80xi32, #tpu.memory_space<hbm>> -> memref<1x1x80xi32, #tpu.memory_space<hbm>>
      %dma_wait3A_204 = tpu.memref_squeeze %dma_wait3A_203 : memref<1x1x80xi32, #tpu.memory_space<hbm>> -> memref<80xi32, #tpu.memory_space<hbm>>
      tpu.wait_dma2 semaphore(%arg26 : memref<!tpu.dma_semaphore, #tpu.memory_space<semaphore_mem>>) src(%dma_wait3A_204 : memref<80xi32, #tpu.memory_space<hbm>>) dst(%arg10 : memref<80xi32, #tpu.memory_space<vmem>>)
      %dma_start3A_205 = arith.constant 0 : i32
      %dma_start3A_206 = arith.constant 0 : i32
      %dma_start3A_207 = tpu.memref_slice %arg19[%dma_start3A_205, %dma_start3A_206] : memref<10240x128xf32, #tpu.memory_space<vmem_shared>> -> memref<10240x128xf32, #tpu.memory_space<vmem_shared>>
      tpu.enqueue_indirect_dma source(%arg15 : memref<80x128xf32, #tpu.memory_space<vmem>>) target(%dma_start3A_207 : memref<10240x128xf32, #tpu.memory_space<vmem_shared>>) offsets(%arg10 : memref<80xi32, #tpu.memory_space<vmem>>) semaphore(%arg29 : memref<!tpu.dma_semaphore, #tpu.memory_space<semaphore_mem>>) {add = true}
      %add3A_208 = arith.constant 2 : i32
      %add3A_209 = arith.addi %add3A_180, %add3A_208 : i32
      %lt3A_210 = arith.constant 128 : i32
      %lt3A_211 = arith.cmpi slt, %add3A_209, %lt3A_210 : i32
      %convert_element_type3A_212 = arith.extui %lt3A_211 : i1 to i32
      %cond3A_213 = arith.constant 0 : i32
      %cond3A_214 = arith.cmpi ne, %convert_element_type3A_212, %cond3A_213 : i32
      scf.if %cond3A_214 {
        %add3A_300 = arith.constant 2 : i32
        %add3A_301 = arith.addi %add3A_180, %add3A_300 : i32
        %dma_start3A_302 = arith.constant 0 : i32
        %dma_start3A_303 = tpu.memref_slice %arg4[%add3A, %add3A_301, %dma_start3A_302] : memref<32x128x80xi32, #tpu.memory_space<hbm>> -> memref<1x1x80xi32, #tpu.memory_space<hbm>>
        %dma_start3A_304 = tpu.memref_squeeze %dma_start3A_303 : memref<1x1x80xi32, #tpu.memory_space<hbm>> -> memref<80xi32, #tpu.memory_space<hbm>>
        %dma_start3A_305 = arith.constant 0 : i32
        %dma_start3A_306 = tpu.memref_slice %arg4[%add3A, %add3A_301, %dma_start3A_305] : memref<32x128x80xi32, #tpu.memory_space<hbm>> -> memref<1x1x80xi32, #tpu.memory_space<hbm>>
        %dma_start3A_307 = tpu.memref_squeeze %dma_start3A_306 : memref<1x1x80xi32, #tpu.memory_space<hbm>> -> memref<80xi32, #tpu.memory_space<hbm>>
        tpu.enqueue_dma source(%dma_start3A_307 : memref<80xi32, #tpu.memory_space<hbm>>) target(%arg12 : memref<80xi32, #tpu.memory_space<vmem>>) target_semaphore(%arg28 : memref<!tpu.dma_semaphore, #tpu.memory_space<semaphore_mem>>)
      } else {
      }
      %mul3A_215 = arith.constant 3 : i32
      %mul3A_216 = arith.muli %mul3A_215, %scan3A_175 : i32
      %add3A_217 = arith.constant 1 : i32
      %add3A_218 = arith.addi %mul3A_216, %add3A_217 : i32
      %dma_wait3A_219 = arith.constant 0 : i32
      %dma_wait3A_220 = arith.constant 0 : i32
      %dma_wait3A_221 = tpu.memref_slice %arg2[%dma_wait3A_219, %dma_wait3A_220] : memref<10000x128xf32, #tpu.memory_space<hbm>> -> memref<10000x128xf32, #tpu.memory_space<hbm>>
      tpu.wait_indirect_dma semaphore(%arg21 : memref<!tpu.dma_semaphore, #tpu.memory_space<semaphore_mem>>) src(%dma_wait3A_221 : memref<10000x128xf32, #tpu.memory_space<hbm>>) dst(%arg16 : memref<80x128xf32, #tpu.memory_space<vmem>>)
      %gt3A_222 = arith.constant 0 : i32
      %gt3A_223 = arith.cmpi sgt, %add3A_218, %gt3A_222 : i32
      %convert_element_type3A_224 = arith.extui %gt3A_223 : i1 to i32
      %cond3A_225 = arith.constant 0 : i32
      %cond3A_226 = arith.cmpi ne, %convert_element_type3A_224, %cond3A_225 : i32
      scf.if %cond3A_226 {
        %dma_wait3A_300 = arith.constant 0 : i32
        %dma_wait3A_301 = arith.constant 0 : i32
        %dma_wait3A_302 = tpu.memref_slice %arg19[%dma_wait3A_300, %dma_wait3A_301] : memref<10240x128xf32, #tpu.memory_space<vmem_shared>> -> memref<10240x128xf32, #tpu.memory_space<vmem_shared>>
        tpu.wait_indirect_dma semaphore(%arg29 : memref<!tpu.dma_semaphore, #tpu.memory_space<semaphore_mem>>) src(%arg15 : memref<80x128xf32, #tpu.memory_space<vmem>>) dst(%dma_wait3A_302 : memref<10240x128xf32, #tpu.memory_space<vmem_shared>>)
      } else {
      }
      %add3A_227 = arith.constant 2 : i32
      %add3A_228 = arith.addi %add3A_218, %add3A_227 : i32
      %lt3A_229 = arith.constant 128 : i32
      %lt3A_230 = arith.cmpi slt, %add3A_228, %lt3A_229 : i32
      %convert_element_type3A_231 = arith.extui %lt3A_230 : i1 to i32
      %cond3A_232 = arith.constant 0 : i32
      %cond3A_233 = arith.cmpi ne, %convert_element_type3A_231, %cond3A_232 : i32
      scf.if %cond3A_233 {
        %add3A_300 = arith.constant 2 : i32
        %add3A_301 = arith.addi %add3A_218, %add3A_300 : i32
        %dma_wait3A_302 = arith.constant 0 : i32
        %dma_wait3A_303 = tpu.memref_slice %arg3[%add3A, %add3A_301, %dma_wait3A_302] : memref<32x128x80xi32, #tpu.memory_space<hbm>> -> memref<1x1x80xi32, #tpu.memory_space<hbm>>
        %dma_wait3A_304 = tpu.memref_squeeze %dma_wait3A_303 : memref<1x1x80xi32, #tpu.memory_space<hbm>> -> memref<80xi32, #tpu.memory_space<hbm>>
        %dma_wait3A_305 = arith.constant 0 : i32
        %dma_wait3A_306 = tpu.memref_slice %arg3[%add3A, %add3A_301, %dma_wait3A_305] : memref<32x128x80xi32, #tpu.memory_space<hbm>> -> memref<1x1x80xi32, #tpu.memory_space<hbm>>
        %dma_wait3A_307 = tpu.memref_squeeze %dma_wait3A_306 : memref<1x1x80xi32, #tpu.memory_space<hbm>> -> memref<80xi32, #tpu.memory_space<hbm>>
        tpu.wait_dma2 semaphore(%arg23 : memref<!tpu.dma_semaphore, #tpu.memory_space<semaphore_mem>>) src(%dma_wait3A_307 : memref<80xi32, #tpu.memory_space<hbm>>) dst(%arg7 : memref<80xi32, #tpu.memory_space<vmem>>)
        %dma_start3A_308 = arith.constant 0 : i32
        %dma_start3A_309 = arith.constant 0 : i32
        %dma_start3A_310 = tpu.memref_slice %arg2[%dma_start3A_308, %dma_start3A_309] : memref<10000x128xf32, #tpu.memory_space<hbm>> -> memref<10000x128xf32, #tpu.memory_space<hbm>>
        tpu.enqueue_indirect_dma source(%dma_start3A_310 : memref<10000x128xf32, #tpu.memory_space<hbm>>) target(%arg15 : memref<80x128xf32, #tpu.memory_space<vmem>>) offsets(%arg7 : memref<80xi32, #tpu.memory_space<vmem>>) semaphore(%arg20 : memref<!tpu.dma_semaphore, #tpu.memory_space<semaphore_mem>>)
      } else {
      }
      %add3A_234 = arith.constant 3 : i32
      %add3A_235 = arith.addi %add3A_218, %add3A_234 : i32
      %lt3A_236 = arith.constant 128 : i32
      %lt3A_237 = arith.cmpi slt, %add3A_235, %lt3A_236 : i32
      %convert_element_type3A_238 = arith.extui %lt3A_237 : i1 to i32
      %cond3A_239 = arith.constant 0 : i32
      %cond3A_240 = arith.cmpi ne, %convert_element_type3A_238, %cond3A_239 : i32
      scf.if %cond3A_240 {
        %add3A_300 = arith.constant 3 : i32
        %add3A_301 = arith.addi %add3A_218, %add3A_300 : i32
        %dma_start3A_302 = arith.constant 0 : i32
        %dma_start3A_303 = tpu.memref_slice %arg3[%add3A, %add3A_301, %dma_start3A_302] : memref<32x128x80xi32, #tpu.memory_space<hbm>> -> memref<1x1x80xi32, #tpu.memory_space<hbm>>
        %dma_start3A_304 = tpu.memref_squeeze %dma_start3A_303 : memref<1x1x80xi32, #tpu.memory_space<hbm>> -> memref<80xi32, #tpu.memory_space<hbm>>
        %dma_start3A_305 = arith.constant 0 : i32
        %dma_start3A_306 = tpu.memref_slice %arg3[%add3A, %add3A_301, %dma_start3A_305] : memref<32x128x80xi32, #tpu.memory_space<hbm>> -> memref<1x1x80xi32, #tpu.memory_space<hbm>>
        %dma_start3A_307 = tpu.memref_squeeze %dma_start3A_306 : memref<1x1x80xi32, #tpu.memory_space<hbm>> -> memref<80xi32, #tpu.memory_space<hbm>>
        tpu.enqueue_dma source(%dma_start3A_307 : memref<80xi32, #tpu.memory_space<hbm>>) target(%arg8 : memref<80xi32, #tpu.memory_space<vmem>>) target_semaphore(%arg24 : memref<!tpu.dma_semaphore, #tpu.memory_space<semaphore_mem>>)
      } else {
      }
      %dma_wait3A_241 = arith.constant 0 : i32
      %dma_wait3A_242 = tpu.memref_slice %arg4[%add3A, %add3A_218, %dma_wait3A_241] : memref<32x128x80xi32, #tpu.memory_space<hbm>> -> memref<1x1x80xi32, #tpu.memory_space<hbm>>
      %dma_wait3A_243 = tpu.memref_squeeze %dma_wait3A_242 : memref<1x1x80xi32, #tpu.memory_space<hbm>> -> memref<80xi32, #tpu.memory_space<hbm>>
      %dma_wait3A_244 = arith.constant 0 : i32
      %dma_wait3A_245 = tpu.memref_slice %arg4[%add3A, %add3A_218, %dma_wait3A_244] : memref<32x128x80xi32, #tpu.memory_space<hbm>> -> memref<1x1x80xi32, #tpu.memory_space<hbm>>
      %dma_wait3A_246 = tpu.memref_squeeze %dma_wait3A_245 : memref<1x1x80xi32, #tpu.memory_space<hbm>> -> memref<80xi32, #tpu.memory_space<hbm>>
      tpu.wait_dma2 semaphore(%arg27 : memref<!tpu.dma_semaphore, #tpu.memory_space<semaphore_mem>>) src(%dma_wait3A_246 : memref<80xi32, #tpu.memory_space<hbm>>) dst(%arg11 : memref<80xi32, #tpu.memory_space<vmem>>)
      %dma_start3A_247 = arith.constant 0 : i32
      %dma_start3A_248 = arith.constant 0 : i32
      %dma_start3A_249 = tpu.memref_slice %arg19[%dma_start3A_247, %dma_start3A_248] : memref<10240x128xf32, #tpu.memory_space<vmem_shared>> -> memref<10240x128xf32, #tpu.memory_space<vmem_shared>>
      tpu.enqueue_indirect_dma source(%arg16 : memref<80x128xf32, #tpu.memory_space<vmem>>) target(%dma_start3A_249 : memref<10240x128xf32, #tpu.memory_space<vmem_shared>>) offsets(%arg11 : memref<80xi32, #tpu.memory_space<vmem>>) semaphore(%arg30 : memref<!tpu.dma_semaphore, #tpu.memory_space<semaphore_mem>>) {add = true}
      %add3A_250 = arith.constant 2 : i32
      %add3A_251 = arith.addi %add3A_218, %add3A_250 : i32
      %lt3A_252 = arith.constant 128 : i32
      %lt3A_253 = arith.cmpi slt, %add3A_251, %lt3A_252 : i32
      %convert_element_type3A_254 = arith.extui %lt3A_253 : i1 to i32
      %cond3A_255 = arith.constant 0 : i32
      %cond3A_256 = arith.cmpi ne, %convert_element_type3A_254, %cond3A_255 : i32
      scf.if %cond3A_256 {
        %add3A_300 = arith.constant 2 : i32
        %add3A_301 = arith.addi %add3A_218, %add3A_300 : i32
        %dma_start3A_302 = arith.constant 0 : i32
        %dma_start3A_303 = tpu.memref_slice %arg4[%add3A, %add3A_301, %dma_start3A_302] : memref<32x128x80xi32, #tpu.memory_space<hbm>> -> memref<1x1x80xi32, #tpu.memory_space<hbm>>
        %dma_start3A_304 = tpu.memref_squeeze %dma_start3A_303 : memref<1x1x80xi32, #tpu.memory_space<hbm>> -> memref<80xi32, #tpu.memory_space<hbm>>
        %dma_start3A_305 = arith.constant 0 : i32
        %dma_start3A_306 = tpu.memref_slice %arg4[%add3A, %add3A_301, %dma_start3A_305] : memref<32x128x80xi32, #tpu.memory_space<hbm>> -> memref<1x1x80xi32, #tpu.memory_space<hbm>>
        %dma_start3A_307 = tpu.memref_squeeze %dma_start3A_306 : memref<1x1x80xi32, #tpu.memory_space<hbm>> -> memref<80xi32, #tpu.memory_space<hbm>>
        tpu.enqueue_dma source(%dma_start3A_307 : memref<80xi32, #tpu.memory_space<hbm>>) target(%arg10 : memref<80xi32, #tpu.memory_space<vmem>>) target_semaphore(%arg26 : memref<!tpu.dma_semaphore, #tpu.memory_space<semaphore_mem>>)
      } else {
      }
      %mul3A_257 = arith.constant 3 : i32
      %mul3A_258 = arith.muli %mul3A_257, %scan3A_175 : i32
      %add3A_259 = arith.constant 2 : i32
      %add3A_260 = arith.addi %mul3A_258, %add3A_259 : i32
      %dma_wait3A_261 = arith.constant 0 : i32
      %dma_wait3A_262 = arith.constant 0 : i32
      %dma_wait3A_263 = tpu.memref_slice %arg2[%dma_wait3A_261, %dma_wait3A_262] : memref<10000x128xf32, #tpu.memory_space<hbm>> -> memref<10000x128xf32, #tpu.memory_space<hbm>>
      tpu.wait_indirect_dma semaphore(%arg22 : memref<!tpu.dma_semaphore, #tpu.memory_space<semaphore_mem>>) src(%dma_wait3A_263 : memref<10000x128xf32, #tpu.memory_space<hbm>>) dst(%arg17 : memref<80x128xf32, #tpu.memory_space<vmem>>)
      %gt3A_264 = arith.constant 0 : i32
      %gt3A_265 = arith.cmpi sgt, %add3A_260, %gt3A_264 : i32
      %convert_element_type3A_266 = arith.extui %gt3A_265 : i1 to i32
      %cond3A_267 = arith.constant 0 : i32
      %cond3A_268 = arith.cmpi ne, %convert_element_type3A_266, %cond3A_267 : i32
      scf.if %cond3A_268 {
        %dma_wait3A_300 = arith.constant 0 : i32
        %dma_wait3A_301 = arith.constant 0 : i32
        %dma_wait3A_302 = tpu.memref_slice %arg19[%dma_wait3A_300, %dma_wait3A_301] : memref<10240x128xf32, #tpu.memory_space<vmem_shared>> -> memref<10240x128xf32, #tpu.memory_space<vmem_shared>>
        tpu.wait_indirect_dma semaphore(%arg30 : memref<!tpu.dma_semaphore, #tpu.memory_space<semaphore_mem>>) src(%arg16 : memref<80x128xf32, #tpu.memory_space<vmem>>) dst(%dma_wait3A_302 : memref<10240x128xf32, #tpu.memory_space<vmem_shared>>)
      } else {
      }
      %add3A_269 = arith.constant 2 : i32
      %add3A_270 = arith.addi %add3A_260, %add3A_269 : i32
      %lt3A_271 = arith.constant 128 : i32
      %lt3A_272 = arith.cmpi slt, %add3A_270, %lt3A_271 : i32
      %convert_element_type3A_273 = arith.extui %lt3A_272 : i1 to i32
      %cond3A_274 = arith.constant 0 : i32
      %cond3A_275 = arith.cmpi ne, %convert_element_type3A_273, %cond3A_274 : i32
      scf.if %cond3A_275 {
        %add3A_300 = arith.constant 2 : i32
        %add3A_301 = arith.addi %add3A_260, %add3A_300 : i32
        %dma_wait3A_302 = arith.constant 0 : i32
        %dma_wait3A_303 = tpu.memref_slice %arg3[%add3A, %add3A_301, %dma_wait3A_302] : memref<32x128x80xi32, #tpu.memory_space<hbm>> -> memref<1x1x80xi32, #tpu.memory_space<hbm>>
        %dma_wait3A_304 = tpu.memref_squeeze %dma_wait3A_303 : memref<1x1x80xi32, #tpu.memory_space<hbm>> -> memref<80xi32, #tpu.memory_space<hbm>>
        %dma_wait3A_305 = arith.constant 0 : i32
        %dma_wait3A_306 = tpu.memref_slice %arg3[%add3A, %add3A_301, %dma_wait3A_305] : memref<32x128x80xi32, #tpu.memory_space<hbm>> -> memref<1x1x80xi32, #tpu.memory_space<hbm>>
        %dma_wait3A_307 = tpu.memref_squeeze %dma_wait3A_306 : memref<1x1x80xi32, #tpu.memory_space<hbm>> -> memref<80xi32, #tpu.memory_space<hbm>>
        tpu.wait_dma2 semaphore(%arg24 : memref<!tpu.dma_semaphore, #tpu.memory_space<semaphore_mem>>) src(%dma_wait3A_307 : memref<80xi32, #tpu.memory_space<hbm>>) dst(%arg8 : memref<80xi32, #tpu.memory_space<vmem>>)
        %dma_start3A_308 = arith.constant 0 : i32
        %dma_start3A_309 = arith.constant 0 : i32
        %dma_start3A_310 = tpu.memref_slice %arg2[%dma_start3A_308, %dma_start3A_309] : memref<10000x128xf32, #tpu.memory_space<hbm>> -> memref<10000x128xf32, #tpu.memory_space<hbm>>
        tpu.enqueue_indirect_dma source(%dma_start3A_310 : memref<10000x128xf32, #tpu.memory_space<hbm>>) target(%arg16 : memref<80x128xf32, #tpu.memory_space<vmem>>) offsets(%arg8 : memref<80xi32, #tpu.memory_space<vmem>>) semaphore(%arg21 : memref<!tpu.dma_semaphore, #tpu.memory_space<semaphore_mem>>)
      } else {
      }
      %add3A_276 = arith.constant 3 : i32
      %add3A_277 = arith.addi %add3A_260, %add3A_276 : i32
      %lt3A_278 = arith.constant 128 : i32
      %lt3A_279 = arith.cmpi slt, %add3A_277, %lt3A_278 : i32
      %convert_element_type3A_280 = arith.extui %lt3A_279 : i1 to i32
      %cond3A_281 = arith.constant 0 : i32
      %cond3A_282 = arith.cmpi ne, %convert_element_type3A_280, %cond3A_281 : i32
      scf.if %cond3A_282 {
        %add3A_300 = arith.constant 3 : i32
        %add3A_301 = arith.addi %add3A_260, %add3A_300 : i32
        %dma_start3A_302 = arith.constant 0 : i32
        %dma_start3A_303 = tpu.memref_slice %arg3[%add3A, %add3A_301, %dma_start3A_302] : memref<32x128x80xi32, #tpu.memory_space<hbm>> -> memref<1x1x80xi32, #tpu.memory_space<hbm>>
        %dma_start3A_304 = tpu.memref_squeeze %dma_start3A_303 : memref<1x1x80xi32, #tpu.memory_space<hbm>> -> memref<80xi32, #tpu.memory_space<hbm>>
        %dma_start3A_305 = arith.constant 0 : i32
        %dma_start3A_306 = tpu.memref_slice %arg3[%add3A, %add3A_301, %dma_start3A_305] : memref<32x128x80xi32, #tpu.memory_space<hbm>> -> memref<1x1x80xi32, #tpu.memory_space<hbm>>
        %dma_start3A_307 = tpu.memref_squeeze %dma_start3A_306 : memref<1x1x80xi32, #tpu.memory_space<hbm>> -> memref<80xi32, #tpu.memory_space<hbm>>
        tpu.enqueue_dma source(%dma_start3A_307 : memref<80xi32, #tpu.memory_space<hbm>>) target(%arg9 : memref<80xi32, #tpu.memory_space<vmem>>) target_semaphore(%arg25 : memref<!tpu.dma_semaphore, #tpu.memory_space<semaphore_mem>>)
      } else {
      }
      %dma_wait3A_283 = arith.constant 0 : i32
      %dma_wait3A_284 = tpu.memref_slice %arg4[%add3A, %add3A_260, %dma_wait3A_283] : memref<32x128x80xi32, #tpu.memory_space<hbm>> -> memref<1x1x80xi32, #tpu.memory_space<hbm>>
      %dma_wait3A_285 = tpu.memref_squeeze %dma_wait3A_284 : memref<1x1x80xi32, #tpu.memory_space<hbm>> -> memref<80xi32, #tpu.memory_space<hbm>>
      %dma_wait3A_286 = arith.constant 0 : i32
      %dma_wait3A_287 = tpu.memref_slice %arg4[%add3A, %add3A_260, %dma_wait3A_286] : memref<32x128x80xi32, #tpu.memory_space<hbm>> -> memref<1x1x80xi32, #tpu.memory_space<hbm>>
      %dma_wait3A_288 = tpu.memref_squeeze %dma_wait3A_287 : memref<1x1x80xi32, #tpu.memory_space<hbm>> -> memref<80xi32, #tpu.memory_space<hbm>>
      tpu.wait_dma2 semaphore(%arg28 : memref<!tpu.dma_semaphore, #tpu.memory_space<semaphore_mem>>) src(%dma_wait3A_288 : memref<80xi32, #tpu.memory_space<hbm>>) dst(%arg12 : memref<80xi32, #tpu.memory_space<vmem>>)
      %dma_start3A_289 = arith.constant 0 : i32
      %dma_start3A_290 = arith.constant 0 : i32
      %dma_start3A_291 = tpu.memref_slice %arg19[%dma_start3A_289, %dma_start3A_290] : memref<10240x128xf32, #tpu.memory_space<vmem_shared>> -> memref<10240x128xf32, #tpu.memory_space<vmem_shared>>
      tpu.enqueue_indirect_dma source(%arg17 : memref<80x128xf32, #tpu.memory_space<vmem>>) target(%dma_start3A_291 : memref<10240x128xf32, #tpu.memory_space<vmem_shared>>) offsets(%arg12 : memref<80xi32, #tpu.memory_space<vmem>>) semaphore(%arg31 : memref<!tpu.dma_semaphore, #tpu.memory_space<semaphore_mem>>) {add = true}
      %add3A_292 = arith.constant 2 : i32
      %add3A_293 = arith.addi %add3A_260, %add3A_292 : i32
      %lt3A_294 = arith.constant 128 : i32
      %lt3A_295 = arith.cmpi slt, %add3A_293, %lt3A_294 : i32
      %convert_element_type3A_296 = arith.extui %lt3A_295 : i1 to i32
      %cond3A_297 = arith.constant 0 : i32
      %cond3A_298 = arith.cmpi ne, %convert_element_type3A_296, %cond3A_297 : i32
      scf.if %cond3A_298 {
        %add3A_300 = arith.constant 2 : i32
        %add3A_301 = arith.addi %add3A_260, %add3A_300 : i32
        %dma_start3A_302 = arith.constant 0 : i32
        %dma_start3A_303 = tpu.memref_slice %arg4[%add3A, %add3A_301, %dma_start3A_302] : memref<32x128x80xi32, #tpu.memory_space<hbm>> -> memref<1x1x80xi32, #tpu.memory_space<hbm>>
        %dma_start3A_304 = tpu.memref_squeeze %dma_start3A_303 : memref<1x1x80xi32, #tpu.memory_space<hbm>> -> memref<80xi32, #tpu.memory_space<hbm>>
        %dma_start3A_305 = arith.constant 0 : i32
        %dma_start3A_306 = tpu.memref_slice %arg4[%add3A, %add3A_301, %dma_start3A_305] : memref<32x128x80xi32, #tpu.memory_space<hbm>> -> memref<1x1x80xi32, #tpu.memory_space<hbm>>
        %dma_start3A_307 = tpu.memref_squeeze %dma_start3A_306 : memref<1x1x80xi32, #tpu.memory_space<hbm>> -> memref<80xi32, #tpu.memory_space<hbm>>
        tpu.enqueue_dma source(%dma_start3A_307 : memref<80xi32, #tpu.memory_space<hbm>>) target(%arg11 : memref<80xi32, #tpu.memory_space<vmem>>) target_semaphore(%arg27 : memref<!tpu.dma_semaphore, #tpu.memory_space<semaphore_mem>>)
      } else {
      }
      %scan3A_299 = arith.constant 0 : i32
      scf.yield %scan3A_299 : i32
    }
    %scan3A_90 = arith.constant 42 : i32
    %dma_wait3A_91 = arith.constant 0 : i32
    %dma_wait3A_92 = arith.constant 0 : i32
    %dma_wait3A_93 = tpu.memref_slice %arg2[%dma_wait3A_91, %dma_wait3A_92] : memref<10000x128xf32, #tpu.memory_space<hbm>> -> memref<10000x128xf32, #tpu.memory_space<hbm>>
    tpu.wait_indirect_dma semaphore(%arg20 : memref<!tpu.dma_semaphore, #tpu.memory_space<semaphore_mem>>) src(%dma_wait3A_93 : memref<10000x128xf32, #tpu.memory_space<hbm>>) dst(%arg15 : memref<80x128xf32, #tpu.memory_space<vmem>>)
    %dma_wait3A_94 = arith.constant 0 : i32
    %dma_wait3A_95 = arith.constant 0 : i32
    %dma_wait3A_96 = tpu.memref_slice %arg19[%dma_wait3A_94, %dma_wait3A_95] : memref<10240x128xf32, #tpu.memory_space<vmem_shared>> -> memref<10240x128xf32, #tpu.memory_space<vmem_shared>>
    tpu.wait_indirect_dma semaphore(%arg31 : memref<!tpu.dma_semaphore, #tpu.memory_space<semaphore_mem>>) src(%arg17 : memref<80x128xf32, #tpu.memory_space<vmem>>) dst(%dma_wait3A_96 : memref<10240x128xf32, #tpu.memory_space<vmem_shared>>)
    %dma_wait3A_97 = arith.constant 126 : i32
    %dma_wait3A_98 = arith.constant 0 : i32
    %dma_wait3A_99 = tpu.memref_slice %arg4[%add3A, %dma_wait3A_97, %dma_wait3A_98] : memref<32x128x80xi32, #tpu.memory_space<hbm>> -> memref<1x1x80xi32, #tpu.memory_space<hbm>>
    %dma_wait3A_100 = tpu.memref_squeeze %dma_wait3A_99 : memref<1x1x80xi32, #tpu.memory_space<hbm>> -> memref<80xi32, #tpu.memory_space<hbm>>
    %dma_wait3A_101 = arith.constant 0 : i32
    %dma_wait3A_102 = tpu.memref_slice %arg4[%add3A, %dma_wait3A_97, %dma_wait3A_101] : memref<32x128x80xi32, #tpu.memory_space<hbm>> -> memref<1x1x80xi32, #tpu.memory_space<hbm>>
    %dma_wait3A_103 = tpu.memref_squeeze %dma_wait3A_102 : memref<1x1x80xi32, #tpu.memory_space<hbm>> -> memref<80xi32, #tpu.memory_space<hbm>>
    tpu.wait_dma2 semaphore(%arg26 : memref<!tpu.dma_semaphore, #tpu.memory_space<semaphore_mem>>) src(%dma_wait3A_103 : memref<80xi32, #tpu.memory_space<hbm>>) dst(%arg10 : memref<80xi32, #tpu.memory_space<vmem>>)
    %dma_start3A_104 = arith.constant 0 : i32
    %dma_start3A_105 = arith.constant 0 : i32
    %dma_start3A_106 = tpu.memref_slice %arg19[%dma_start3A_104, %dma_start3A_105] : memref<10240x128xf32, #tpu.memory_space<vmem_shared>> -> memref<10240x128xf32, #tpu.memory_space<vmem_shared>>
    tpu.enqueue_indirect_dma source(%arg15 : memref<80x128xf32, #tpu.memory_space<vmem>>) target(%dma_start3A_106 : memref<10240x128xf32, #tpu.memory_space<vmem_shared>>) offsets(%arg10 : memref<80xi32, #tpu.memory_space<vmem>>) semaphore(%arg29 : memref<!tpu.dma_semaphore, #tpu.memory_space<semaphore_mem>>) {add = true}
    %dma_wait3A_107 = arith.constant 0 : i32
    %dma_wait3A_108 = arith.constant 0 : i32
    %dma_wait3A_109 = tpu.memref_slice %arg2[%dma_wait3A_107, %dma_wait3A_108] : memref<10000x128xf32, #tpu.memory_space<hbm>> -> memref<10000x128xf32, #tpu.memory_space<hbm>>
    tpu.wait_indirect_dma semaphore(%arg21 : memref<!tpu.dma_semaphore, #tpu.memory_space<semaphore_mem>>) src(%dma_wait3A_109 : memref<10000x128xf32, #tpu.memory_space<hbm>>) dst(%arg16 : memref<80x128xf32, #tpu.memory_space<vmem>>)
    %dma_wait3A_110 = arith.constant 0 : i32
    %dma_wait3A_111 = arith.constant 0 : i32
    %dma_wait3A_112 = tpu.memref_slice %arg19[%dma_wait3A_110, %dma_wait3A_111] : memref<10240x128xf32, #tpu.memory_space<vmem_shared>> -> memref<10240x128xf32, #tpu.memory_space<vmem_shared>>
    tpu.wait_indirect_dma semaphore(%arg29 : memref<!tpu.dma_semaphore, #tpu.memory_space<semaphore_mem>>) src(%arg15 : memref<80x128xf32, #tpu.memory_space<vmem>>) dst(%dma_wait3A_112 : memref<10240x128xf32, #tpu.memory_space<vmem_shared>>)
    %dma_wait3A_113 = arith.constant 127 : i32
    %dma_wait3A_114 = arith.constant 0 : i32
    %dma_wait3A_115 = tpu.memref_slice %arg4[%add3A, %dma_wait3A_113, %dma_wait3A_114] : memref<32x128x80xi32, #tpu.memory_space<hbm>> -> memref<1x1x80xi32, #tpu.memory_space<hbm>>
    %dma_wait3A_116 = tpu.memref_squeeze %dma_wait3A_115 : memref<1x1x80xi32, #tpu.memory_space<hbm>> -> memref<80xi32, #tpu.memory_space<hbm>>
    %dma_wait3A_117 = arith.constant 0 : i32
    %dma_wait3A_118 = tpu.memref_slice %arg4[%add3A, %dma_wait3A_113, %dma_wait3A_117] : memref<32x128x80xi32, #tpu.memory_space<hbm>> -> memref<1x1x80xi32, #tpu.memory_space<hbm>>
    %dma_wait3A_119 = tpu.memref_squeeze %dma_wait3A_118 : memref<1x1x80xi32, #tpu.memory_space<hbm>> -> memref<80xi32, #tpu.memory_space<hbm>>
    tpu.wait_dma2 semaphore(%arg27 : memref<!tpu.dma_semaphore, #tpu.memory_space<semaphore_mem>>) src(%dma_wait3A_119 : memref<80xi32, #tpu.memory_space<hbm>>) dst(%arg11 : memref<80xi32, #tpu.memory_space<vmem>>)
    %dma_start3A_120 = arith.constant 0 : i32
    %dma_start3A_121 = arith.constant 0 : i32
    %dma_start3A_122 = tpu.memref_slice %arg19[%dma_start3A_120, %dma_start3A_121] : memref<10240x128xf32, #tpu.memory_space<vmem_shared>> -> memref<10240x128xf32, #tpu.memory_space<vmem_shared>>
    tpu.enqueue_indirect_dma source(%arg16 : memref<80x128xf32, #tpu.memory_space<vmem>>) target(%dma_start3A_122 : memref<10240x128xf32, #tpu.memory_space<vmem_shared>>) offsets(%arg11 : memref<80xi32, #tpu.memory_space<vmem>>) semaphore(%arg30 : memref<!tpu.dma_semaphore, #tpu.memory_space<semaphore_mem>>) {add = true}
    %dma_wait3A_123 = arith.constant 0 : i32
    %dma_wait3A_124 = arith.constant 0 : i32
    %dma_wait3A_125 = tpu.memref_slice %arg19[%dma_wait3A_123, %dma_wait3A_124] : memref<10240x128xf32, #tpu.memory_space<vmem_shared>> -> memref<10240x128xf32, #tpu.memory_space<vmem_shared>>
    tpu.wait_indirect_dma semaphore(%arg30 : memref<!tpu.dma_semaphore, #tpu.memory_space<semaphore_mem>>) src(%arg16 : memref<80x128xf32, #tpu.memory_space<vmem>>) dst(%dma_wait3A_125 : memref<10240x128xf32, #tpu.memory_space<vmem_shared>>)
    %barrier3A_126 = arith.constant 0 : index
    tpu.barrier barrier_id(%barrier3A_126)
    %mul3A_127 = arith.constant 640 : i32
    %mul3A_128 = arith.muli %arg1, %mul3A_127 : i32
    "tpu.region"() ({
      %run_scoped3A = tpu.sem_alloc : memref<!tpu.dma_semaphore, #tpu.memory_space<semaphore_mem>>
      %dma_start3A_175 = arith.constant 0 : i32
      %dma_start3A_176 = tpu.memref_slice %arg5[%arg0, %mul3A_128, %dma_start3A_175] : memref<2x10240x128xf32, #tpu.memory_space<hbm>> -> memref<1x640x128xf32, #tpu.memory_space<hbm>>
      %dma_start3A_177 = tpu.memref_squeeze %dma_start3A_176 : memref<1x640x128xf32, #tpu.memory_space<hbm>> -> memref<640x128xf32, #tpu.memory_space<hbm>>
      %dma_start3A_178 = arith.constant 0 : i32
      %dma_start3A_179 = tpu.memref_slice %arg19[%mul3A_128, %dma_start3A_178] : memref<10240x128xf32, #tpu.memory_space<vmem_shared>> -> memref<640x128xf32, #tpu.memory_space<vmem_shared>>
      tpu.enqueue_dma source(%dma_start3A_179 : memref<640x128xf32, #tpu.memory_space<vmem_shared>>) target(%dma_start3A_177 : memref<640x128xf32, #tpu.memory_space<hbm>>) target_semaphore(%run_scoped3A : memref<!tpu.dma_semaphore, #tpu.memory_space<semaphore_mem>>)
      %dma_wait3A_180 = arith.constant 0 : i32
      %dma_wait3A_181 = tpu.memref_slice %arg5[%arg0, %mul3A_128, %dma_wait3A_180] : memref<2x10240x128xf32, #tpu.memory_space<hbm>> -> memref<1x640x128xf32, #tpu.memory_space<hbm>>
      %dma_wait3A_182 = tpu.memref_squeeze %dma_wait3A_181 : memref<1x640x128xf32, #tpu.memory_space<hbm>> -> memref<640x128xf32, #tpu.memory_space<hbm>>
      %dma_wait3A_183 = arith.constant 0 : i32
      %dma_wait3A_184 = tpu.memref_slice %arg19[%mul3A_128, %dma_wait3A_183] : memref<10240x128xf32, #tpu.memory_space<vmem_shared>> -> memref<640x128xf32, #tpu.memory_space<vmem_shared>>
      tpu.wait_dma2 semaphore(%run_scoped3A : memref<!tpu.dma_semaphore, #tpu.memory_space<semaphore_mem>>) src(%dma_wait3A_184 : memref<640x128xf32, #tpu.memory_space<vmem_shared>>) dst(%dma_wait3A_182 : memref<640x128xf32, #tpu.memory_space<hbm>>)
      tpu.yield
    }) : () -> ()
    %scan3A_129 = arith.constant 0 : i32
    %scan3A_130 = arith.constant 0 : i32
    %scan3A_131 = arith.constant 640 : i32
    %scan3A_132 = arith.addi %scan3A_130, %scan3A_131 : i32
    %scan3A_133 = arith.constant 1 : i32
    %scan3A_134 = scf.for %scan3A_175 = %scan3A_130 to %scan3A_132 step %scan3A_133 iter_args(%scan3A_176 = %scan3A_129) -> (i32)  : i32 {
      %jit3A = arith.constant 8 : i32
      %div3A = arith.divsi %scan3A_175, %jit3A : i32
      %sign3A = arith.constant 0 : i32
      %sign3A_177 = arith.cmpi sgt, %scan3A_175, %sign3A : i32
      %sign3A_178 = arith.extui %sign3A_177 : i1 to i32
      %sign3A_179 = arith.constant 0 : i32
      %sign3A_180 = arith.cmpi slt, %scan3A_175, %sign3A_179 : i32
      %sign3A_181 = arith.extui %sign3A_180 : i1 to i32
      %sign3A_182 = arith.subi %sign3A_178, %sign3A_181 : i32
      %sign3A_183 = arith.constant 0 : i32
      %sign3A_184 = arith.cmpi sgt, %jit3A, %sign3A_183 : i32
      %sign3A_185 = arith.extui %sign3A_184 : i1 to i32
      %sign3A_186 = arith.constant 0 : i32
      %sign3A_187 = arith.cmpi slt, %jit3A, %sign3A_186 : i32
      %sign3A_188 = arith.extui %sign3A_187 : i1 to i32
      %sign3A_189 = arith.subi %sign3A_185, %sign3A_188 : i32
      %ne3A = arith.cmpi ne, %sign3A_182, %sign3A_189 : i32
      %rem3A = arith.remsi %scan3A_175, %jit3A : i32
      %ne3A_190 = arith.constant 0 : i32
      %ne3A_191 = arith.cmpi ne, %rem3A, %ne3A_190 : i32
      %and3A = arith.andi %ne3A, %ne3A_191 : i1
      %sub3A = arith.constant 1 : i32
      %sub3A_192 = arith.subi %div3A, %sub3A : i32
      %select_n3A = arith.select %and3A, %sub3A_192, %div3A : i32
      %jit3A_193 = arith.constant 8 : i32
      %eq3A = arith.constant 0 : i32
      %eq3A_194 = arith.cmpi eq, %jit3A_193, %eq3A : i32
      %jit3A_195 = arith.constant 1 : i32
      %select_n3A_196 = arith.select %eq3A_194, %jit3A_195, %jit3A_193 : i32
      %rem3A_197 = arith.remsi %scan3A_175, %select_n3A_196 : i32
      %ne3A_198 = arith.constant 0 : i32
      %ne3A_199 = arith.cmpi ne, %rem3A_197, %ne3A_198 : i32
      %lt3A = arith.constant 0 : i32
      %lt3A_200 = arith.cmpi slt, %rem3A_197, %lt3A : i32
      %lt3A_201 = arith.constant 0 : i32
      %lt3A_202 = arith.cmpi slt, %select_n3A_196, %lt3A_201 : i32
      %ne3A_203 = arith.xori %lt3A_200, %lt3A_202 : i1
      %and3A_204 = arith.andi %ne3A_203, %ne3A_199 : i1
      %add3A_205 = arith.addi %rem3A_197, %select_n3A_196 : i32
      %select_n3A_206 = arith.select %and3A_204, %add3A_205, %rem3A_197 : i32
      %mul3A_207 = arith.constant 16 : i32
      %mul3A_208 = arith.muli %select_n3A_206, %mul3A_207 : i32
      %swap3A = arith.index_cast %select_n3A : i32 to index
      %swap3A_209 = arith.index_cast %mul3A_208 : i32 to index
      %swap3A_210 = tpu.vector_load %arg15[%swap3A, %swap3A_209] {strides = array<i32>} : memref<80x128xf32, #tpu.memory_space<vmem>>, vector<1x16xf32>,
      %swap3A_211 = vector.shape_cast %swap3A_210 : vector<1x16xf32> to vector<16xf32>
      %swap3A_212 = vector.shape_cast %broadcast_in_dim3A_3 : vector<16xf32> to vector<1x16xf32>
      tpu.vector_store %arg15[%swap3A, %swap3A_209], %swap3A_212 {strides = array<i32>} : memref<80x128xf32, #tpu.memory_space<vmem>>, vector<1x16xf32>,
      %scan3A_213 = arith.constant 0 : i32
      scf.yield %scan3A_213 : i32
    }
    %scan3A_135 = arith.constant 640 : i32
    %scan3A_136 = arith.constant 0 : i32
    %scan3A_137 = arith.constant 0 : i32
    %scan3A_138 = arith.constant 80 : i32
    %scan3A_139 = arith.addi %scan3A_137, %scan3A_138 : i32
    %scan3A_140 = arith.constant 1 : i32
    %scan3A_141 = scf.for %scan3A_175 = %scan3A_137 to %scan3A_139 step %scan3A_140 iter_args(%scan3A_176 = %scan3A_136) -> (i32)  : i32 {
      %mul3A_177 = arith.constant 640 : i32
      %mul3A_178 = arith.muli %arg1, %mul3A_177 : i32
      %mul3A_179 = arith.constant 8 : i32
      %mul3A_180 = arith.muli %scan3A_175, %mul3A_179 : i32
      %add3A_181 = arith.addi %mul3A_178, %mul3A_180 : i32
      %dma_start3A_182 = arith.constant 0 : i32
      %dma_start3A_183 = tpu.memref_slice %arg19[%add3A_181, %dma_start3A_182] : memref<10240x128xf32, #tpu.memory_space<vmem_shared>> -> memref<8x128xf32, #tpu.memory_space<vmem_shared>>
      %dma_start3A_184 = arith.constant 0 : i32
      %dma_start3A_185 = tpu.memref_slice %arg19[%add3A_181, %dma_start3A_184] : memref<10240x128xf32, #tpu.memory_space<vmem_shared>> -> memref<8x128xf32, #tpu.memory_space<vmem_shared>>
      tpu.enqueue_dma source(%arg18 : memref<8x128xf32, #tpu.memory_space<vmem>>) target(%dma_start3A_185 : memref<8x128xf32, #tpu.memory_space<vmem_shared>>) target_semaphore(%arg35 : memref<!tpu.dma_semaphore, #tpu.memory_space<semaphore_mem>>)
      %scan3A_186 = arith.constant 0 : i32
      scf.yield %scan3A_186 : i32
    }
    %scan3A_142 = arith.constant 80 : i32
    %scan3A_143 = arith.constant 0 : i32
    %scan3A_144 = arith.constant 0 : i32
    %scan3A_145 = arith.constant 80 : i32
    %scan3A_146 = arith.addi %scan3A_144, %scan3A_145 : i32
    %scan3A_147 = arith.constant 1 : i32
    %scan3A_148 = scf.for %scan3A_175 = %scan3A_144 to %scan3A_146 step %scan3A_147 iter_args(%scan3A_176 = %scan3A_143) -> (i32)  : i32 {
      %mul3A_177 = arith.constant 640 : i32
      %mul3A_178 = arith.muli %arg1, %mul3A_177 : i32
      %mul3A_179 = arith.constant 8 : i32
      %mul3A_180 = arith.muli %scan3A_175, %mul3A_179 : i32
      %add3A_181 = arith.addi %mul3A_178, %mul3A_180 : i32
      %dma_wait3A_182 = arith.constant 0 : i32
      %dma_wait3A_183 = tpu.memref_slice %arg19[%add3A_181, %dma_wait3A_182] : memref<10240x128xf32, #tpu.memory_space<vmem_shared>> -> memref<8x128xf32, #tpu.memory_space<vmem_shared>>
      %dma_wait3A_184 = arith.constant 0 : i32
      %dma_wait3A_185 = tpu.memref_slice %arg19[%add3A_181, %dma_wait3A_184] : memref<10240x128xf32, #tpu.memory_space<vmem_shared>> -> memref<8x128xf32, #tpu.memory_space<vmem_shared>>
      tpu.wait_dma2 semaphore(%arg35 : memref<!tpu.dma_semaphore, #tpu.memory_space<semaphore_mem>>) src(%arg18 : memref<8x128xf32, #tpu.memory_space<vmem>>) dst(%dma_wait3A_185 : memref<8x128xf32, #tpu.memory_space<vmem_shared>>)
      %scan3A_186 = arith.constant 0 : i32
      scf.yield %scan3A_186 : i32
    }
    %scan3A_149 = arith.constant 80 : i32
    %barrier3A_150 = arith.constant 0 : index
    tpu.barrier barrier_id(%barrier3A_150)
    %dma_start3A_151 = arith.constant 0 : i32
    %dma_start3A_152 = arith.constant 0 : i32
    %dma_start3A_153 = tpu.memref_slice %arg4[%add3A, %dma_start3A_151, %dma_start3A_152] : memref<32x128x80xi32, #tpu.memory_space<hbm>> -> memref<1x16x80xi32, #tpu.memory_space<hbm>>
    %dma_start3A_154 = tpu.memref_squeeze %dma_start3A_153 : memref<1x16x80xi32, #tpu.memory_space<hbm>> -> memref<16x80xi32, #tpu.memory_space<hbm>>
    %dma_start3A_155 = arith.constant 0 : i32
    %dma_start3A_156 = arith.constant 0 : i32
    %dma_start3A_157 = tpu.memref_slice %arg4[%add3A, %dma_start3A_155, %dma_start3A_156] : memref<32x128x80xi32, #tpu.memory_space<hbm>> -> memref<1x16x80xi32, #tpu.memory_space<hbm>>
    %dma_start3A_158 = tpu.memref_squeeze %dma_start3A_157 : memref<1x16x80xi32, #tpu.memory_space<hbm>> -> memref<16x80xi32, #tpu.memory_space<hbm>>
    tpu.enqueue_dma source(%dma_start3A_158 : memref<16x80xi32, #tpu.memory_space<hbm>>) target(%arg13 : memref<16x80xi32, #tpu.memory_space<vmem>>) target_semaphore(%arg32 : memref<!tpu.dma_semaphore, #tpu.memory_space<semaphore_mem>>)
    %dma_start3A_159 = arith.constant 16 : i32
    %dma_start3A_160 = arith.constant 0 : i32
    %dma_start3A_161 = tpu.memref_slice %arg4[%add3A, %dma_start3A_159, %dma_start3A_160] : memref<32x128x80xi32, #tpu.memory_space<hbm>> -> memref<1x16x80xi32, #tpu.memory_space<hbm>>
    %dma_start3A_162 = tpu.memref_squeeze %dma_start3A_161 : memref<1x16x80xi32, #tpu.memory_space<hbm>> -> memref<16x80xi32, #tpu.memory_space<hbm>>
    %dma_start3A_163 = arith.constant 16 : i32
    %dma_start3A_164 = arith.constant 0 : i32
    %dma_start3A_165 = tpu.memref_slice %arg4[%add3A, %dma_start3A_163, %dma_start3A_164] : memref<32x128x80xi32, #tpu.memory_space<hbm>> -> memref<1x16x80xi32, #tpu.memory_space<hbm>>
    %dma_start3A_166 = tpu.memref_squeeze %dma_start3A_165 : memref<1x16x80xi32, #tpu.memory_space<hbm>> -> memref<16x80xi32, #tpu.memory_space<hbm>>
    tpu.enqueue_dma source(%dma_start3A_166 : memref<16x80xi32, #tpu.memory_space<hbm>>) target(%arg14 : memref<16x80xi32, #tpu.memory_space<vmem>>) target_semaphore(%arg33 : memref<!tpu.dma_semaphore, #tpu.memory_space<semaphore_mem>>)
    %scan3A_167 = arith.constant 0 : i32
    %scan3A_168 = arith.constant 0 : i32
    %scan3A_169 = arith.constant 4 : i32
    %scan3A_170 = arith.addi %scan3A_168, %scan3A_169 : i32
    %scan3A_171 = arith.constant 1 : i32
    %scan3A_172 = scf.for %scan3A_175 = %scan3A_168 to %scan3A_170 step %scan3A_171 iter_args(%scan3A_176 = %scan3A_167) -> (i32)  : i32 {
      %mul3A_177 = arith.constant 2 : i32
      %mul3A_178 = arith.muli %mul3A_177, %scan3A_175 : i32
      %mul3A_179 = arith.constant 16 : i32
      %mul3A_180 = arith.muli %mul3A_179, %mul3A_178 : i32
      %dma_wait3A_181 = arith.constant 0 : i32
      %dma_wait3A_182 = tpu.memref_slice %arg4[%add3A, %mul3A_180, %dma_wait3A_181] : memref<32x128x80xi32, #tpu.memory_space<hbm>> -> memref<1x16x80xi32, #tpu.memory_space<hbm>>
      %dma_wait3A_183 = tpu.memref_squeeze %dma_wait3A_182 : memref<1x16x80xi32, #tpu.memory_space<hbm>> -> memref<16x80xi32, #tpu.memory_space<hbm>>
      %dma_wait3A_184 = arith.constant 0 : i32
      %dma_wait3A_185 = tpu.memref_slice %arg4[%add3A, %mul3A_180, %dma_wait3A_184] : memref<32x128x80xi32, #tpu.memory_space<hbm>> -> memref<1x16x80xi32, #tpu.memory_space<hbm>>
      %dma_wait3A_186 = tpu.memref_squeeze %dma_wait3A_185 : memref<1x16x80xi32, #tpu.memory_space<hbm>> -> memref<16x80xi32, #tpu.memory_space<hbm>>
      tpu.wait_dma2 semaphore(%arg32 : memref<!tpu.dma_semaphore, #tpu.memory_space<semaphore_mem>>) src(%dma_wait3A_186 : memref<16x80xi32, #tpu.memory_space<hbm>>) dst(%arg13 : memref<16x80xi32, #tpu.memory_space<vmem>>)
      %dma_start3A_187 = arith.constant 0 : i32
      %dma_start3A_188 = arith.constant 0 : i32
      %dma_start3A_189 = tpu.memref_slice %arg13[%dma_start3A_187, %dma_start3A_188] : memref<16x80xi32, #tpu.memory_space<vmem>> -> memref<1x80xi32, #tpu.memory_space<vmem>>
      %dma_start3A_190 = tpu.memref_squeeze %dma_start3A_189 : memref<1x80xi32, #tpu.memory_space<vmem>> -> memref<80xi32, #tpu.memory_space<vmem>>
      %dma_start3A_191 = arith.constant 0 : i32
      %dma_start3A_192 = arith.constant 0 : i32
      %dma_start3A_193 = tpu.memref_slice %arg19[%dma_start3A_191, %dma_start3A_192] : memref<10240x128xf32, #tpu.memory_space<vmem_shared>> -> memref<10240x128xf32, #tpu.memory_space<vmem_shared>>
      tpu.enqueue_indirect_dma source(%arg15 : memref<80x128xf32, #tpu.memory_space<vmem>>) target(%dma_start3A_193 : memref<10240x128xf32, #tpu.memory_space<vmem_shared>>) offsets(%dma_start3A_190 : memref<80xi32, #tpu.memory_space<vmem>>) semaphore(%arg34 : memref<!tpu.dma_semaphore, #tpu.memory_space<semaphore_mem>>) {add = true}
      %dma_start3A_194 = arith.constant 1 : i32
      %dma_start3A_195 = arith.constant 0 : i32
      %dma_start3A_196 = tpu.memref_slice %arg13[%dma_start3A_194, %dma_start3A_195] : memref<16x80xi32, #tpu.memory_space<vmem>> -> memref<1x80xi32, #tpu.memory_space<vmem>>
      %dma_start3A_197 = tpu.memref_squeeze %dma_start3A_196 : memref<1x80xi32, #tpu.memory_space<vmem>> -> memref<80xi32, #tpu.memory_space<vmem>>
      %dma_start3A_198 = arith.constant 0 : i32
      %dma_start3A_199 = arith.constant 0 : i32
      %dma_start3A_200 = tpu.memref_slice %arg19[%dma_start3A_198, %dma_start3A_199] : memref<10240x128xf32, #tpu.memory_space<vmem_shared>> -> memref<10240x128xf32, #tpu.memory_space<vmem_shared>>
      tpu.enqueue_indirect_dma source(%arg15 : memref<80x128xf32, #tpu.memory_space<vmem>>) target(%dma_start3A_200 : memref<10240x128xf32, #tpu.memory_space<vmem_shared>>) offsets(%dma_start3A_197 : memref<80xi32, #tpu.memory_space<vmem>>) semaphore(%arg34 : memref<!tpu.dma_semaphore, #tpu.memory_space<semaphore_mem>>) {add = true}
      %dma_start3A_201 = arith.constant 2 : i32
      %dma_start3A_202 = arith.constant 0 : i32
      %dma_start3A_203 = tpu.memref_slice %arg13[%dma_start3A_201, %dma_start3A_202] : memref<16x80xi32, #tpu.memory_space<vmem>> -> memref<1x80xi32, #tpu.memory_space<vmem>>
      %dma_start3A_204 = tpu.memref_squeeze %dma_start3A_203 : memref<1x80xi32, #tpu.memory_space<vmem>> -> memref<80xi32, #tpu.memory_space<vmem>>
      %dma_start3A_205 = arith.constant 0 : i32
      %dma_start3A_206 = arith.constant 0 : i32
      %dma_start3A_207 = tpu.memref_slice %arg19[%dma_start3A_205, %dma_start3A_206] : memref<10240x128xf32, #tpu.memory_space<vmem_shared>> -> memref<10240x128xf32, #tpu.memory_space<vmem_shared>>
      tpu.enqueue_indirect_dma source(%arg15 : memref<80x128xf32, #tpu.memory_space<vmem>>) target(%dma_start3A_207 : memref<10240x128xf32, #tpu.memory_space<vmem_shared>>) offsets(%dma_start3A_204 : memref<80xi32, #tpu.memory_space<vmem>>) semaphore(%arg34 : memref<!tpu.dma_semaphore, #tpu.memory_space<semaphore_mem>>) {add = true}
      %dma_start3A_208 = arith.constant 3 : i32
      %dma_start3A_209 = arith.constant 0 : i32
      %dma_start3A_210 = tpu.memref_slice %arg13[%dma_start3A_208, %dma_start3A_209] : memref<16x80xi32, #tpu.memory_space<vmem>> -> memref<1x80xi32, #tpu.memory_space<vmem>>
      %dma_start3A_211 = tpu.memref_squeeze %dma_start3A_210 : memref<1x80xi32, #tpu.memory_space<vmem>> -> memref<80xi32, #tpu.memory_space<vmem>>
      %dma_start3A_212 = arith.constant 0 : i32
      %dma_start3A_213 = arith.constant 0 : i32
      %dma_start3A_214 = tpu.memref_slice %arg19[%dma_start3A_212, %dma_start3A_213] : memref<10240x128xf32, #tpu.memory_space<vmem_shared>> -> memref<10240x128xf32, #tpu.memory_space<vmem_shared>>
      tpu.enqueue_indirect_dma source(%arg15 : memref<80x128xf32, #tpu.memory_space<vmem>>) target(%dma_start3A_214 : memref<10240x128xf32, #tpu.memory_space<vmem_shared>>) offsets(%dma_start3A_211 : memref<80xi32, #tpu.memory_space<vmem>>) semaphore(%arg34 : memref<!tpu.dma_semaphore, #tpu.memory_space<semaphore_mem>>) {add = true}
      %dma_start3A_215 = arith.constant 4 : i32
      %dma_start3A_216 = arith.constant 0 : i32
      %dma_start3A_217 = tpu.memref_slice %arg13[%dma_start3A_215, %dma_start3A_216] : memref<16x80xi32, #tpu.memory_space<vmem>> -> memref<1x80xi32, #tpu.memory_space<vmem>>
      %dma_start3A_218 = tpu.memref_squeeze %dma_start3A_217 : memref<1x80xi32, #tpu.memory_space<vmem>> -> memref<80xi32, #tpu.memory_space<vmem>>
      %dma_start3A_219 = arith.constant 0 : i32
      %dma_start3A_220 = arith.constant 0 : i32
      %dma_start3A_221 = tpu.memref_slice %arg19[%dma_start3A_219, %dma_start3A_220] : memref<10240x128xf32, #tpu.memory_space<vmem_shared>> -> memref<10240x128xf32, #tpu.memory_space<vmem_shared>>
      tpu.enqueue_indirect_dma source(%arg15 : memref<80x128xf32, #tpu.memory_space<vmem>>) target(%dma_start3A_221 : memref<10240x128xf32, #tpu.memory_space<vmem_shared>>) offsets(%dma_start3A_218 : memref<80xi32, #tpu.memory_space<vmem>>) semaphore(%arg34 : memref<!tpu.dma_semaphore, #tpu.memory_space<semaphore_mem>>) {add = true}
      %dma_start3A_222 = arith.constant 5 : i32
      %dma_start3A_223 = arith.constant 0 : i32
      %dma_start3A_224 = tpu.memref_slice %arg13[%dma_start3A_222, %dma_start3A_223] : memref<16x80xi32, #tpu.memory_space<vmem>> -> memref<1x80xi32, #tpu.memory_space<vmem>>
      %dma_start3A_225 = tpu.memref_squeeze %dma_start3A_224 : memref<1x80xi32, #tpu.memory_space<vmem>> -> memref<80xi32, #tpu.memory_space<vmem>>
      %dma_start3A_226 = arith.constant 0 : i32
      %dma_start3A_227 = arith.constant 0 : i32
      %dma_start3A_228 = tpu.memref_slice %arg19[%dma_start3A_226, %dma_start3A_227] : memref<10240x128xf32, #tpu.memory_space<vmem_shared>> -> memref<10240x128xf32, #tpu.memory_space<vmem_shared>>
      tpu.enqueue_indirect_dma source(%arg15 : memref<80x128xf32, #tpu.memory_space<vmem>>) target(%dma_start3A_228 : memref<10240x128xf32, #tpu.memory_space<vmem_shared>>) offsets(%dma_start3A_225 : memref<80xi32, #tpu.memory_space<vmem>>) semaphore(%arg34 : memref<!tpu.dma_semaphore, #tpu.memory_space<semaphore_mem>>) {add = true}
      %dma_start3A_229 = arith.constant 6 : i32
      %dma_start3A_230 = arith.constant 0 : i32
      %dma_start3A_231 = tpu.memref_slice %arg13[%dma_start3A_229, %dma_start3A_230] : memref<16x80xi32, #tpu.memory_space<vmem>> -> memref<1x80xi32, #tpu.memory_space<vmem>>
      %dma_start3A_232 = tpu.memref_squeeze %dma_start3A_231 : memref<1x80xi32, #tpu.memory_space<vmem>> -> memref<80xi32, #tpu.memory_space<vmem>>
      %dma_start3A_233 = arith.constant 0 : i32
      %dma_start3A_234 = arith.constant 0 : i32
      %dma_start3A_235 = tpu.memref_slice %arg19[%dma_start3A_233, %dma_start3A_234] : memref<10240x128xf32, #tpu.memory_space<vmem_shared>> -> memref<10240x128xf32, #tpu.memory_space<vmem_shared>>
      tpu.enqueue_indirect_dma source(%arg15 : memref<80x128xf32, #tpu.memory_space<vmem>>) target(%dma_start3A_235 : memref<10240x128xf32, #tpu.memory_space<vmem_shared>>) offsets(%dma_start3A_232 : memref<80xi32, #tpu.memory_space<vmem>>) semaphore(%arg34 : memref<!tpu.dma_semaphore, #tpu.memory_space<semaphore_mem>>) {add = true}
      %dma_start3A_236 = arith.constant 7 : i32
      %dma_start3A_237 = arith.constant 0 : i32
      %dma_start3A_238 = tpu.memref_slice %arg13[%dma_start3A_236, %dma_start3A_237] : memref<16x80xi32, #tpu.memory_space<vmem>> -> memref<1x80xi32, #tpu.memory_space<vmem>>
      %dma_start3A_239 = tpu.memref_squeeze %dma_start3A_238 : memref<1x80xi32, #tpu.memory_space<vmem>> -> memref<80xi32, #tpu.memory_space<vmem>>
      %dma_start3A_240 = arith.constant 0 : i32
      %dma_start3A_241 = arith.constant 0 : i32
      %dma_start3A_242 = tpu.memref_slice %arg19[%dma_start3A_240, %dma_start3A_241] : memref<10240x128xf32, #tpu.memory_space<vmem_shared>> -> memref<10240x128xf32, #tpu.memory_space<vmem_shared>>
      tpu.enqueue_indirect_dma source(%arg15 : memref<80x128xf32, #tpu.memory_space<vmem>>) target(%dma_start3A_242 : memref<10240x128xf32, #tpu.memory_space<vmem_shared>>) offsets(%dma_start3A_239 : memref<80xi32, #tpu.memory_space<vmem>>) semaphore(%arg34 : memref<!tpu.dma_semaphore, #tpu.memory_space<semaphore_mem>>) {add = true}
      %dma_start3A_243 = arith.constant 8 : i32
      %dma_start3A_244 = arith.constant 0 : i32
      %dma_start3A_245 = tpu.memref_slice %arg13[%dma_start3A_243, %dma_start3A_244] : memref<16x80xi32, #tpu.memory_space<vmem>> -> memref<1x80xi32, #tpu.memory_space<vmem>>
      %dma_start3A_246 = tpu.memref_squeeze %dma_start3A_245 : memref<1x80xi32, #tpu.memory_space<vmem>> -> memref<80xi32, #tpu.memory_space<vmem>>
      %dma_start3A_247 = arith.constant 0 : i32
      %dma_start3A_248 = arith.constant 0 : i32
      %dma_start3A_249 = tpu.memref_slice %arg19[%dma_start3A_247, %dma_start3A_248] : memref<10240x128xf32, #tpu.memory_space<vmem_shared>> -> memref<10240x128xf32, #tpu.memory_space<vmem_shared>>
      tpu.enqueue_indirect_dma source(%arg15 : memref<80x128xf32, #tpu.memory_space<vmem>>) target(%dma_start3A_249 : memref<10240x128xf32, #tpu.memory_space<vmem_shared>>) offsets(%dma_start3A_246 : memref<80xi32, #tpu.memory_space<vmem>>) semaphore(%arg34 : memref<!tpu.dma_semaphore, #tpu.memory_space<semaphore_mem>>) {add = true}
      %dma_start3A_250 = arith.constant 9 : i32
      %dma_start3A_251 = arith.constant 0 : i32
      %dma_start3A_252 = tpu.memref_slice %arg13[%dma_start3A_250, %dma_start3A_251] : memref<16x80xi32, #tpu.memory_space<vmem>> -> memref<1x80xi32, #tpu.memory_space<vmem>>
      %dma_start3A_253 = tpu.memref_squeeze %dma_start3A_252 : memref<1x80xi32, #tpu.memory_space<vmem>> -> memref<80xi32, #tpu.memory_space<vmem>>
      %dma_start3A_254 = arith.constant 0 : i32
      %dma_start3A_255 = arith.constant 0 : i32
      %dma_start3A_256 = tpu.memref_slice %arg19[%dma_start3A_254, %dma_start3A_255] : memref<10240x128xf32, #tpu.memory_space<vmem_shared>> -> memref<10240x128xf32, #tpu.memory_space<vmem_shared>>
      tpu.enqueue_indirect_dma source(%arg15 : memref<80x128xf32, #tpu.memory_space<vmem>>) target(%dma_start3A_256 : memref<10240x128xf32, #tpu.memory_space<vmem_shared>>) offsets(%dma_start3A_253 : memref<80xi32, #tpu.memory_space<vmem>>) semaphore(%arg34 : memref<!tpu.dma_semaphore, #tpu.memory_space<semaphore_mem>>) {add = true}
      %dma_start3A_257 = arith.constant 10 : i32
      %dma_start3A_258 = arith.constant 0 : i32
      %dma_start3A_259 = tpu.memref_slice %arg13[%dma_start3A_257, %dma_start3A_258] : memref<16x80xi32, #tpu.memory_space<vmem>> -> memref<1x80xi32, #tpu.memory_space<vmem>>
      %dma_start3A_260 = tpu.memref_squeeze %dma_start3A_259 : memref<1x80xi32, #tpu.memory_space<vmem>> -> memref<80xi32, #tpu.memory_space<vmem>>
      %dma_start3A_261 = arith.constant 0 : i32
      %dma_start3A_262 = arith.constant 0 : i32
      %dma_start3A_263 = tpu.memref_slice %arg19[%dma_start3A_261, %dma_start3A_262] : memref<10240x128xf32, #tpu.memory_space<vmem_shared>> -> memref<10240x128xf32, #tpu.memory_space<vmem_shared>>
      tpu.enqueue_indirect_dma source(%arg15 : memref<80x128xf32, #tpu.memory_space<vmem>>) target(%dma_start3A_263 : memref<10240x128xf32, #tpu.memory_space<vmem_shared>>) offsets(%dma_start3A_260 : memref<80xi32, #tpu.memory_space<vmem>>) semaphore(%arg34 : memref<!tpu.dma_semaphore, #tpu.memory_space<semaphore_mem>>) {add = true}
      %dma_start3A_264 = arith.constant 11 : i32
      %dma_start3A_265 = arith.constant 0 : i32
      %dma_start3A_266 = tpu.memref_slice %arg13[%dma_start3A_264, %dma_start3A_265] : memref<16x80xi32, #tpu.memory_space<vmem>> -> memref<1x80xi32, #tpu.memory_space<vmem>>
      %dma_start3A_267 = tpu.memref_squeeze %dma_start3A_266 : memref<1x80xi32, #tpu.memory_space<vmem>> -> memref<80xi32, #tpu.memory_space<vmem>>
      %dma_start3A_268 = arith.constant 0 : i32
      %dma_start3A_269 = arith.constant 0 : i32
      %dma_start3A_270 = tpu.memref_slice %arg19[%dma_start3A_268, %dma_start3A_269] : memref<10240x128xf32, #tpu.memory_space<vmem_shared>> -> memref<10240x128xf32, #tpu.memory_space<vmem_shared>>
      tpu.enqueue_indirect_dma source(%arg15 : memref<80x128xf32, #tpu.memory_space<vmem>>) target(%dma_start3A_270 : memref<10240x128xf32, #tpu.memory_space<vmem_shared>>) offsets(%dma_start3A_267 : memref<80xi32, #tpu.memory_space<vmem>>) semaphore(%arg34 : memref<!tpu.dma_semaphore, #tpu.memory_space<semaphore_mem>>) {add = true}
      %dma_start3A_271 = arith.constant 12 : i32
      %dma_start3A_272 = arith.constant 0 : i32
      %dma_start3A_273 = tpu.memref_slice %arg13[%dma_start3A_271, %dma_start3A_272] : memref<16x80xi32, #tpu.memory_space<vmem>> -> memref<1x80xi32, #tpu.memory_space<vmem>>
      %dma_start3A_274 = tpu.memref_squeeze %dma_start3A_273 : memref<1x80xi32, #tpu.memory_space<vmem>> -> memref<80xi32, #tpu.memory_space<vmem>>
      %dma_start3A_275 = arith.constant 0 : i32
      %dma_start3A_276 = arith.constant 0 : i32
      %dma_start3A_277 = tpu.memref_slice %arg19[%dma_start3A_275, %dma_start3A_276] : memref<10240x128xf32, #tpu.memory_space<vmem_shared>> -> memref<10240x128xf32, #tpu.memory_space<vmem_shared>>
      tpu.enqueue_indirect_dma source(%arg15 : memref<80x128xf32, #tpu.memory_space<vmem>>) target(%dma_start3A_277 : memref<10240x128xf32, #tpu.memory_space<vmem_shared>>) offsets(%dma_start3A_274 : memref<80xi32, #tpu.memory_space<vmem>>) semaphore(%arg34 : memref<!tpu.dma_semaphore, #tpu.memory_space<semaphore_mem>>) {add = true}
      %dma_start3A_278 = arith.constant 13 : i32
      %dma_start3A_279 = arith.constant 0 : i32
      %dma_start3A_280 = tpu.memref_slice %arg13[%dma_start3A_278, %dma_start3A_279] : memref<16x80xi32, #tpu.memory_space<vmem>> -> memref<1x80xi32, #tpu.memory_space<vmem>>
      %dma_start3A_281 = tpu.memref_squeeze %dma_start3A_280 : memref<1x80xi32, #tpu.memory_space<vmem>> -> memref<80xi32, #tpu.memory_space<vmem>>
      %dma_start3A_282 = arith.constant 0 : i32
      %dma_start3A_283 = arith.constant 0 : i32
      %dma_start3A_284 = tpu.memref_slice %arg19[%dma_start3A_282, %dma_start3A_283] : memref<10240x128xf32, #tpu.memory_space<vmem_shared>> -> memref<10240x128xf32, #tpu.memory_space<vmem_shared>>
      tpu.enqueue_indirect_dma source(%arg15 : memref<80x128xf32, #tpu.memory_space<vmem>>) target(%dma_start3A_284 : memref<10240x128xf32, #tpu.memory_space<vmem_shared>>) offsets(%dma_start3A_281 : memref<80xi32, #tpu.memory_space<vmem>>) semaphore(%arg34 : memref<!tpu.dma_semaphore, #tpu.memory_space<semaphore_mem>>) {add = true}
      %dma_start3A_285 = arith.constant 14 : i32
      %dma_start3A_286 = arith.constant 0 : i32
      %dma_start3A_287 = tpu.memref_slice %arg13[%dma_start3A_285, %dma_start3A_286] : memref<16x80xi32, #tpu.memory_space<vmem>> -> memref<1x80xi32, #tpu.memory_space<vmem>>
      %dma_start3A_288 = tpu.memref_squeeze %dma_start3A_287 : memref<1x80xi32, #tpu.memory_space<vmem>> -> memref<80xi32, #tpu.memory_space<vmem>>
      %dma_start3A_289 = arith.constant 0 : i32
      %dma_start3A_290 = arith.constant 0 : i32
      %dma_start3A_291 = tpu.memref_slice %arg19[%dma_start3A_289, %dma_start3A_290] : memref<10240x128xf32, #tpu.memory_space<vmem_shared>> -> memref<10240x128xf32, #tpu.memory_space<vmem_shared>>
      tpu.enqueue_indirect_dma source(%arg15 : memref<80x128xf32, #tpu.memory_space<vmem>>) target(%dma_start3A_291 : memref<10240x128xf32, #tpu.memory_space<vmem_shared>>) offsets(%dma_start3A_288 : memref<80xi32, #tpu.memory_space<vmem>>) semaphore(%arg34 : memref<!tpu.dma_semaphore, #tpu.memory_space<semaphore_mem>>) {add = true}
      %dma_start3A_292 = arith.constant 15 : i32
      %dma_start3A_293 = arith.constant 0 : i32
      %dma_start3A_294 = tpu.memref_slice %arg13[%dma_start3A_292, %dma_start3A_293] : memref<16x80xi32, #tpu.memory_space<vmem>> -> memref<1x80xi32, #tpu.memory_space<vmem>>
      %dma_start3A_295 = tpu.memref_squeeze %dma_start3A_294 : memref<1x80xi32, #tpu.memory_space<vmem>> -> memref<80xi32, #tpu.memory_space<vmem>>
      %dma_start3A_296 = arith.constant 0 : i32
      %dma_start3A_297 = arith.constant 0 : i32
      %dma_start3A_298 = tpu.memref_slice %arg19[%dma_start3A_296, %dma_start3A_297] : memref<10240x128xf32, #tpu.memory_space<vmem_shared>> -> memref<10240x128xf32, #tpu.memory_space<vmem_shared>>
      tpu.enqueue_indirect_dma source(%arg15 : memref<80x128xf32, #tpu.memory_space<vmem>>) target(%dma_start3A_298 : memref<10240x128xf32, #tpu.memory_space<vmem_shared>>) offsets(%dma_start3A_295 : memref<80xi32, #tpu.memory_space<vmem>>) semaphore(%arg34 : memref<!tpu.dma_semaphore, #tpu.memory_space<semaphore_mem>>) {add = true}
      %dma_wait3A_299 = arith.constant 0 : i32
      %dma_wait3A_300 = arith.constant 0 : i32
      %dma_wait3A_301 = tpu.memref_slice %arg13[%dma_wait3A_299, %dma_wait3A_300] : memref<16x80xi32, #tpu.memory_space<vmem>> -> memref<1x80xi32, #tpu.memory_space<vmem>>
      %dma_wait3A_302 = tpu.memref_squeeze %dma_wait3A_301 : memref<1x80xi32, #tpu.memory_space<vmem>> -> memref<80xi32, #tpu.memory_space<vmem>>
      %dma_wait3A_303 = arith.constant 0 : i32
      %dma_wait3A_304 = arith.constant 0 : i32
      %dma_wait3A_305 = tpu.memref_slice %arg19[%dma_wait3A_303, %dma_wait3A_304] : memref<10240x128xf32, #tpu.memory_space<vmem_shared>> -> memref<10240x128xf32, #tpu.memory_space<vmem_shared>>
      tpu.wait_indirect_dma semaphore(%arg34 : memref<!tpu.dma_semaphore, #tpu.memory_space<semaphore_mem>>) src(%arg15 : memref<80x128xf32, #tpu.memory_space<vmem>>) dst(%dma_wait3A_305 : memref<10240x128xf32, #tpu.memory_space<vmem_shared>>)
      %dma_wait3A_306 = arith.constant 1 : i32
      %dma_wait3A_307 = arith.constant 0 : i32
      %dma_wait3A_308 = tpu.memref_slice %arg13[%dma_wait3A_306, %dma_wait3A_307] : memref<16x80xi32, #tpu.memory_space<vmem>> -> memref<1x80xi32, #tpu.memory_space<vmem>>
      %dma_wait3A_309 = tpu.memref_squeeze %dma_wait3A_308 : memref<1x80xi32, #tpu.memory_space<vmem>> -> memref<80xi32, #tpu.memory_space<vmem>>
      %dma_wait3A_310 = arith.constant 0 : i32
      %dma_wait3A_311 = arith.constant 0 : i32
      %dma_wait3A_312 = tpu.memref_slice %arg19[%dma_wait3A_310, %dma_wait3A_311] : memref<10240x128xf32, #tpu.memory_space<vmem_shared>> -> memref<10240x128xf32, #tpu.memory_space<vmem_shared>>
      tpu.wait_indirect_dma semaphore(%arg34 : memref<!tpu.dma_semaphore, #tpu.memory_space<semaphore_mem>>) src(%arg15 : memref<80x128xf32, #tpu.memory_space<vmem>>) dst(%dma_wait3A_312 : memref<10240x128xf32, #tpu.memory_space<vmem_shared>>)
      %dma_wait3A_313 = arith.constant 2 : i32
      %dma_wait3A_314 = arith.constant 0 : i32
      %dma_wait3A_315 = tpu.memref_slice %arg13[%dma_wait3A_313, %dma_wait3A_314] : memref<16x80xi32, #tpu.memory_space<vmem>> -> memref<1x80xi32, #tpu.memory_space<vmem>>
      %dma_wait3A_316 = tpu.memref_squeeze %dma_wait3A_315 : memref<1x80xi32, #tpu.memory_space<vmem>> -> memref<80xi32, #tpu.memory_space<vmem>>
      %dma_wait3A_317 = arith.constant 0 : i32
      %dma_wait3A_318 = arith.constant 0 : i32
      %dma_wait3A_319 = tpu.memref_slice %arg19[%dma_wait3A_317, %dma_wait3A_318] : memref<10240x128xf32, #tpu.memory_space<vmem_shared>> -> memref<10240x128xf32, #tpu.memory_space<vmem_shared>>
      tpu.wait_indirect_dma semaphore(%arg34 : memref<!tpu.dma_semaphore, #tpu.memory_space<semaphore_mem>>) src(%arg15 : memref<80x128xf32, #tpu.memory_space<vmem>>) dst(%dma_wait3A_319 : memref<10240x128xf32, #tpu.memory_space<vmem_shared>>)
      %dma_wait3A_320 = arith.constant 3 : i32
      %dma_wait3A_321 = arith.constant 0 : i32
      %dma_wait3A_322 = tpu.memref_slice %arg13[%dma_wait3A_320, %dma_wait3A_321] : memref<16x80xi32, #tpu.memory_space<vmem>> -> memref<1x80xi32, #tpu.memory_space<vmem>>
      %dma_wait3A_323 = tpu.memref_squeeze %dma_wait3A_322 : memref<1x80xi32, #tpu.memory_space<vmem>> -> memref<80xi32, #tpu.memory_space<vmem>>
      %dma_wait3A_324 = arith.constant 0 : i32
      %dma_wait3A_325 = arith.constant 0 : i32
      %dma_wait3A_326 = tpu.memref_slice %arg19[%dma_wait3A_324, %dma_wait3A_325] : memref<10240x128xf32, #tpu.memory_space<vmem_shared>> -> memref<10240x128xf32, #tpu.memory_space<vmem_shared>>
      tpu.wait_indirect_dma semaphore(%arg34 : memref<!tpu.dma_semaphore, #tpu.memory_space<semaphore_mem>>) src(%arg15 : memref<80x128xf32, #tpu.memory_space<vmem>>) dst(%dma_wait3A_326 : memref<10240x128xf32, #tpu.memory_space<vmem_shared>>)
      %dma_wait3A_327 = arith.constant 4 : i32
      %dma_wait3A_328 = arith.constant 0 : i32
      %dma_wait3A_329 = tpu.memref_slice %arg13[%dma_wait3A_327, %dma_wait3A_328] : memref<16x80xi32, #tpu.memory_space<vmem>> -> memref<1x80xi32, #tpu.memory_space<vmem>>
      %dma_wait3A_330 = tpu.memref_squeeze %dma_wait3A_329 : memref<1x80xi32, #tpu.memory_space<vmem>> -> memref<80xi32, #tpu.memory_space<vmem>>
      %dma_wait3A_331 = arith.constant 0 : i32
      %dma_wait3A_332 = arith.constant 0 : i32
      %dma_wait3A_333 = tpu.memref_slice %arg19[%dma_wait3A_331, %dma_wait3A_332] : memref<10240x128xf32, #tpu.memory_space<vmem_shared>> -> memref<10240x128xf32, #tpu.memory_space<vmem_shared>>
      tpu.wait_indirect_dma semaphore(%arg34 : memref<!tpu.dma_semaphore, #tpu.memory_space<semaphore_mem>>) src(%arg15 : memref<80x128xf32, #tpu.memory_space<vmem>>) dst(%dma_wait3A_333 : memref<10240x128xf32, #tpu.memory_space<vmem_shared>>)
      %dma_wait3A_334 = arith.constant 5 : i32
      %dma_wait3A_335 = arith.constant 0 : i32
      %dma_wait3A_336 = tpu.memref_slice %arg13[%dma_wait3A_334, %dma_wait3A_335] : memref<16x80xi32, #tpu.memory_space<vmem>> -> memref<1x80xi32, #tpu.memory_space<vmem>>
      %dma_wait3A_337 = tpu.memref_squeeze %dma_wait3A_336 : memref<1x80xi32, #tpu.memory_space<vmem>> -> memref<80xi32, #tpu.memory_space<vmem>>
      %dma_wait3A_338 = arith.constant 0 : i32
      %dma_wait3A_339 = arith.constant 0 : i32
      %dma_wait3A_340 = tpu.memref_slice %arg19[%dma_wait3A_338, %dma_wait3A_339] : memref<10240x128xf32, #tpu.memory_space<vmem_shared>> -> memref<10240x128xf32, #tpu.memory_space<vmem_shared>>
      tpu.wait_indirect_dma semaphore(%arg34 : memref<!tpu.dma_semaphore, #tpu.memory_space<semaphore_mem>>) src(%arg15 : memref<80x128xf32, #tpu.memory_space<vmem>>) dst(%dma_wait3A_340 : memref<10240x128xf32, #tpu.memory_space<vmem_shared>>)
      %dma_wait3A_341 = arith.constant 6 : i32
      %dma_wait3A_342 = arith.constant 0 : i32
      %dma_wait3A_343 = tpu.memref_slice %arg13[%dma_wait3A_341, %dma_wait3A_342] : memref<16x80xi32, #tpu.memory_space<vmem>> -> memref<1x80xi32, #tpu.memory_space<vmem>>
      %dma_wait3A_344 = tpu.memref_squeeze %dma_wait3A_343 : memref<1x80xi32, #tpu.memory_space<vmem>> -> memref<80xi32, #tpu.memory_space<vmem>>
      %dma_wait3A_345 = arith.constant 0 : i32
      %dma_wait3A_346 = arith.constant 0 : i32
      %dma_wait3A_347 = tpu.memref_slice %arg19[%dma_wait3A_345, %dma_wait3A_346] : memref<10240x128xf32, #tpu.memory_space<vmem_shared>> -> memref<10240x128xf32, #tpu.memory_space<vmem_shared>>
      tpu.wait_indirect_dma semaphore(%arg34 : memref<!tpu.dma_semaphore, #tpu.memory_space<semaphore_mem>>) src(%arg15 : memref<80x128xf32, #tpu.memory_space<vmem>>) dst(%dma_wait3A_347 : memref<10240x128xf32, #tpu.memory_space<vmem_shared>>)
      %dma_wait3A_348 = arith.constant 7 : i32
      %dma_wait3A_349 = arith.constant 0 : i32
      %dma_wait3A_350 = tpu.memref_slice %arg13[%dma_wait3A_348, %dma_wait3A_349] : memref<16x80xi32, #tpu.memory_space<vmem>> -> memref<1x80xi32, #tpu.memory_space<vmem>>
      %dma_wait3A_351 = tpu.memref_squeeze %dma_wait3A_350 : memref<1x80xi32, #tpu.memory_space<vmem>> -> memref<80xi32, #tpu.memory_space<vmem>>
      %dma_wait3A_352 = arith.constant 0 : i32
      %dma_wait3A_353 = arith.constant 0 : i32
      %dma_wait3A_354 = tpu.memref_slice %arg19[%dma_wait3A_352, %dma_wait3A_353] : memref<10240x128xf32, #tpu.memory_space<vmem_shared>> -> memref<10240x128xf32, #tpu.memory_space<vmem_shared>>
      tpu.wait_indirect_dma semaphore(%arg34 : memref<!tpu.dma_semaphore, #tpu.memory_space<semaphore_mem>>) src(%arg15 : memref<80x128xf32, #tpu.memory_space<vmem>>) dst(%dma_wait3A_354 : memref<10240x128xf32, #tpu.memory_space<vmem_shared>>)
      %dma_wait3A_355 = arith.constant 8 : i32
      %dma_wait3A_356 = arith.constant 0 : i32
      %dma_wait3A_357 = tpu.memref_slice %arg13[%dma_wait3A_355, %dma_wait3A_356] : memref<16x80xi32, #tpu.memory_space<vmem>> -> memref<1x80xi32, #tpu.memory_space<vmem>>
      %dma_wait3A_358 = tpu.memref_squeeze %dma_wait3A_357 : memref<1x80xi32, #tpu.memory_space<vmem>> -> memref<80xi32, #tpu.memory_space<vmem>>
      %dma_wait3A_359 = arith.constant 0 : i32
      %dma_wait3A_360 = arith.constant 0 : i32
      %dma_wait3A_361 = tpu.memref_slice %arg19[%dma_wait3A_359, %dma_wait3A_360] : memref<10240x128xf32, #tpu.memory_space<vmem_shared>> -> memref<10240x128xf32, #tpu.memory_space<vmem_shared>>
      tpu.wait_indirect_dma semaphore(%arg34 : memref<!tpu.dma_semaphore, #tpu.memory_space<semaphore_mem>>) src(%arg15 : memref<80x128xf32, #tpu.memory_space<vmem>>) dst(%dma_wait3A_361 : memref<10240x128xf32, #tpu.memory_space<vmem_shared>>)
      %dma_wait3A_362 = arith.constant 9 : i32
      %dma_wait3A_363 = arith.constant 0 : i32
      %dma_wait3A_364 = tpu.memref_slice %arg13[%dma_wait3A_362, %dma_wait3A_363] : memref<16x80xi32, #tpu.memory_space<vmem>> -> memref<1x80xi32, #tpu.memory_space<vmem>>
      %dma_wait3A_365 = tpu.memref_squeeze %dma_wait3A_364 : memref<1x80xi32, #tpu.memory_space<vmem>> -> memref<80xi32, #tpu.memory_space<vmem>>
      %dma_wait3A_366 = arith.constant 0 : i32
      %dma_wait3A_367 = arith.constant 0 : i32
      %dma_wait3A_368 = tpu.memref_slice %arg19[%dma_wait3A_366, %dma_wait3A_367] : memref<10240x128xf32, #tpu.memory_space<vmem_shared>> -> memref<10240x128xf32, #tpu.memory_space<vmem_shared>>
      tpu.wait_indirect_dma semaphore(%arg34 : memref<!tpu.dma_semaphore, #tpu.memory_space<semaphore_mem>>) src(%arg15 : memref<80x128xf32, #tpu.memory_space<vmem>>) dst(%dma_wait3A_368 : memref<10240x128xf32, #tpu.memory_space<vmem_shared>>)
      %dma_wait3A_369 = arith.constant 10 : i32
      %dma_wait3A_370 = arith.constant 0 : i32
      %dma_wait3A_371 = tpu.memref_slice %arg13[%dma_wait3A_369, %dma_wait3A_370] : memref<16x80xi32, #tpu.memory_space<vmem>> -> memref<1x80xi32, #tpu.memory_space<vmem>>
      %dma_wait3A_372 = tpu.memref_squeeze %dma_wait3A_371 : memref<1x80xi32, #tpu.memory_space<vmem>> -> memref<80xi32, #tpu.memory_space<vmem>>
      %dma_wait3A_373 = arith.constant 0 : i32
      %dma_wait3A_374 = arith.constant 0 : i32
      %dma_wait3A_375 = tpu.memref_slice %arg19[%dma_wait3A_373, %dma_wait3A_374] : memref<10240x128xf32, #tpu.memory_space<vmem_shared>> -> memref<10240x128xf32, #tpu.memory_space<vmem_shared>>
      tpu.wait_indirect_dma semaphore(%arg34 : memref<!tpu.dma_semaphore, #tpu.memory_space<semaphore_mem>>) src(%arg15 : memref<80x128xf32, #tpu.memory_space<vmem>>) dst(%dma_wait3A_375 : memref<10240x128xf32, #tpu.memory_space<vmem_shared>>)
      %dma_wait3A_376 = arith.constant 11 : i32
      %dma_wait3A_377 = arith.constant 0 : i32
      %dma_wait3A_378 = tpu.memref_slice %arg13[%dma_wait3A_376, %dma_wait3A_377] : memref<16x80xi32, #tpu.memory_space<vmem>> -> memref<1x80xi32, #tpu.memory_space<vmem>>
      %dma_wait3A_379 = tpu.memref_squeeze %dma_wait3A_378 : memref<1x80xi32, #tpu.memory_space<vmem>> -> memref<80xi32, #tpu.memory_space<vmem>>
      %dma_wait3A_380 = arith.constant 0 : i32
      %dma_wait3A_381 = arith.constant 0 : i32
      %dma_wait3A_382 = tpu.memref_slice %arg19[%dma_wait3A_380, %dma_wait3A_381] : memref<10240x128xf32, #tpu.memory_space<vmem_shared>> -> memref<10240x128xf32, #tpu.memory_space<vmem_shared>>
      tpu.wait_indirect_dma semaphore(%arg34 : memref<!tpu.dma_semaphore, #tpu.memory_space<semaphore_mem>>) src(%arg15 : memref<80x128xf32, #tpu.memory_space<vmem>>) dst(%dma_wait3A_382 : memref<10240x128xf32, #tpu.memory_space<vmem_shared>>)
      %dma_wait3A_383 = arith.constant 12 : i32
      %dma_wait3A_384 = arith.constant 0 : i32
      %dma_wait3A_385 = tpu.memref_slice %arg13[%dma_wait3A_383, %dma_wait3A_384] : memref<16x80xi32, #tpu.memory_space<vmem>> -> memref<1x80xi32, #tpu.memory_space<vmem>>
      %dma_wait3A_386 = tpu.memref_squeeze %dma_wait3A_385 : memref<1x80xi32, #tpu.memory_space<vmem>> -> memref<80xi32, #tpu.memory_space<vmem>>
      %dma_wait3A_387 = arith.constant 0 : i32
      %dma_wait3A_388 = arith.constant 0 : i32
      %dma_wait3A_389 = tpu.memref_slice %arg19[%dma_wait3A_387, %dma_wait3A_388] : memref<10240x128xf32, #tpu.memory_space<vmem_shared>> -> memref<10240x128xf32, #tpu.memory_space<vmem_shared>>
      tpu.wait_indirect_dma semaphore(%arg34 : memref<!tpu.dma_semaphore, #tpu.memory_space<semaphore_mem>>) src(%arg15 : memref<80x128xf32, #tpu.memory_space<vmem>>) dst(%dma_wait3A_389 : memref<10240x128xf32, #tpu.memory_space<vmem_shared>>)
      %dma_wait3A_390 = arith.constant 13 : i32
      %dma_wait3A_391 = arith.constant 0 : i32
      %dma_wait3A_392 = tpu.memref_slice %arg13[%dma_wait3A_390, %dma_wait3A_391] : memref<16x80xi32, #tpu.memory_space<vmem>> -> memref<1x80xi32, #tpu.memory_space<vmem>>
      %dma_wait3A_393 = tpu.memref_squeeze %dma_wait3A_392 : memref<1x80xi32, #tpu.memory_space<vmem>> -> memref<80xi32, #tpu.memory_space<vmem>>
      %dma_wait3A_394 = arith.constant 0 : i32
      %dma_wait3A_395 = arith.constant 0 : i32
      %dma_wait3A_396 = tpu.memref_slice %arg19[%dma_wait3A_394, %dma_wait3A_395] : memref<10240x128xf32, #tpu.memory_space<vmem_shared>> -> memref<10240x128xf32, #tpu.memory_space<vmem_shared>>
      tpu.wait_indirect_dma semaphore(%arg34 : memref<!tpu.dma_semaphore, #tpu.memory_space<semaphore_mem>>) src(%arg15 : memref<80x128xf32, #tpu.memory_space<vmem>>) dst(%dma_wait3A_396 : memref<10240x128xf32, #tpu.memory_space<vmem_shared>>)
      %dma_wait3A_397 = arith.constant 14 : i32
      %dma_wait3A_398 = arith.constant 0 : i32
      %dma_wait3A_399 = tpu.memref_slice %arg13[%dma_wait3A_397, %dma_wait3A_398] : memref<16x80xi32, #tpu.memory_space<vmem>> -> memref<1x80xi32, #tpu.memory_space<vmem>>
      %dma_wait3A_400 = tpu.memref_squeeze %dma_wait3A_399 : memref<1x80xi32, #tpu.memory_space<vmem>> -> memref<80xi32, #tpu.memory_space<vmem>>
      %dma_wait3A_401 = arith.constant 0 : i32
      %dma_wait3A_402 = arith.constant 0 : i32
      %dma_wait3A_403 = tpu.memref_slice %arg19[%dma_wait3A_401, %dma_wait3A_402] : memref<10240x128xf32, #tpu.memory_space<vmem_shared>> -> memref<10240x128xf32, #tpu.memory_space<vmem_shared>>
      tpu.wait_indirect_dma semaphore(%arg34 : memref<!tpu.dma_semaphore, #tpu.memory_space<semaphore_mem>>) src(%arg15 : memref<80x128xf32, #tpu.memory_space<vmem>>) dst(%dma_wait3A_403 : memref<10240x128xf32, #tpu.memory_space<vmem_shared>>)
      %dma_wait3A_404 = arith.constant 15 : i32
      %dma_wait3A_405 = arith.constant 0 : i32
      %dma_wait3A_406 = tpu.memref_slice %arg13[%dma_wait3A_404, %dma_wait3A_405] : memref<16x80xi32, #tpu.memory_space<vmem>> -> memref<1x80xi32, #tpu.memory_space<vmem>>
      %dma_wait3A_407 = tpu.memref_squeeze %dma_wait3A_406 : memref<1x80xi32, #tpu.memory_space<vmem>> -> memref<80xi32, #tpu.memory_space<vmem>>
      %dma_wait3A_408 = arith.constant 0 : i32
      %dma_wait3A_409 = arith.constant 0 : i32
      %dma_wait3A_410 = tpu.memref_slice %arg19[%dma_wait3A_408, %dma_wait3A_409] : memref<10240x128xf32, #tpu.memory_space<vmem_shared>> -> memref<10240x128xf32, #tpu.memory_space<vmem_shared>>
      tpu.wait_indirect_dma semaphore(%arg34 : memref<!tpu.dma_semaphore, #tpu.memory_space<semaphore_mem>>) src(%arg15 : memref<80x128xf32, #tpu.memory_space<vmem>>) dst(%dma_wait3A_410 : memref<10240x128xf32, #tpu.memory_space<vmem_shared>>)
      %add3A_411 = arith.constant 2 : i32
      %add3A_412 = arith.addi %mul3A_178, %add3A_411 : i32
      %lt3A = arith.constant 8 : i32
      %lt3A_413 = arith.cmpi slt, %add3A_412, %lt3A : i32
      %convert_element_type3A = arith.extui %lt3A_413 : i1 to i32
      %cond3A = arith.constant 0 : i32
      %cond3A_414 = arith.cmpi ne, %convert_element_type3A, %cond3A : i32
      scf.if %cond3A_414 {
        %add3A_659 = arith.constant 2 : i32
        %add3A_660 = arith.addi %mul3A_178, %add3A_659 : i32
        %mul3A_661 = arith.constant 16 : i32
        %mul3A_662 = arith.muli %mul3A_661, %add3A_660 : i32
        %dma_start3A_663 = arith.constant 0 : i32
        %dma_start3A_664 = tpu.memref_slice %arg4[%add3A, %mul3A_662, %dma_start3A_663] : memref<32x128x80xi32, #tpu.memory_space<hbm>> -> memref<1x16x80xi32, #tpu.memory_space<hbm>>
        %dma_start3A_665 = tpu.memref_squeeze %dma_start3A_664 : memref<1x16x80xi32, #tpu.memory_space<hbm>> -> memref<16x80xi32, #tpu.memory_space<hbm>>
        %dma_start3A_666 = arith.constant 0 : i32
        %dma_start3A_667 = tpu.memref_slice %arg4[%add3A, %mul3A_662, %dma_start3A_666] : memref<32x128x80xi32, #tpu.memory_space<hbm>> -> memref<1x16x80xi32, #tpu.memory_space<hbm>>
        %dma_start3A_668 = tpu.memref_squeeze %dma_start3A_667 : memref<1x16x80xi32, #tpu.memory_space<hbm>> -> memref<16x80xi32, #tpu.memory_space<hbm>>
        tpu.enqueue_dma source(%dma_start3A_668 : memref<16x80xi32, #tpu.memory_space<hbm>>) target(%arg13 : memref<16x80xi32, #tpu.memory_space<vmem>>) target_semaphore(%arg32 : memref<!tpu.dma_semaphore, #tpu.memory_space<semaphore_mem>>)
      } else {
      }
      %mul3A_415 = arith.constant 2 : i32
      %mul3A_416 = arith.muli %mul3A_415, %scan3A_175 : i32
      %add3A_417 = arith.constant 1 : i32
      %add3A_418 = arith.addi %mul3A_416, %add3A_417 : i32
      %mul3A_419 = arith.constant 16 : i32
      %mul3A_420 = arith.muli %mul3A_419, %add3A_418 : i32
      %dma_wait3A_421 = arith.constant 0 : i32
      %dma_wait3A_422 = tpu.memref_slice %arg4[%add3A, %mul3A_420, %dma_wait3A_421] : memref<32x128x80xi32, #tpu.memory_space<hbm>> -> memref<1x16x80xi32, #tpu.memory_space<hbm>>
      %dma_wait3A_423 = tpu.memref_squeeze %dma_wait3A_422 : memref<1x16x80xi32, #tpu.memory_space<hbm>> -> memref<16x80xi32, #tpu.memory_space<hbm>>
      %dma_wait3A_424 = arith.constant 0 : i32
      %dma_wait3A_425 = tpu.memref_slice %arg4[%add3A, %mul3A_420, %dma_wait3A_424] : memref<32x128x80xi32, #tpu.memory_space<hbm>> -> memref<1x16x80xi32, #tpu.memory_space<hbm>>
      %dma_wait3A_426 = tpu.memref_squeeze %dma_wait3A_425 : memref<1x16x80xi32, #tpu.memory_space<hbm>> -> memref<16x80xi32, #tpu.memory_space<hbm>>
      tpu.wait_dma2 semaphore(%arg33 : memref<!tpu.dma_semaphore, #tpu.memory_space<semaphore_mem>>) src(%dma_wait3A_426 : memref<16x80xi32, #tpu.memory_space<hbm>>) dst(%arg14 : memref<16x80xi32, #tpu.memory_space<vmem>>)
      %dma_start3A_427 = arith.constant 0 : i32
      %dma_start3A_428 = arith.constant 0 : i32
      %dma_start3A_429 = tpu.memref_slice %arg14[%dma_start3A_427, %dma_start3A_428] : memref<16x80xi32, #tpu.memory_space<vmem>> -> memref<1x80xi32, #tpu.memory_space<vmem>>
      %dma_start3A_430 = tpu.memref_squeeze %dma_start3A_429 : memref<1x80xi32, #tpu.memory_space<vmem>> -> memref<80xi32, #tpu.memory_space<vmem>>
      %dma_start3A_431 = arith.constant 0 : i32
      %dma_start3A_432 = arith.constant 0 : i32
      %dma_start3A_433 = tpu.memref_slice %arg19[%dma_start3A_431, %dma_start3A_432] : memref<10240x128xf32, #tpu.memory_space<vmem_shared>> -> memref<10240x128xf32, #tpu.memory_space<vmem_shared>>
      tpu.enqueue_indirect_dma source(%arg15 : memref<80x128xf32, #tpu.memory_space<vmem>>) target(%dma_start3A_433 : memref<10240x128xf32, #tpu.memory_space<vmem_shared>>) offsets(%dma_start3A_430 : memref<80xi32, #tpu.memory_space<vmem>>) semaphore(%arg34 : memref<!tpu.dma_semaphore, #tpu.memory_space<semaphore_mem>>) {add = true}
      %dma_start3A_434 = arith.constant 1 : i32
      %dma_start3A_435 = arith.constant 0 : i32
      %dma_start3A_436 = tpu.memref_slice %arg14[%dma_start3A_434, %dma_start3A_435] : memref<16x80xi32, #tpu.memory_space<vmem>> -> memref<1x80xi32, #tpu.memory_space<vmem>>
      %dma_start3A_437 = tpu.memref_squeeze %dma_start3A_436 : memref<1x80xi32, #tpu.memory_space<vmem>> -> memref<80xi32, #tpu.memory_space<vmem>>
      %dma_start3A_438 = arith.constant 0 : i32
      %dma_start3A_439 = arith.constant 0 : i32
      %dma_start3A_440 = tpu.memref_slice %arg19[%dma_start3A_438, %dma_start3A_439] : memref<10240x128xf32, #tpu.memory_space<vmem_shared>> -> memref<10240x128xf32, #tpu.memory_space<vmem_shared>>
      tpu.enqueue_indirect_dma source(%arg15 : memref<80x128xf32, #tpu.memory_space<vmem>>) target(%dma_start3A_440 : memref<10240x128xf32, #tpu.memory_space<vmem_shared>>) offsets(%dma_start3A_437 : memref<80xi32, #tpu.memory_space<vmem>>) semaphore(%arg34 : memref<!tpu.dma_semaphore, #tpu.memory_space<semaphore_mem>>) {add = true}
      %dma_start3A_441 = arith.constant 2 : i32
      %dma_start3A_442 = arith.constant 0 : i32
      %dma_start3A_443 = tpu.memref_slice %arg14[%dma_start3A_441, %dma_start3A_442] : memref<16x80xi32, #tpu.memory_space<vmem>> -> memref<1x80xi32, #tpu.memory_space<vmem>>
      %dma_start3A_444 = tpu.memref_squeeze %dma_start3A_443 : memref<1x80xi32, #tpu.memory_space<vmem>> -> memref<80xi32, #tpu.memory_space<vmem>>
      %dma_start3A_445 = arith.constant 0 : i32
      %dma_start3A_446 = arith.constant 0 : i32
      %dma_start3A_447 = tpu.memref_slice %arg19[%dma_start3A_445, %dma_start3A_446] : memref<10240x128xf32, #tpu.memory_space<vmem_shared>> -> memref<10240x128xf32, #tpu.memory_space<vmem_shared>>
      tpu.enqueue_indirect_dma source(%arg15 : memref<80x128xf32, #tpu.memory_space<vmem>>) target(%dma_start3A_447 : memref<10240x128xf32, #tpu.memory_space<vmem_shared>>) offsets(%dma_start3A_444 : memref<80xi32, #tpu.memory_space<vmem>>) semaphore(%arg34 : memref<!tpu.dma_semaphore, #tpu.memory_space<semaphore_mem>>) {add = true}
      %dma_start3A_448 = arith.constant 3 : i32
      %dma_start3A_449 = arith.constant 0 : i32
      %dma_start3A_450 = tpu.memref_slice %arg14[%dma_start3A_448, %dma_start3A_449] : memref<16x80xi32, #tpu.memory_space<vmem>> -> memref<1x80xi32, #tpu.memory_space<vmem>>
      %dma_start3A_451 = tpu.memref_squeeze %dma_start3A_450 : memref<1x80xi32, #tpu.memory_space<vmem>> -> memref<80xi32, #tpu.memory_space<vmem>>
      %dma_start3A_452 = arith.constant 0 : i32
      %dma_start3A_453 = arith.constant 0 : i32
      %dma_start3A_454 = tpu.memref_slice %arg19[%dma_start3A_452, %dma_start3A_453] : memref<10240x128xf32, #tpu.memory_space<vmem_shared>> -> memref<10240x128xf32, #tpu.memory_space<vmem_shared>>
      tpu.enqueue_indirect_dma source(%arg15 : memref<80x128xf32, #tpu.memory_space<vmem>>) target(%dma_start3A_454 : memref<10240x128xf32, #tpu.memory_space<vmem_shared>>) offsets(%dma_start3A_451 : memref<80xi32, #tpu.memory_space<vmem>>) semaphore(%arg34 : memref<!tpu.dma_semaphore, #tpu.memory_space<semaphore_mem>>) {add = true}
      %dma_start3A_455 = arith.constant 4 : i32
      %dma_start3A_456 = arith.constant 0 : i32
      %dma_start3A_457 = tpu.memref_slice %arg14[%dma_start3A_455, %dma_start3A_456] : memref<16x80xi32, #tpu.memory_space<vmem>> -> memref<1x80xi32, #tpu.memory_space<vmem>>
      %dma_start3A_458 = tpu.memref_squeeze %dma_start3A_457 : memref<1x80xi32, #tpu.memory_space<vmem>> -> memref<80xi32, #tpu.memory_space<vmem>>
      %dma_start3A_459 = arith.constant 0 : i32
      %dma_start3A_460 = arith.constant 0 : i32
      %dma_start3A_461 = tpu.memref_slice %arg19[%dma_start3A_459, %dma_start3A_460] : memref<10240x128xf32, #tpu.memory_space<vmem_shared>> -> memref<10240x128xf32, #tpu.memory_space<vmem_shared>>
      tpu.enqueue_indirect_dma source(%arg15 : memref<80x128xf32, #tpu.memory_space<vmem>>) target(%dma_start3A_461 : memref<10240x128xf32, #tpu.memory_space<vmem_shared>>) offsets(%dma_start3A_458 : memref<80xi32, #tpu.memory_space<vmem>>) semaphore(%arg34 : memref<!tpu.dma_semaphore, #tpu.memory_space<semaphore_mem>>) {add = true}
      %dma_start3A_462 = arith.constant 5 : i32
      %dma_start3A_463 = arith.constant 0 : i32
      %dma_start3A_464 = tpu.memref_slice %arg14[%dma_start3A_462, %dma_start3A_463] : memref<16x80xi32, #tpu.memory_space<vmem>> -> memref<1x80xi32, #tpu.memory_space<vmem>>
      %dma_start3A_465 = tpu.memref_squeeze %dma_start3A_464 : memref<1x80xi32, #tpu.memory_space<vmem>> -> memref<80xi32, #tpu.memory_space<vmem>>
      %dma_start3A_466 = arith.constant 0 : i32
      %dma_start3A_467 = arith.constant 0 : i32
      %dma_start3A_468 = tpu.memref_slice %arg19[%dma_start3A_466, %dma_start3A_467] : memref<10240x128xf32, #tpu.memory_space<vmem_shared>> -> memref<10240x128xf32, #tpu.memory_space<vmem_shared>>
      tpu.enqueue_indirect_dma source(%arg15 : memref<80x128xf32, #tpu.memory_space<vmem>>) target(%dma_start3A_468 : memref<10240x128xf32, #tpu.memory_space<vmem_shared>>) offsets(%dma_start3A_465 : memref<80xi32, #tpu.memory_space<vmem>>) semaphore(%arg34 : memref<!tpu.dma_semaphore, #tpu.memory_space<semaphore_mem>>) {add = true}
      %dma_start3A_469 = arith.constant 6 : i32
      %dma_start3A_470 = arith.constant 0 : i32
      %dma_start3A_471 = tpu.memref_slice %arg14[%dma_start3A_469, %dma_start3A_470] : memref<16x80xi32, #tpu.memory_space<vmem>> -> memref<1x80xi32, #tpu.memory_space<vmem>>
      %dma_start3A_472 = tpu.memref_squeeze %dma_start3A_471 : memref<1x80xi32, #tpu.memory_space<vmem>> -> memref<80xi32, #tpu.memory_space<vmem>>
      %dma_start3A_473 = arith.constant 0 : i32
      %dma_start3A_474 = arith.constant 0 : i32
      %dma_start3A_475 = tpu.memref_slice %arg19[%dma_start3A_473, %dma_start3A_474] : memref<10240x128xf32, #tpu.memory_space<vmem_shared>> -> memref<10240x128xf32, #tpu.memory_space<vmem_shared>>
      tpu.enqueue_indirect_dma source(%arg15 : memref<80x128xf32, #tpu.memory_space<vmem>>) target(%dma_start3A_475 : memref<10240x128xf32, #tpu.memory_space<vmem_shared>>) offsets(%dma_start3A_472 : memref<80xi32, #tpu.memory_space<vmem>>) semaphore(%arg34 : memref<!tpu.dma_semaphore, #tpu.memory_space<semaphore_mem>>) {add = true}
      %dma_start3A_476 = arith.constant 7 : i32
      %dma_start3A_477 = arith.constant 0 : i32
      %dma_start3A_478 = tpu.memref_slice %arg14[%dma_start3A_476, %dma_start3A_477] : memref<16x80xi32, #tpu.memory_space<vmem>> -> memref<1x80xi32, #tpu.memory_space<vmem>>
      %dma_start3A_479 = tpu.memref_squeeze %dma_start3A_478 : memref<1x80xi32, #tpu.memory_space<vmem>> -> memref<80xi32, #tpu.memory_space<vmem>>
      %dma_start3A_480 = arith.constant 0 : i32
      %dma_start3A_481 = arith.constant 0 : i32
      %dma_start3A_482 = tpu.memref_slice %arg19[%dma_start3A_480, %dma_start3A_481] : memref<10240x128xf32, #tpu.memory_space<vmem_shared>> -> memref<10240x128xf32, #tpu.memory_space<vmem_shared>>
      tpu.enqueue_indirect_dma source(%arg15 : memref<80x128xf32, #tpu.memory_space<vmem>>) target(%dma_start3A_482 : memref<10240x128xf32, #tpu.memory_space<vmem_shared>>) offsets(%dma_start3A_479 : memref<80xi32, #tpu.memory_space<vmem>>) semaphore(%arg34 : memref<!tpu.dma_semaphore, #tpu.memory_space<semaphore_mem>>) {add = true}
      %dma_start3A_483 = arith.constant 8 : i32
      %dma_start3A_484 = arith.constant 0 : i32
      %dma_start3A_485 = tpu.memref_slice %arg14[%dma_start3A_483, %dma_start3A_484] : memref<16x80xi32, #tpu.memory_space<vmem>> -> memref<1x80xi32, #tpu.memory_space<vmem>>
      %dma_start3A_486 = tpu.memref_squeeze %dma_start3A_485 : memref<1x80xi32, #tpu.memory_space<vmem>> -> memref<80xi32, #tpu.memory_space<vmem>>
      %dma_start3A_487 = arith.constant 0 : i32
      %dma_start3A_488 = arith.constant 0 : i32
      %dma_start3A_489 = tpu.memref_slice %arg19[%dma_start3A_487, %dma_start3A_488] : memref<10240x128xf32, #tpu.memory_space<vmem_shared>> -> memref<10240x128xf32, #tpu.memory_space<vmem_shared>>
      tpu.enqueue_indirect_dma source(%arg15 : memref<80x128xf32, #tpu.memory_space<vmem>>) target(%dma_start3A_489 : memref<10240x128xf32, #tpu.memory_space<vmem_shared>>) offsets(%dma_start3A_486 : memref<80xi32, #tpu.memory_space<vmem>>) semaphore(%arg34 : memref<!tpu.dma_semaphore, #tpu.memory_space<semaphore_mem>>) {add = true}
      %dma_start3A_490 = arith.constant 9 : i32
      %dma_start3A_491 = arith.constant 0 : i32
      %dma_start3A_492 = tpu.memref_slice %arg14[%dma_start3A_490, %dma_start3A_491] : memref<16x80xi32, #tpu.memory_space<vmem>> -> memref<1x80xi32, #tpu.memory_space<vmem>>
      %dma_start3A_493 = tpu.memref_squeeze %dma_start3A_492 : memref<1x80xi32, #tpu.memory_space<vmem>> -> memref<80xi32, #tpu.memory_space<vmem>>
      %dma_start3A_494 = arith.constant 0 : i32
      %dma_start3A_495 = arith.constant 0 : i32
      %dma_start3A_496 = tpu.memref_slice %arg19[%dma_start3A_494, %dma_start3A_495] : memref<10240x128xf32, #tpu.memory_space<vmem_shared>> -> memref<10240x128xf32, #tpu.memory_space<vmem_shared>>
      tpu.enqueue_indirect_dma source(%arg15 : memref<80x128xf32, #tpu.memory_space<vmem>>) target(%dma_start3A_496 : memref<10240x128xf32, #tpu.memory_space<vmem_shared>>) offsets(%dma_start3A_493 : memref<80xi32, #tpu.memory_space<vmem>>) semaphore(%arg34 : memref<!tpu.dma_semaphore, #tpu.memory_space<semaphore_mem>>) {add = true}
      %dma_start3A_497 = arith.constant 10 : i32
      %dma_start3A_498 = arith.constant 0 : i32
      %dma_start3A_499 = tpu.memref_slice %arg14[%dma_start3A_497, %dma_start3A_498] : memref<16x80xi32, #tpu.memory_space<vmem>> -> memref<1x80xi32, #tpu.memory_space<vmem>>
      %dma_start3A_500 = tpu.memref_squeeze %dma_start3A_499 : memref<1x80xi32, #tpu.memory_space<vmem>> -> memref<80xi32, #tpu.memory_space<vmem>>
      %dma_start3A_501 = arith.constant 0 : i32
      %dma_start3A_502 = arith.constant 0 : i32
      %dma_start3A_503 = tpu.memref_slice %arg19[%dma_start3A_501, %dma_start3A_502] : memref<10240x128xf32, #tpu.memory_space<vmem_shared>> -> memref<10240x128xf32, #tpu.memory_space<vmem_shared>>
      tpu.enqueue_indirect_dma source(%arg15 : memref<80x128xf32, #tpu.memory_space<vmem>>) target(%dma_start3A_503 : memref<10240x128xf32, #tpu.memory_space<vmem_shared>>) offsets(%dma_start3A_500 : memref<80xi32, #tpu.memory_space<vmem>>) semaphore(%arg34 : memref<!tpu.dma_semaphore, #tpu.memory_space<semaphore_mem>>) {add = true}
      %dma_start3A_504 = arith.constant 11 : i32
      %dma_start3A_505 = arith.constant 0 : i32
      %dma_start3A_506 = tpu.memref_slice %arg14[%dma_start3A_504, %dma_start3A_505] : memref<16x80xi32, #tpu.memory_space<vmem>> -> memref<1x80xi32, #tpu.memory_space<vmem>>
      %dma_start3A_507 = tpu.memref_squeeze %dma_start3A_506 : memref<1x80xi32, #tpu.memory_space<vmem>> -> memref<80xi32, #tpu.memory_space<vmem>>
      %dma_start3A_508 = arith.constant 0 : i32
      %dma_start3A_509 = arith.constant 0 : i32
      %dma_start3A_510 = tpu.memref_slice %arg19[%dma_start3A_508, %dma_start3A_509] : memref<10240x128xf32, #tpu.memory_space<vmem_shared>> -> memref<10240x128xf32, #tpu.memory_space<vmem_shared>>
      tpu.enqueue_indirect_dma source(%arg15 : memref<80x128xf32, #tpu.memory_space<vmem>>) target(%dma_start3A_510 : memref<10240x128xf32, #tpu.memory_space<vmem_shared>>) offsets(%dma_start3A_507 : memref<80xi32, #tpu.memory_space<vmem>>) semaphore(%arg34 : memref<!tpu.dma_semaphore, #tpu.memory_space<semaphore_mem>>) {add = true}
      %dma_start3A_511 = arith.constant 12 : i32
      %dma_start3A_512 = arith.constant 0 : i32
      %dma_start3A_513 = tpu.memref_slice %arg14[%dma_start3A_511, %dma_start3A_512] : memref<16x80xi32, #tpu.memory_space<vmem>> -> memref<1x80xi32, #tpu.memory_space<vmem>>
      %dma_start3A_514 = tpu.memref_squeeze %dma_start3A_513 : memref<1x80xi32, #tpu.memory_space<vmem>> -> memref<80xi32, #tpu.memory_space<vmem>>
      %dma_start3A_515 = arith.constant 0 : i32
      %dma_start3A_516 = arith.constant 0 : i32
      %dma_start3A_517 = tpu.memref_slice %arg19[%dma_start3A_515, %dma_start3A_516] : memref<10240x128xf32, #tpu.memory_space<vmem_shared>> -> memref<10240x128xf32, #tpu.memory_space<vmem_shared>>
      tpu.enqueue_indirect_dma source(%arg15 : memref<80x128xf32, #tpu.memory_space<vmem>>) target(%dma_start3A_517 : memref<10240x128xf32, #tpu.memory_space<vmem_shared>>) offsets(%dma_start3A_514 : memref<80xi32, #tpu.memory_space<vmem>>) semaphore(%arg34 : memref<!tpu.dma_semaphore, #tpu.memory_space<semaphore_mem>>) {add = true}
      %dma_start3A_518 = arith.constant 13 : i32
      %dma_start3A_519 = arith.constant 0 : i32
      %dma_start3A_520 = tpu.memref_slice %arg14[%dma_start3A_518, %dma_start3A_519] : memref<16x80xi32, #tpu.memory_space<vmem>> -> memref<1x80xi32, #tpu.memory_space<vmem>>
      %dma_start3A_521 = tpu.memref_squeeze %dma_start3A_520 : memref<1x80xi32, #tpu.memory_space<vmem>> -> memref<80xi32, #tpu.memory_space<vmem>>
      %dma_start3A_522 = arith.constant 0 : i32
      %dma_start3A_523 = arith.constant 0 : i32
      %dma_start3A_524 = tpu.memref_slice %arg19[%dma_start3A_522, %dma_start3A_523] : memref<10240x128xf32, #tpu.memory_space<vmem_shared>> -> memref<10240x128xf32, #tpu.memory_space<vmem_shared>>
      tpu.enqueue_indirect_dma source(%arg15 : memref<80x128xf32, #tpu.memory_space<vmem>>) target(%dma_start3A_524 : memref<10240x128xf32, #tpu.memory_space<vmem_shared>>) offsets(%dma_start3A_521 : memref<80xi32, #tpu.memory_space<vmem>>) semaphore(%arg34 : memref<!tpu.dma_semaphore, #tpu.memory_space<semaphore_mem>>) {add = true}
      %dma_start3A_525 = arith.constant 14 : i32
      %dma_start3A_526 = arith.constant 0 : i32
      %dma_start3A_527 = tpu.memref_slice %arg14[%dma_start3A_525, %dma_start3A_526] : memref<16x80xi32, #tpu.memory_space<vmem>> -> memref<1x80xi32, #tpu.memory_space<vmem>>
      %dma_start3A_528 = tpu.memref_squeeze %dma_start3A_527 : memref<1x80xi32, #tpu.memory_space<vmem>> -> memref<80xi32, #tpu.memory_space<vmem>>
      %dma_start3A_529 = arith.constant 0 : i32
      %dma_start3A_530 = arith.constant 0 : i32
      %dma_start3A_531 = tpu.memref_slice %arg19[%dma_start3A_529, %dma_start3A_530] : memref<10240x128xf32, #tpu.memory_space<vmem_shared>> -> memref<10240x128xf32, #tpu.memory_space<vmem_shared>>
      tpu.enqueue_indirect_dma source(%arg15 : memref<80x128xf32, #tpu.memory_space<vmem>>) target(%dma_start3A_531 : memref<10240x128xf32, #tpu.memory_space<vmem_shared>>) offsets(%dma_start3A_528 : memref<80xi32, #tpu.memory_space<vmem>>) semaphore(%arg34 : memref<!tpu.dma_semaphore, #tpu.memory_space<semaphore_mem>>) {add = true}
      %dma_start3A_532 = arith.constant 15 : i32
      %dma_start3A_533 = arith.constant 0 : i32
      %dma_start3A_534 = tpu.memref_slice %arg14[%dma_start3A_532, %dma_start3A_533] : memref<16x80xi32, #tpu.memory_space<vmem>> -> memref<1x80xi32, #tpu.memory_space<vmem>>
      %dma_start3A_535 = tpu.memref_squeeze %dma_start3A_534 : memref<1x80xi32, #tpu.memory_space<vmem>> -> memref<80xi32, #tpu.memory_space<vmem>>
      %dma_start3A_536 = arith.constant 0 : i32
      %dma_start3A_537 = arith.constant 0 : i32
      %dma_start3A_538 = tpu.memref_slice %arg19[%dma_start3A_536, %dma_start3A_537] : memref<10240x128xf32, #tpu.memory_space<vmem_shared>> -> memref<10240x128xf32, #tpu.memory_space<vmem_shared>>
      tpu.enqueue_indirect_dma source(%arg15 : memref<80x128xf32, #tpu.memory_space<vmem>>) target(%dma_start3A_538 : memref<10240x128xf32, #tpu.memory_space<vmem_shared>>) offsets(%dma_start3A_535 : memref<80xi32, #tpu.memory_space<vmem>>) semaphore(%arg34 : memref<!tpu.dma_semaphore, #tpu.memory_space<semaphore_mem>>) {add = true}
      %dma_wait3A_539 = arith.constant 0 : i32
      %dma_wait3A_540 = arith.constant 0 : i32
      %dma_wait3A_541 = tpu.memref_slice %arg14[%dma_wait3A_539, %dma_wait3A_540] : memref<16x80xi32, #tpu.memory_space<vmem>> -> memref<1x80xi32, #tpu.memory_space<vmem>>
      %dma_wait3A_542 = tpu.memref_squeeze %dma_wait3A_541 : memref<1x80xi32, #tpu.memory_space<vmem>> -> memref<80xi32, #tpu.memory_space<vmem>>
      %dma_wait3A_543 = arith.constant 0 : i32
      %dma_wait3A_544 = arith.constant 0 : i32
      %dma_wait3A_545 = tpu.memref_slice %arg19[%dma_wait3A_543, %dma_wait3A_544] : memref<10240x128xf32, #tpu.memory_space<vmem_shared>> -> memref<10240x128xf32, #tpu.memory_space<vmem_shared>>
      tpu.wait_indirect_dma semaphore(%arg34 : memref<!tpu.dma_semaphore, #tpu.memory_space<semaphore_mem>>) src(%arg15 : memref<80x128xf32, #tpu.memory_space<vmem>>) dst(%dma_wait3A_545 : memref<10240x128xf32, #tpu.memory_space<vmem_shared>>)
      %dma_wait3A_546 = arith.constant 1 : i32
      %dma_wait3A_547 = arith.constant 0 : i32
      %dma_wait3A_548 = tpu.memref_slice %arg14[%dma_wait3A_546, %dma_wait3A_547] : memref<16x80xi32, #tpu.memory_space<vmem>> -> memref<1x80xi32, #tpu.memory_space<vmem>>
      %dma_wait3A_549 = tpu.memref_squeeze %dma_wait3A_548 : memref<1x80xi32, #tpu.memory_space<vmem>> -> memref<80xi32, #tpu.memory_space<vmem>>
      %dma_wait3A_550 = arith.constant 0 : i32
      %dma_wait3A_551 = arith.constant 0 : i32
      %dma_wait3A_552 = tpu.memref_slice %arg19[%dma_wait3A_550, %dma_wait3A_551] : memref<10240x128xf32, #tpu.memory_space<vmem_shared>> -> memref<10240x128xf32, #tpu.memory_space<vmem_shared>>
      tpu.wait_indirect_dma semaphore(%arg34 : memref<!tpu.dma_semaphore, #tpu.memory_space<semaphore_mem>>) src(%arg15 : memref<80x128xf32, #tpu.memory_space<vmem>>) dst(%dma_wait3A_552 : memref<10240x128xf32, #tpu.memory_space<vmem_shared>>)
      %dma_wait3A_553 = arith.constant 2 : i32
      %dma_wait3A_554 = arith.constant 0 : i32
      %dma_wait3A_555 = tpu.memref_slice %arg14[%dma_wait3A_553, %dma_wait3A_554] : memref<16x80xi32, #tpu.memory_space<vmem>> -> memref<1x80xi32, #tpu.memory_space<vmem>>
      %dma_wait3A_556 = tpu.memref_squeeze %dma_wait3A_555 : memref<1x80xi32, #tpu.memory_space<vmem>> -> memref<80xi32, #tpu.memory_space<vmem>>
      %dma_wait3A_557 = arith.constant 0 : i32
      %dma_wait3A_558 = arith.constant 0 : i32
      %dma_wait3A_559 = tpu.memref_slice %arg19[%dma_wait3A_557, %dma_wait3A_558] : memref<10240x128xf32, #tpu.memory_space<vmem_shared>> -> memref<10240x128xf32, #tpu.memory_space<vmem_shared>>
      tpu.wait_indirect_dma semaphore(%arg34 : memref<!tpu.dma_semaphore, #tpu.memory_space<semaphore_mem>>) src(%arg15 : memref<80x128xf32, #tpu.memory_space<vmem>>) dst(%dma_wait3A_559 : memref<10240x128xf32, #tpu.memory_space<vmem_shared>>)
      %dma_wait3A_560 = arith.constant 3 : i32
      %dma_wait3A_561 = arith.constant 0 : i32
      %dma_wait3A_562 = tpu.memref_slice %arg14[%dma_wait3A_560, %dma_wait3A_561] : memref<16x80xi32, #tpu.memory_space<vmem>> -> memref<1x80xi32, #tpu.memory_space<vmem>>
      %dma_wait3A_563 = tpu.memref_squeeze %dma_wait3A_562 : memref<1x80xi32, #tpu.memory_space<vmem>> -> memref<80xi32, #tpu.memory_space<vmem>>
      %dma_wait3A_564 = arith.constant 0 : i32
      %dma_wait3A_565 = arith.constant 0 : i32
      %dma_wait3A_566 = tpu.memref_slice %arg19[%dma_wait3A_564, %dma_wait3A_565] : memref<10240x128xf32, #tpu.memory_space<vmem_shared>> -> memref<10240x128xf32, #tpu.memory_space<vmem_shared>>
      tpu.wait_indirect_dma semaphore(%arg34 : memref<!tpu.dma_semaphore, #tpu.memory_space<semaphore_mem>>) src(%arg15 : memref<80x128xf32, #tpu.memory_space<vmem>>) dst(%dma_wait3A_566 : memref<10240x128xf32, #tpu.memory_space<vmem_shared>>)
      %dma_wait3A_567 = arith.constant 4 : i32
      %dma_wait3A_568 = arith.constant 0 : i32
      %dma_wait3A_569 = tpu.memref_slice %arg14[%dma_wait3A_567, %dma_wait3A_568] : memref<16x80xi32, #tpu.memory_space<vmem>> -> memref<1x80xi32, #tpu.memory_space<vmem>>
      %dma_wait3A_570 = tpu.memref_squeeze %dma_wait3A_569 : memref<1x80xi32, #tpu.memory_space<vmem>> -> memref<80xi32, #tpu.memory_space<vmem>>
      %dma_wait3A_571 = arith.constant 0 : i32
      %dma_wait3A_572 = arith.constant 0 : i32
      %dma_wait3A_573 = tpu.memref_slice %arg19[%dma_wait3A_571, %dma_wait3A_572] : memref<10240x128xf32, #tpu.memory_space<vmem_shared>> -> memref<10240x128xf32, #tpu.memory_space<vmem_shared>>
      tpu.wait_indirect_dma semaphore(%arg34 : memref<!tpu.dma_semaphore, #tpu.memory_space<semaphore_mem>>) src(%arg15 : memref<80x128xf32, #tpu.memory_space<vmem>>) dst(%dma_wait3A_573 : memref<10240x128xf32, #tpu.memory_space<vmem_shared>>)
      %dma_wait3A_574 = arith.constant 5 : i32
      %dma_wait3A_575 = arith.constant 0 : i32
      %dma_wait3A_576 = tpu.memref_slice %arg14[%dma_wait3A_574, %dma_wait3A_575] : memref<16x80xi32, #tpu.memory_space<vmem>> -> memref<1x80xi32, #tpu.memory_space<vmem>>
      %dma_wait3A_577 = tpu.memref_squeeze %dma_wait3A_576 : memref<1x80xi32, #tpu.memory_space<vmem>> -> memref<80xi32, #tpu.memory_space<vmem>>
      %dma_wait3A_578 = arith.constant 0 : i32
      %dma_wait3A_579 = arith.constant 0 : i32
      %dma_wait3A_580 = tpu.memref_slice %arg19[%dma_wait3A_578, %dma_wait3A_579] : memref<10240x128xf32, #tpu.memory_space<vmem_shared>> -> memref<10240x128xf32, #tpu.memory_space<vmem_shared>>
      tpu.wait_indirect_dma semaphore(%arg34 : memref<!tpu.dma_semaphore, #tpu.memory_space<semaphore_mem>>) src(%arg15 : memref<80x128xf32, #tpu.memory_space<vmem>>) dst(%dma_wait3A_580 : memref<10240x128xf32, #tpu.memory_space<vmem_shared>>)
      %dma_wait3A_581 = arith.constant 6 : i32
      %dma_wait3A_582 = arith.constant 0 : i32
      %dma_wait3A_583 = tpu.memref_slice %arg14[%dma_wait3A_581, %dma_wait3A_582] : memref<16x80xi32, #tpu.memory_space<vmem>> -> memref<1x80xi32, #tpu.memory_space<vmem>>
      %dma_wait3A_584 = tpu.memref_squeeze %dma_wait3A_583 : memref<1x80xi32, #tpu.memory_space<vmem>> -> memref<80xi32, #tpu.memory_space<vmem>>
      %dma_wait3A_585 = arith.constant 0 : i32
      %dma_wait3A_586 = arith.constant 0 : i32
      %dma_wait3A_587 = tpu.memref_slice %arg19[%dma_wait3A_585, %dma_wait3A_586] : memref<10240x128xf32, #tpu.memory_space<vmem_shared>> -> memref<10240x128xf32, #tpu.memory_space<vmem_shared>>
      tpu.wait_indirect_dma semaphore(%arg34 : memref<!tpu.dma_semaphore, #tpu.memory_space<semaphore_mem>>) src(%arg15 : memref<80x128xf32, #tpu.memory_space<vmem>>) dst(%dma_wait3A_587 : memref<10240x128xf32, #tpu.memory_space<vmem_shared>>)
      %dma_wait3A_588 = arith.constant 7 : i32
      %dma_wait3A_589 = arith.constant 0 : i32
      %dma_wait3A_590 = tpu.memref_slice %arg14[%dma_wait3A_588, %dma_wait3A_589] : memref<16x80xi32, #tpu.memory_space<vmem>> -> memref<1x80xi32, #tpu.memory_space<vmem>>
      %dma_wait3A_591 = tpu.memref_squeeze %dma_wait3A_590 : memref<1x80xi32, #tpu.memory_space<vmem>> -> memref<80xi32, #tpu.memory_space<vmem>>
      %dma_wait3A_592 = arith.constant 0 : i32
      %dma_wait3A_593 = arith.constant 0 : i32
      %dma_wait3A_594 = tpu.memref_slice %arg19[%dma_wait3A_592, %dma_wait3A_593] : memref<10240x128xf32, #tpu.memory_space<vmem_shared>> -> memref<10240x128xf32, #tpu.memory_space<vmem_shared>>
      tpu.wait_indirect_dma semaphore(%arg34 : memref<!tpu.dma_semaphore, #tpu.memory_space<semaphore_mem>>) src(%arg15 : memref<80x128xf32, #tpu.memory_space<vmem>>) dst(%dma_wait3A_594 : memref<10240x128xf32, #tpu.memory_space<vmem_shared>>)
      %dma_wait3A_595 = arith.constant 8 : i32
      %dma_wait3A_596 = arith.constant 0 : i32
      %dma_wait3A_597 = tpu.memref_slice %arg14[%dma_wait3A_595, %dma_wait3A_596] : memref<16x80xi32, #tpu.memory_space<vmem>> -> memref<1x80xi32, #tpu.memory_space<vmem>>
      %dma_wait3A_598 = tpu.memref_squeeze %dma_wait3A_597 : memref<1x80xi32, #tpu.memory_space<vmem>> -> memref<80xi32, #tpu.memory_space<vmem>>
      %dma_wait3A_599 = arith.constant 0 : i32
      %dma_wait3A_600 = arith.constant 0 : i32
      %dma_wait3A_601 = tpu.memref_slice %arg19[%dma_wait3A_599, %dma_wait3A_600] : memref<10240x128xf32, #tpu.memory_space<vmem_shared>> -> memref<10240x128xf32, #tpu.memory_space<vmem_shared>>
      tpu.wait_indirect_dma semaphore(%arg34 : memref<!tpu.dma_semaphore, #tpu.memory_space<semaphore_mem>>) src(%arg15 : memref<80x128xf32, #tpu.memory_space<vmem>>) dst(%dma_wait3A_601 : memref<10240x128xf32, #tpu.memory_space<vmem_shared>>)
      %dma_wait3A_602 = arith.constant 9 : i32
      %dma_wait3A_603 = arith.constant 0 : i32
      %dma_wait3A_604 = tpu.memref_slice %arg14[%dma_wait3A_602, %dma_wait3A_603] : memref<16x80xi32, #tpu.memory_space<vmem>> -> memref<1x80xi32, #tpu.memory_space<vmem>>
      %dma_wait3A_605 = tpu.memref_squeeze %dma_wait3A_604 : memref<1x80xi32, #tpu.memory_space<vmem>> -> memref<80xi32, #tpu.memory_space<vmem>>
      %dma_wait3A_606 = arith.constant 0 : i32
      %dma_wait3A_607 = arith.constant 0 : i32
      %dma_wait3A_608 = tpu.memref_slice %arg19[%dma_wait3A_606, %dma_wait3A_607] : memref<10240x128xf32, #tpu.memory_space<vmem_shared>> -> memref<10240x128xf32, #tpu.memory_space<vmem_shared>>
      tpu.wait_indirect_dma semaphore(%arg34 : memref<!tpu.dma_semaphore, #tpu.memory_space<semaphore_mem>>) src(%arg15 : memref<80x128xf32, #tpu.memory_space<vmem>>) dst(%dma_wait3A_608 : memref<10240x128xf32, #tpu.memory_space<vmem_shared>>)
      %dma_wait3A_609 = arith.constant 10 : i32
      %dma_wait3A_610 = arith.constant 0 : i32
      %dma_wait3A_611 = tpu.memref_slice %arg14[%dma_wait3A_609, %dma_wait3A_610] : memref<16x80xi32, #tpu.memory_space<vmem>> -> memref<1x80xi32, #tpu.memory_space<vmem>>
      %dma_wait3A_612 = tpu.memref_squeeze %dma_wait3A_611 : memref<1x80xi32, #tpu.memory_space<vmem>> -> memref<80xi32, #tpu.memory_space<vmem>>
      %dma_wait3A_613 = arith.constant 0 : i32
      %dma_wait3A_614 = arith.constant 0 : i32
      %dma_wait3A_615 = tpu.memref_slice %arg19[%dma_wait3A_613, %dma_wait3A_614] : memref<10240x128xf32, #tpu.memory_space<vmem_shared>> -> memref<10240x128xf32, #tpu.memory_space<vmem_shared>>
      tpu.wait_indirect_dma semaphore(%arg34 : memref<!tpu.dma_semaphore, #tpu.memory_space<semaphore_mem>>) src(%arg15 : memref<80x128xf32, #tpu.memory_space<vmem>>) dst(%dma_wait3A_615 : memref<10240x128xf32, #tpu.memory_space<vmem_shared>>)
      %dma_wait3A_616 = arith.constant 11 : i32
      %dma_wait3A_617 = arith.constant 0 : i32
      %dma_wait3A_618 = tpu.memref_slice %arg14[%dma_wait3A_616, %dma_wait3A_617] : memref<16x80xi32, #tpu.memory_space<vmem>> -> memref<1x80xi32, #tpu.memory_space<vmem>>
      %dma_wait3A_619 = tpu.memref_squeeze %dma_wait3A_618 : memref<1x80xi32, #tpu.memory_space<vmem>> -> memref<80xi32, #tpu.memory_space<vmem>>
      %dma_wait3A_620 = arith.constant 0 : i32
      %dma_wait3A_621 = arith.constant 0 : i32
      %dma_wait3A_622 = tpu.memref_slice %arg19[%dma_wait3A_620, %dma_wait3A_621] : memref<10240x128xf32, #tpu.memory_space<vmem_shared>> -> memref<10240x128xf32, #tpu.memory_space<vmem_shared>>
      tpu.wait_indirect_dma semaphore(%arg34 : memref<!tpu.dma_semaphore, #tpu.memory_space<semaphore_mem>>) src(%arg15 : memref<80x128xf32, #tpu.memory_space<vmem>>) dst(%dma_wait3A_622 : memref<10240x128xf32, #tpu.memory_space<vmem_shared>>)
      %dma_wait3A_623 = arith.constant 12 : i32
      %dma_wait3A_624 = arith.constant 0 : i32
      %dma_wait3A_625 = tpu.memref_slice %arg14[%dma_wait3A_623, %dma_wait3A_624] : memref<16x80xi32, #tpu.memory_space<vmem>> -> memref<1x80xi32, #tpu.memory_space<vmem>>
      %dma_wait3A_626 = tpu.memref_squeeze %dma_wait3A_625 : memref<1x80xi32, #tpu.memory_space<vmem>> -> memref<80xi32, #tpu.memory_space<vmem>>
      %dma_wait3A_627 = arith.constant 0 : i32
      %dma_wait3A_628 = arith.constant 0 : i32
      %dma_wait3A_629 = tpu.memref_slice %arg19[%dma_wait3A_627, %dma_wait3A_628] : memref<10240x128xf32, #tpu.memory_space<vmem_shared>> -> memref<10240x128xf32, #tpu.memory_space<vmem_shared>>
      tpu.wait_indirect_dma semaphore(%arg34 : memref<!tpu.dma_semaphore, #tpu.memory_space<semaphore_mem>>) src(%arg15 : memref<80x128xf32, #tpu.memory_space<vmem>>) dst(%dma_wait3A_629 : memref<10240x128xf32, #tpu.memory_space<vmem_shared>>)
      %dma_wait3A_630 = arith.constant 13 : i32
      %dma_wait3A_631 = arith.constant 0 : i32
      %dma_wait3A_632 = tpu.memref_slice %arg14[%dma_wait3A_630, %dma_wait3A_631] : memref<16x80xi32, #tpu.memory_space<vmem>> -> memref<1x80xi32, #tpu.memory_space<vmem>>
      %dma_wait3A_633 = tpu.memref_squeeze %dma_wait3A_632 : memref<1x80xi32, #tpu.memory_space<vmem>> -> memref<80xi32, #tpu.memory_space<vmem>>
      %dma_wait3A_634 = arith.constant 0 : i32
      %dma_wait3A_635 = arith.constant 0 : i32
      %dma_wait3A_636 = tpu.memref_slice %arg19[%dma_wait3A_634, %dma_wait3A_635] : memref<10240x128xf32, #tpu.memory_space<vmem_shared>> -> memref<10240x128xf32, #tpu.memory_space<vmem_shared>>
      tpu.wait_indirect_dma semaphore(%arg34 : memref<!tpu.dma_semaphore, #tpu.memory_space<semaphore_mem>>) src(%arg15 : memref<80x128xf32, #tpu.memory_space<vmem>>) dst(%dma_wait3A_636 : memref<10240x128xf32, #tpu.memory_space<vmem_shared>>)
      %dma_wait3A_637 = arith.constant 14 : i32
      %dma_wait3A_638 = arith.constant 0 : i32
      %dma_wait3A_639 = tpu.memref_slice %arg14[%dma_wait3A_637, %dma_wait3A_638] : memref<16x80xi32, #tpu.memory_space<vmem>> -> memref<1x80xi32, #tpu.memory_space<vmem>>
      %dma_wait3A_640 = tpu.memref_squeeze %dma_wait3A_639 : memref<1x80xi32, #tpu.memory_space<vmem>> -> memref<80xi32, #tpu.memory_space<vmem>>
      %dma_wait3A_641 = arith.constant 0 : i32
      %dma_wait3A_642 = arith.constant 0 : i32
      %dma_wait3A_643 = tpu.memref_slice %arg19[%dma_wait3A_641, %dma_wait3A_642] : memref<10240x128xf32, #tpu.memory_space<vmem_shared>> -> memref<10240x128xf32, #tpu.memory_space<vmem_shared>>
      tpu.wait_indirect_dma semaphore(%arg34 : memref<!tpu.dma_semaphore, #tpu.memory_space<semaphore_mem>>) src(%arg15 : memref<80x128xf32, #tpu.memory_space<vmem>>) dst(%dma_wait3A_643 : memref<10240x128xf32, #tpu.memory_space<vmem_shared>>)
      %dma_wait3A_644 = arith.constant 15 : i32
      %dma_wait3A_645 = arith.constant 0 : i32
      %dma_wait3A_646 = tpu.memref_slice %arg14[%dma_wait3A_644, %dma_wait3A_645] : memref<16x80xi32, #tpu.memory_space<vmem>> -> memref<1x80xi32, #tpu.memory_space<vmem>>
      %dma_wait3A_647 = tpu.memref_squeeze %dma_wait3A_646 : memref<1x80xi32, #tpu.memory_space<vmem>> -> memref<80xi32, #tpu.memory_space<vmem>>
      %dma_wait3A_648 = arith.constant 0 : i32
      %dma_wait3A_649 = arith.constant 0 : i32
      %dma_wait3A_650 = tpu.memref_slice %arg19[%dma_wait3A_648, %dma_wait3A_649] : memref<10240x128xf32, #tpu.memory_space<vmem_shared>> -> memref<10240x128xf32, #tpu.memory_space<vmem_shared>>
      tpu.wait_indirect_dma semaphore(%arg34 : memref<!tpu.dma_semaphore, #tpu.memory_space<semaphore_mem>>) src(%arg15 : memref<80x128xf32, #tpu.memory_space<vmem>>) dst(%dma_wait3A_650 : memref<10240x128xf32, #tpu.memory_space<vmem_shared>>)
      %add3A_651 = arith.constant 2 : i32
      %add3A_652 = arith.addi %add3A_418, %add3A_651 : i32
      %lt3A_653 = arith.constant 8 : i32
      %lt3A_654 = arith.cmpi slt, %add3A_652, %lt3A_653 : i32
      %convert_element_type3A_655 = arith.extui %lt3A_654 : i1 to i32
      %cond3A_656 = arith.constant 0 : i32
      %cond3A_657 = arith.cmpi ne, %convert_element_type3A_655, %cond3A_656 : i32
      scf.if %cond3A_657 {
        %add3A_659 = arith.constant 2 : i32
        %add3A_660 = arith.addi %add3A_418, %add3A_659 : i32
        %mul3A_661 = arith.constant 16 : i32
        %mul3A_662 = arith.muli %mul3A_661, %add3A_660 : i32
        %dma_start3A_663 = arith.constant 0 : i32
        %dma_start3A_664 = tpu.memref_slice %arg4[%add3A, %mul3A_662, %dma_start3A_663] : memref<32x128x80xi32, #tpu.memory_space<hbm>> -> memref<1x16x80xi32, #tpu.memory_space<hbm>>
        %dma_start3A_665 = tpu.memref_squeeze %dma_start3A_664 : memref<1x16x80xi32, #tpu.memory_space<hbm>> -> memref<16x80xi32, #tpu.memory_space<hbm>>
        %dma_start3A_666 = arith.constant 0 : i32
        %dma_start3A_667 = tpu.memref_slice %arg4[%add3A, %mul3A_662, %dma_start3A_666] : memref<32x128x80xi32, #tpu.memory_space<hbm>> -> memref<1x16x80xi32, #tpu.memory_space<hbm>>
        %dma_start3A_668 = tpu.memref_squeeze %dma_start3A_667 : memref<1x16x80xi32, #tpu.memory_space<hbm>> -> memref<16x80xi32, #tpu.memory_space<hbm>>
        tpu.enqueue_dma source(%dma_start3A_668 : memref<16x80xi32, #tpu.memory_space<hbm>>) target(%arg14 : memref<16x80xi32, #tpu.memory_space<vmem>>) target_semaphore(%arg33 : memref<!tpu.dma_semaphore, #tpu.memory_space<semaphore_mem>>)
      } else {
      }
      %scan3A_658 = arith.constant 0 : i32
      scf.yield %scan3A_658 : i32
    }
    %scan3A_173 = arith.constant 4 : i32
    %barrier3A_174 = arith.constant 0 : index
    tpu.barrier barrier_id(%barrier3A_174)
    "tpu.region"() ({
      %run_scoped3A = tpu.sem_alloc : memref<!tpu.dma_semaphore, #tpu.memory_space<semaphore_mem>>
      %dma_start3A_175 = arith.constant 0 : i32
      %dma_start3A_176 = tpu.memref_slice %arg6[%arg0, %mul3A_128, %dma_start3A_175] : memref<2x10240x128xf32, #tpu.memory_space<hbm>> -> memref<1x640x128xf32, #tpu.memory_space<hbm>>
      %dma_start3A_177 = tpu.memref_squeeze %dma_start3A_176 : memref<1x640x128xf32, #tpu.memory_space<hbm>> -> memref<640x128xf32, #tpu.memory_space<hbm>>
      %dma_start3A_178 = arith.constant 0 : i32
      %dma_start3A_179 = tpu.memref_slice %arg19[%mul3A_128, %dma_start3A_178] : memref<10240x128xf32, #tpu.memory_space<vmem_shared>> -> memref<640x128xf32, #tpu.memory_space<vmem_shared>>
      tpu.enqueue_dma source(%dma_start3A_179 : memref<640x128xf32, #tpu.memory_space<vmem_shared>>) target(%dma_start3A_177 : memref<640x128xf32, #tpu.memory_space<hbm>>) target_semaphore(%run_scoped3A : memref<!tpu.dma_semaphore, #tpu.memory_space<semaphore_mem>>)
      %dma_wait3A_180 = arith.constant 0 : i32
      %dma_wait3A_181 = tpu.memref_slice %arg6[%arg0, %mul3A_128, %dma_wait3A_180] : memref<2x10240x128xf32, #tpu.memory_space<hbm>> -> memref<1x640x128xf32, #tpu.memory_space<hbm>>
      %dma_wait3A_182 = tpu.memref_squeeze %dma_wait3A_181 : memref<1x640x128xf32, #tpu.memory_space<hbm>> -> memref<640x128xf32, #tpu.memory_space<hbm>>
      %dma_wait3A_183 = arith.constant 0 : i32
      %dma_wait3A_184 = tpu.memref_slice %arg19[%mul3A_128, %dma_wait3A_183] : memref<10240x128xf32, #tpu.memory_space<vmem_shared>> -> memref<640x128xf32, #tpu.memory_space<vmem_shared>>
      tpu.wait_dma2 semaphore(%run_scoped3A : memref<!tpu.dma_semaphore, #tpu.memory_space<semaphore_mem>>) src(%dma_wait3A_184 : memref<640x128xf32, #tpu.memory_space<vmem_shared>>) dst(%dma_wait3A_182 : memref<640x128xf32, #tpu.memory_space<hbm>>)
      tpu.yield
    }) : () -> ()
    return
  }
}

module attributes {stable_mosaic.version = 14 : i64} {
  func.func @_tc_layer1_body(%arg0: i32, %arg1: memref<2x1000x128xf32, #tpu.memory_space<vmem>>, %arg2: memref<2x1000x128xf32, #tpu.memory_space<vmem>>, %arg3: memref<1000x128xf32, #tpu.memory_space<vmem>>, %arg4: memref<128x128xf32, #tpu.memory_space<vmem>>, %arg5: memref<128x128xf32, #tpu.memory_space<vmem>>, %arg6: memref<1x128xf32, #tpu.memory_space<vmem>>, %arg7: memref<1000x128xf32, #tpu.memory_space<vmem>>) attributes {dimension_semantics = [#tpu.dimension_semantics<arbitrary>], iteration_bounds = array<i64: 10>, scalar_prefetch = 0 : i64, scratch_operands = 0 : i64, tpu.core_type = #tpu.core_type<tc>, window_params = [{transform_indices = @transform_0, window_bounds = array<i64: 2, 1000, 128>}, {transform_indices = @transform_1, window_bounds = array<i64: 2, 1000, 128>}, {transform_indices = @transform_2, window_bounds = array<i64: 1000, 128>}, {pipeline_mode = #tpu.pipeline_mode<synchronous>, transform_indices = @transform_3, window_bounds = array<i64: 128, 128>}, {pipeline_mode = #tpu.pipeline_mode<synchronous>, transform_indices = @transform_4, window_bounds = array<i64: 128, 128>}, {pipeline_mode = #tpu.pipeline_mode<synchronous>, transform_indices = @transform_5, window_bounds = array<i64: 1, 128>}, {transform_indices = @transform_6, window_bounds = array<i64: 1000, 128>}]} {
    %get3A = arith.constant 0 : index
    %get3A_0 = arith.constant 0 : index
    %get3A_1 = arith.constant 0 : index
    %get3A_2 = vector.load %arg1[%get3A, %get3A_0, %get3A_1] : memref<2x1000x128xf32, #tpu.memory_space<vmem>>, vector<1x1000x128xf32>
    %get3A_3 = vector.shape_cast %get3A_2 : vector<1x1000x128xf32> to vector<1000x128xf32>
    %get3A_4 = arith.constant 1 : index
    %get3A_5 = arith.constant 0 : index
    %get3A_6 = arith.constant 0 : index
    %get3A_7 = vector.load %arg1[%get3A_4, %get3A_5, %get3A_6] : memref<2x1000x128xf32, #tpu.memory_space<vmem>>, vector<1x1000x128xf32>
    %get3A_8 = vector.shape_cast %get3A_7 : vector<1x1000x128xf32> to vector<1000x128xf32>
    %add3A = arith.addf %get3A_3, %get3A_8 : vector<1000x128xf32>
    %get3A_9 = arith.constant 0 : index
    %get3A_10 = arith.constant 0 : index
    %get3A_11 = arith.constant 0 : index
    %get3A_12 = vector.load %arg2[%get3A_9, %get3A_10, %get3A_11] : memref<2x1000x128xf32, #tpu.memory_space<vmem>>, vector<1x1000x1xf32>
    %get3A_13 = vector.shape_cast %get3A_12 : vector<1x1000x1xf32> to vector<1000x1xf32>
    %get3A_14 = arith.constant 1 : index
    %get3A_15 = arith.constant 0 : index
    %get3A_16 = arith.constant 0 : index
    %get3A_17 = vector.load %arg2[%get3A_14, %get3A_15, %get3A_16] : memref<2x1000x128xf32, #tpu.memory_space<vmem>>, vector<1x1000x1xf32>
    %get3A_18 = vector.shape_cast %get3A_17 : vector<1x1000x1xf32> to vector<1000x1xf32>
    %add3A_19 = arith.addf %get3A_13, %get3A_18 : vector<1000x1xf32>
    %max3A = arith.constant 1.000000e+00 : f32
    %max3A_20 = vector.broadcast %max3A : f32 to vector<1000x1xf32>
    %max3A_21 = arith.maximumf %add3A_19, %max3A_20 : vector<1000x1xf32>
    %div3A = vector.broadcast %max3A_21 : vector<1000x1xf32> to vector<1000x128xf32>
    %div3A_22 = arith.divf %add3A, %div3A : vector<1000x128xf32>
    %get3A_23 = arith.constant 0 : index
    %get3A_24 = arith.constant 0 : index
    %get3A_25 = vector.load %arg4[%get3A_23, %get3A_24] : memref<128x128xf32, #tpu.memory_space<vmem>>, vector<128x128xf32>
    %dot_general3A = arith.constant dense<0.000000e+00> : vector<1000x128xf32>
    %dot_general3A_26 = tpu.matmul %div3A_22, %get3A_25, %dot_general3A {dimension_numbers = #tpu.dot_dimension_numbers<[1], [0], [0], [1], [0, 0, 1, 1], [], []>, transpose_lhs_hint = false} : vector<1000x128xf32>, vector<128x128xf32>, vector<1000x128xf32> -> vector<1000x128xf32>
    %get3A_27 = arith.constant 0 : index
    %get3A_28 = arith.constant 0 : index
    %get3A_29 = vector.load %arg3[%get3A_27, %get3A_28] : memref<1000x128xf32, #tpu.memory_space<vmem>>, vector<1000x128xf32>
    %get3A_30 = arith.constant 0 : index
    %get3A_31 = arith.constant 0 : index
    %get3A_32 = vector.load %arg5[%get3A_30, %get3A_31] : memref<128x128xf32, #tpu.memory_space<vmem>>, vector<128x128xf32>
    %dot_general3A_33 = arith.constant dense<0.000000e+00> : vector<1000x128xf32>
    %dot_general3A_34 = tpu.matmul %get3A_29, %get3A_32, %dot_general3A_33 {dimension_numbers = #tpu.dot_dimension_numbers<[1], [0], [0], [1], [0, 0, 1, 1], [], []>, transpose_lhs_hint = false} : vector<1000x128xf32>, vector<128x128xf32>, vector<1000x128xf32> -> vector<1000x128xf32>
    %add3A_35 = arith.addf %dot_general3A_26, %dot_general3A_34 : vector<1000x128xf32>
    %get3A_36 = arith.constant 0 : index
    %get3A_37 = arith.constant 0 : index
    %get3A_38 = vector.load %arg6[%get3A_36, %get3A_37] : memref<1x128xf32, #tpu.memory_space<vmem>>, vector<1x128xf32>
    %add3A_39 = vector.broadcast %get3A_38 : vector<1x128xf32> to vector<1000x128xf32>
    %add3A_40 = arith.addf %add3A_35, %add3A_39 : vector<1000x128xf32>
    %mul3A = arith.constant 5.000000e-01 : f32
    %mul3A_41 = vector.broadcast %mul3A : f32 to vector<1000x128xf32>
    %mul3A_42 = arith.mulf %mul3A_41, %add3A_40 : vector<1000x128xf32>
    %mul3A_43 = arith.constant 0.707106769 : f32
    %mul3A_44 = vector.broadcast %mul3A_43 : f32 to vector<1000x128xf32>
    %mul3A_45 = arith.mulf %add3A_40, %mul3A_44 : vector<1000x128xf32>
    %erf3A = math.erf %mul3A_45 : vector<1000x128xf32>
    %add3A_46 = arith.constant 1.000000e+00 : f32
    %add3A_47 = vector.broadcast %add3A_46 : f32 to vector<1000x128xf32>
    %add3A_48 = arith.addf %add3A_47, %erf3A : vector<1000x128xf32>
    %mul3A_49 = arith.mulf %mul3A_42, %add3A_48 : vector<1000x128xf32>
    %swap3A = arith.constant 0 : index
    %swap3A_50 = arith.constant 0 : index
    %swap3A_51 = vector.load %arg7[%swap3A, %swap3A_50] : memref<1000x128xf32, #tpu.memory_space<vmem>>, vector<1000x128xf32>
    tpu.vector_store %arg7[%swap3A, %swap3A_50], %mul3A_49 {strides = array<i32>} : memref<1000x128xf32, #tpu.memory_space<vmem>>, vector<1000x128xf32>,
    return
  }
  func.func @transform_0(%arg0: i32) -> (i32, i32, i32) {
    %c0_i32 = arith.constant 0 : i32
    %c0_i32_0 = arith.constant 0 : i32
    %c0_i32_1 = arith.constant 0 : i32
    return %c0_i32, %arg0, %c0_i32_0 : i32, i32, i32
  }
  func.func @transform_1(%arg0: i32) -> (i32, i32, i32) {
    %c0_i32 = arith.constant 0 : i32
    %c0_i32_0 = arith.constant 0 : i32
    %c0_i32_1 = arith.constant 0 : i32
    return %c0_i32, %arg0, %c0_i32_0 : i32, i32, i32
  }
  func.func @transform_2(%arg0: i32) -> (i32, i32) {
    %c0_i32 = arith.constant 0 : i32
    %c0_i32_0 = arith.constant 0 : i32
    return %arg0, %c0_i32 : i32, i32
  }
  func.func @transform_3(%arg0: i32) -> (i32, i32) {
    %c0_i32 = arith.constant 0 : i32
    %c0_i32_0 = arith.constant 0 : i32
    %c0_i32_1 = arith.constant 0 : i32
    return %c0_i32, %c0_i32_0 : i32, i32
  }
  func.func @transform_4(%arg0: i32) -> (i32, i32) {
    %c0_i32 = arith.constant 0 : i32
    %c0_i32_0 = arith.constant 0 : i32
    %c0_i32_1 = arith.constant 0 : i32
    return %c0_i32, %c0_i32_0 : i32, i32
  }
  func.func @transform_5(%arg0: i32) -> (i32, i32) {
    %c0_i32 = arith.constant 0 : i32
    %c0_i32_0 = arith.constant 0 : i32
    %c0_i32_1 = arith.constant 0 : i32
    return %c0_i32, %c0_i32_0 : i32, i32
  }
  func.func @transform_6(%arg0: i32) -> (i32, i32) {
    %c0_i32 = arith.constant 0 : i32
    %c0_i32_0 = arith.constant 0 : i32
    return %arg0, %c0_i32 : i32, i32
  }
}

module attributes {stable_mosaic.version = 14 : i64} {
  func.func @_tc_layer2_body(%arg0: i32, %arg1: memref<2x1000x128xf32, #tpu.memory_space<vmem>>, %arg2: memref<2x1000x128xf32, #tpu.memory_space<vmem>>, %arg3: memref<1000x128xf32, #tpu.memory_space<vmem>>, %arg4: memref<128x128xf32, #tpu.memory_space<vmem>>, %arg5: memref<128x128xf32, #tpu.memory_space<vmem>>, %arg6: memref<1x128xf32, #tpu.memory_space<vmem>>, %arg7: memref<128x128xf32, #tpu.memory_space<vmem>>, %arg8: memref<1x128xf32, #tpu.memory_space<vmem>>, %arg9: memref<1000x128xf32, #tpu.memory_space<vmem>>) attributes {dimension_semantics = [#tpu.dimension_semantics<arbitrary>], iteration_bounds = array<i64: 10>, scalar_prefetch = 0 : i64, scratch_operands = 0 : i64, tpu.core_type = #tpu.core_type<tc>, window_params = [{transform_indices = @transform_0, window_bounds = array<i64: 2, 1000, 128>}, {transform_indices = @transform_1, window_bounds = array<i64: 2, 1000, 128>}, {transform_indices = @transform_2, window_bounds = array<i64: 1000, 128>}, {pipeline_mode = #tpu.pipeline_mode<synchronous>, transform_indices = @transform_3, window_bounds = array<i64: 128, 128>}, {pipeline_mode = #tpu.pipeline_mode<synchronous>, transform_indices = @transform_4, window_bounds = array<i64: 128, 128>}, {pipeline_mode = #tpu.pipeline_mode<synchronous>, transform_indices = @transform_5, window_bounds = array<i64: 1, 128>}, {pipeline_mode = #tpu.pipeline_mode<synchronous>, transform_indices = @transform_6, window_bounds = array<i64: 128, 128>}, {pipeline_mode = #tpu.pipeline_mode<synchronous>, transform_indices = @transform_7, window_bounds = array<i64: 1, 128>}, {transform_indices = @transform_8, window_bounds = array<i64: 1000, 128>}]} {
    %get3A = arith.constant 0 : index
    %get3A_0 = arith.constant 0 : index
    %get3A_1 = arith.constant 0 : index
    %get3A_2 = vector.load %arg1[%get3A, %get3A_0, %get3A_1] : memref<2x1000x128xf32, #tpu.memory_space<vmem>>, vector<1x1000x128xf32>
    %get3A_3 = vector.shape_cast %get3A_2 : vector<1x1000x128xf32> to vector<1000x128xf32>
    %get3A_4 = arith.constant 1 : index
    %get3A_5 = arith.constant 0 : index
    %get3A_6 = arith.constant 0 : index
    %get3A_7 = vector.load %arg1[%get3A_4, %get3A_5, %get3A_6] : memref<2x1000x128xf32, #tpu.memory_space<vmem>>, vector<1x1000x128xf32>
    %get3A_8 = vector.shape_cast %get3A_7 : vector<1x1000x128xf32> to vector<1000x128xf32>
    %add3A = arith.addf %get3A_3, %get3A_8 : vector<1000x128xf32>
    %get3A_9 = arith.constant 0 : index
    %get3A_10 = arith.constant 0 : index
    %get3A_11 = arith.constant 0 : index
    %get3A_12 = vector.load %arg2[%get3A_9, %get3A_10, %get3A_11] : memref<2x1000x128xf32, #tpu.memory_space<vmem>>, vector<1x1000x1xf32>
    %get3A_13 = vector.shape_cast %get3A_12 : vector<1x1000x1xf32> to vector<1000x1xf32>
    %get3A_14 = arith.constant 1 : index
    %get3A_15 = arith.constant 0 : index
    %get3A_16 = arith.constant 0 : index
    %get3A_17 = vector.load %arg2[%get3A_14, %get3A_15, %get3A_16] : memref<2x1000x128xf32, #tpu.memory_space<vmem>>, vector<1x1000x1xf32>
    %get3A_18 = vector.shape_cast %get3A_17 : vector<1x1000x1xf32> to vector<1000x1xf32>
    %add3A_19 = arith.addf %get3A_13, %get3A_18 : vector<1000x1xf32>
    %max3A = arith.constant 1.000000e+00 : f32
    %max3A_20 = vector.broadcast %max3A : f32 to vector<1000x1xf32>
    %max3A_21 = arith.maximumf %add3A_19, %max3A_20 : vector<1000x1xf32>
    %div3A = vector.broadcast %max3A_21 : vector<1000x1xf32> to vector<1000x128xf32>
    %div3A_22 = arith.divf %add3A, %div3A : vector<1000x128xf32>
    %get3A_23 = arith.constant 0 : index
    %get3A_24 = arith.constant 0 : index
    %get3A_25 = vector.load %arg4[%get3A_23, %get3A_24] : memref<128x128xf32, #tpu.memory_space<vmem>>, vector<128x128xf32>
    %dot_general3A = arith.constant dense<0.000000e+00> : vector<1000x128xf32>
    %dot_general3A_26 = tpu.matmul %div3A_22, %get3A_25, %dot_general3A {dimension_numbers = #tpu.dot_dimension_numbers<[1], [0], [0], [1], [0, 0, 1, 1], [], []>, transpose_lhs_hint = false} : vector<1000x128xf32>, vector<128x128xf32>, vector<1000x128xf32> -> vector<1000x128xf32>
    %get3A_27 = arith.constant 0 : index
    %get3A_28 = arith.constant 0 : index
    %get3A_29 = vector.load %arg3[%get3A_27, %get3A_28] : memref<1000x128xf32, #tpu.memory_space<vmem>>, vector<1000x128xf32>
    %get3A_30 = arith.constant 0 : index
    %get3A_31 = arith.constant 0 : index
    %get3A_32 = vector.load %arg5[%get3A_30, %get3A_31] : memref<128x128xf32, #tpu.memory_space<vmem>>, vector<128x128xf32>
    %dot_general3A_33 = arith.constant dense<0.000000e+00> : vector<1000x128xf32>
    %dot_general3A_34 = tpu.matmul %get3A_29, %get3A_32, %dot_general3A_33 {dimension_numbers = #tpu.dot_dimension_numbers<[1], [0], [0], [1], [0, 0, 1, 1], [], []>, transpose_lhs_hint = false} : vector<1000x128xf32>, vector<128x128xf32>, vector<1000x128xf32> -> vector<1000x128xf32>
    %add3A_35 = arith.addf %dot_general3A_26, %dot_general3A_34 : vector<1000x128xf32>
    %get3A_36 = arith.constant 0 : index
    %get3A_37 = arith.constant 0 : index
    %get3A_38 = vector.load %arg6[%get3A_36, %get3A_37] : memref<1x128xf32, #tpu.memory_space<vmem>>, vector<1x128xf32>
    %add3A_39 = vector.broadcast %get3A_38 : vector<1x128xf32> to vector<1000x128xf32>
    %add3A_40 = arith.addf %add3A_35, %add3A_39 : vector<1000x128xf32>
    %mul3A = arith.constant 5.000000e-01 : f32
    %mul3A_41 = vector.broadcast %mul3A : f32 to vector<1000x128xf32>
    %mul3A_42 = arith.mulf %mul3A_41, %add3A_40 : vector<1000x128xf32>
    %mul3A_43 = arith.constant 0.707106769 : f32
    %mul3A_44 = vector.broadcast %mul3A_43 : f32 to vector<1000x128xf32>
    %mul3A_45 = arith.mulf %add3A_40, %mul3A_44 : vector<1000x128xf32>
    %erf3A = math.erf %mul3A_45 : vector<1000x128xf32>
    %add3A_46 = arith.constant 1.000000e+00 : f32
    %add3A_47 = vector.broadcast %add3A_46 : f32 to vector<1000x128xf32>
    %add3A_48 = arith.addf %add3A_47, %erf3A : vector<1000x128xf32>
    %mul3A_49 = arith.mulf %mul3A_42, %add3A_48 : vector<1000x128xf32>
    %get3A_50 = arith.constant 0 : index
    %get3A_51 = arith.constant 0 : index
    %get3A_52 = vector.load %arg7[%get3A_50, %get3A_51] : memref<128x128xf32, #tpu.memory_space<vmem>>, vector<128x128xf32>
    %dot_general3A_53 = arith.constant dense<0.000000e+00> : vector<1000x128xf32>
    %dot_general3A_54 = tpu.matmul %mul3A_49, %get3A_52, %dot_general3A_53 {dimension_numbers = #tpu.dot_dimension_numbers<[1], [0], [0], [1], [0, 0, 1, 1], [], []>, transpose_lhs_hint = false} : vector<1000x128xf32>, vector<128x128xf32>, vector<1000x128xf32> -> vector<1000x128xf32>
    %get3A_55 = arith.constant 0 : index
    %get3A_56 = arith.constant 0 : index
    %get3A_57 = vector.load %arg8[%get3A_55, %get3A_56] : memref<1x128xf32, #tpu.memory_space<vmem>>, vector<1x128xf32>
    %add3A_58 = vector.broadcast %get3A_57 : vector<1x128xf32> to vector<1000x128xf32>
    %add3A_59 = arith.addf %dot_general3A_54, %add3A_58 : vector<1000x128xf32>
    %swap3A = arith.constant 0 : index
    %swap3A_60 = arith.constant 0 : index
    %swap3A_61 = vector.load %arg9[%swap3A, %swap3A_60] : memref<1000x128xf32, #tpu.memory_space<vmem>>, vector<1000x128xf32>
    tpu.vector_store %arg9[%swap3A, %swap3A_60], %add3A_59 {strides = array<i32>} : memref<1000x128xf32, #tpu.memory_space<vmem>>, vector<1000x128xf32>,
    return
  }
  func.func @transform_0(%arg0: i32) -> (i32, i32, i32) {
    %c0_i32 = arith.constant 0 : i32
    %c0_i32_0 = arith.constant 0 : i32
    %c0_i32_1 = arith.constant 0 : i32
    return %c0_i32, %arg0, %c0_i32_0 : i32, i32, i32
  }
  func.func @transform_1(%arg0: i32) -> (i32, i32, i32) {
    %c0_i32 = arith.constant 0 : i32
    %c0_i32_0 = arith.constant 0 : i32
    %c0_i32_1 = arith.constant 0 : i32
    return %c0_i32, %arg0, %c0_i32_0 : i32, i32, i32
  }
  func.func @transform_2(%arg0: i32) -> (i32, i32) {
    %c0_i32 = arith.constant 0 : i32
    %c0_i32_0 = arith.constant 0 : i32
    return %arg0, %c0_i32 : i32, i32
  }
  func.func @transform_3(%arg0: i32) -> (i32, i32) {
    %c0_i32 = arith.constant 0 : i32
    %c0_i32_0 = arith.constant 0 : i32
    %c0_i32_1 = arith.constant 0 : i32
    return %c0_i32, %c0_i32_0 : i32, i32
  }
  func.func @transform_4(%arg0: i32) -> (i32, i32) {
    %c0_i32 = arith.constant 0 : i32
    %c0_i32_0 = arith.constant 0 : i32
    %c0_i32_1 = arith.constant 0 : i32
    return %c0_i32, %c0_i32_0 : i32, i32
  }
  func.func @transform_5(%arg0: i32) -> (i32, i32) {
    %c0_i32 = arith.constant 0 : i32
    %c0_i32_0 = arith.constant 0 : i32
    %c0_i32_1 = arith.constant 0 : i32
    return %c0_i32, %c0_i32_0 : i32, i32
  }
  func.func @transform_6(%arg0: i32) -> (i32, i32) {
    %c0_i32 = arith.constant 0 : i32
    %c0_i32_0 = arith.constant 0 : i32
    %c0_i32_1 = arith.constant 0 : i32
    return %c0_i32, %c0_i32_0 : i32, i32
  }
  func.func @transform_7(%arg0: i32) -> (i32, i32) {
    %c0_i32 = arith.constant 0 : i32
    %c0_i32_0 = arith.constant 0 : i32
    %c0_i32_1 = arith.constant 0 : i32
    return %c0_i32, %c0_i32_0 : i32, i32
  }
  func.func @transform_8(%arg0: i32) -> (i32, i32) {
    %c0_i32 = arith.constant 0 : i32
    %c0_i32_0 = arith.constant 0 : i32
    return %arg0, %c0_i32 : i32, i32
  }
}

</mosaic_0001>

<sc_bundles>
// kernel: kernel.6.cloned.1.call-start
scs
__scs_entry_jumppad:
0x0: {  	(pc) =	sbr.rel $0x88, $3  }
0x1: {  	(tag) =	ssettag $0x0;
	lr =	simm.s32 $0x1  }
0x2: {  	[smem:$0x3F96] =	sst lr;
	_ =	strace $0xD0000000  }
0x3: {  	_ = 	snop  }
0x4: {  	_ = 	snop  }
0x5: {  	_ = 	snop  }
0x6: {  	_ = 	snop  }
0x7: {  	_ = 	snop  }
__scs_overlays_trampoline_lowered:
0x8: {  	[smem:$0x3FA5] =	sst s0  }
0x9: {  	[smem:$0x3FA6] =	sst s1  }
0xa: {  	[smem:$0x3FA7] =	sst s2  }
0xb: {  	[smem:$0x3FA8] =	sst s3  }
0xc: {  	[smem:$0x3FA9] =	sst s4  }
0xd: {  	[smem:$0x3FAA] =	sst s5  }
0xe: {  	[smem:$0x3FAB] =	sst s6  }
0xf: {  	[smem:$0x3FAC] =	sst s7  }
0x10: {  	[smem:$0x3FAD] =	sst s8  }
0x11: {  	[smem:$0x3FAE] =	sst s9;
	s0 =	simm.s32 @!p0 $0x0  }
0x12: {  	s1 =	sld [smem:$0x3F94];
	s0 =	simm.s32 @p0 $0x1  }
0x13: {  	[smem:$0x3FAF] =	sst s0;
	s0 =	simm.s32 @!p1 $0x0  }
0x14: {  	s2 =	sld [smem:$0x3F93];
	s0 =	simm.s32 @p1 $0x1  }
0x15: {  	[smem:$0x3FB0] =	sst s0;
	s0 =	simm.s32 @!p2 $0x0  }
0x16: {  	s3 =	sld [smem:$0x3FDB];
	s0 =	simm.s32 @p2 $0x1  }
0x17: {  	s4 =	simm.s32 $0x1BF5;
	[smem:$0x3FB2] =	sst s0  }
0x18: {  	s0 =	sld [smem:$0x3F95];
	_ =	swait.ge [sflag:s4], $0x0  }
0x19: {  	s7 =	sld [smem:$0x3F96]  }
0x1a: {  	s8 =	sadd.s32 $0xFFFFE003, lr  }
0x1b: {  	s9 =	sadd.s32 $0xFFFFFEF7, lr;
	s5 =	simm.s32 $0xFFFFFFFF;
	p2 =	slt.u32 s8, $0xFFFFF086  }
0x1c: {  	p1 =	slt.u32 s9, $0xF7A;
	s5 =	simm.s32 @!p2 $0x0  }
0x1d: {  	s5 =	simm.s32 @p1 $0x1;
	p0 =	seq.s32 s7, s2  }
0x1e: {  	s7 =	smul.u32 @!p0 $0xF7A, s2;
	p2 =	seq.s32 @!p0 s5, $0x0  }
0x1f: {  	s9 =	smul.u32 $0xF7A, s1;
	s8 =	simm.s32 @!p0 $0x1BF5;
	p2 =	por !p2, p0  }
0x20: {  	[sflag:s8] =	ssyncset.s32 @!p0 $0xFFFFF086;
	s6 =	sadd.s32 @!p0 s3, s7;
	s7 =	simm.s32 @!p0 $0x108  }
0x21: {  	s3 =	sadd.s32 s3, s9;
	s6 =	sadd.s32 @!p0 $0x88, s6;
	s7 =	simm.s32 @p2 $0x1082  }
0x22: {  	[simem:s7], [sflag:s8] =	dma.local @!p0 [hbm:s6], $0xF7A  }
0x23: {  	s9 =	sor.u32 $0xD0000000, s2;
	s6 =	simm.s32 $0x108;
	_ =	swait.ge @!p0 [sflag:s8], $0x0  }
0x24: {  	s3 =	sadd.s32 $0x88, s3;
	s6 =	simm.s32 @!p1 $0x1082;
	[sflag:s4] =	ssyncset.s32 $0xFFFFF086  }
0x25: {  	[simem:s6], [sflag:s4] =	dma.local [hbm:s3], $0xF7A  }
0x26: {  	[smem:$0x3F96] =	sst s1;
	(tag) =	ssettag s2;
	_ =	strace s9  }
0x27: {  	s1 =	sld [smem:$0x3FA6]  }
0x28: {  	s2 =	sld [smem:$0x3FA7]  }
0x29: {  	s4 =	sld [smem:$0x3FA9]  }
0x2a: {  	p0 =	seq.s32 s5, $0x0;
	s5 =	sld [smem:$0x3FAA]  }
0x2b: {  	s6 =	sld [smem:$0x3FAB]  }
0x2c: {  	s7 =	sld [smem:$0x3FAC]  }
0x2d: {  	s3 =	simm.s32 $0x108;
	s8 =	sld [smem:$0x3FAD]  }
0x2e: {  	s3 =	simm.s32 @!p0 $0x1082;
	s9 =	sld [smem:$0x3FAE]  }
0x2f: {  	lr =	sadd.s32 s0, s3;
	s0 =	sld [smem:$0x3FA5]  }
0x30: {  	s3 =	sld [smem:$0x3FA8]  }
0x31: {  	[smem:$0x3FB1] =	sst s10  }
0x32: {  	s10 =	sld [smem:$0x3FAF];
	_ =	sdelay $0x3  }
0x33: {  	p0 =	seq.s32 s10, $0x1;
	s10 =	sld [smem:$0x3FB1];
	_ =	sdelay $0x3  }
0x34: {  	[smem:$0x3FB1] =	sst s10  }
0x35: {  	s10 =	sld [smem:$0x3FB0];
	_ =	sdelay $0x3  }
0x36: {  	p1 =	seq.s32 s10, $0x1;
	s10 =	sld [smem:$0x3FB1];
	_ =	sdelay $0x3  }
0x37: {  	[smem:$0x3FB1] =	sst s10  }
0x38: {  	s10 =	sld [smem:$0x3FB2]  }
0x39: {  	_ = 	snop;
	(pc) =	sbr.ind lr, $3  }
0x3a: {  	_ = 	snop  }
0x3b: {  	_ = 	snop  }
0x3c: {  	p2 =	seq.s32 s10, $0x1;
	s10 =	sld [smem:$0x3FB1]  }
0x3d: {  	_ =	shalt  }
0x3e: {  	_ =	shalt  }
0x3f: {  	_ =	shalt  }
0x40: {  	_ =	shalt  }
0x41: {  	_ =	shalt  }
0x42: {  	_ =	shalt  }
0x43: {  	_ =	shalt  }
0x44: {  	_ =	shalt  }
0x45: {  	_ =	shalt  }
0x46: {  	_ =	shalt  }
0x47: {  	_ =	shalt  }
0x48: {  	_ =	shalt  }
0x49: {  	_ =	shalt  }
0x4a: {  	_ =	shalt  }
0x4b: {  	_ =	shalt  }
0x4c: {  	_ =	shalt  }
0x4d: {  	_ =	shalt  }
0x4e: {  	_ =	shalt  }
0x4f: {  	_ =	shalt  }
0x50: {  	_ =	shalt  }
0x51: {  	_ =	shalt  }
0x52: {  	_ =	shalt  }
0x53: {  	_ =	shalt  }
0x54: {  	_ =	shalt  }
0x55: {  	_ =	shalt  }
0x56: {  	_ =	shalt  }
0x57: {  	_ =	shalt  }
0x58: {  	_ =	shalt  }
0x59: {  	_ =	shalt  }
0x5a: {  	_ =	shalt  }
0x5b: {  	_ =	shalt  }
0x5c: {  	_ =	shalt  }
0x5d: {  	_ =	shalt  }
0x5e: {  	_ =	shalt  }
0x5f: {  	_ =	shalt  }
0x60: {  	_ =	shalt  }
0x61: {  	_ =	shalt  }
0x62: {  	_ =	shalt  }
0x63: {  	_ =	shalt  }
0x64: {  	_ =	shalt  }
0x65: {  	_ =	shalt  }
0x66: {  	_ =	shalt  }
0x67: {  	_ =	shalt  }
0x68: {  	_ =	shalt  }
0x69: {  	_ =	shalt  }
0x6a: {  	_ =	shalt  }
0x6b: {  	_ =	shalt  }
0x6c: {  	_ =	shalt  }
0x6d: {  	_ =	shalt  }
0x6e: {  	_ =	shalt  }
0x6f: {  	_ =	shalt  }
0x70: {  	_ =	shalt  }
0x71: {  	_ =	shalt  }
0x72: {  	_ =	shalt  }
0x73: {  	_ =	shalt  }
0x74: {  	_ =	shalt  }
0x75: {  	_ =	shalt  }
0x76: {  	_ =	shalt  }
0x77: {  	_ =	shalt  }
0x78: {  	_ =	shalt  }
0x79: {  	_ =	shalt  }
0x7a: {  	_ =	shalt  }
0x7b: {  	_ =	shalt  }
0x7c: {  	_ =	shalt  }
0x7d: {  	_ =	shalt  }
0x7e: {  	_ =	shalt  }
0x7f: {  	_ =	shalt  }
0x80: {  	_ =	shalt  }
0x81: {  	_ =	shalt  }
0x82: {  	_ =	shalt  }
0x83: {  	_ =	shalt  }
0x84: {  	_ =	shalt  }
0x85: {  	_ =	shalt  }
0x86: {  	_ =	shalt  }
0x87: {  	_ =	shalt  }
.Lfunc_end0:
.L_simem_size_0:
called_computation_lowered:
.L_overlay_start_0:
0x88: {  	s2 =	sld [smem:$0x3FD9]  }
0x89: {  	s3 =	sld [smem:$0x3FFE];
	_ =	sdelay $0x1  }
0x8a: {  	s1 =	srdreg.scid  }
0x8b: {  	s0 =	sand.u32 $0x1, s1  }
0x8c: {  	s17 =	sshll.u32 s0, $0xA;
	s2 =	sadd.s32 s3, s2  }
0x8d: {  	s2 =	sadd.s32 s2, s17  }
0x8e: {  	[smem:$0x3FBD] =	sst s2  }
0x8f: {  	_ = 	snop  }
0x90: {  	s2 =	sld [smem:$0x3FC9]  }
0x91: {  	s18 =	sld [smem:$0x3FD0];
	(tm) =	ssettm $0x1  }
0x92: {  	s4 =	sld [smem:$0x3FFB];
	_ =	sdelay $0x3  }
0x93: {  	_ =	strace s4  }
0x94: {  	s4 =	sld [smem:$0x3FFC];
	_ =	sdelay $0x3  }
0x95: {  	_ =	strace s4  }
0x96: {  	s4 =	sld [smem:$0x3FFD];
	_ =	sdelay $0x3  }
0x97: {  	_ =	strace s4  }
0x98: {  	_ =	strace $0x8FFFFFFF  }
0x99: {  	s19 =	sld [smem:$0x3FDB];
	_ =	sdelay $0x1  }
0x9a: {  	s5 =	simm.s32 $_scs_section_size  }
0x9b: {  	s6 =	simm.s32 $_size__tile_overlayer_lowered;
	s7 =	simm.s32 $_tile_overlayer_lowered  }
0x9c: {  	s22 =	simm.s32 $0x1BFF;
	s21 =	sshll.u32 s7, $0x1;
	s4 =	sadd.s32 s5, s19  }
0x9d: {  	s8 =	simm.s32 $0x0;
	s20 =	sshll.u32 s6, $0x1;
	s6 =	sadd.s32 s21, s4  }
0x9e: {  	[timem:s8], [sflag:s22] =	dma.local [hbm:s6], s20  }
0x9f: {  	_ =	swait.ge [sflag:s22], s20  }
0xa0: {  	s5 =	ssub.s32 $0x0, s20;
	[sflag:s22] =	ssyncset.done $0x0  }
0xa1: {  	[sflag:s22] =	ssyncadd.s32 s5;
	_ =	sdelay $0x1  }
0xa2: {  	s23 =	simm.s32 $0x1B8B  }
0xa3: {  	_ =	swait.ge [sflag:s23], $0x1  }
0xa4: {  	[sflag:s23] =	ssyncset.done $0x0  }
0xa5: {  	s25 =	simm.s32 $0x1B8E;
	s24 =	sld [smem:$0x3FFE];
	[sflag:s23] =	ssyncadd.s32 $0xFFFFFFFF  }
0xa6: {  	s26 =	simm.s32 $execute0_lowered;
	[smem:$0x3FD2] =	sst s25  }
0xa7: {  	s6 =	sshll.u32 s26, $0x1;
	_ =	strace $0x80000046;
	[dreg:$0x1] =	wrdreg $0xFFFFFFFF  }
0xa8: {  	s28 =	simm.s32 $_size_execute0_lowered;
	s4 =	sadd.s32 s4, s6;
	[dreg:$0x0] =	wrdreg $0x0  }
0xa9: {  	s6 =	sshll.u32 s28, $0x1;
	[dreg:$0x2] =	wrdreg s4  }
0xaa: {  	[dreg:$0x3] =	wrdreg s6  }
0xab: {  	[dreg:$0x4] =	wrdreg $0xC0  }
0xac: {  	_ =	task [dreg:s8], $0x5FFFF  }
0xad: {  	[dreg:$0x1] =	wrdreg $0xFFFFFFFF  }
0xae: {  	[dreg:$0x0] =	wrdreg $0x60  }
0xaf: {  	[dreg:$0x2] =	wrdreg s2  }
0xb0: {  	[dreg:$0x3] =	wrdreg s18  }
0xb1: {  	[dreg:$0x4] =	wrdreg s24  }
0xb2: {  	[dreg:$0x5] =	wrdreg $0x8F000  }
0xb3: {  	[dreg:$0x6] =	wrdreg $0x9  }
0xb4: {  	_ =	task.clear_ibuf [dreg:s8], $0x7FFFF;
	_ =	strace $0x90000046  }
0xb5: {  	s29 =	simm.s32 $0x9;
	_ =	strace $0x80000048  }
0xb6: {  	_ =	swait.ge [sflag:s29], $0x1  }
0xb7: {  	[sflag:s29] =	ssyncadd.s32 $0xFFFFFFFF  }
0xb8: {  	_ =	strace $0x90000048  }
0xb9: {  	_ =	sfence  }
0xba: {  	s30 =	sld [smem:$0x0];
	_ =	sdelay $0x2  }
0xbb: {  	s31 =	sshll.u32 s1, $0xD;
	s1 =	sshrl.u32 s1, $0x2  }
0xbc: {  	s3 =	sand.u32 $0x4000, s31;
	s1 =	sadd.s32 s1, s30  }
0xbd: {  	s0 =	sor.u32 s3, s0;
	s1 =	sshll.u32 s1, $0x11  }
0xbe: {  	s0 =	sor.u32 s1, s0  }
0xbf: {  	s0 =	sadd.s32 $0x8F2B, s0  }
0xc0: {  	[sflag:s0] =	ssyncadd.remote.s32 $0x1  }
0xc1: {  	_ =	sfence.sel $0xFFFF  }
0xc2: {  	[dreg:$0x0] =	wrdreg $0xFFFFFFFF;
	(pc) =	sbr.abs _section_cstart, $3  }
0xc3: {  	[dreg:$0x1] =	wrdreg $0xFFFFFFFF  }
0xc4: {  	_ =	task.clear_ibuf [dreg:s8], $0x2FFFF;
	_ =	strace $0x9FFFFFFF  }
0xc5: {  	(tm) =	ssettm $0x7FFFFFFF  }
tec
execute0_lowered:
.L_overlay_start_1:
0x0: {  	(tag) =	ssettag $0x1  }
0x1: {  	s0 =	rddreg [dreg:$0x0]  }
0x2: {  	s1 =	rddreg [dreg:$0x1]  }
0x3: {  	s2 =	rddreg [dreg:$0x2];
	s3 =	srdreg.scid  }
0x4: {  	s4 =	rddreg [dreg:$0x3];
	s12 =	stileid.u32;
	s5 =	simm.s32 $0x0  }
0x5: {  	s31 =	simm.s32 $0x280;
	s28 =	simm.s32 $0x50;
	s29 =	simm.s32 $0x1300  }
0x6: {  	s30 =	simm.s32 $0x5;
	s3 =	sand.u32 $0x1, s3;
	s8 =	smul.u32 $0x14000, s12  }
0x7: {  	[smem:$0x7FF] =	sst s5;
	s6 =	sadd.s32 $0x2400, s2;
	s14 =	smul.u32 $0x50000, s12  }
0x8: {  	s9 =	sshll.u32 s12, $0xF;
	s12 =	simm.s32 $0x7;
	s7 =	smul.u32 $0x140000, s3  }
0x9: {  	_ =	strace $0x80000047;
	s25 =	ssub.s32 $0x2, s3;
	s3 =	sshll.u32 s3, $0xE  }
0xa: {  	s11 =	sshrl.u32 s25, $0x1;
	s18 =	sshrl.u32 s14, $0x2;
	s7 =	sadd.s32 s8, s7  }
0xb: {  	s26 =	ssub.s32 s25, s11;
	s21 =	sadd.s32 s18, s4;
	s18 =	simm.s32 $0xB  }
0xc: {  	s10 =	sshrl.u32 s7, $0x3;
	s7 =	sor.u32 s3, s9;
	s3 =	smax.u32 s26, $0x1  }
0xd: {  	[dreg:$0xb] =	wrdreg s21;
	s2 =	sadd.s32 s10, s2;
	s10 =	sshrl.u32 s7, $0x3  }
0xe: {  	s22 =	sor.u32 $0x1800, s7;
	s23 =	sor.u32 $0x1000, s7;
	[dreg:$0xf] =	wrdreg s3  }
0xf: {  	s3 =	simm.s32 $0x10;
	s11 =	sadd.s32 s1, s10;
	s13 =	sor.u32 $0x10, s10  }
0x10: {  	s15 =	sadd.s32 s6, s10;
	s19 =	sadd.s32 $0x12400, s2;
	[dreg:$0x5] =	wrdreg s11  }
0x11: {  	s8 =	sor.u32 $0x20, s10;
	s2 =	sadd.s32 $0x62400, s2;
	[dreg:$0xc] =	wrdreg s19  }
0x12: {  	s24 =	sshrl.u32 s22, $0x3;
	s25 =	sshrl.u32 s23, $0x3;
	[dreg:$0x6] =	wrdreg s15  }
0x13: {  	s10 =	simm.s32 $0x6;
	s16 =	sadd.s32 s1, s13;
	[dreg:$0xe] =	wrdreg s2  }
0x14: {  	s9 =	sadd.s32 s6, s13;
	s17 =	sadd.s32 s1, s8;
	[dreg:$0x7] =	wrdreg s16  }
0x15: {  	s8 =	sadd.s32 s6, s8;
	s20 =	sadd.s32 $0x100, s15;
	[dreg:$0x8] =	wrdreg s9  }
0x16: {  	s24 =	sadd.s32 s24, s6;
	s26 =	sadd.s32 s25, s6;
	[dreg:$0x9] =	wrdreg s17  }
.Ltmp0:
0x17: {  	s11 =	simm.s32 $0x3B00;
	[dreg:$0xa] =	wrdreg s8;
	(pc) =	sbr.rel .LBB2_1-.Ltmp0, $4  }
0x18: {  	s13 =	simm.s32 $0x2;
	s15 =	simm.s32 $0xA;
	[dreg:$0xd] =	wrdreg s20  }
0x19: {  	s2 =	simm.s32 $0xF;
	s19 =	simm.s32 $0x0;
	[dreg:$0x11] =	wrdreg s26  }
0x1a: {  	s26 =	simm.s32 $0x4;
	s8 =	simm.s32 $0x1;
	s16 =	simm.s32 $0x8  }
0x1b: {  	v0 =	vimm.f32 $0.0e+00;
	v1 =	vimm.f32 $1.000000000e+00;
	s17 =	simm.s32 $0x3;
	s9 =	simm.s32 $0x9;
	[dreg:$0x10] =	wrdreg s24  }
.LBB2_18:
0x1c: {  	[bflag:$0x0] =	sbarrier.arrive $0xFFFF  }
0x1d: {  	s14 =	rddreg [dreg:$0xe]  }
0x1e: {  	[hbm:s14], [sflag:s11] =	dma.local [spmem:s31], $0x2800  }
0x1f: {  	_ =	swait.ge [sflag:s22], $0x2800  }
0x20: {  	s19 =	rddreg [dreg:$0x12]  }
0x21: {  	s25 =	rddreg [dreg:$0xf];
	s19 =	sadd.s32 $0x1, s19  }
0x22: {  	p0 =	sne.s32 s19, s25  }
.Ltmp1:
0x23: {  	_ = 	snop;
	(pc) =	sbr.rel @!p0 .LBB2_19-.Ltmp1, $3  }
0x24: {  	_ =	sdelay $0x1  }
0x25: {  	s11 =	simm.s32 $0x3B00;
	[sflag:s22] =	ssyncset.done $0x0  }
0x26: {  	s31 =	simm.s32 $0x280;
	s21 =	rddreg [dreg:$0xb];
	[sflag:s22] =	ssyncadd.s32 $0xFFFFD800  }
.LBB2_1:
0x27: {  	[dreg:$0x12] =	wrdreg s19;
	s14 =	sand.u32 $0xE00, s5  }
0x28: {  	s25 =	simm.s32 $0x200;
	s24 =	sand.u32 $0x70, s5;
	s20 =	sshrl.u32 s14, $0x2  }
0x29: {  	s19 =	simm.s32 $0x0;
	s14 =	simm.s32 $0x40;
	s20 =	sor.u32 s24, s20  }
.LBB2_2:
0x2a: {  	p0 =	sne.s32 s14, $0xFC0  }
0x2b: {  	[tilespmem:s20+$0x8B00] =	vst v0;
	s19 =	sadd.s32 $0x10, s19;
	s20 =	smov.u32 s14;
	s14 =	sadd.s32 $0x40, s14  }
.Ltmp2:
0x2c: {  	(pc) =	sbr.rel @p0 .LBB2_2-.Ltmp2, $4  }
0x2d: {  	_ = 	snop  }
0x2e: {  	s20 =	sand.u32 $0xE00, s20  }
0x2f: {  	s24 =	sand.u32 $0x70, s19;
	s20 =	sshrl.u32 s20, $0x2  }
0x30: {  	s20 =	sor.u32 s24, s20  }
0x31: {  	[tilespmem:s20+$0x8B00] =	vst v0;
	s14 =	simm.s32 $0x0;
	s19 =	rddreg [dreg:$0x5]  }
0x32: {  	[tilespmem:s14], [sflag:$0x4] =	stream.linear.gather [hbm4b:s19+s14], $0x80, $0x38;
	[tilespmem:$0x1CF00] =	vst v63  }
0x33: {  	s23 =	rddreg [dreg:$0x6];
	s22 =	simm.s32 $0x180  }
0x34: {  	[tilespmem:s22], [sflag:$0x7] =	stream.linear.gather [hbm4b:s23+s14], $0x80, $0x38;
	[tilespmem:$0x1CF00] =	vst v63  }
0x35: {  	s24 =	rddreg [dreg:$0x7];
	s23 =	simm.s32 $0x80  }
0x36: {  	[tilespmem:s23], [sflag:$0x5] =	stream.linear.gather [hbm4b:s24+s14], $0x80, $0x38;
	[tilespmem:$0x1CF00] =	vst v63  }
0x37: {  	s20 =	rddreg [dreg:$0x8]  }
0x38: {  	[tilespmem:s25], [sflag:$0x8] =	stream.linear.gather [hbm4b:s20+s14], $0x80, $0x38;
	[tilespmem:$0x1CF00] =	vst v63  }
0x39: {  	s24 =	rddreg [dreg:$0x9];
	s20 =	simm.s32 $0x100  }
0x3a: {  	[tilespmem:s20], [sflag:$0x6] =	stream.linear.gather [hbm4b:s24+s14], $0x80, $0x38;
	[tilespmem:$0x1CF00] =	vst v63  }
0x3b: {  	s25 =	rddreg [dreg:$0xa]  }
0x3c: {  	[tilespmem:s31], [sflag:$0x9] =	stream.linear.gather [hbm4b:s25+s14], $0x80, $0x38;
	[tilespmem:$0x1CF00] =	vst v63  }
0x3d: {  	_ =	swait.ge [sflag:s26], $0x80  }
0x3e: {  	[sflag:s26] =	ssyncset.done $0x0  }
0x3f: {  	[sflag:s26] =	ssyncadd.s32 $0xFFFFFF80  }
0x40: {  	[tilespmem:s29], [sflag:$0x1] =	stream.indirect.gather [hbm4b:s0+s28], $0x80, s14, s28, $0xb8;
	[tilespmem:$0x1CF00] =	vst v63  }
0x41: {  	_ =	swait.ge [sflag:s30], $0x80  }
0x42: {  	[sflag:s30] =	ssyncset.done $0x0  }
0x43: {  	[sflag:s30] =	ssyncadd.s32 $0xFFFFFF80  }
0x44: {  	[tilespmem:s11], [sflag:$0x2] =	stream.indirect.gather [hbm4b:s0+s28], $0x80, s23, s28, $0xb8;
	[tilespmem:$0x1CF00] =	vst v63  }
0x45: {  	s11 =	simm.s32 $0x8B00  }
.LBB2_4:
0x46: {  	p0 =	sne.s32 s14, $0x4F000  }
.Ltmp3:
0x47: {  	_ = 	snop;
	(pc) =	sbr.rel @p0 .LBB2_4-.Ltmp3, $4  }
0x48: {  	_ = 	snop  }
0x49: {  	s19 =	sshra.s32 s14, $0x2  }
0x4a: {  	s14 =	sadd.s32 $0x1000, s14;
	s19 =	sadd.s32 s19, s21  }
0x4b: {  	[spmem:s19] =	stream.linear.scatter [tilespmem:s11], [sflag:$0x10], $0x400, $0x38;
	[tilespmem:$0x1CF00] =	vst v63  }
0x4c: {  	_ =	swait.ge [sflag:s3], $0x400  }
0x4d: {  	s14 =	simm.s32 $0x4F;
	[sflag:s3] =	ssyncset.done $0x0  }
.LBB2_6:
0x4e: {  	p0 =	sne.s32 s14, $0x1;
	s14 =	sadd.s32 $0xFFFFFFFF, s14;
	[sflag:s3] =	ssyncadd.s32 $0xFFFFFC00  }
.Ltmp4:
0x4f: {  	(pc) =	sbr.rel @p0 .LBB2_6-.Ltmp4, $3  }
0x50: {  	_ =	sdelay $0x1  }
0x51: {  	_ =	swait.ge [sflag:s3], $0x400  }
0x52: {  	[sflag:s3] =	ssyncset.done $0x0  }
0x53: {  	[sflag:s3] =	ssyncadd.s32 $0xFFFFFC00  }
0x54: {  	[bflag:$0x0] =	sbarrier.arrive $0xFFFF  }
0x55: {  	_ =	swait.ge [sflag:s8], $0x2800  }
0x56: {  	p0 =	por $0x1, $0x1;
	[sflag:s8] =	ssyncset.done $0x0  }
0x57: {  	s14 =	simm.s32 @!p0 $0xC;
	[sflag:s8] =	ssyncadd.s32 $0xFFFFD800  }
0x58: {  	_ =	swait.ge @!p0 [sflag:s14], $0x2800  }
0x59: {  	s19 =	simm.s32 $0x180;
	[sflag:s14] =	ssyncset.done @!p0 $0x0  }
0x5a: {  	s24 =	sand.u32 $0xFC00, s19;
	[sflag:s14] =	ssyncadd.s32 @!p0 $0xFFFFD800  }
0x5b: {  	s19 =	sand.u32 $0x380, s19;
	s14 =	sadd.s32 s7, s24;
	_ =	swait.ge [sflag:s10], $0x80  }
0x5c: {  	s21 =	simm.s32 $0x6300;
	s14 =	sor.u32 s19, s14;
	[sflag:s10] =	ssyncset.done $0x0  }
0x5d: {  	s11 =	simm.s32 $0x100;
	s14 =	sshrl.u32 s14, $0x3;
	[sflag:s10] =	ssyncadd.s32 $0xFFFFFF80  }
0x5e: {  	[tilespmem:s21], [sflag:$0x3] =	stream.indirect.gather [hbm4b:s0+s28], $0x80, s20, s28, $0xb8;
	[tilespmem:$0x1CF00] =	vst v63  }
0x5f: {  	s24 =	sand.u32 $0xFC00, s11;
	s25 =	sadd.s32 s1, s14  }
0x60: {  	[tilespmem:s5], [sflag:$0x4] =	stream.linear.gather [hbm4b:s25+s5], $0x80, $0x38;
	[tilespmem:$0x1CF00] =	vst v63  }
0x61: {  	s19 =	sadd.s32 s7, s24;
	s20 =	sand.u32 $0x380, s11;
	_ =	swait.ge [sflag:s12], $0x80  }
0x62: {  	s19 =	sor.u32 s20, s19;
	[sflag:s12] =	ssyncset.done $0x0  }
0x63: {  	s19 =	sshrl.u32 s19, $0x3;
	[sflag:s12] =	ssyncadd.s32 $0xFFFFFF80  }
0x64: {  	[spmem:s4] =	stream.indirect.scatter.add.f32 [tilespmem:s29], [sflag:$0xA], $0x80, s22, s28, $0xb8;
	[tilespmem:$0x1CF00] =	vst v63  }
0x65: {  	s11 =	simm.s32 $0x280;
	s19 =	sadd.s32 s6, s19  }
0x66: {  	[tilespmem:s11], [sflag:$0x9] =	stream.linear.gather [hbm4b:s19+s5], $0x80, $0x38;
	[tilespmem:$0x1CF00] =	vst v63  }
0x67: {  	_ =	swait.ge [sflag:s13], $0x2800  }
0x68: {  	[sflag:s13] =	ssyncset.done $0x0  }
0x69: {  	[sflag:s13] =	ssyncadd.s32 $0xFFFFD800  }
0x6a: {  	_ =	swait.ge [sflag:s15], $0x2800  }
0x6b: {  	s25 =	simm.s32 $0x200;
	[sflag:s15] =	ssyncset.done $0x0  }
0x6c: {  	s24 =	sand.u32 $0xFC00, s25;
	[sflag:s15] =	ssyncadd.s32 $0xFFFFD800  }
0x6d: {  	s20 =	sadd.s32 s7, s24;
	s19 =	sand.u32 $0x380, s25;
	_ =	swait.ge [sflag:s26], $0x80  }
0x6e: {  	s19 =	sor.u32 s19, s20;
	[sflag:s26] =	ssyncset.done $0x0  }
0x6f: {  	s19 =	sshrl.u32 s19, $0x3;
	[sflag:s26] =	ssyncadd.s32 $0xFFFFFF80  }
0x70: {  	[tilespmem:s29], [sflag:$0x1] =	stream.indirect.gather [hbm4b:s0+s28], $0x80, s5, s28, $0xb8;
	[tilespmem:$0x1CF00] =	vst v63  }
0x71: {  	s25 =	sadd.s32 s1, s19  }
0x72: {  	[tilespmem:s23], [sflag:$0x5] =	stream.linear.gather [hbm4b:s25+s5], $0x80, $0x38;
	[tilespmem:$0x1CF00] =	vst v63  }
0x73: {  	_ =	swait.ge [sflag:s16], $0x80  }
0x74: {  	[sflag:s16] =	ssyncset.done $0x0  }
0x75: {  	s31 =	simm.s32 $0x3B00;
	s25 =	simm.s32 $0x200;
	[sflag:s16] =	ssyncadd.s32 $0xFFFFFF80  }
0x76: {  	[spmem:s4] =	stream.indirect.scatter.add.f32 [tilespmem:s31], [sflag:$0xB], $0x80, s25, s28, $0xb8;
	[tilespmem:$0x1CF00] =	vst v63  }
0x77: {  	s14 =	sadd.s32 s6, s14  }
0x78: {  	[tilespmem:s22], [sflag:$0x7] =	stream.linear.gather [hbm4b:s14+s5], $0x80, $0x38;
	[tilespmem:$0x1CF00] =	vst v63  }
0x79: {  	_ =	swait.ge [sflag:s17], $0x2800  }
0x7a: {  	[sflag:s17] =	ssyncset.done $0x0  }
0x7b: {  	[sflag:s17] =	ssyncadd.s32 $0xFFFFD800  }
0x7c: {  	_ =	swait.ge [sflag:s18], $0x2800  }
0x7d: {  	p0 =	por $0x0, $0x0;
	s14 =	simm.s32 $0x280;
	[sflag:s18] =	ssyncset.done $0x0  }
0x7e: {  	s20 =	sand.u32 @!p0 $0xFC00, s14;
	[sflag:s18] =	ssyncadd.s32 $0xFFFFD800  }
0x7f: {  	s14 =	sand.u32 @!p0 $0x380, s14;
	s20 =	sadd.s32 @!p0 s7, s20;
	_ =	swait.ge [sflag:s30], $0x80  }
0x80: {  	s14 =	sor.u32 @!p0 s14, s20;
	[sflag:s30] =	ssyncset.done $0x0  }
0x81: {  	s14 =	sshrl.u32 @!p0 s14, $0x3;
	[sflag:s30] =	ssyncadd.s32 $0xFFFFFF80  }
0x82: {  	[tilespmem:s31], [sflag:$0x2] =	stream.indirect.gather [hbm4b:s0+s28], $0x80, s23, s28, $0xb8;
	[tilespmem:$0x1CF00] =	vst v63  }
0x83: {  	s24 =	simm.s32 @!p0 $0x0;
	s20 =	simm.s32 @!p0 $0x100;
	s14 =	sadd.s32 @!p0 s1, s14  }
0x84: {  	[tilespmem:s20], [sflag:$0x6] =	stream.linear.gather @!p0 [hbm4b:s14+s24], $0x80, $0x38;
	[tilespmem:$0x1CF00] =	vst v63  }
0x85: {  	_ =	swait.ge [sflag:s9], $0x80  }
0x86: {  	s22 =	simm.s32 $0x180;
	s23 =	simm.s32 $0x80;
	[sflag:s9] =	ssyncset.done $0x0  }
0x87: {  	s20 =	simm.s32 $0x400;
	s14 =	sadd.s32 s6, s19;
	[sflag:s9] =	ssyncadd.s32 $0xFFFFFF80  }
.LBB2_8:
0x88: {  	[spmem:s4] =	stream.indirect.scatter.add.f32 [tilespmem:s21], [sflag:$0xC], $0x80, s11, s28, $0xb8;
	[tilespmem:$0x1CF00] =	vst v63  }
0x89: {  	s19 =	smov.u32 s20;
	s20 =	sadd.s32 $0x180, s20  }
0x8a: {  	[tilespmem:s25], [sflag:$0x8] =	stream.linear.gather [hbm4b:s14+s5], $0x80, $0x38;
	[tilespmem:$0x1CF00] =	vst v63  }
0x8b: {  	p1 =	seq.s32 s19, $0x280;
	p0 =	sne.s32 s20, $0x4180;
	_ =	swait.ge [sflag:s8], $0x2800  }
0x8c: {  	s14 =	simm.s32 @!p1 $0xC;
	[sflag:s8] =	ssyncset.done $0x0  }
0x8d: {  	[sflag:s8] =	ssyncadd.s32 $0xFFFFD800  }
0x8e: {  	_ =	swait.ge @!p1 [sflag:s14], $0x2800  }
0x8f: {  	s24 =	sadd.s32 $0xFFFFFF00, s19;
	[sflag:s14] =	ssyncset.done @!p1 $0x0  }
0x90: {  	[sflag:s14] =	ssyncadd.s32 @!p1 $0xFFFFD800;
	s14 =	sand.u32 $0xFC00, s24  }
0x91: {  	s24 =	sand.u32 $0x380, s24;
	_ =	swait.ge [sflag:s10], $0x80;
	s14 =	sadd.s32 s7, s14  }
0x92: {  	[sflag:s10] =	ssyncset.done $0x0;
	s14 =	sor.u32 s24, s14  }
0x93: {  	[sflag:s10] =	ssyncadd.s32 $0xFFFFFF80;
	s24 =	sshrl.u32 s14, $0x3;
	s14 =	simm.s32 $0x100  }
0x94: {  	[tilespmem:s21], [sflag:$0x3] =	stream.indirect.gather [hbm4b:s0+s28], $0x80, s14, s28, $0xb8;
	[tilespmem:$0x1CF00] =	vst v63  }
0x95: {  	s14 =	sadd.s32 s1, s24;
	s21 =	sadd.s32 $0xFFFFFE80, s19  }
0x96: {  	[tilespmem:s5], [sflag:$0x4] =	stream.linear.gather [hbm4b:s14+s5], $0x80, $0x38;
	[tilespmem:$0x1CF00] =	vst v63  }
0x97: {  	s14 =	sand.u32 $0xFC00, s21;
	_ =	swait.ge [sflag:s12], $0x80  }
0x98: {  	s21 =	sand.u32 $0x380, s21;
	s14 =	sadd.s32 s7, s14;
	[sflag:s12] =	ssyncset.done $0x0  }
0x99: {  	s14 =	sor.u32 s21, s14;
	[sflag:s12] =	ssyncadd.s32 $0xFFFFFF80  }
0x9a: {  	[spmem:s4] =	stream.indirect.scatter.add.f32 [tilespmem:s29], [sflag:$0xA], $0x80, s22, s28, $0xb8;
	[tilespmem:$0x1CF00] =	vst v63  }
0x9b: {  	s14 =	sshrl.u32 s14, $0x3  }
0x9c: {  	s14 =	sadd.s32 s6, s14  }
0x9d: {  	[tilespmem:s11], [sflag:$0x9] =	stream.linear.gather [hbm4b:s14+s5], $0x80, $0x38;
	[tilespmem:$0x1CF00] =	vst v63  }
0x9e: {  	_ =	swait.ge [sflag:s13], $0x2800  }
0x9f: {  	[sflag:s13] =	ssyncset.done $0x0  }
0xa0: {  	[sflag:s13] =	ssyncadd.s32 $0xFFFFD800  }
0xa1: {  	_ =	swait.ge [sflag:s15], $0x2800  }
0xa2: {  	s14 =	sadd.s32 $0xFFFFFF80, s19;
	[sflag:s15] =	ssyncset.done $0x0  }
0xa3: {  	s21 =	sand.u32 $0xFC00, s14;
	[sflag:s15] =	ssyncadd.s32 $0xFFFFD800  }
0xa4: {  	s14 =	sand.u32 $0x380, s14;
	s21 =	sadd.s32 s7, s21;
	_ =	swait.ge [sflag:s26], $0x80  }
0xa5: {  	s14 =	sor.u32 s14, s21;
	[sflag:s26] =	ssyncset.done $0x0  }
0xa6: {  	s14 =	sshrl.u32 s14, $0x3;
	[sflag:s26] =	ssyncadd.s32 $0xFFFFFF80  }
0xa7: {  	[tilespmem:s29], [sflag:$0x1] =	stream.indirect.gather [hbm4b:s0+s28], $0x80, s5, s28, $0xb8;
	[tilespmem:$0x1CF00] =	vst v63  }
0xa8: {  	s21 =	sadd.s32 s1, s14;
	s14 =	sadd.s32 s6, s14  }
0xa9: {  	[tilespmem:s23], [sflag:$0x5] =	stream.linear.gather [hbm4b:s21+s5], $0x80, $0x38;
	[tilespmem:$0x1CF00] =	vst v63  }
0xaa: {  	_ =	swait.ge [sflag:s16], $0x80  }
0xab: {  	[sflag:s16] =	ssyncset.done $0x0  }
0xac: {  	s21 =	sadd.s32 s6, s24;
	[sflag:s16] =	ssyncadd.s32 $0xFFFFFF80  }
0xad: {  	[spmem:s4] =	stream.indirect.scatter.add.f32 [tilespmem:s31], [sflag:$0xB], $0x80, s25, s28, $0xb8;
	[tilespmem:$0x1CF00] =	vst v63  }
0xae: {  	_ = 	snop  }
0xaf: {  	[tilespmem:s22], [sflag:$0x7] =	stream.linear.gather [hbm4b:s21+s5], $0x80, $0x38;
	[tilespmem:$0x1CF00] =	vst v63  }
0xb0: {  	_ =	swait.ge [sflag:s17], $0x2800  }
0xb1: {  	[sflag:s17] =	ssyncset.done $0x0  }
0xb2: {  	[sflag:s17] =	ssyncadd.s32 $0xFFFFD800  }
0xb3: {  	_ =	swait.ge [sflag:s18], $0x2800  }
0xb4: {  	p1 =	seq.s32 s19, $0x4000;
	[sflag:s18] =	ssyncset.done $0x0  }
0xb5: {  	s21 =	sand.u32 @!p1 $0xFC00, s19;
	[sflag:s18] =	ssyncadd.s32 $0xFFFFD800  }
0xb6: {  	s19 =	sand.u32 @!p1 $0x380, s19;
	s21 =	sadd.s32 @!p1 s7, s21;
	_ =	swait.ge [sflag:s30], $0x80  }
0xb7: {  	s19 =	sor.u32 @!p1 s19, s21;
	s21 =	simm.s32 @!p1 $0x100;
	[sflag:s30] =	ssyncset.done $0x0  }
0xb8: {  	s24 =	simm.s32 @!p1 $0x0;
	s19 =	sshrl.u32 @!p1 s19, $0x3;
	[sflag:s30] =	ssyncadd.s32 $0xFFFFFF80  }
0xb9: {  	[tilespmem:s31], [sflag:$0x2] =	stream.indirect.gather [hbm4b:s0+s28], $0x80, s23, s28, $0xb8;
	[tilespmem:$0x1CF00] =	vst v63  }
0xba: {  	s19 =	sadd.s32 @!p1 s1, s19  }
0xbb: {  	[tilespmem:s21], [sflag:$0x6] =	stream.linear.gather @!p1 [hbm4b:s19+s24], $0x80, $0x38;
	[tilespmem:$0x1CF00] =	vst v63  }
.Ltmp5:
0xbc: {  	_ = 	snop;
	(pc) =	sbr.rel @p0 .LBB2_8-.Ltmp5, $4  }
0xbd: {  	s21 =	simm.s32 $0x6300  }
0xbe: {  	_ =	swait.ge [sflag:s9], $0x80  }
0xbf: {  	[sflag:s9] =	ssyncset.done $0x0  }
0xc0: {  	[sflag:s9] =	ssyncadd.s32 $0xFFFFFF80  }
0xc1: {  	[spmem:s4] =	stream.indirect.scatter.add.f32 [tilespmem:s21], [sflag:$0xC], $0x80, s11, s28, $0xb8;
	[tilespmem:$0x1CF00] =	vst v63  }
0xc2: {  	_ = 	snop  }
0xc3: {  	[tilespmem:s25], [sflag:$0x8] =	stream.linear.gather [hbm4b:s14+s5], $0x80, $0x38;
	[tilespmem:$0x1CF00] =	vst v63  }
0xc4: {  	_ =	swait.ge [sflag:s8], $0x2800  }
0xc5: {  	[sflag:s8] =	ssyncset.done $0x0  }
0xc6: {  	s19 =	simm.s32 $0xC;
	[sflag:s8] =	ssyncadd.s32 $0xFFFFD800  }
0xc7: {  	_ =	swait.ge [sflag:s19], $0x2800  }
0xc8: {  	[sflag:s19] =	ssyncset.done $0x0  }
0xc9: {  	[sflag:s19] =	ssyncadd.s32 $0xFFFFD800  }
0xca: {  	_ =	swait.ge [sflag:s12], $0x80  }
0xcb: {  	[sflag:s12] =	ssyncset.done $0x0  }
0xcc: {  	[sflag:s12] =	ssyncadd.s32 $0xFFFFFF80  }
0xcd: {  	[spmem:s4] =	stream.indirect.scatter.add.f32 [tilespmem:s29], [sflag:$0xA], $0x80, s22, s28, $0xb8;
	[tilespmem:$0x1CF00] =	vst v63  }
0xce: {  	_ =	swait.ge [sflag:s13], $0x2800  }
0xcf: {  	[sflag:s13] =	ssyncset.done $0x0  }
0xd0: {  	[sflag:s13] =	ssyncadd.s32 $0xFFFFD800  }
0xd1: {  	_ =	swait.ge [sflag:s15], $0x2800  }
0xd2: {  	[sflag:s15] =	ssyncset.done $0x0  }
0xd3: {  	[sflag:s15] =	ssyncadd.s32 $0xFFFFD800  }
0xd4: {  	_ =	swait.ge [sflag:s16], $0x80  }
0xd5: {  	[sflag:s16] =	ssyncset.done $0x0  }
0xd6: {  	[sflag:s16] =	ssyncadd.s32 $0xFFFFFF80  }
0xd7: {  	[spmem:s4] =	stream.indirect.scatter.add.f32 [tilespmem:s31], [sflag:$0xB], $0x80, s25, s28, $0xb8;
	[tilespmem:$0x1CF00] =	vst v63  }
0xd8: {  	_ =	swait.ge [sflag:s18], $0x2800  }
0xd9: {  	[sflag:s18] =	ssyncset.done $0x0  }
0xda: {  	s20 =	stileid.u32;
	[sflag:s18] =	ssyncadd.s32 $0xFFFFD800  }
0xdb: {  	s14 =	sshll.u32 s20, $0x6;
	[bflag:$0x0] =	sbarrier.arrive $0xFFFF  }
0xdc: {  	s19 =	sor.u32 $0x1C11, s14;
	s21 =	rddreg [dreg:$0xb]  }
0xdd: {  	s14 =	simm.s32 $0x0;
	s22 =	rddreg [dreg:$0xc];
	s20 =	sshrl.u32 s21, $0x3  }
0xde: {  	[hbm:s22], [sflag:s19] =	dma.local [spmem:s20], $0x2800  }
0xdf: {  	s11 =	smov.u32 s19;
	s23 =	sand.u32 $0xFE00, s14;
	s22 =	simm.s32 $0x11  }
0xe0: {  	s24 =	sand.u32 $0x70, s14;
	s25 =	sshrl.u32 s23, $0x2;
	_ =	swait.ge [sflag:s22], $0x2800  }
0xe1: {  	s24 =	sor.u32 s24, s25;
	s31 =	smov.u32 s20;
	[sflag:s22] =	ssyncset.done $0x0  }
0xe2: {  	s19 =	simm.s32 $0x40;
	s20 =	simm.s32 $0x0;
	[sflag:s22] =	ssyncadd.s32 $0xFFFFD800  }
.LBB2_10:
0xe3: {  	p0 =	sne.s32 s19, $0x9FC0  }
0xe4: {  	[tilespmem:s24+$0x1300] =	vst v1;
	s20 =	sadd.s32 $0x10, s20;
	s21 =	smov.u32 s19;
	s19 =	sadd.s32 $0x40, s19  }
.Ltmp6:
0xe5: {  	(pc) =	sbr.rel @p0 .LBB2_10-.Ltmp6, $4  }
0xe6: {  	_ = 	snop  }
0xe7: {  	s21 =	sand.u32 $0xFE00, s21  }
0xe8: {  	s24 =	sand.u32 $0x70, s20;
	s21 =	sshrl.u32 s21, $0x2  }
0xe9: {  	s24 =	sor.u32 s24, s21  }
0xea: {  	s20 =	rddreg [dreg:$0xb]  }
0xeb: {  	[tilespmem:s24+$0x1300] =	vst v1;
	s21 =	simm.s32 $0x8B00;
	s23 =	simm.s32 $0x300;
	s25 =	simm.s32 $0xB00  }
.LBB2_12:
0xec: {  	p0 =	sne.s32 s14, $0x4F000  }
.Ltmp7:
0xed: {  	_ = 	snop;
	(pc) =	sbr.rel @p0 .LBB2_12-.Ltmp7, $4  }
0xee: {  	_ = 	snop  }
0xef: {  	s19 =	sshra.s32 s14, $0x2  }
0xf0: {  	s14 =	sadd.s32 $0x1000, s14;
	s19 =	sadd.s32 s19, s20  }
0xf1: {  	[spmem:s19] =	stream.linear.scatter [tilespmem:s21], [sflag:$0x10], $0x400, $0x38;
	[tilespmem:$0x1CF00] =	vst v63  }
0xf2: {  	_ =	swait.ge [sflag:s3], $0x400  }
0xf3: {  	s14 =	simm.s32 $0x4F;
	[sflag:s3] =	ssyncset.done $0x0;
	s24 =	rddreg [dreg:$0x10]  }
.LBB2_14:
0xf4: {  	p0 =	sne.s32 s14, $0x1;
	s14 =	sadd.s32 $0xFFFFFFFF, s14;
	[sflag:s3] =	ssyncadd.s32 $0xFFFFFC00  }
.Ltmp8:
0xf5: {  	(pc) =	sbr.rel @p0 .LBB2_14-.Ltmp8, $3  }
0xf6: {  	_ =	sdelay $0x1  }
0xf7: {  	_ =	swait.ge [sflag:s3], $0x400  }
0xf8: {  	[sflag:s3] =	ssyncset.done $0x0  }
0xf9: {  	[sflag:s3] =	ssyncadd.s32 $0xFFFFFC00  }
0xfa: {  	[bflag:$0x0] =	sbarrier.arrive $0xFFFF  }
0xfb: {  	s20 =	simm.s32 $0x0;
	s14 =	rddreg [dreg:$0x6]  }
0xfc: {  	[tilespmem:s23], [sflag:$0xD] =	stream.linear.gather [hbm4b:s14+s20], $0x800, $0x38;
	[tilespmem:$0x1CF00] =	vst v63  }
0xfd: {  	s21 =	rddreg [dreg:$0xd]  }
0xfe: {  	[tilespmem:s25], [sflag:$0xE] =	stream.linear.gather [hbm4b:s21+s20], $0x800, $0x38;
	[tilespmem:$0x1CF00] =	vst v63  }
.LBB2_16:
0xff: {  	s14 =	simm.s32 $0xD  }
0x100: {  	_ =	swait.ge [sflag:s14], $0x800  }
0x101: {  	[sflag:s14] =	ssyncset.done $0x0  }
0x102: {  	[sflag:s14] =	ssyncadd.s32 $0xFFFFF800  }
0x103: {  	[spmem:s4] =	stream.indirect.scatter.add.f32 [tilespmem:s29], [sflag:$0xF], $0x80, s23, s28, $0xb8;
	[tilespmem:$0x1CF00] =	vst v63  }
0x104: {  	s21 =	simm.s32 $0x380  }
0x105: {  	[spmem:s4] =	stream.indirect.scatter.add.f32 [tilespmem:s29], [sflag:$0xF], $0x80, s21, s28, $0xb8;
	[tilespmem:$0x1CF00] =	vst v63  }
0x106: {  	s19 =	simm.s32 $0x400  }
0x107: {  	[spmem:s4] =	stream.indirect.scatter.add.f32 [tilespmem:s29], [sflag:$0xF], $0x80, s19, s28, $0xb8;
	[tilespmem:$0x1CF00] =	vst v63  }
0x108: {  	s21 =	simm.s32 $0x480  }
0x109: {  	[spmem:s4] =	stream.indirect.scatter.add.f32 [tilespmem:s29], [sflag:$0xF], $0x80, s21, s28, $0xb8;
	[tilespmem:$0x1CF00] =	vst v63  }
0x10a: {  	s19 =	simm.s32 $0x500  }
0x10b: {  	[spmem:s4] =	stream.indirect.scatter.add.f32 [tilespmem:s29], [sflag:$0xF], $0x80, s19, s28, $0xb8;
	[tilespmem:$0x1CF00] =	vst v63  }
0x10c: {  	s21 =	simm.s32 $0x580  }
0x10d: {  	[spmem:s4] =	stream.indirect.scatter.add.f32 [tilespmem:s29], [sflag:$0xF], $0x80, s21, s28, $0xb8;
	[tilespmem:$0x1CF00] =	vst v63  }
0x10e: {  	s19 =	simm.s32 $0x600  }
0x10f: {  	[spmem:s4] =	stream.indirect.scatter.add.f32 [tilespmem:s29], [sflag:$0xF], $0x80, s19, s28, $0xb8;
	[tilespmem:$0x1CF00] =	vst v63  }
0x110: {  	s21 =	simm.s32 $0x680  }
0x111: {  	[spmem:s4] =	stream.indirect.scatter.add.f32 [tilespmem:s29], [sflag:$0xF], $0x80, s21, s28, $0xb8;
	[tilespmem:$0x1CF00] =	vst v63  }
0x112: {  	s19 =	simm.s32 $0x700  }
0x113: {  	[spmem:s4] =	stream.indirect.scatter.add.f32 [tilespmem:s29], [sflag:$0xF], $0x80, s19, s28, $0xb8;
	[tilespmem:$0x1CF00] =	vst v63  }
0x114: {  	s21 =	simm.s32 $0x780  }
0x115: {  	[spmem:s4] =	stream.indirect.scatter.add.f32 [tilespmem:s29], [sflag:$0xF], $0x80, s21, s28, $0xb8;
	[tilespmem:$0x1CF00] =	vst v63  }
0x116: {  	s19 =	simm.s32 $0x800  }
0x117: {  	[spmem:s4] =	stream.indirect.scatter.add.f32 [tilespmem:s29], [sflag:$0xF], $0x80, s19, s28, $0xb8;
	[tilespmem:$0x1CF00] =	vst v63  }
0x118: {  	s21 =	simm.s32 $0x880  }
0x119: {  	[spmem:s4] =	stream.indirect.scatter.add.f32 [tilespmem:s29], [sflag:$0xF], $0x80, s21, s28, $0xb8;
	[tilespmem:$0x1CF00] =	vst v63  }
0x11a: {  	s19 =	simm.s32 $0x900  }
0x11b: {  	[spmem:s4] =	stream.indirect.scatter.add.f32 [tilespmem:s29], [sflag:$0xF], $0x80, s19, s28, $0xb8;
	[tilespmem:$0x1CF00] =	vst v63  }
0x11c: {  	s21 =	simm.s32 $0x980  }
0x11d: {  	[spmem:s4] =	stream.indirect.scatter.add.f32 [tilespmem:s29], [sflag:$0xF], $0x80, s21, s28, $0xb8;
	[tilespmem:$0x1CF00] =	vst v63  }
0x11e: {  	s19 =	simm.s32 $0xA00  }
0x11f: {  	[spmem:s4] =	stream.indirect.scatter.add.f32 [tilespmem:s29], [sflag:$0xF], $0x80, s19, s28, $0xb8;
	[tilespmem:$0x1CF00] =	vst v63  }
0x120: {  	s21 =	simm.s32 $0xA80  }
0x121: {  	[spmem:s4] =	stream.indirect.scatter.add.f32 [tilespmem:s29], [sflag:$0xF], $0x80, s21, s28, $0xb8;
	[tilespmem:$0x1CF00] =	vst v63  }
0x122: {  	_ =	swait.ge [sflag:s2], $0x2800  }
0x123: {  	[sflag:s2] =	ssyncset.done $0x0  }
0x124: {  	[sflag:s2] =	ssyncadd.s32 $0xFFFFD800  }
0x125: {  	_ =	swait.ge [sflag:s2], $0x2800  }
0x126: {  	[sflag:s2] =	ssyncset.done $0x0  }
0x127: {  	[sflag:s2] =	ssyncadd.s32 $0xFFFFD800  }
0x128: {  	_ =	swait.ge [sflag:s2], $0x2800  }
0x129: {  	[sflag:s2] =	ssyncset.done $0x0  }
0x12a: {  	[sflag:s2] =	ssyncadd.s32 $0xFFFFD800  }
0x12b: {  	_ =	swait.ge [sflag:s2], $0x2800  }
0x12c: {  	[sflag:s2] =	ssyncset.done $0x0  }
0x12d: {  	[sflag:s2] =	ssyncadd.s32 $0xFFFFD800  }
0x12e: {  	_ =	swait.ge [sflag:s2], $0x2800  }
0x12f: {  	[sflag:s2] =	ssyncset.done $0x0  }
0x130: {  	[sflag:s2] =	ssyncadd.s32 $0xFFFFD800  }
0x131: {  	_ =	swait.ge [sflag:s2], $0x2800  }
0x132: {  	[sflag:s2] =	ssyncset.done $0x0  }
0x133: {  	[sflag:s2] =	ssyncadd.s32 $0xFFFFD800  }
0x134: {  	_ =	swait.ge [sflag:s2], $0x2800  }
0x135: {  	[sflag:s2] =	ssyncset.done $0x0  }
0x136: {  	[sflag:s2] =	ssyncadd.s32 $0xFFFFD800  }
0x137: {  	_ =	swait.ge [sflag:s2], $0x2800  }
0x138: {  	[sflag:s2] =	ssyncset.done $0x0  }
0x139: {  	[sflag:s2] =	ssyncadd.s32 $0xFFFFD800  }
0x13a: {  	_ =	swait.ge [sflag:s2], $0x2800  }
0x13b: {  	[sflag:s2] =	ssyncset.done $0x0  }
0x13c: {  	[sflag:s2] =	ssyncadd.s32 $0xFFFFD800  }
0x13d: {  	_ =	swait.ge [sflag:s2], $0x2800  }
0x13e: {  	[sflag:s2] =	ssyncset.done $0x0  }
0x13f: {  	[sflag:s2] =	ssyncadd.s32 $0xFFFFD800  }
0x140: {  	_ =	swait.ge [sflag:s2], $0x2800  }
0x141: {  	[sflag:s2] =	ssyncset.done $0x0  }
0x142: {  	[sflag:s2] =	ssyncadd.s32 $0xFFFFD800  }
0x143: {  	_ =	swait.ge [sflag:s2], $0x2800  }
0x144: {  	[sflag:s2] =	ssyncset.done $0x0  }
0x145: {  	[sflag:s2] =	ssyncadd.s32 $0xFFFFD800  }
0x146: {  	_ =	swait.ge [sflag:s2], $0x2800  }
0x147: {  	[sflag:s2] =	ssyncset.done $0x0  }
0x148: {  	[sflag:s2] =	ssyncadd.s32 $0xFFFFD800  }
0x149: {  	_ =	swait.ge [sflag:s2], $0x2800  }
0x14a: {  	[sflag:s2] =	ssyncset.done $0x0  }
0x14b: {  	[sflag:s2] =	ssyncadd.s32 $0xFFFFD800  }
0x14c: {  	_ =	swait.ge [sflag:s2], $0x2800  }
0x14d: {  	[sflag:s2] =	ssyncset.done $0x0  }
0x14e: {  	[sflag:s2] =	ssyncadd.s32 $0xFFFFD800  }
0x14f: {  	p0 =	seq.s32 s20, $0x600;
	_ =	swait.ge [sflag:s2], $0x2800  }
0x150: {  	s19 =	simm.s32 @!p0 $0x0;
	[sflag:s2] =	ssyncset.done $0x0;
	s14 =	rddreg [dreg:$0x11]  }
0x151: {  	s21 =	simm.s32 @!p0 $0x300;
	[sflag:s2] =	ssyncadd.s32 $0xFFFFD800;
	s14 =	sadd.s32 @!p0 s20, s14  }
0x152: {  	[tilespmem:s21], [sflag:$0xD] =	stream.linear.gather @!p0 [hbm4b:s14+s19], $0x800, $0x38;
	[tilespmem:$0x1CF00] =	vst v63  }
0x153: {  	s19 =	simm.s32 $0xE  }
0x154: {  	_ =	swait.ge [sflag:s19], $0x800  }
0x155: {  	[sflag:s19] =	ssyncset.done $0x0  }
0x156: {  	[sflag:s19] =	ssyncadd.s32 $0xFFFFF800  }
0x157: {  	[spmem:s4] =	stream.indirect.scatter.add.f32 [tilespmem:s29], [sflag:$0xF], $0x80, s25, s28, $0xb8;
	[tilespmem:$0x1CF00] =	vst v63  }
0x158: {  	s21 =	simm.s32 $0xB80  }
0x159: {  	[spmem:s4] =	stream.indirect.scatter.add.f32 [tilespmem:s29], [sflag:$0xF], $0x80, s21, s28, $0xb8;
	[tilespmem:$0x1CF00] =	vst v63  }
0x15a: {  	s19 =	simm.s32 $0xC00  }
0x15b: {  	[spmem:s4] =	stream.indirect.scatter.add.f32 [tilespmem:s29], [sflag:$0xF], $0x80, s19, s28, $0xb8;
	[tilespmem:$0x1CF00] =	vst v63  }
0x15c: {  	s21 =	simm.s32 $0xC80  }
0x15d: {  	[spmem:s4] =	stream.indirect.scatter.add.f32 [tilespmem:s29], [sflag:$0xF], $0x80, s21, s28, $0xb8;
	[tilespmem:$0x1CF00] =	vst v63  }
0x15e: {  	s19 =	simm.s32 $0xD00  }
0x15f: {  	[spmem:s4] =	stream.indirect.scatter.add.f32 [tilespmem:s29], [sflag:$0xF], $0x80, s19, s28, $0xb8;
	[tilespmem:$0x1CF00] =	vst v63  }
0x160: {  	s21 =	simm.s32 $0xD80  }
0x161: {  	[spmem:s4] =	stream.indirect.scatter.add.f32 [tilespmem:s29], [sflag:$0xF], $0x80, s21, s28, $0xb8;
	[tilespmem:$0x1CF00] =	vst v63  }
0x162: {  	s19 =	simm.s32 $0xE00  }
0x163: {  	[spmem:s4] =	stream.indirect.scatter.add.f32 [tilespmem:s29], [sflag:$0xF], $0x80, s19, s28, $0xb8;
	[tilespmem:$0x1CF00] =	vst v63  }
0x164: {  	s21 =	simm.s32 $0xE80  }
0x165: {  	[spmem:s4] =	stream.indirect.scatter.add.f32 [tilespmem:s29], [sflag:$0xF], $0x80, s21, s28, $0xb8;
	[tilespmem:$0x1CF00] =	vst v63  }
0x166: {  	s19 =	simm.s32 $0xF00  }
0x167: {  	[spmem:s4] =	stream.indirect.scatter.add.f32 [tilespmem:s29], [sflag:$0xF], $0x80, s19, s28, $0xb8;
	[tilespmem:$0x1CF00] =	vst v63  }
0x168: {  	s21 =	simm.s32 $0xF80  }
0x169: {  	[spmem:s4] =	stream.indirect.scatter.add.f32 [tilespmem:s29], [sflag:$0xF], $0x80, s21, s28, $0xb8;
	[tilespmem:$0x1CF00] =	vst v63  }
0x16a: {  	s19 =	simm.s32 $0x1000  }
0x16b: {  	[spmem:s4] =	stream.indirect.scatter.add.f32 [tilespmem:s29], [sflag:$0xF], $0x80, s19, s28, $0xb8;
	[tilespmem:$0x1CF00] =	vst v63  }
0x16c: {  	s21 =	simm.s32 $0x1080  }
0x16d: {  	[spmem:s4] =	stream.indirect.scatter.add.f32 [tilespmem:s29], [sflag:$0xF], $0x80, s21, s28, $0xb8;
	[tilespmem:$0x1CF00] =	vst v63  }
0x16e: {  	s19 =	simm.s32 $0x1100  }
0x16f: {  	[spmem:s4] =	stream.indirect.scatter.add.f32 [tilespmem:s29], [sflag:$0xF], $0x80, s19, s28, $0xb8;
	[tilespmem:$0x1CF00] =	vst v63  }
0x170: {  	s21 =	simm.s32 $0x1180  }
0x171: {  	[spmem:s4] =	stream.indirect.scatter.add.f32 [tilespmem:s29], [sflag:$0xF], $0x80, s21, s28, $0xb8;
	[tilespmem:$0x1CF00] =	vst v63  }
0x172: {  	s19 =	simm.s32 $0x1200  }
0x173: {  	[spmem:s4] =	stream.indirect.scatter.add.f32 [tilespmem:s29], [sflag:$0xF], $0x80, s19, s28, $0xb8;
	[tilespmem:$0x1CF00] =	vst v63  }
0x174: {  	s21 =	simm.s32 $0x1280  }
0x175: {  	[spmem:s4] =	stream.indirect.scatter.add.f32 [tilespmem:s29], [sflag:$0xF], $0x80, s21, s28, $0xb8;
	[tilespmem:$0x1CF00] =	vst v63  }
0x176: {  	_ =	swait.ge [sflag:s2], $0x2800  }
0x177: {  	[sflag:s2] =	ssyncset.done $0x0  }
0x178: {  	[sflag:s2] =	ssyncadd.s32 $0xFFFFD800  }
0x179: {  	_ =	swait.ge [sflag:s2], $0x2800  }
0x17a: {  	[sflag:s2] =	ssyncset.done $0x0  }
0x17b: {  	[sflag:s2] =	ssyncadd.s32 $0xFFFFD800  }
0x17c: {  	_ =	swait.ge [sflag:s2], $0x2800  }
0x17d: {  	[sflag:s2] =	ssyncset.done $0x0  }
0x17e: {  	[sflag:s2] =	ssyncadd.s32 $0xFFFFD800  }
0x17f: {  	_ =	swait.ge [sflag:s2], $0x2800  }
0x180: {  	[sflag:s2] =	ssyncset.done $0x0  }
0x181: {  	[sflag:s2] =	ssyncadd.s32 $0xFFFFD800  }
0x182: {  	_ =	swait.ge [sflag:s2], $0x2800  }
0x183: {  	[sflag:s2] =	ssyncset.done $0x0  }
0x184: {  	[sflag:s2] =	ssyncadd.s32 $0xFFFFD800  }
0x185: {  	_ =	swait.ge [sflag:s2], $0x2800  }
0x186: {  	[sflag:s2] =	ssyncset.done $0x0  }
0x187: {  	[sflag:s2] =	ssyncadd.s32 $0xFFFFD800  }
0x188: {  	_ =	swait.ge [sflag:s2], $0x2800  }
0x189: {  	[sflag:s2] =	ssyncset.done $0x0  }
0x18a: {  	[sflag:s2] =	ssyncadd.s32 $0xFFFFD800  }
0x18b: {  	_ =	swait.ge [sflag:s2], $0x2800  }
0x18c: {  	[sflag:s2] =	ssyncset.done $0x0  }
0x18d: {  	[sflag:s2] =	ssyncadd.s32 $0xFFFFD800  }
0x18e: {  	_ =	swait.ge [sflag:s2], $0x2800  }
0x18f: {  	[sflag:s2] =	ssyncset.done $0x0  }
0x190: {  	[sflag:s2] =	ssyncadd.s32 $0xFFFFD800  }
0x191: {  	_ =	swait.ge [sflag:s2], $0x2800  }
0x192: {  	[sflag:s2] =	ssyncset.done $0x0  }
0x193: {  	[sflag:s2] =	ssyncadd.s32 $0xFFFFD800  }
0x194: {  	_ =	swait.ge [sflag:s2], $0x2800  }
0x195: {  	[sflag:s2] =	ssyncset.done $0x0  }
0x196: {  	[sflag:s2] =	ssyncadd.s32 $0xFFFFD800  }
0x197: {  	_ =	swait.ge [sflag:s2], $0x2800  }
0x198: {  	[sflag:s2] =	ssyncset.done $0x0  }
0x199: {  	[sflag:s2] =	ssyncadd.s32 $0xFFFFD800  }
0x19a: {  	_ =	swait.ge [sflag:s2], $0x2800  }
0x19b: {  	[sflag:s2] =	ssyncset.done $0x0  }
0x19c: {  	[sflag:s2] =	ssyncadd.s32 $0xFFFFD800  }
0x19d: {  	_ =	swait.ge [sflag:s2], $0x2800  }
0x19e: {  	[sflag:s2] =	ssyncset.done $0x0  }
0x19f: {  	[sflag:s2] =	ssyncadd.s32 $0xFFFFD800  }
0x1a0: {  	_ =	swait.ge [sflag:s2], $0x2800  }
.Ltmp9:
0x1a1: {  	[sflag:s2] =	ssyncset.done $0x0;
	(pc) =	sbr.rel @p0 .LBB2_18-.Ltmp9, $4  }
0x1a2: {  	[sflag:s2] =	ssyncadd.s32 $0xFFFFD800  }
0x1a3: {  	_ =	swait.ge [sflag:s2], $0x2800  }
0x1a4: {  	[sflag:s2] =	ssyncset.done $0x0  }
0x1a5: {  	[sflag:s2] =	ssyncadd.s32 $0xFFFFD800  }
.Ltmp10:
0x1a6: {  	(pc) =	sbr.rel .LBB2_16-.Ltmp10, $3  }
0x1a7: {  	_ =	sdelay $0x1  }
0x1a8: {  	s14 =	sadd.s32 s20, s24;
	s20 =	sadd.s32 $0x200, s20  }
0x1a9: {  	[tilespmem:s25], [sflag:$0xE] =	stream.linear.gather [hbm4b:s14+s5], $0x800, $0x38;
	[tilespmem:$0x1CF00] =	vst v63  }
.LBB2_19:
0x1aa: {  	_ =	sfence.sel $0x180000  }
0x1ab: {  	[bflag:$0x0] =	sbarrier.arrive $0xFFFF  }
0x1ac: {  	_ =	strace $0x90000047  }
0x1ad: {  	s0 =	stileid.u32;
	[bflag:$0x2] =	sbarrier.arrive $0xFFFF  }
0x1ae: {  	p0 =	sne.s32 s0, $0x0;
	s0 =	rddreg [dreg:$0x4]  }
0x1af: {  	s0 =	sadd.s32 @!p0 $0x100000, s0  }
0x1b0: {  	[sflag:s0] =	ssyncadd.tile.s32 @!p0 $0x1;
	_ =	shalt  }
.Lfunc_end2:
_tile_overlayer_lowered:
.L_overlay_start_2:
0x1b1: {  	(tag) =	ssettag $0x2  }
0x1b2: {  	s0 =	rddreg [dreg:$0x0];
	s2 =	stileid.u32  }
0x1b3: {  	s1 =	rddreg [dreg:$0x1];
	p0 =	sne.s32 s2, $0x0  }
0x1b4: {  	s3 =	rddreg [dreg:$0x2];
	[bflag:$0x3] =	sbarrier.arrive $0xFFFF;
	s2 =	simm.s32 @!p0 $0x1C11  }
0x1b5: {  	[timem:s3], [sflag:s2] =	dma.local @!p0 [hbm:s0], s1  }
0x1b6: {  	s0 =	simm.s32 @!p0 $0x11  }
0x1b7: {  	_ =	swait.ge @!p0 [sflag:s0], s1  }
0x1b8: {  	s1 =	ssub.s32 @!p0 $0x0, s1;
	[sflag:s0] =	ssyncset.done @!p0 $0x0  }
0x1b9: {  	[sflag:s0] =	ssyncadd.s32 @!p0 s1  }
0x1ba: {  	[bflag:$0x3] =	sbarrier.arrive $0xFFFF  }
0x1bb: {  	_ =	shalt  }

// kernel: kernel.9.cloned.1.call-start
scs
__scs_entry_jumppad:
0x0: {  	(pc) =	sbr.rel $0x88, $3  }
0x1: {  	(tag) =	ssettag $0x0;
	lr =	simm.s32 $0x1  }
0x2: {  	[smem:$0x3F96] =	sst lr;
	_ =	strace $0xD0000000  }
0x3: {  	_ = 	snop  }
0x4: {  	_ = 	snop  }
0x5: {  	_ = 	snop  }
0x6: {  	_ = 	snop  }
0x7: {  	_ = 	snop  }
__scs_overlays_trampoline_lowered:
0x8: {  	[smem:$0x3FA5] =	sst s0  }
0x9: {  	[smem:$0x3FA6] =	sst s1  }
0xa: {  	[smem:$0x3FA7] =	sst s2  }
0xb: {  	[smem:$0x3FA8] =	sst s3  }
0xc: {  	[smem:$0x3FA9] =	sst s4  }
0xd: {  	[smem:$0x3FAA] =	sst s5  }
0xe: {  	[smem:$0x3FAB] =	sst s6  }
0xf: {  	[smem:$0x3FAC] =	sst s7  }
0x10: {  	[smem:$0x3FAD] =	sst s8  }
0x11: {  	[smem:$0x3FAE] =	sst s9;
	s0 =	simm.s32 @!p0 $0x0  }
0x12: {  	s1 =	sld [smem:$0x3F94];
	s0 =	simm.s32 @p0 $0x1  }
0x13: {  	[smem:$0x3FAF] =	sst s0;
	s0 =	simm.s32 @!p1 $0x0  }
0x14: {  	s2 =	sld [smem:$0x3F93];
	s0 =	simm.s32 @p1 $0x1  }
0x15: {  	[smem:$0x3FB0] =	sst s0;
	s0 =	simm.s32 @!p2 $0x0  }
0x16: {  	s3 =	sld [smem:$0x3FDB];
	s0 =	simm.s32 @p2 $0x1  }
0x17: {  	s4 =	simm.s32 $0x1BF5;
	[smem:$0x3FB2] =	sst s0  }
0x18: {  	s0 =	sld [smem:$0x3F95];
	_ =	swait.ge [sflag:s4], $0x0  }
0x19: {  	s7 =	sld [smem:$0x3F96]  }
0x1a: {  	s8 =	sadd.s32 $0xFFFFE003, lr  }
0x1b: {  	s9 =	sadd.s32 $0xFFFFFEF7, lr;
	s5 =	simm.s32 $0xFFFFFFFF;
	p2 =	slt.u32 s8, $0xFFFFF086  }
0x1c: {  	p1 =	slt.u32 s9, $0xF7A;
	s5 =	simm.s32 @!p2 $0x0  }
0x1d: {  	s5 =	simm.s32 @p1 $0x1;
	p0 =	seq.s32 s7, s2  }
0x1e: {  	s7 =	smul.u32 @!p0 $0xF7A, s2;
	p2 =	seq.s32 @!p0 s5, $0x0  }
0x1f: {  	s9 =	smul.u32 $0xF7A, s1;
	s8 =	simm.s32 @!p0 $0x1BF5;
	p2 =	por !p2, p0  }
0x20: {  	[sflag:s8] =	ssyncset.s32 @!p0 $0xFFFFF086;
	s6 =	sadd.s32 @!p0 s3, s7;
	s7 =	simm.s32 @!p0 $0x108  }
0x21: {  	s3 =	sadd.s32 s3, s9;
	s6 =	sadd.s32 @!p0 $0x88, s6;
	s7 =	simm.s32 @p2 $0x1082  }
0x22: {  	[simem:s7], [sflag:s8] =	dma.local @!p0 [hbm:s6], $0xF7A  }
0x23: {  	s9 =	sor.u32 $0xD0000000, s2;
	s6 =	simm.s32 $0x108;
	_ =	swait.ge @!p0 [sflag:s8], $0x0  }
0x24: {  	s3 =	sadd.s32 $0x88, s3;
	s6 =	simm.s32 @!p1 $0x1082;
	[sflag:s4] =	ssyncset.s32 $0xFFFFF086  }
0x25: {  	[simem:s6], [sflag:s4] =	dma.local [hbm:s3], $0xF7A  }
0x26: {  	[smem:$0x3F96] =	sst s1;
	(tag) =	ssettag s2;
	_ =	strace s9  }
0x27: {  	s1 =	sld [smem:$0x3FA6]  }
0x28: {  	s2 =	sld [smem:$0x3FA7]  }
0x29: {  	s4 =	sld [smem:$0x3FA9]  }
0x2a: {  	p0 =	seq.s32 s5, $0x0;
	s5 =	sld [smem:$0x3FAA]  }
0x2b: {  	s6 =	sld [smem:$0x3FAB]  }
0x2c: {  	s7 =	sld [smem:$0x3FAC]  }
0x2d: {  	s3 =	simm.s32 $0x108;
	s8 =	sld [smem:$0x3FAD]  }
0x2e: {  	s3 =	simm.s32 @!p0 $0x1082;
	s9 =	sld [smem:$0x3FAE]  }
0x2f: {  	lr =	sadd.s32 s0, s3;
	s0 =	sld [smem:$0x3FA5]  }
0x30: {  	s3 =	sld [smem:$0x3FA8]  }
0x31: {  	[smem:$0x3FB1] =	sst s10  }
0x32: {  	s10 =	sld [smem:$0x3FAF];
	_ =	sdelay $0x3  }
0x33: {  	p0 =	seq.s32 s10, $0x1;
	s10 =	sld [smem:$0x3FB1];
	_ =	sdelay $0x3  }
0x34: {  	[smem:$0x3FB1] =	sst s10  }
0x35: {  	s10 =	sld [smem:$0x3FB0];
	_ =	sdelay $0x3  }
0x36: {  	p1 =	seq.s32 s10, $0x1;
	s10 =	sld [smem:$0x3FB1];
	_ =	sdelay $0x3  }
0x37: {  	[smem:$0x3FB1] =	sst s10  }
0x38: {  	s10 =	sld [smem:$0x3FB2]  }
0x39: {  	_ = 	snop;
	(pc) =	sbr.ind lr, $3  }
0x3a: {  	_ = 	snop  }
0x3b: {  	_ = 	snop  }
0x3c: {  	p2 =	seq.s32 s10, $0x1;
	s10 =	sld [smem:$0x3FB1]  }
0x3d: {  	_ =	shalt  }
0x3e: {  	_ =	shalt  }
0x3f: {  	_ =	shalt  }
0x40: {  	_ =	shalt  }
0x41: {  	_ =	shalt  }
0x42: {  	_ =	shalt  }
0x43: {  	_ =	shalt  }
0x44: {  	_ =	shalt  }
0x45: {  	_ =	shalt  }
0x46: {  	_ =	shalt  }
0x47: {  	_ =	shalt  }
0x48: {  	_ =	shalt  }
0x49: {  	_ =	shalt  }
0x4a: {  	_ =	shalt  }
0x4b: {  	_ =	shalt  }
0x4c: {  	_ =	shalt  }
0x4d: {  	_ =	shalt  }
0x4e: {  	_ =	shalt  }
0x4f: {  	_ =	shalt  }
0x50: {  	_ =	shalt  }
0x51: {  	_ =	shalt  }
0x52: {  	_ =	shalt  }
0x53: {  	_ =	shalt  }
0x54: {  	_ =	shalt  }
0x55: {  	_ =	shalt  }
0x56: {  	_ =	shalt  }
0x57: {  	_ =	shalt  }
0x58: {  	_ =	shalt  }
0x59: {  	_ =	shalt  }
0x5a: {  	_ =	shalt  }
0x5b: {  	_ =	shalt  }
0x5c: {  	_ =	shalt  }
0x5d: {  	_ =	shalt  }
0x5e: {  	_ =	shalt  }
0x5f: {  	_ =	shalt  }
0x60: {  	_ =	shalt  }
0x61: {  	_ =	shalt  }
0x62: {  	_ =	shalt  }
0x63: {  	_ =	shalt  }
0x64: {  	_ =	shalt  }
0x65: {  	_ =	shalt  }
0x66: {  	_ =	shalt  }
0x67: {  	_ =	shalt  }
0x68: {  	_ =	shalt  }
0x69: {  	_ =	shalt  }
0x6a: {  	_ =	shalt  }
0x6b: {  	_ =	shalt  }
0x6c: {  	_ =	shalt  }
0x6d: {  	_ =	shalt  }
0x6e: {  	_ =	shalt  }
0x6f: {  	_ =	shalt  }
0x70: {  	_ =	shalt  }
0x71: {  	_ =	shalt  }
0x72: {  	_ =	shalt  }
0x73: {  	_ =	shalt  }
0x74: {  	_ =	shalt  }
0x75: {  	_ =	shalt  }
0x76: {  	_ =	shalt  }
0x77: {  	_ =	shalt  }
0x78: {  	_ =	shalt  }
0x79: {  	_ =	shalt  }
0x7a: {  	_ =	shalt  }
0x7b: {  	_ =	shalt  }
0x7c: {  	_ =	shalt  }
0x7d: {  	_ =	shalt  }
0x7e: {  	_ =	shalt  }
0x7f: {  	_ =	shalt  }
0x80: {  	_ =	shalt  }
0x81: {  	_ =	shalt  }
0x82: {  	_ =	shalt  }
0x83: {  	_ =	shalt  }
0x84: {  	_ =	shalt  }
0x85: {  	_ =	shalt  }
0x86: {  	_ =	shalt  }
0x87: {  	_ =	shalt  }
.Lfunc_end0:
.L_simem_size_0:
called_computation.1_lowered:
.L_overlay_start_0:
0x88: {  	s2 =	sld [smem:$0x3FD9]  }
0x89: {  	s3 =	sld [smem:$0x3FFE];
	_ =	sdelay $0x1  }
0x8a: {  	s1 =	srdreg.scid  }
0x8b: {  	s0 =	sand.u32 $0x1, s1  }
0x8c: {  	s17 =	sshll.u32 s0, $0xA;
	s2 =	sadd.s32 s3, s2  }
0x8d: {  	s2 =	sadd.s32 s2, s17  }
0x8e: {  	[smem:$0x3FBD] =	sst s2  }
0x8f: {  	_ = 	snop  }
0x90: {  	s2 =	sld [smem:$0x3FD0];
	(tm) =	ssettm $0x1  }
0x91: {  	s18 =	sld [smem:$0x3FFB];
	_ =	sdelay $0x3  }
0x92: {  	_ =	strace s18  }
0x93: {  	s3 =	sld [smem:$0x3FFC];
	_ =	sdelay $0x3  }
0x94: {  	_ =	strace s3  }
0x95: {  	s3 =	sld [smem:$0x3FFD];
	_ =	sdelay $0x3  }
0x96: {  	_ =	strace s3  }
0x97: {  	_ =	strace $0x8FFFFFFF  }
0x98: {  	s19 =	sld [smem:$0x3FDB];
	_ =	sdelay $0x1  }
0x99: {  	s4 =	simm.s32 $_scs_section_size  }
0x9a: {  	s5 =	simm.s32 $_size__tile_overlayer_lowered;
	s6 =	simm.s32 $_tile_overlayer_lowered  }
0x9b: {  	s22 =	simm.s32 $0x1BFF;
	s21 =	sshll.u32 s6, $0x1;
	s3 =	sadd.s32 s4, s19  }
0x9c: {  	s7 =	simm.s32 $0x0;
	s20 =	sshll.u32 s5, $0x1;
	s5 =	sadd.s32 s21, s3  }
0x9d: {  	[timem:s7], [sflag:s22] =	dma.local [hbm:s5], s20  }
0x9e: {  	_ =	swait.ge [sflag:s22], s20  }
0x9f: {  	s4 =	ssub.s32 $0x0, s20;
	[sflag:s22] =	ssyncset.done $0x0  }
0xa0: {  	[sflag:s22] =	ssyncadd.s32 s4;
	_ =	sdelay $0x1  }
0xa1: {  	s23 =	simm.s32 $0x1B8B  }
0xa2: {  	_ =	swait.ge [sflag:s23], $0x1  }
0xa3: {  	[sflag:s23] =	ssyncset.done $0x0  }
0xa4: {  	s25 =	simm.s32 $0x1B8E;
	s24 =	sld [smem:$0x3FFE];
	[sflag:s23] =	ssyncadd.s32 $0xFFFFFFFF  }
0xa5: {  	s26 =	simm.s32 $execute0_lowered;
	[smem:$0x3FD2] =	sst s25  }
0xa6: {  	s5 =	sshll.u32 s26, $0x1;
	_ =	strace $0x80000049;
	[dreg:$0x1] =	wrdreg $0xFFFFFFFF  }
0xa7: {  	s28 =	simm.s32 $_size_execute0_lowered;
	s3 =	sadd.s32 s3, s5;
	[dreg:$0x0] =	wrdreg $0x0  }
0xa8: {  	s5 =	sshll.u32 s28, $0x1;
	[dreg:$0x2] =	wrdreg s3  }
0xa9: {  	[dreg:$0x3] =	wrdreg s5  }
0xaa: {  	[dreg:$0x4] =	wrdreg $0xC0  }
0xab: {  	_ =	task [dreg:s7], $0x5FFFF  }
0xac: {  	[dreg:$0x1] =	wrdreg $0xFFFFFFFF  }
0xad: {  	[dreg:$0x0] =	wrdreg $0x60  }
0xae: {  	[dreg:$0x2] =	wrdreg s2  }
0xaf: {  	[dreg:$0x3] =	wrdreg s24  }
0xb0: {  	[dreg:$0x4] =	wrdreg $0x8F000  }
0xb1: {  	[dreg:$0x5] =	wrdreg $0x9  }
0xb2: {  	_ =	task.clear_ibuf [dreg:s7], $0x6FFFF;
	_ =	strace $0x90000049  }
0xb3: {  	s29 =	simm.s32 $0x9;
	_ =	strace $0x8000004B  }
0xb4: {  	_ =	swait.ge [sflag:s29], $0x1  }
0xb5: {  	[sflag:s29] =	ssyncadd.s32 $0xFFFFFFFF  }
0xb6: {  	_ =	strace $0x9000004B  }
0xb7: {  	_ =	sfence  }
0xb8: {  	s30 =	sld [smem:$0x0];
	_ =	sdelay $0x2  }
0xb9: {  	s31 =	sshll.u32 s1, $0xD;
	s1 =	sshrl.u32 s1, $0x2  }
0xba: {  	s3 =	sand.u32 $0x4000, s31;
	s1 =	sadd.s32 s1, s30  }
0xbb: {  	s0 =	sor.u32 s3, s0;
	s1 =	sshll.u32 s1, $0x11  }
0xbc: {  	s0 =	sor.u32 s1, s0  }
0xbd: {  	s0 =	sadd.s32 $0x8F2B, s0  }
0xbe: {  	[sflag:s0] =	ssyncadd.remote.s32 $0x1  }
0xbf: {  	_ =	sfence.sel $0xFFFF  }
0xc0: {  	[dreg:$0x0] =	wrdreg $0xFFFFFFFF;
	(pc) =	sbr.abs _section_cstart, $3  }
0xc1: {  	[dreg:$0x1] =	wrdreg $0xFFFFFFFF  }
0xc2: {  	_ =	task.clear_ibuf [dreg:s7], $0x2FFFF;
	_ =	strace $0x9FFFFFFF  }
0xc3: {  	(tm) =	ssettm $0x7FFFFFFF  }
tec
execute0_lowered:
.L_overlay_start_1:
0x0: {  	(tag) =	ssettag $0x1  }
0x1: {  	s1 =	rddreg [dreg:$0x0]  }
0x2: {  	s0 =	rddreg [dreg:$0x1]  }
0x3: {  	s2 =	rddreg [dreg:$0x2];
	s3 =	srdreg.scid  }
0x4: {  	s4 =	simm.s32 $0x0;
	s12 =	stileid.u32;
	s31 =	simm.s32 $0x280  }
0x5: {  	s28 =	simm.s32 $0x50;
	s29 =	simm.s32 $0x1300;
	s30 =	simm.s32 $0x5  }
0x6: {  	s3 =	sand.u32 $0x1, s3;
	[smem:$0x7FF] =	sst s4;
	s8 =	smul.u32 $0x14000, s12  }
0x7: {  	s5 =	sadd.s32 $0xC2400, s0;
	s6 =	sadd.s32 $0xB2400, s0;
	s14 =	smul.u32 $0x50000, s12  }
0x8: {  	s9 =	sshll.u32 s12, $0xF;
	s12 =	simm.s32 $0x7;
	s7 =	smul.u32 $0x140000, s3  }
0x9: {  	_ =	strace $0x8000004A;
	s25 =	ssub.s32 $0x2, s3;
	s3 =	sshll.u32 s3, $0xE  }
0xa: {  	s11 =	sshrl.u32 s25, $0x1;
	s18 =	sshrl.u32 s14, $0x2;
	s7 =	sadd.s32 s8, s7  }
0xb: {  	s26 =	ssub.s32 s25, s11;
	s21 =	sadd.s32 s18, s2;
	s18 =	simm.s32 $0xB  }
0xc: {  	s10 =	sshrl.u32 s7, $0x3;
	s7 =	sor.u32 s3, s9;
	s3 =	smax.u32 s26, $0x1  }
0xd: {  	[dreg:$0xa] =	wrdreg s21;
	s0 =	sadd.s32 s10, s0;
	s10 =	sshrl.u32 s7, $0x3  }
0xe: {  	s22 =	sor.u32 $0x1800, s7;
	s23 =	sor.u32 $0x1000, s7;
	[dreg:$0xe] =	wrdreg s3  }
0xf: {  	s3 =	simm.s32 $0x10;
	s11 =	sadd.s32 s5, s10;
	s13 =	sor.u32 $0x10, s10  }
0x10: {  	s15 =	sadd.s32 s6, s10;
	s19 =	sadd.s32 $0x2400, s0;
	[dreg:$0x4] =	wrdreg s11  }
0x11: {  	s8 =	sor.u32 $0x20, s10;
	s0 =	sadd.s32 $0x52400, s0;
	[dreg:$0xb] =	wrdreg s19  }
0x12: {  	s24 =	sshrl.u32 s22, $0x3;
	s25 =	sshrl.u32 s23, $0x3;
	[dreg:$0x5] =	wrdreg s15  }
0x13: {  	s10 =	simm.s32 $0x6;
	s16 =	sadd.s32 s5, s13;
	[dreg:$0xd] =	wrdreg s0  }
0x14: {  	s9 =	sadd.s32 s6, s13;
	s17 =	sadd.s32 s5, s8;
	[dreg:$0x6] =	wrdreg s16  }
0x15: {  	s8 =	sadd.s32 s6, s8;
	s20 =	sadd.s32 $0x100, s15;
	[dreg:$0x7] =	wrdreg s9  }
0x16: {  	s24 =	sadd.s32 s24, s6;
	s26 =	sadd.s32 s25, s6;
	[dreg:$0x8] =	wrdreg s17  }
.Ltmp0:
0x17: {  	s11 =	simm.s32 $0x3B00;
	[dreg:$0x9] =	wrdreg s8;
	(pc) =	sbr.rel .LBB2_1-.Ltmp0, $4  }
0x18: {  	s13 =	simm.s32 $0x2;
	s15 =	simm.s32 $0xA;
	[dreg:$0xc] =	wrdreg s20  }
0x19: {  	s0 =	simm.s32 $0xF;
	s19 =	simm.s32 $0x0;
	[dreg:$0x10] =	wrdreg s26  }
0x1a: {  	s26 =	simm.s32 $0x4;
	s8 =	simm.s32 $0x1;
	s16 =	simm.s32 $0x8  }
0x1b: {  	v0 =	vimm.f32 $0.0e+00;
	v1 =	vimm.f32 $1.000000000e+00;
	s17 =	simm.s32 $0x3;
	s9 =	simm.s32 $0x9;
	[dreg:$0xf] =	wrdreg s24  }
.LBB2_18:
0x1c: {  	[bflag:$0x0] =	sbarrier.arrive $0xFFFF  }
0x1d: {  	s14 =	rddreg [dreg:$0xd]  }
0x1e: {  	[hbm:s14], [sflag:s11] =	dma.local [spmem:s31], $0x2800  }
0x1f: {  	_ =	swait.ge [sflag:s22], $0x2800  }
0x20: {  	s19 =	rddreg [dreg:$0x11]  }
0x21: {  	s25 =	rddreg [dreg:$0xe];
	s19 =	sadd.s32 $0x1, s19  }
0x22: {  	p0 =	sne.s32 s19, s25  }
.Ltmp1:
0x23: {  	_ = 	snop;
	(pc) =	sbr.rel @!p0 .LBB2_19-.Ltmp1, $3  }
0x24: {  	_ =	sdelay $0x1  }
0x25: {  	s11 =	simm.s32 $0x3B00;
	[sflag:s22] =	ssyncset.done $0x0  }
0x26: {  	s31 =	simm.s32 $0x280;
	s21 =	rddreg [dreg:$0xa];
	[sflag:s22] =	ssyncadd.s32 $0xFFFFD800  }
.LBB2_1:
0x27: {  	[dreg:$0x11] =	wrdreg s19;
	s14 =	sand.u32 $0xE00, s4  }
0x28: {  	s25 =	simm.s32 $0x200;
	s24 =	sand.u32 $0x70, s4;
	s20 =	sshrl.u32 s14, $0x2  }
0x29: {  	s19 =	simm.s32 $0x0;
	s14 =	simm.s32 $0x40;
	s20 =	sor.u32 s24, s20  }
.LBB2_2:
0x2a: {  	p0 =	sne.s32 s14, $0xFC0  }
0x2b: {  	[tilespmem:s20+$0x8B00] =	vst v0;
	s19 =	sadd.s32 $0x10, s19;
	s20 =	smov.u32 s14;
	s14 =	sadd.s32 $0x40, s14  }
.Ltmp2:
0x2c: {  	(pc) =	sbr.rel @p0 .LBB2_2-.Ltmp2, $4  }
0x2d: {  	_ = 	snop  }
0x2e: {  	s20 =	sand.u32 $0xE00, s20  }
0x2f: {  	s24 =	sand.u32 $0x70, s19;
	s20 =	sshrl.u32 s20, $0x2  }
0x30: {  	s20 =	sor.u32 s24, s20  }
0x31: {  	[tilespmem:s20+$0x8B00] =	vst v0;
	s14 =	simm.s32 $0x0;
	s19 =	rddreg [dreg:$0x4]  }
0x32: {  	[tilespmem:s14], [sflag:$0x4] =	stream.linear.gather [hbm4b:s19+s14], $0x80, $0x38;
	[tilespmem:$0x1CF00] =	vst v63  }
0x33: {  	s23 =	rddreg [dreg:$0x5];
	s22 =	simm.s32 $0x180  }
0x34: {  	[tilespmem:s22], [sflag:$0x7] =	stream.linear.gather [hbm4b:s23+s14], $0x80, $0x38;
	[tilespmem:$0x1CF00] =	vst v63  }
0x35: {  	s24 =	rddreg [dreg:$0x6];
	s23 =	simm.s32 $0x80  }
0x36: {  	[tilespmem:s23], [sflag:$0x5] =	stream.linear.gather [hbm4b:s24+s14], $0x80, $0x38;
	[tilespmem:$0x1CF00] =	vst v63  }
0x37: {  	s20 =	rddreg [dreg:$0x7]  }
0x38: {  	[tilespmem:s25], [sflag:$0x8] =	stream.linear.gather [hbm4b:s20+s14], $0x80, $0x38;
	[tilespmem:$0x1CF00] =	vst v63  }
0x39: {  	s24 =	rddreg [dreg:$0x8];
	s20 =	simm.s32 $0x100  }
0x3a: {  	[tilespmem:s20], [sflag:$0x6] =	stream.linear.gather [hbm4b:s24+s14], $0x80, $0x38;
	[tilespmem:$0x1CF00] =	vst v63  }
0x3b: {  	s25 =	rddreg [dreg:$0x9]  }
0x3c: {  	[tilespmem:s31], [sflag:$0x9] =	stream.linear.gather [hbm4b:s25+s14], $0x80, $0x38;
	[tilespmem:$0x1CF00] =	vst v63  }
0x3d: {  	_ =	swait.ge [sflag:s26], $0x80  }
0x3e: {  	[sflag:s26] =	ssyncset.done $0x0  }
0x3f: {  	[sflag:s26] =	ssyncadd.s32 $0xFFFFFF80  }
0x40: {  	[tilespmem:s29], [sflag:$0x1] =	stream.indirect.gather [hbm4b:s1+s28], $0x80, s14, s28, $0xb8;
	[tilespmem:$0x1CF00] =	vst v63  }
0x41: {  	_ =	swait.ge [sflag:s30], $0x80  }
0x42: {  	[sflag:s30] =	ssyncset.done $0x0  }
0x43: {  	[sflag:s30] =	ssyncadd.s32 $0xFFFFFF80  }
0x44: {  	[tilespmem:s11], [sflag:$0x2] =	stream.indirect.gather [hbm4b:s1+s28], $0x80, s23, s28, $0xb8;
	[tilespmem:$0x1CF00] =	vst v63  }
0x45: {  	s11 =	simm.s32 $0x8B00  }
.LBB2_4:
0x46: {  	p0 =	sne.s32 s14, $0x4F000  }
.Ltmp3:
0x47: {  	_ = 	snop;
	(pc) =	sbr.rel @p0 .LBB2_4-.Ltmp3, $4  }
0x48: {  	_ = 	snop  }
0x49: {  	s19 =	sshra.s32 s14, $0x2  }
0x4a: {  	s14 =	sadd.s32 $0x1000, s14;
	s19 =	sadd.s32 s19, s21  }
0x4b: {  	[spmem:s19] =	stream.linear.scatter [tilespmem:s11], [sflag:$0x10], $0x400, $0x38;
	[tilespmem:$0x1CF00] =	vst v63  }
0x4c: {  	_ =	swait.ge [sflag:s3], $0x400  }
0x4d: {  	s14 =	simm.s32 $0x4F;
	[sflag:s3] =	ssyncset.done $0x0  }
.LBB2_6:
0x4e: {  	p0 =	sne.s32 s14, $0x1;
	s14 =	sadd.s32 $0xFFFFFFFF, s14;
	[sflag:s3] =	ssyncadd.s32 $0xFFFFFC00  }
.Ltmp4:
0x4f: {  	(pc) =	sbr.rel @p0 .LBB2_6-.Ltmp4, $3  }
0x50: {  	_ =	sdelay $0x1  }
0x51: {  	_ =	swait.ge [sflag:s3], $0x400  }
0x52: {  	[sflag:s3] =	ssyncset.done $0x0  }
0x53: {  	[sflag:s3] =	ssyncadd.s32 $0xFFFFFC00  }
0x54: {  	[bflag:$0x0] =	sbarrier.arrive $0xFFFF  }
0x55: {  	_ =	swait.ge [sflag:s8], $0x2800  }
0x56: {  	p0 =	por $0x1, $0x1;
	[sflag:s8] =	ssyncset.done $0x0  }
0x57: {  	s14 =	simm.s32 @!p0 $0xC;
	[sflag:s8] =	ssyncadd.s32 $0xFFFFD800  }
0x58: {  	_ =	swait.ge @!p0 [sflag:s14], $0x2800  }
0x59: {  	s19 =	simm.s32 $0x180;
	[sflag:s14] =	ssyncset.done @!p0 $0x0  }
0x5a: {  	s24 =	sand.u32 $0xFC00, s19;
	[sflag:s14] =	ssyncadd.s32 @!p0 $0xFFFFD800  }
0x5b: {  	s19 =	sand.u32 $0x380, s19;
	s14 =	sadd.s32 s7, s24;
	_ =	swait.ge [sflag:s10], $0x80  }
0x5c: {  	s21 =	simm.s32 $0x6300;
	s14 =	sor.u32 s19, s14;
	[sflag:s10] =	ssyncset.done $0x0  }
0x5d: {  	s11 =	simm.s32 $0x100;
	s14 =	sshrl.u32 s14, $0x3;
	[sflag:s10] =	ssyncadd.s32 $0xFFFFFF80  }
0x5e: {  	[tilespmem:s21], [sflag:$0x3] =	stream.indirect.gather [hbm4b:s1+s28], $0x80, s20, s28, $0xb8;
	[tilespmem:$0x1CF00] =	vst v63  }
0x5f: {  	s24 =	sand.u32 $0xFC00, s11;
	s25 =	sadd.s32 s5, s14  }
0x60: {  	[tilespmem:s4], [sflag:$0x4] =	stream.linear.gather [hbm4b:s25+s4], $0x80, $0x38;
	[tilespmem:$0x1CF00] =	vst v63  }
0x61: {  	s19 =	sadd.s32 s7, s24;
	s20 =	sand.u32 $0x380, s11;
	_ =	swait.ge [sflag:s12], $0x80  }
0x62: {  	s19 =	sor.u32 s20, s19;
	[sflag:s12] =	ssyncset.done $0x0  }
0x63: {  	s19 =	sshrl.u32 s19, $0x3;
	[sflag:s12] =	ssyncadd.s32 $0xFFFFFF80  }
0x64: {  	[spmem:s2] =	stream.indirect.scatter.add.f32 [tilespmem:s29], [sflag:$0xA], $0x80, s22, s28, $0xb8;
	[tilespmem:$0x1CF00] =	vst v63  }
0x65: {  	s11 =	simm.s32 $0x280;
	s19 =	sadd.s32 s6, s19  }
0x66: {  	[tilespmem:s11], [sflag:$0x9] =	stream.linear.gather [hbm4b:s19+s4], $0x80, $0x38;
	[tilespmem:$0x1CF00] =	vst v63  }
0x67: {  	_ =	swait.ge [sflag:s13], $0x2800  }
0x68: {  	[sflag:s13] =	ssyncset.done $0x0  }
0x69: {  	[sflag:s13] =	ssyncadd.s32 $0xFFFFD800  }
0x6a: {  	_ =	swait.ge [sflag:s15], $0x2800  }
0x6b: {  	s25 =	simm.s32 $0x200;
	[sflag:s15] =	ssyncset.done $0x0  }
0x6c: {  	s24 =	sand.u32 $0xFC00, s25;
	[sflag:s15] =	ssyncadd.s32 $0xFFFFD800  }
0x6d: {  	s20 =	sadd.s32 s7, s24;
	s19 =	sand.u32 $0x380, s25;
	_ =	swait.ge [sflag:s26], $0x80  }
0x6e: {  	s19 =	sor.u32 s19, s20;
	[sflag:s26] =	ssyncset.done $0x0  }
0x6f: {  	s19 =	sshrl.u32 s19, $0x3;
	[sflag:s26] =	ssyncadd.s32 $0xFFFFFF80  }
0x70: {  	[tilespmem:s29], [sflag:$0x1] =	stream.indirect.gather [hbm4b:s1+s28], $0x80, s4, s28, $0xb8;
	[tilespmem:$0x1CF00] =	vst v63  }
0x71: {  	s25 =	sadd.s32 s5, s19  }
0x72: {  	[tilespmem:s23], [sflag:$0x5] =	stream.linear.gather [hbm4b:s25+s4], $0x80, $0x38;
	[tilespmem:$0x1CF00] =	vst v63  }
0x73: {  	_ =	swait.ge [sflag:s16], $0x80  }
0x74: {  	[sflag:s16] =	ssyncset.done $0x0  }
0x75: {  	s31 =	simm.s32 $0x3B00;
	s25 =	simm.s32 $0x200;
	[sflag:s16] =	ssyncadd.s32 $0xFFFFFF80  }
0x76: {  	[spmem:s2] =	stream.indirect.scatter.add.f32 [tilespmem:s31], [sflag:$0xB], $0x80, s25, s28, $0xb8;
	[tilespmem:$0x1CF00] =	vst v63  }
0x77: {  	s14 =	sadd.s32 s6, s14  }
0x78: {  	[tilespmem:s22], [sflag:$0x7] =	stream.linear.gather [hbm4b:s14+s4], $0x80, $0x38;
	[tilespmem:$0x1CF00] =	vst v63  }
0x79: {  	_ =	swait.ge [sflag:s17], $0x2800  }
0x7a: {  	[sflag:s17] =	ssyncset.done $0x0  }
0x7b: {  	[sflag:s17] =	ssyncadd.s32 $0xFFFFD800  }
0x7c: {  	_ =	swait.ge [sflag:s18], $0x2800  }
0x7d: {  	p0 =	por $0x0, $0x0;
	s14 =	simm.s32 $0x280;
	[sflag:s18] =	ssyncset.done $0x0  }
0x7e: {  	s20 =	sand.u32 @!p0 $0xFC00, s14;
	[sflag:s18] =	ssyncadd.s32 $0xFFFFD800  }
0x7f: {  	s14 =	sand.u32 @!p0 $0x380, s14;
	s20 =	sadd.s32 @!p0 s7, s20;
	_ =	swait.ge [sflag:s30], $0x80  }
0x80: {  	s14 =	sor.u32 @!p0 s14, s20;
	[sflag:s30] =	ssyncset.done $0x0  }
0x81: {  	s14 =	sshrl.u32 @!p0 s14, $0x3;
	[sflag:s30] =	ssyncadd.s32 $0xFFFFFF80  }
0x82: {  	[tilespmem:s31], [sflag:$0x2] =	stream.indirect.gather [hbm4b:s1+s28], $0x80, s23, s28, $0xb8;
	[tilespmem:$0x1CF00] =	vst v63  }
0x83: {  	s24 =	simm.s32 @!p0 $0x0;
	s20 =	simm.s32 @!p0 $0x100;
	s14 =	sadd.s32 @!p0 s5, s14  }
0x84: {  	[tilespmem:s20], [sflag:$0x6] =	stream.linear.gather @!p0 [hbm4b:s14+s24], $0x80, $0x38;
	[tilespmem:$0x1CF00] =	vst v63  }
0x85: {  	_ =	swait.ge [sflag:s9], $0x80  }
0x86: {  	s22 =	simm.s32 $0x180;
	s23 =	simm.s32 $0x80;
	[sflag:s9] =	ssyncset.done $0x0  }
0x87: {  	s20 =	simm.s32 $0x400;
	s14 =	sadd.s32 s6, s19;
	[sflag:s9] =	ssyncadd.s32 $0xFFFFFF80  }
.LBB2_8:
0x88: {  	[spmem:s2] =	stream.indirect.scatter.add.f32 [tilespmem:s21], [sflag:$0xC], $0x80, s11, s28, $0xb8;
	[tilespmem:$0x1CF00] =	vst v63  }
0x89: {  	s19 =	smov.u32 s20;
	s20 =	sadd.s32 $0x180, s20  }
0x8a: {  	[tilespmem:s25], [sflag:$0x8] =	stream.linear.gather [hbm4b:s14+s4], $0x80, $0x38;
	[tilespmem:$0x1CF00] =	vst v63  }
0x8b: {  	p1 =	seq.s32 s19, $0x280;
	p0 =	sne.s32 s20, $0x4180;
	_ =	swait.ge [sflag:s8], $0x2800  }
0x8c: {  	s14 =	simm.s32 @!p1 $0xC;
	[sflag:s8] =	ssyncset.done $0x0  }
0x8d: {  	[sflag:s8] =	ssyncadd.s32 $0xFFFFD800  }
0x8e: {  	_ =	swait.ge @!p1 [sflag:s14], $0x2800  }
0x8f: {  	s24 =	sadd.s32 $0xFFFFFF00, s19;
	[sflag:s14] =	ssyncset.done @!p1 $0x0  }
0x90: {  	[sflag:s14] =	ssyncadd.s32 @!p1 $0xFFFFD800;
	s14 =	sand.u32 $0xFC00, s24  }
0x91: {  	s24 =	sand.u32 $0x380, s24;
	_ =	swait.ge [sflag:s10], $0x80;
	s14 =	sadd.s32 s7, s14  }
0x92: {  	[sflag:s10] =	ssyncset.done $0x0;
	s14 =	sor.u32 s24, s14  }
0x93: {  	[sflag:s10] =	ssyncadd.s32 $0xFFFFFF80;
	s24 =	sshrl.u32 s14, $0x3;
	s14 =	simm.s32 $0x100  }
0x94: {  	[tilespmem:s21], [sflag:$0x3] =	stream.indirect.gather [hbm4b:s1+s28], $0x80, s14, s28, $0xb8;
	[tilespmem:$0x1CF00] =	vst v63  }
0x95: {  	s14 =	sadd.s32 s5, s24;
	s21 =	sadd.s32 $0xFFFFFE80, s19  }
0x96: {  	[tilespmem:s4], [sflag:$0x4] =	stream.linear.gather [hbm4b:s14+s4], $0x80, $0x38;
	[tilespmem:$0x1CF00] =	vst v63  }
0x97: {  	s14 =	sand.u32 $0xFC00, s21;
	_ =	swait.ge [sflag:s12], $0x80  }
0x98: {  	s21 =	sand.u32 $0x380, s21;
	s14 =	sadd.s32 s7, s14;
	[sflag:s12] =	ssyncset.done $0x0  }
0x99: {  	s14 =	sor.u32 s21, s14;
	[sflag:s12] =	ssyncadd.s32 $0xFFFFFF80  }
0x9a: {  	[spmem:s2] =	stream.indirect.scatter.add.f32 [tilespmem:s29], [sflag:$0xA], $0x80, s22, s28, $0xb8;
	[tilespmem:$0x1CF00] =	vst v63  }
0x9b: {  	s14 =	sshrl.u32 s14, $0x3  }
0x9c: {  	s14 =	sadd.s32 s6, s14  }
0x9d: {  	[tilespmem:s11], [sflag:$0x9] =	stream.linear.gather [hbm4b:s14+s4], $0x80, $0x38;
	[tilespmem:$0x1CF00] =	vst v63  }
0x9e: {  	_ =	swait.ge [sflag:s13], $0x2800  }
0x9f: {  	[sflag:s13] =	ssyncset.done $0x0  }
0xa0: {  	[sflag:s13] =	ssyncadd.s32 $0xFFFFD800  }
0xa1: {  	_ =	swait.ge [sflag:s15], $0x2800  }
0xa2: {  	s14 =	sadd.s32 $0xFFFFFF80, s19;
	[sflag:s15] =	ssyncset.done $0x0  }
0xa3: {  	s21 =	sand.u32 $0xFC00, s14;
	[sflag:s15] =	ssyncadd.s32 $0xFFFFD800  }
0xa4: {  	s14 =	sand.u32 $0x380, s14;
	s21 =	sadd.s32 s7, s21;
	_ =	swait.ge [sflag:s26], $0x80  }
0xa5: {  	s14 =	sor.u32 s14, s21;
	[sflag:s26] =	ssyncset.done $0x0  }
0xa6: {  	s14 =	sshrl.u32 s14, $0x3;
	[sflag:s26] =	ssyncadd.s32 $0xFFFFFF80  }
0xa7: {  	[tilespmem:s29], [sflag:$0x1] =	stream.indirect.gather [hbm4b:s1+s28], $0x80, s4, s28, $0xb8;
	[tilespmem:$0x1CF00] =	vst v63  }
0xa8: {  	s21 =	sadd.s32 s5, s14;
	s14 =	sadd.s32 s6, s14  }
0xa9: {  	[tilespmem:s23], [sflag:$0x5] =	stream.linear.gather [hbm4b:s21+s4], $0x80, $0x38;
	[tilespmem:$0x1CF00] =	vst v63  }
0xaa: {  	_ =	swait.ge [sflag:s16], $0x80  }
0xab: {  	[sflag:s16] =	ssyncset.done $0x0  }
0xac: {  	s21 =	sadd.s32 s6, s24;
	[sflag:s16] =	ssyncadd.s32 $0xFFFFFF80  }
0xad: {  	[spmem:s2] =	stream.indirect.scatter.add.f32 [tilespmem:s31], [sflag:$0xB], $0x80, s25, s28, $0xb8;
	[tilespmem:$0x1CF00] =	vst v63  }
0xae: {  	_ = 	snop  }
0xaf: {  	[tilespmem:s22], [sflag:$0x7] =	stream.linear.gather [hbm4b:s21+s4], $0x80, $0x38;
	[tilespmem:$0x1CF00] =	vst v63  }
0xb0: {  	_ =	swait.ge [sflag:s17], $0x2800  }
0xb1: {  	[sflag:s17] =	ssyncset.done $0x0  }
0xb2: {  	[sflag:s17] =	ssyncadd.s32 $0xFFFFD800  }
0xb3: {  	_ =	swait.ge [sflag:s18], $0x2800  }
0xb4: {  	p1 =	seq.s32 s19, $0x4000;
	[sflag:s18] =	ssyncset.done $0x0  }
0xb5: {  	s21 =	sand.u32 @!p1 $0xFC00, s19;
	[sflag:s18] =	ssyncadd.s32 $0xFFFFD800  }
0xb6: {  	s19 =	sand.u32 @!p1 $0x380, s19;
	s21 =	sadd.s32 @!p1 s7, s21;
	_ =	swait.ge [sflag:s30], $0x80  }
0xb7: {  	s19 =	sor.u32 @!p1 s19, s21;
	s21 =	simm.s32 @!p1 $0x100;
	[sflag:s30] =	ssyncset.done $0x0  }
0xb8: {  	s24 =	simm.s32 @!p1 $0x0;
	s19 =	sshrl.u32 @!p1 s19, $0x3;
	[sflag:s30] =	ssyncadd.s32 $0xFFFFFF80  }
0xb9: {  	[tilespmem:s31], [sflag:$0x2] =	stream.indirect.gather [hbm4b:s1+s28], $0x80, s23, s28, $0xb8;
	[tilespmem:$0x1CF00] =	vst v63  }
0xba: {  	s19 =	sadd.s32 @!p1 s5, s19  }
0xbb: {  	[tilespmem:s21], [sflag:$0x6] =	stream.linear.gather @!p1 [hbm4b:s19+s24], $0x80, $0x38;
	[tilespmem:$0x1CF00] =	vst v63  }
.Ltmp5:
0xbc: {  	_ = 	snop;
	(pc) =	sbr.rel @p0 .LBB2_8-.Ltmp5, $4  }
0xbd: {  	s21 =	simm.s32 $0x6300  }
0xbe: {  	_ =	swait.ge [sflag:s9], $0x80  }
0xbf: {  	[sflag:s9] =	ssyncset.done $0x0  }
0xc0: {  	[sflag:s9] =	ssyncadd.s32 $0xFFFFFF80  }
0xc1: {  	[spmem:s2] =	stream.indirect.scatter.add.f32 [tilespmem:s21], [sflag:$0xC], $0x80, s11, s28, $0xb8;
	[tilespmem:$0x1CF00] =	vst v63  }
0xc2: {  	_ = 	snop  }
0xc3: {  	[tilespmem:s25], [sflag:$0x8] =	stream.linear.gather [hbm4b:s14+s4], $0x80, $0x38;
	[tilespmem:$0x1CF00] =	vst v63  }
0xc4: {  	_ =	swait.ge [sflag:s8], $0x2800  }
0xc5: {  	[sflag:s8] =	ssyncset.done $0x0  }
0xc6: {  	s19 =	simm.s32 $0xC;
	[sflag:s8] =	ssyncadd.s32 $0xFFFFD800  }
0xc7: {  	_ =	swait.ge [sflag:s19], $0x2800  }
0xc8: {  	[sflag:s19] =	ssyncset.done $0x0  }
0xc9: {  	[sflag:s19] =	ssyncadd.s32 $0xFFFFD800  }
0xca: {  	_ =	swait.ge [sflag:s12], $0x80  }
0xcb: {  	[sflag:s12] =	ssyncset.done $0x0  }
0xcc: {  	[sflag:s12] =	ssyncadd.s32 $0xFFFFFF80  }
0xcd: {  	[spmem:s2] =	stream.indirect.scatter.add.f32 [tilespmem:s29], [sflag:$0xA], $0x80, s22, s28, $0xb8;
	[tilespmem:$0x1CF00] =	vst v63  }
0xce: {  	_ =	swait.ge [sflag:s13], $0x2800  }
0xcf: {  	[sflag:s13] =	ssyncset.done $0x0  }
0xd0: {  	[sflag:s13] =	ssyncadd.s32 $0xFFFFD800  }
0xd1: {  	_ =	swait.ge [sflag:s15], $0x2800  }
0xd2: {  	[sflag:s15] =	ssyncset.done $0x0  }
0xd3: {  	[sflag:s15] =	ssyncadd.s32 $0xFFFFD800  }
0xd4: {  	_ =	swait.ge [sflag:s16], $0x80  }
0xd5: {  	[sflag:s16] =	ssyncset.done $0x0  }
0xd6: {  	[sflag:s16] =	ssyncadd.s32 $0xFFFFFF80  }
0xd7: {  	[spmem:s2] =	stream.indirect.scatter.add.f32 [tilespmem:s31], [sflag:$0xB], $0x80, s25, s28, $0xb8;
	[tilespmem:$0x1CF00] =	vst v63  }
0xd8: {  	_ =	swait.ge [sflag:s18], $0x2800  }
0xd9: {  	[sflag:s18] =	ssyncset.done $0x0  }
0xda: {  	s20 =	stileid.u32;
	[sflag:s18] =	ssyncadd.s32 $0xFFFFD800  }
0xdb: {  	s14 =	sshll.u32 s20, $0x6;
	[bflag:$0x0] =	sbarrier.arrive $0xFFFF  }
0xdc: {  	s19 =	sor.u32 $0x1C11, s14;
	s21 =	rddreg [dreg:$0xa]  }
0xdd: {  	s14 =	simm.s32 $0x0;
	s22 =	rddreg [dreg:$0xb];
	s20 =	sshrl.u32 s21, $0x3  }
0xde: {  	[hbm:s22], [sflag:s19] =	dma.local [spmem:s20], $0x2800  }
0xdf: {  	s11 =	smov.u32 s19;
	s23 =	sand.u32 $0xFE00, s14;
	s22 =	simm.s32 $0x11  }
0xe0: {  	s24 =	sand.u32 $0x70, s14;
	s25 =	sshrl.u32 s23, $0x2;
	_ =	swait.ge [sflag:s22], $0x2800  }
0xe1: {  	s24 =	sor.u32 s24, s25;
	s31 =	smov.u32 s20;
	[sflag:s22] =	ssyncset.done $0x0  }
0xe2: {  	s19 =	simm.s32 $0x40;
	s20 =	simm.s32 $0x0;
	[sflag:s22] =	ssyncadd.s32 $0xFFFFD800  }
.LBB2_10:
0xe3: {  	p0 =	sne.s32 s19, $0x9FC0  }
0xe4: {  	[tilespmem:s24+$0x1300] =	vst v1;
	s20 =	sadd.s32 $0x10, s20;
	s21 =	smov.u32 s19;
	s19 =	sadd.s32 $0x40, s19  }
.Ltmp6:
0xe5: {  	(pc) =	sbr.rel @p0 .LBB2_10-.Ltmp6, $4  }
0xe6: {  	_ = 	snop  }
0xe7: {  	s21 =	sand.u32 $0xFE00, s21  }
0xe8: {  	s24 =	sand.u32 $0x70, s20;
	s21 =	sshrl.u32 s21, $0x2  }
0xe9: {  	s24 =	sor.u32 s24, s21  }
0xea: {  	s20 =	rddreg [dreg:$0xa]  }
0xeb: {  	[tilespmem:s24+$0x1300] =	vst v1;
	s21 =	simm.s32 $0x8B00;
	s23 =	simm.s32 $0x300;
	s25 =	simm.s32 $0xB00  }
.LBB2_12:
0xec: {  	p0 =	sne.s32 s14, $0x4F000  }
.Ltmp7:
0xed: {  	_ = 	snop;
	(pc) =	sbr.rel @p0 .LBB2_12-.Ltmp7, $4  }
0xee: {  	_ = 	snop  }
0xef: {  	s19 =	sshra.s32 s14, $0x2  }
0xf0: {  	s14 =	sadd.s32 $0x1000, s14;
	s19 =	sadd.s32 s19, s20  }
0xf1: {  	[spmem:s19] =	stream.linear.scatter [tilespmem:s21], [sflag:$0x10], $0x400, $0x38;
	[tilespmem:$0x1CF00] =	vst v63  }
0xf2: {  	_ =	swait.ge [sflag:s3], $0x400  }
0xf3: {  	s14 =	simm.s32 $0x4F;
	[sflag:s3] =	ssyncset.done $0x0;
	s24 =	rddreg [dreg:$0xf]  }
.LBB2_14:
0xf4: {  	p0 =	sne.s32 s14, $0x1;
	s14 =	sadd.s32 $0xFFFFFFFF, s14;
	[sflag:s3] =	ssyncadd.s32 $0xFFFFFC00  }
.Ltmp8:
0xf5: {  	(pc) =	sbr.rel @p0 .LBB2_14-.Ltmp8, $3  }
0xf6: {  	_ =	sdelay $0x1  }
0xf7: {  	_ =	swait.ge [sflag:s3], $0x400  }
0xf8: {  	[sflag:s3] =	ssyncset.done $0x0  }
0xf9: {  	[sflag:s3] =	ssyncadd.s32 $0xFFFFFC00  }
0xfa: {  	[bflag:$0x0] =	sbarrier.arrive $0xFFFF  }
0xfb: {  	s20 =	simm.s32 $0x0;
	s14 =	rddreg [dreg:$0x5]  }
0xfc: {  	[tilespmem:s23], [sflag:$0xD] =	stream.linear.gather [hbm4b:s14+s20], $0x800, $0x38;
	[tilespmem:$0x1CF00] =	vst v63  }
0xfd: {  	s21 =	rddreg [dreg:$0xc]  }
0xfe: {  	[tilespmem:s25], [sflag:$0xE] =	stream.linear.gather [hbm4b:s21+s20], $0x800, $0x38;
	[tilespmem:$0x1CF00] =	vst v63  }
.LBB2_16:
0xff: {  	s14 =	simm.s32 $0xD  }
0x100: {  	_ =	swait.ge [sflag:s14], $0x800  }
0x101: {  	[sflag:s14] =	ssyncset.done $0x0  }
0x102: {  	[sflag:s14] =	ssyncadd.s32 $0xFFFFF800  }
0x103: {  	[spmem:s2] =	stream.indirect.scatter.add.f32 [tilespmem:s29], [sflag:$0xF], $0x80, s23, s28, $0xb8;
	[tilespmem:$0x1CF00] =	vst v63  }
0x104: {  	s21 =	simm.s32 $0x380  }
0x105: {  	[spmem:s2] =	stream.indirect.scatter.add.f32 [tilespmem:s29], [sflag:$0xF], $0x80, s21, s28, $0xb8;
	[tilespmem:$0x1CF00] =	vst v63  }
0x106: {  	s19 =	simm.s32 $0x400  }
0x107: {  	[spmem:s2] =	stream.indirect.scatter.add.f32 [tilespmem:s29], [sflag:$0xF], $0x80, s19, s28, $0xb8;
	[tilespmem:$0x1CF00] =	vst v63  }
0x108: {  	s21 =	simm.s32 $0x480  }
0x109: {  	[spmem:s2] =	stream.indirect.scatter.add.f32 [tilespmem:s29], [sflag:$0xF], $0x80, s21, s28, $0xb8;
	[tilespmem:$0x1CF00] =	vst v63  }
0x10a: {  	s19 =	simm.s32 $0x500  }
0x10b: {  	[spmem:s2] =	stream.indirect.scatter.add.f32 [tilespmem:s29], [sflag:$0xF], $0x80, s19, s28, $0xb8;
	[tilespmem:$0x1CF00] =	vst v63  }
0x10c: {  	s21 =	simm.s32 $0x580  }
0x10d: {  	[spmem:s2] =	stream.indirect.scatter.add.f32 [tilespmem:s29], [sflag:$0xF], $0x80, s21, s28, $0xb8;
	[tilespmem:$0x1CF00] =	vst v63  }
0x10e: {  	s19 =	simm.s32 $0x600  }
0x10f: {  	[spmem:s2] =	stream.indirect.scatter.add.f32 [tilespmem:s29], [sflag:$0xF], $0x80, s19, s28, $0xb8;
	[tilespmem:$0x1CF00] =	vst v63  }
0x110: {  	s21 =	simm.s32 $0x680  }
0x111: {  	[spmem:s2] =	stream.indirect.scatter.add.f32 [tilespmem:s29], [sflag:$0xF], $0x80, s21, s28, $0xb8;
	[tilespmem:$0x1CF00] =	vst v63  }
0x112: {  	s19 =	simm.s32 $0x700  }
0x113: {  	[spmem:s2] =	stream.indirect.scatter.add.f32 [tilespmem:s29], [sflag:$0xF], $0x80, s19, s28, $0xb8;
	[tilespmem:$0x1CF00] =	vst v63  }
0x114: {  	s21 =	simm.s32 $0x780  }
0x115: {  	[spmem:s2] =	stream.indirect.scatter.add.f32 [tilespmem:s29], [sflag:$0xF], $0x80, s21, s28, $0xb8;
	[tilespmem:$0x1CF00] =	vst v63  }
0x116: {  	s19 =	simm.s32 $0x800  }
0x117: {  	[spmem:s2] =	stream.indirect.scatter.add.f32 [tilespmem:s29], [sflag:$0xF], $0x80, s19, s28, $0xb8;
	[tilespmem:$0x1CF00] =	vst v63  }
0x118: {  	s21 =	simm.s32 $0x880  }
0x119: {  	[spmem:s2] =	stream.indirect.scatter.add.f32 [tilespmem:s29], [sflag:$0xF], $0x80, s21, s28, $0xb8;
	[tilespmem:$0x1CF00] =	vst v63  }
0x11a: {  	s19 =	simm.s32 $0x900  }
0x11b: {  	[spmem:s2] =	stream.indirect.scatter.add.f32 [tilespmem:s29], [sflag:$0xF], $0x80, s19, s28, $0xb8;
	[tilespmem:$0x1CF00] =	vst v63  }
0x11c: {  	s21 =	simm.s32 $0x980  }
0x11d: {  	[spmem:s2] =	stream.indirect.scatter.add.f32 [tilespmem:s29], [sflag:$0xF], $0x80, s21, s28, $0xb8;
	[tilespmem:$0x1CF00] =	vst v63  }
0x11e: {  	s19 =	simm.s32 $0xA00  }
0x11f: {  	[spmem:s2] =	stream.indirect.scatter.add.f32 [tilespmem:s29], [sflag:$0xF], $0x80, s19, s28, $0xb8;
	[tilespmem:$0x1CF00] =	vst v63  }
0x120: {  	s21 =	simm.s32 $0xA80  }
0x121: {  	[spmem:s2] =	stream.indirect.scatter.add.f32 [tilespmem:s29], [sflag:$0xF], $0x80, s21, s28, $0xb8;
	[tilespmem:$0x1CF00] =	vst v63  }
0x122: {  	_ =	swait.ge [sflag:s0], $0x2800  }
0x123: {  	[sflag:s0] =	ssyncset.done $0x0  }
0x124: {  	[sflag:s0] =	ssyncadd.s32 $0xFFFFD800  }
0x125: {  	_ =	swait.ge [sflag:s0], $0x2800  }
0x126: {  	[sflag:s0] =	ssyncset.done $0x0  }
0x127: {  	[sflag:s0] =	ssyncadd.s32 $0xFFFFD800  }
0x128: {  	_ =	swait.ge [sflag:s0], $0x2800  }
0x129: {  	[sflag:s0] =	ssyncset.done $0x0  }
0x12a: {  	[sflag:s0] =	ssyncadd.s32 $0xFFFFD800  }
0x12b: {  	_ =	swait.ge [sflag:s0], $0x2800  }
0x12c: {  	[sflag:s0] =	ssyncset.done $0x0  }
0x12d: {  	[sflag:s0] =	ssyncadd.s32 $0xFFFFD800  }
0x12e: {  	_ =	swait.ge [sflag:s0], $0x2800  }
0x12f: {  	[sflag:s0] =	ssyncset.done $0x0  }
0x130: {  	[sflag:s0] =	ssyncadd.s32 $0xFFFFD800  }
0x131: {  	_ =	swait.ge [sflag:s0], $0x2800  }
0x132: {  	[sflag:s0] =	ssyncset.done $0x0  }
0x133: {  	[sflag:s0] =	ssyncadd.s32 $0xFFFFD800  }
0x134: {  	_ =	swait.ge [sflag:s0], $0x2800  }
0x135: {  	[sflag:s0] =	ssyncset.done $0x0  }
0x136: {  	[sflag:s0] =	ssyncadd.s32 $0xFFFFD800  }
0x137: {  	_ =	swait.ge [sflag:s0], $0x2800  }
0x138: {  	[sflag:s0] =	ssyncset.done $0x0  }
0x139: {  	[sflag:s0] =	ssyncadd.s32 $0xFFFFD800  }
0x13a: {  	_ =	swait.ge [sflag:s0], $0x2800  }
0x13b: {  	[sflag:s0] =	ssyncset.done $0x0  }
0x13c: {  	[sflag:s0] =	ssyncadd.s32 $0xFFFFD800  }
0x13d: {  	_ =	swait.ge [sflag:s0], $0x2800  }
0x13e: {  	[sflag:s0] =	ssyncset.done $0x0  }
0x13f: {  	[sflag:s0] =	ssyncadd.s32 $0xFFFFD800  }
0x140: {  	_ =	swait.ge [sflag:s0], $0x2800  }
0x141: {  	[sflag:s0] =	ssyncset.done $0x0  }
0x142: {  	[sflag:s0] =	ssyncadd.s32 $0xFFFFD800  }
0x143: {  	_ =	swait.ge [sflag:s0], $0x2800  }
0x144: {  	[sflag:s0] =	ssyncset.done $0x0  }
0x145: {  	[sflag:s0] =	ssyncadd.s32 $0xFFFFD800  }
0x146: {  	_ =	swait.ge [sflag:s0], $0x2800  }
0x147: {  	[sflag:s0] =	ssyncset.done $0x0  }
0x148: {  	[sflag:s0] =	ssyncadd.s32 $0xFFFFD800  }
0x149: {  	_ =	swait.ge [sflag:s0], $0x2800  }
0x14a: {  	[sflag:s0] =	ssyncset.done $0x0  }
0x14b: {  	[sflag:s0] =	ssyncadd.s32 $0xFFFFD800  }
0x14c: {  	_ =	swait.ge [sflag:s0], $0x2800  }
0x14d: {  	[sflag:s0] =	ssyncset.done $0x0  }
0x14e: {  	[sflag:s0] =	ssyncadd.s32 $0xFFFFD800  }
0x14f: {  	p0 =	seq.s32 s20, $0x600;
	_ =	swait.ge [sflag:s0], $0x2800  }
0x150: {  	s19 =	simm.s32 @!p0 $0x0;
	[sflag:s0] =	ssyncset.done $0x0;
	s14 =	rddreg [dreg:$0x10]  }
0x151: {  	s21 =	simm.s32 @!p0 $0x300;
	[sflag:s0] =	ssyncadd.s32 $0xFFFFD800;
	s14 =	sadd.s32 @!p0 s20, s14  }
0x152: {  	[tilespmem:s21], [sflag:$0xD] =	stream.linear.gather @!p0 [hbm4b:s14+s19], $0x800, $0x38;
	[tilespmem:$0x1CF00] =	vst v63  }
0x153: {  	s19 =	simm.s32 $0xE  }
0x154: {  	_ =	swait.ge [sflag:s19], $0x800  }
0x155: {  	[sflag:s19] =	ssyncset.done $0x0  }
0x156: {  	[sflag:s19] =	ssyncadd.s32 $0xFFFFF800  }
0x157: {  	[spmem:s2] =	stream.indirect.scatter.add.f32 [tilespmem:s29], [sflag:$0xF], $0x80, s25, s28, $0xb8;
	[tilespmem:$0x1CF00] =	vst v63  }
0x158: {  	s21 =	simm.s32 $0xB80  }
0x159: {  	[spmem:s2] =	stream.indirect.scatter.add.f32 [tilespmem:s29], [sflag:$0xF], $0x80, s21, s28, $0xb8;
	[tilespmem:$0x1CF00] =	vst v63  }
0x15a: {  	s19 =	simm.s32 $0xC00  }
0x15b: {  	[spmem:s2] =	stream.indirect.scatter.add.f32 [tilespmem:s29], [sflag:$0xF], $0x80, s19, s28, $0xb8;
	[tilespmem:$0x1CF00] =	vst v63  }
0x15c: {  	s21 =	simm.s32 $0xC80  }
0x15d: {  	[spmem:s2] =	stream.indirect.scatter.add.f32 [tilespmem:s29], [sflag:$0xF], $0x80, s21, s28, $0xb8;
	[tilespmem:$0x1CF00] =	vst v63  }
0x15e: {  	s19 =	simm.s32 $0xD00  }
0x15f: {  	[spmem:s2] =	stream.indirect.scatter.add.f32 [tilespmem:s29], [sflag:$0xF], $0x80, s19, s28, $0xb8;
	[tilespmem:$0x1CF00] =	vst v63  }
0x160: {  	s21 =	simm.s32 $0xD80  }
0x161: {  	[spmem:s2] =	stream.indirect.scatter.add.f32 [tilespmem:s29], [sflag:$0xF], $0x80, s21, s28, $0xb8;
	[tilespmem:$0x1CF00] =	vst v63  }
0x162: {  	s19 =	simm.s32 $0xE00  }
0x163: {  	[spmem:s2] =	stream.indirect.scatter.add.f32 [tilespmem:s29], [sflag:$0xF], $0x80, s19, s28, $0xb8;
	[tilespmem:$0x1CF00] =	vst v63  }
0x164: {  	s21 =	simm.s32 $0xE80  }
0x165: {  	[spmem:s2] =	stream.indirect.scatter.add.f32 [tilespmem:s29], [sflag:$0xF], $0x80, s21, s28, $0xb8;
	[tilespmem:$0x1CF00] =	vst v63  }
0x166: {  	s19 =	simm.s32 $0xF00  }
0x167: {  	[spmem:s2] =	stream.indirect.scatter.add.f32 [tilespmem:s29], [sflag:$0xF], $0x80, s19, s28, $0xb8;
	[tilespmem:$0x1CF00] =	vst v63  }
0x168: {  	s21 =	simm.s32 $0xF80  }
0x169: {  	[spmem:s2] =	stream.indirect.scatter.add.f32 [tilespmem:s29], [sflag:$0xF], $0x80, s21, s28, $0xb8;
	[tilespmem:$0x1CF00] =	vst v63  }
0x16a: {  	s19 =	simm.s32 $0x1000  }
0x16b: {  	[spmem:s2] =	stream.indirect.scatter.add.f32 [tilespmem:s29], [sflag:$0xF], $0x80, s19, s28, $0xb8;
	[tilespmem:$0x1CF00] =	vst v63  }
0x16c: {  	s21 =	simm.s32 $0x1080  }
0x16d: {  	[spmem:s2] =	stream.indirect.scatter.add.f32 [tilespmem:s29], [sflag:$0xF], $0x80, s21, s28, $0xb8;
	[tilespmem:$0x1CF00] =	vst v63  }
0x16e: {  	s19 =	simm.s32 $0x1100  }
0x16f: {  	[spmem:s2] =	stream.indirect.scatter.add.f32 [tilespmem:s29], [sflag:$0xF], $0x80, s19, s28, $0xb8;
	[tilespmem:$0x1CF00] =	vst v63  }
0x170: {  	s21 =	simm.s32 $0x1180  }
0x171: {  	[spmem:s2] =	stream.indirect.scatter.add.f32 [tilespmem:s29], [sflag:$0xF], $0x80, s21, s28, $0xb8;
	[tilespmem:$0x1CF00] =	vst v63  }
0x172: {  	s19 =	simm.s32 $0x1200  }
0x173: {  	[spmem:s2] =	stream.indirect.scatter.add.f32 [tilespmem:s29], [sflag:$0xF], $0x80, s19, s28, $0xb8;
	[tilespmem:$0x1CF00] =	vst v63  }
0x174: {  	s21 =	simm.s32 $0x1280  }
0x175: {  	[spmem:s2] =	stream.indirect.scatter.add.f32 [tilespmem:s29], [sflag:$0xF], $0x80, s21, s28, $0xb8;
	[tilespmem:$0x1CF00] =	vst v63  }
0x176: {  	_ =	swait.ge [sflag:s0], $0x2800  }
0x177: {  	[sflag:s0] =	ssyncset.done $0x0  }
0x178: {  	[sflag:s0] =	ssyncadd.s32 $0xFFFFD800  }
0x179: {  	_ =	swait.ge [sflag:s0], $0x2800  }
0x17a: {  	[sflag:s0] =	ssyncset.done $0x0  }
0x17b: {  	[sflag:s0] =	ssyncadd.s32 $0xFFFFD800  }
0x17c: {  	_ =	swait.ge [sflag:s0], $0x2800  }
0x17d: {  	[sflag:s0] =	ssyncset.done $0x0  }
0x17e: {  	[sflag:s0] =	ssyncadd.s32 $0xFFFFD800  }
0x17f: {  	_ =	swait.ge [sflag:s0], $0x2800  }
0x180: {  	[sflag:s0] =	ssyncset.done $0x0  }
0x181: {  	[sflag:s0] =	ssyncadd.s32 $0xFFFFD800  }
0x182: {  	_ =	swait.ge [sflag:s0], $0x2800  }
0x183: {  	[sflag:s0] =	ssyncset.done $0x0  }
0x184: {  	[sflag:s0] =	ssyncadd.s32 $0xFFFFD800  }
0x185: {  	_ =	swait.ge [sflag:s0], $0x2800  }
0x186: {  	[sflag:s0] =	ssyncset.done $0x0  }
0x187: {  	[sflag:s0] =	ssyncadd.s32 $0xFFFFD800  }
0x188: {  	_ =	swait.ge [sflag:s0], $0x2800  }
0x189: {  	[sflag:s0] =	ssyncset.done $0x0  }
0x18a: {  	[sflag:s0] =	ssyncadd.s32 $0xFFFFD800  }
0x18b: {  	_ =	swait.ge [sflag:s0], $0x2800  }
0x18c: {  	[sflag:s0] =	ssyncset.done $0x0  }
0x18d: {  	[sflag:s0] =	ssyncadd.s32 $0xFFFFD800  }
0x18e: {  	_ =	swait.ge [sflag:s0], $0x2800  }
0x18f: {  	[sflag:s0] =	ssyncset.done $0x0  }
0x190: {  	[sflag:s0] =	ssyncadd.s32 $0xFFFFD800  }
0x191: {  	_ =	swait.ge [sflag:s0], $0x2800  }
0x192: {  	[sflag:s0] =	ssyncset.done $0x0  }
0x193: {  	[sflag:s0] =	ssyncadd.s32 $0xFFFFD800  }
0x194: {  	_ =	swait.ge [sflag:s0], $0x2800  }
0x195: {  	[sflag:s0] =	ssyncset.done $0x0  }
0x196: {  	[sflag:s0] =	ssyncadd.s32 $0xFFFFD800  }
0x197: {  	_ =	swait.ge [sflag:s0], $0x2800  }
0x198: {  	[sflag:s0] =	ssyncset.done $0x0  }
0x199: {  	[sflag:s0] =	ssyncadd.s32 $0xFFFFD800  }
0x19a: {  	_ =	swait.ge [sflag:s0], $0x2800  }
0x19b: {  	[sflag:s0] =	ssyncset.done $0x0  }
0x19c: {  	[sflag:s0] =	ssyncadd.s32 $0xFFFFD800  }
0x19d: {  	_ =	swait.ge [sflag:s0], $0x2800  }
0x19e: {  	[sflag:s0] =	ssyncset.done $0x0  }
0x19f: {  	[sflag:s0] =	ssyncadd.s32 $0xFFFFD800  }
0x1a0: {  	_ =	swait.ge [sflag:s0], $0x2800  }
.Ltmp9:
0x1a1: {  	[sflag:s0] =	ssyncset.done $0x0;
	(pc) =	sbr.rel @p0 .LBB2_18-.Ltmp9, $4  }
0x1a2: {  	[sflag:s0] =	ssyncadd.s32 $0xFFFFD800  }
0x1a3: {  	_ =	swait.ge [sflag:s0], $0x2800  }
0x1a4: {  	[sflag:s0] =	ssyncset.done $0x0  }
0x1a5: {  	[sflag:s0] =	ssyncadd.s32 $0xFFFFD800  }
.Ltmp10:
0x1a6: {  	(pc) =	sbr.rel .LBB2_16-.Ltmp10, $3  }
0x1a7: {  	_ =	sdelay $0x1  }
0x1a8: {  	s14 =	sadd.s32 s20, s24;
	s20 =	sadd.s32 $0x200, s20  }
0x1a9: {  	[tilespmem:s25], [sflag:$0xE] =	stream.linear.gather [hbm4b:s14+s4], $0x800, $0x38;
	[tilespmem:$0x1CF00] =	vst v63  }
.LBB2_19:
0x1aa: {  	_ =	sfence.sel $0x180000  }
0x1ab: {  	[bflag:$0x0] =	sbarrier.arrive $0xFFFF  }
0x1ac: {  	_ =	strace $0x9000004A  }
0x1ad: {  	s0 =	stileid.u32;
	[bflag:$0x2] =	sbarrier.arrive $0xFFFF  }
0x1ae: {  	p0 =	sne.s32 s0, $0x0;
	s0 =	rddreg [dreg:$0x3]  }
0x1af: {  	s0 =	sadd.s32 @!p0 $0x100000, s0  }
0x1b0: {  	[sflag:s0] =	ssyncadd.tile.s32 @!p0 $0x1;
	_ =	shalt  }
.Lfunc_end2:
_tile_overlayer_lowered:
.L_overlay_start_2:
0x1b1: {  	(tag) =	ssettag $0x2  }
0x1b2: {  	s0 =	rddreg [dreg:$0x0];
	s2 =	stileid.u32  }
0x1b3: {  	s1 =	rddreg [dreg:$0x1];
	p0 =	sne.s32 s2, $0x0  }
0x1b4: {  	s3 =	rddreg [dreg:$0x2];
	[bflag:$0x3] =	sbarrier.arrive $0xFFFF;
	s2 =	simm.s32 @!p0 $0x1C11  }
0x1b5: {  	[timem:s3], [sflag:s2] =	dma.local @!p0 [hbm:s0], s1  }
0x1b6: {  	s0 =	simm.s32 @!p0 $0x11  }
0x1b7: {  	_ =	swait.ge @!p0 [sflag:s0], s1  }
0x1b8: {  	s1 =	ssub.s32 @!p0 $0x0, s1;
	[sflag:s0] =	ssyncset.done @!p0 $0x0  }
0x1b9: {  	[sflag:s0] =	ssyncadd.s32 @!p0 s1  }
0x1ba: {  	[bflag:$0x3] =	sbarrier.arrive $0xFFFF  }
0x1bb: {  	_ =	shalt  }

</sc_bundles>
